<compile_context>
chip_gen: v7x
topology: tpu7x:2x2x1
jax: 0.10.2.dev20260603
libtpu: 0.0.44.dev20260713+nightly
codegen_flags: <defaults>
</compile_context>

<pallas_src>
import functools

import jax
import jax.numpy as jnp
from jax import lax
from jax.experimental import pallas as pl
from jax.experimental.pallas import tpu as pltpu
from jax.experimental.pallas import tpu_sc as plsc

N = 10000
E = 320000
D = 128
DW = D // 2
NC = 2
NS = 16
NW = NC * NS
CHUNK = 64
T_PER_W = 160
E_PAD = NW * T_PER_W * CHUNK
ACC_ROWS = 10112
ROWS_PER_SUB = ACC_ROWS // NS
NB = 2
PHASES = 4
T_PH = T_PER_W // PHASES


def _sc_segment_sum(xp, src2d, dst2d):
    mesh = plsc.VectorSubcoreMesh(
        core_axis_name="c", subcore_axis_name="s", num_cores=NC, num_subcores=NS
    )

    @functools.partial(
        pl.kernel,
        out_type=jax.ShapeDtypeStruct((NC, ACC_ROWS, D), jnp.float32),
        mesh=mesh,
        compiler_params=pltpu.CompilerParams(use_tc_tiling_on_sc=False),
        scratch_types=[
            pltpu.VMEM((T_PH, CHUNK), jnp.int32),
            pltpu.VMEM((T_PH, CHUNK), jnp.int32),
            [pltpu.VMEM((CHUNK, DW), jnp.int32) for _ in range(NB)],
            [pltpu.VMEM((CHUNK, D), jnp.float32) for _ in range(NB)],
            pltpu.VMEM_SHARED((ACC_ROWS, D), jnp.float32),
            pltpu.SemaphoreType.DMA,
            [pltpu.SemaphoreType.DMA for _ in range(NB)],
            [pltpu.SemaphoreType.DMA for _ in range(NB)],
        ],
    )
    def k(x_hbm, src_hbm, dst_hbm, out_hbm, src_slab, dst_slab, pbuf, fbuf,
          acc, isem, gsem, ssem):
        c = lax.axis_index("c")
        s = lax.axis_index("s")
        wid = s * NC + c

        zero = jnp.zeros((16,), jnp.float32)

        @pl.loop(0, CHUNK)
        def _zrow(r):
            for q in range(D // 16):
                fbuf[0][r, pl.ds(q * 16, 16)] = zero

        nfull = ROWS_PER_SUB // CHUNK
        rem = ROWS_PER_SUB - nfull * CHUNK

        @pl.loop(0, nfull)
        def _zacc(i):
            pltpu.sync_copy(fbuf[0], acc.at[pl.ds(s * ROWS_PER_SUB + i * CHUNK, CHUNK)])

        pltpu.sync_copy(fbuf[0].at[pl.ds(0, rem)],
                        acc.at[pl.ds(s * ROWS_PER_SUB + nfull * CHUNK, rem)])

        def start_gather(t, b):
            pltpu.async_copy(x_hbm.at[src_slab.at[t]], pbuf[b], gsem[b])

        def wait_gather(b):
            pltpu.make_async_copy(x_hbm.at[src_slab.at[0]], pbuf[b], gsem[b]).wait()

        def start_scatter(t, b):
            pltpu.async_copy(fbuf[b], acc.at[dst_slab.at[t]], ssem[b], add=True)

        def wait_scatter(b):
            pltpu.make_async_copy(fbuf[b], acc.at[dst_slab.at[0]], ssem[b]).wait()

        def unpack_rows(b):
            hi_mask = jnp.full((16,), -65536, jnp.int32)
            sh = jnp.full((16,), 16, jnp.int32)

            @pl.loop(0, CHUNK)
            def _u(r):
                for g4 in range(D // 32):
                    w = pbuf[b][r, pl.ds(g4 * 16, 16)]
                    lo = lax.bitcast_convert_type(lax.shift_left(w, sh), jnp.float32)
                    hi = lax.bitcast_convert_type(lax.bitwise_and(w, hi_mask), jnp.float32)
                    fbuf[b][r, pl.ds(g4 * 32, 16)] = lo
                    fbuf[b][r, pl.ds(g4 * 32 + 16, 16)] = hi

        plsc.subcore_barrier()

        for ph in range(PHASES):
            slab_base = wid * T_PER_W + ph * T_PH
            pltpu.async_copy(src_hbm.at[pl.ds(slab_base, T_PH)], src_slab, isem)
            pltpu.async_copy(dst_hbm.at[pl.ds(slab_base, T_PH)], dst_slab, isem)
            pltpu.make_async_copy(src_hbm.at[pl.ds(0, T_PH)], src_slab, isem).wait()
            pltpu.make_async_copy(dst_hbm.at[pl.ds(0, T_PH)], dst_slab, isem).wait()

            for b in range(NB):
                start_gather(b, b)

            for b in range(NB):
                wait_gather(b)
                unpack_rows(b)
                start_scatter(b, b)
                start_gather(b + NB, b)

            @pl.loop(0, (T_PH - 2 * NB) // NB)
            def _edges(g):
                for b in range(NB):
                    t = (g + 1) * NB + b
                    wait_gather(b)
                    wait_scatter(b)
                    unpack_rows(b)
                    start_scatter(t, b)
                    start_gather(t + NB, b)

            for b in range(NB):
                t = T_PH - NB + b
                wait_gather(b)
                wait_scatter(b)
                unpack_rows(b)
                start_scatter(t, b)

            for b in range(NB):
                wait_scatter(b)

        plsc.subcore_barrier()

        pltpu.sync_copy(
            acc.at[pl.ds(s * ROWS_PER_SUB, ROWS_PER_SUB)],
            out_hbm.at[c, pl.ds(s * ROWS_PER_SUB, ROWS_PER_SUB)],
        )

    return k(xp, src2d, dst2d)


def _tc_head(p, x, W_conv, bn_scale, bn_bias, W_lin, b_lin,
             W_fc_emb, b_fc_emb, W_lin_emb, b_lin_emb,
             W_fc_reg, b_fc_reg, W_lin_reg, b_lin_reg):
    def body(p_ref, x_ref, wc, g, b, wl, bl, wfe, bfe, wle, ble, wfr, bfr,
             wlr, blr, y_ref, emb_ref, off_ref):
        s = p_ref[0] + p_ref[1] + x_ref[...]
        agg = jnp.dot(s, wc[...], preferred_element_type=jnp.float32)
        mean = jnp.mean(agg, axis=0, keepdims=True)
        cent = agg - mean
        var = jnp.mean(cent * cent, axis=0, keepdims=True)
        inv = lax.rsqrt(var + 1e-4)
        feat = jnp.maximum(cent * inv * g[...] + b[...], 0.0)
        y_ref[...] = jnp.dot(feat, wl[...], preferred_element_type=jnp.float32) + bl[...]
        te = jnp.dot(feat, wfe[...], preferred_element_type=jnp.float32) + bfe[...]
        emb_ref[...] = jnp.dot(te, wle[...], preferred_element_type=jnp.float32) + ble[...]
        tr = jnp.dot(feat, wfr[...], preferred_element_type=jnp.float32) + bfr[...]
        off_ref[...] = jax.nn.sigmoid(
            jnp.dot(tr, wlr[...], preferred_element_type=jnp.float32) + blr[...]
        )

    return pl.pallas_call(
        body,
        out_shape=(
            jax.ShapeDtypeStruct((N, W_lin.shape[1]), jnp.float32),
            jax.ShapeDtypeStruct((N, W_lin_emb.shape[1]), jnp.float32),
            jax.ShapeDtypeStruct((N, W_lin_reg.shape[1]), jnp.float32),
        ),
    )(p, x, W_conv, bn_scale.reshape(1, -1), bn_bias.reshape(1, -1),
      W_lin, b_lin.reshape(1, -1), W_fc_emb, b_fc_emb.reshape(1, -1),
      W_lin_emb, b_lin_emb.reshape(1, -1), W_fc_reg, b_fc_reg.reshape(1, -1),
      W_lin_reg, b_lin_reg.reshape(1, -1))


def kernel(x, edge_index, W_conv, bn_scale, bn_bias, W_lin, b_lin,
           W_fc_emb, b_fc_emb, W_lin_emb, b_lin_emb,
           W_fc_reg, b_fc_reg, W_lin_reg, b_lin_reg):
    src = edge_index[0].astype(jnp.int32)
    dst = edge_index[1].astype(jnp.int32)
    pad = E_PAD - E
    src_p = jnp.concatenate([src, jnp.zeros((pad,), jnp.int32)]).reshape(-1, CHUNK)
    pad_dst = N + jnp.arange(pad, dtype=jnp.int32) % (ACC_ROWS - N)
    dst_p = jnp.concatenate([dst, pad_dst]).reshape(-1, CHUNK)
    xb = x.astype(jnp.bfloat16).reshape(N, D // 32, 2, 16)
    xs = xb.transpose(0, 1, 3, 2).reshape(N, DW, 2)
    xp = lax.bitcast_convert_type(xs, jnp.int32)
    partials = _sc_segment_sum(xp, src_p, dst_p)[:, :N, :]
    return _tc_head(partials, x, W_conv, bn_scale, bn_bias, W_lin, b_lin,
                    W_fc_emb, b_fc_emb, W_lin_emb, b_lin_emb,
                    W_fc_reg, b_fc_reg, W_lin_reg, b_lin_reg)

# --- scband reference (transcript-rebuilt; emitter-appended) ---
"""Pipeline reference for scband-three-voxel-kernel-70884140253248 (READ-ONLY COPY).

The authoritative reference and input builder live on the scoring server;
editing this copy changes nothing except your own understanding.
"""

import jax, jax.numpy as jnp
import numpy as np

N = 10000
E = 320000
D_IN = 128
M = 128
NUM_CLASSES = 20


def setup_inputs(seed: int = 0) -> dict:
    key = jax.random.key(seed)
    ks = jax.random.split(key, 16)
    x = jax.random.normal(ks[0], (N, D_IN), dtype=jnp.float32)
    edge_index = jax.random.randint(ks[1], (2, E), 0, N).astype(jnp.int64)
    s_in = 1.0 / np.sqrt(D_IN)
    s_m = 1.0 / np.sqrt(M)
    W_conv = jax.random.normal(ks[2], (D_IN, M), dtype=jnp.float32) * s_in
    bn_scale = jnp.ones((M,), dtype=jnp.float32)
    bn_bias = jnp.zeros((M,), dtype=jnp.float32)
    W_lin = jax.random.normal(ks[3], (M, NUM_CLASSES), dtype=jnp.float32) * s_m
    b_lin = jnp.zeros((NUM_CLASSES,), dtype=jnp.float32)
    W_fc_emb = jax.random.normal(ks[4], (M, M), dtype=jnp.float32) * s_m
    b_fc_emb = jnp.zeros((M,), dtype=jnp.float32)
    W_lin_emb = jax.random.normal(ks[5], (M, M), dtype=jnp.float32) * s_m
    b_lin_emb = jnp.zeros((M,), dtype=jnp.float32)
    W_fc_reg = jax.random.normal(ks[6], (M, M), dtype=jnp.float32) * s_m
    b_fc_reg = jnp.zeros((M,), dtype=jnp.float32)
    W_lin_reg = jax.random.normal(ks[7], (M, 1), dtype=jnp.float32) * s_m
    b_lin_reg = jnp.zeros((1,), dtype=jnp.float32)
    return {
        'x': x, 'edge_index': edge_index, 'W_conv': W_conv,
        'bn_scale': bn_scale, 'bn_bias': bn_bias,
        'W_lin': W_lin, 'b_lin': b_lin,
        'W_fc_emb': W_fc_emb, 'b_fc_emb': b_fc_emb,
        'W_lin_emb': W_lin_emb, 'b_lin_emb': b_lin_emb,
        'W_fc_reg': W_fc_reg, 'b_fc_reg': b_fc_reg,
        'W_lin_reg': W_lin_reg, 'b_lin_reg': b_lin_reg,
    }


def reference(x, edge_index, W_conv, bn_scale, bn_bias, W_lin, b_lin,
              W_fc_emb, b_fc_emb, W_lin_emb, b_lin_emb,
              W_fc_reg, b_fc_reg, W_lin_reg, b_lin_reg):
    src = edge_index[0]
    dst = edge_index[1]
    # submanifold-conv style neighborhood aggregation: gather -> transform -> scatter-add
    msg = jnp.take(x, src, axis=0) @ W_conv
    agg = jax.ops.segment_sum(msg, dst, num_segments=x.shape[0])
    agg = agg + x @ W_conv  # center-voxel contribution
    # BatchNormReLU (scn-style, batch stats, eps=1e-4)
    mean = jnp.mean(agg, axis=0)
    var = jnp.var(agg, axis=0)
    feature = jax.nn.relu((agg - mean) / jnp.sqrt(var + 1e-4) * bn_scale + bn_bias)
    y = feature @ W_lin + b_lin
    embedding = (feature @ W_fc_emb + b_fc_emb) @ W_lin_emb + b_lin_emb
    offset = jax.nn.sigmoid((feature @ W_fc_reg + b_fc_reg) @ W_lin_reg + b_lin_reg)
    return (y, embedding, offset)

if __name__ == "__main__":
    import jax
    _d = setup_inputs()
    print(jax.jit(kernel)(*tuple(_d.values())))

</pallas_src>

<mosaic_0001>
#map = affine_map<(d0, d1) -> (0, 0)>
#map1 = affine_map<(d0, d1) -> (0, 0, 0)>
module attributes {stable_mosaic.version = 14 : i64} {
  func.func @k(%arg0: i32, %arg1: i32, %arg2: memref<10000x64xi32, #tpu.memory_space<hbm>>, %arg3: memref<5120x64xi32, #tpu.memory_space<hbm>>, %arg4: memref<5120x64xi32, #tpu.memory_space<hbm>>, %arg5: memref<2x10112x128xf32, #tpu.memory_space<hbm>>, %arg6: memref<40x64xi32, #tpu.memory_space<vmem>>, %arg7: memref<40x64xi32, #tpu.memory_space<vmem>>, %arg8: memref<64x64xi32, #tpu.memory_space<vmem>>, %arg9: memref<64x64xi32, #tpu.memory_space<vmem>>, %arg10: memref<64x128xf32, #tpu.memory_space<vmem>>, %arg11: memref<64x128xf32, #tpu.memory_space<vmem>>, %arg12: memref<10112x128xf32, #tpu.memory_space<vmem_shared>>, %arg13: memref<!tpu.dma_semaphore, #tpu.memory_space<semaphore_mem>>, %arg14: memref<!tpu.dma_semaphore, #tpu.memory_space<semaphore_mem>>, %arg15: memref<!tpu.dma_semaphore, #tpu.memory_space<semaphore_mem>>, %arg16: memref<!tpu.dma_semaphore, #tpu.memory_space<semaphore_mem>>, %arg17: memref<!tpu.dma_semaphore, #tpu.memory_space<semaphore_mem>>) attributes {dimension_semantics = [#tpu.dimension_semantics<core_parallel>, #tpu.dimension_semantics<subcore_parallel>], iteration_bounds = array<i64: 2, 16>, scalar_prefetch = 0 : i64, scratch_operands = 12 : i64, tpu.core_type = #tpu.core_type<sc_vector_subcore>, window_params = [{transform_indices = #map}, {transform_indices = #map}, {transform_indices = #map}, {transform_indices = #map1}]} {
    %mul3A = arith.constant 2 : i32
    %mul3A_0 = arith.muli %arg1, %mul3A : i32
    %add3A = arith.addi %mul3A_0, %arg0 : i32
    %broadcast_in_dim3A = arith.constant 0.000000e+00 : f32
    %broadcast_in_dim3A_1 = vector.broadcast %broadcast_in_dim3A : f32 to vector<16xf32>
    %scan3A = arith.constant 0 : i32
    %scan3A_2 = arith.constant 64 : i32
    %scan3A_3 = arith.addi %scan3A, %scan3A_2 : i32
    %scan3A_4 = arith.constant 1 : i32
    scf.for %scan3A_726 = %scan3A to %scan3A_3 step %scan3A_4  : i32 {
      %mul3A_727 = arith.constant 1 : i32
      %mul3A_728 = arith.muli %scan3A_726, %mul3A_727 : i32
      %add3A_729 = arith.constant 0 : i32
      %add3A_730 = arith.addi %add3A_729, %mul3A_728 : i32
      %swap3A = arith.index_cast %add3A_730 : i32 to index
      %swap3A_731 = arith.constant 0 : index
      %swap3A_732 = tpu.vector_load %arg10[%swap3A, %swap3A_731] {strides = array<i32>} : memref<64x128xf32, #tpu.memory_space<vmem>>, vector<1x16xf32>,
      %swap3A_733 = vector.shape_cast %swap3A_732 : vector<1x16xf32> to vector<16xf32>
      %swap3A_734 = vector.shape_cast %broadcast_in_dim3A_1 : vector<16xf32> to vector<1x16xf32>
      tpu.vector_store %arg10[%swap3A, %swap3A_731], %swap3A_734 {strides = array<i32>} : memref<64x128xf32, #tpu.memory_space<vmem>>, vector<1x16xf32>,
      %swap3A_735 = arith.index_cast %add3A_730 : i32 to index
      %swap3A_736 = arith.constant 16 : index
      %swap3A_737 = tpu.vector_load %arg10[%swap3A_735, %swap3A_736] {strides = array<i32>} : memref<64x128xf32, #tpu.memory_space<vmem>>, vector<1x16xf32>,
      %swap3A_738 = vector.shape_cast %swap3A_737 : vector<1x16xf32> to vector<16xf32>
      %swap3A_739 = vector.shape_cast %broadcast_in_dim3A_1 : vector<16xf32> to vector<1x16xf32>
      tpu.vector_store %arg10[%swap3A_735, %swap3A_736], %swap3A_739 {strides = array<i32>} : memref<64x128xf32, #tpu.memory_space<vmem>>, vector<1x16xf32>,
      %swap3A_740 = arith.index_cast %add3A_730 : i32 to index
      %swap3A_741 = arith.constant 32 : index
      %swap3A_742 = tpu.vector_load %arg10[%swap3A_740, %swap3A_741] {strides = array<i32>} : memref<64x128xf32, #tpu.memory_space<vmem>>, vector<1x16xf32>,
      %swap3A_743 = vector.shape_cast %swap3A_742 : vector<1x16xf32> to vector<16xf32>
      %swap3A_744 = vector.shape_cast %broadcast_in_dim3A_1 : vector<16xf32> to vector<1x16xf32>
      tpu.vector_store %arg10[%swap3A_740, %swap3A_741], %swap3A_744 {strides = array<i32>} : memref<64x128xf32, #tpu.memory_space<vmem>>, vector<1x16xf32>,
      %swap3A_745 = arith.index_cast %add3A_730 : i32 to index
      %swap3A_746 = arith.constant 48 : index
      %swap3A_747 = tpu.vector_load %arg10[%swap3A_745, %swap3A_746] {strides = array<i32>} : memref<64x128xf32, #tpu.memory_space<vmem>>, vector<1x16xf32>,
      %swap3A_748 = vector.shape_cast %swap3A_747 : vector<1x16xf32> to vector<16xf32>
      %swap3A_749 = vector.shape_cast %broadcast_in_dim3A_1 : vector<16xf32> to vector<1x16xf32>
      tpu.vector_store %arg10[%swap3A_745, %swap3A_746], %swap3A_749 {strides = array<i32>} : memref<64x128xf32, #tpu.memory_space<vmem>>, vector<1x16xf32>,
      %swap3A_750 = arith.index_cast %add3A_730 : i32 to index
      %swap3A_751 = arith.constant 64 : index
      %swap3A_752 = tpu.vector_load %arg10[%swap3A_750, %swap3A_751] {strides = array<i32>} : memref<64x128xf32, #tpu.memory_space<vmem>>, vector<1x16xf32>,
      %swap3A_753 = vector.shape_cast %swap3A_752 : vector<1x16xf32> to vector<16xf32>
      %swap3A_754 = vector.shape_cast %broadcast_in_dim3A_1 : vector<16xf32> to vector<1x16xf32>
      tpu.vector_store %arg10[%swap3A_750, %swap3A_751], %swap3A_754 {strides = array<i32>} : memref<64x128xf32, #tpu.memory_space<vmem>>, vector<1x16xf32>,
      %swap3A_755 = arith.index_cast %add3A_730 : i32 to index
      %swap3A_756 = arith.constant 80 : index
      %swap3A_757 = tpu.vector_load %arg10[%swap3A_755, %swap3A_756] {strides = array<i32>} : memref<64x128xf32, #tpu.memory_space<vmem>>, vector<1x16xf32>,
      %swap3A_758 = vector.shape_cast %swap3A_757 : vector<1x16xf32> to vector<16xf32>
      %swap3A_759 = vector.shape_cast %broadcast_in_dim3A_1 : vector<16xf32> to vector<1x16xf32>
      tpu.vector_store %arg10[%swap3A_755, %swap3A_756], %swap3A_759 {strides = array<i32>} : memref<64x128xf32, #tpu.memory_space<vmem>>, vector<1x16xf32>,
      %swap3A_760 = arith.index_cast %add3A_730 : i32 to index
      %swap3A_761 = arith.constant 96 : index
      %swap3A_762 = tpu.vector_load %arg10[%swap3A_760, %swap3A_761] {strides = array<i32>} : memref<64x128xf32, #tpu.memory_space<vmem>>, vector<1x16xf32>,
      %swap3A_763 = vector.shape_cast %swap3A_762 : vector<1x16xf32> to vector<16xf32>
      %swap3A_764 = vector.shape_cast %broadcast_in_dim3A_1 : vector<16xf32> to vector<1x16xf32>
      tpu.vector_store %arg10[%swap3A_760, %swap3A_761], %swap3A_764 {strides = array<i32>} : memref<64x128xf32, #tpu.memory_space<vmem>>, vector<1x16xf32>,
      %swap3A_765 = arith.index_cast %add3A_730 : i32 to index
      %swap3A_766 = arith.constant 112 : index
      %swap3A_767 = tpu.vector_load %arg10[%swap3A_765, %swap3A_766] {strides = array<i32>} : memref<64x128xf32, #tpu.memory_space<vmem>>, vector<1x16xf32>,
      %swap3A_768 = vector.shape_cast %swap3A_767 : vector<1x16xf32> to vector<16xf32>
      %swap3A_769 = vector.shape_cast %broadcast_in_dim3A_1 : vector<16xf32> to vector<1x16xf32>
      tpu.vector_store %arg10[%swap3A_765, %swap3A_766], %swap3A_769 {strides = array<i32>} : memref<64x128xf32, #tpu.memory_space<vmem>>, vector<1x16xf32>,
    }
    %scan3A_5 = arith.constant 64 : i32
    %scan3A_6 = arith.constant 0 : i32
    %scan3A_7 = arith.constant 9 : i32
    %scan3A_8 = arith.addi %scan3A_6, %scan3A_7 : i32
    %scan3A_9 = arith.constant 1 : i32
    scf.for %scan3A_726 = %scan3A_6 to %scan3A_8 step %scan3A_9  : i32 {
      %mul3A_727 = arith.constant 1 : i32
      %mul3A_728 = arith.muli %scan3A_726, %mul3A_727 : i32
      %add3A_729 = arith.constant 0 : i32
      %add3A_730 = arith.addi %add3A_729, %mul3A_728 : i32
      %mul3A_731 = arith.constant 632 : i32
      %mul3A_732 = arith.muli %arg1, %mul3A_731 : i32
      %mul3A_733 = arith.constant 64 : i32
      %mul3A_734 = arith.muli %add3A_730, %mul3A_733 : i32
      %add3A_735 = arith.addi %mul3A_732, %mul3A_734 : i32
      "tpu.region"() ({
        %run_scoped3A = tpu.sem_alloc : memref<!tpu.dma_semaphore, #tpu.memory_space<semaphore_mem>>
        %dma_start3A_736 = arith.constant 0 : i32
        %dma_start3A_737 = tpu.memref_slice %arg12[%add3A_735, %dma_start3A_736] : memref<10112x128xf32, #tpu.memory_space<vmem_shared>> -> memref<64x128xf32, #tpu.memory_space<vmem_shared>>
        %dma_start3A_738 = arith.constant 0 : i32
        %dma_start3A_739 = tpu.memref_slice %arg12[%add3A_735, %dma_start3A_738] : memref<10112x128xf32, #tpu.memory_space<vmem_shared>> -> memref<64x128xf32, #tpu.memory_space<vmem_shared>>
        tpu.enqueue_dma source(%arg10 : memref<64x128xf32, #tpu.memory_space<vmem>>) target(%dma_start3A_739 : memref<64x128xf32, #tpu.memory_space<vmem_shared>>) target_semaphore(%run_scoped3A : memref<!tpu.dma_semaphore, #tpu.memory_space<semaphore_mem>>)
        %dma_wait3A_740 = arith.constant 0 : i32
        %dma_wait3A_741 = tpu.memref_slice %arg12[%add3A_735, %dma_wait3A_740] : memref<10112x128xf32, #tpu.memory_space<vmem_shared>> -> memref<64x128xf32, #tpu.memory_space<vmem_shared>>
        %dma_wait3A_742 = arith.constant 0 : i32
        %dma_wait3A_743 = tpu.memref_slice %arg12[%add3A_735, %dma_wait3A_742] : memref<10112x128xf32, #tpu.memory_space<vmem_shared>> -> memref<64x128xf32, #tpu.memory_space<vmem_shared>>
        tpu.wait_dma2 semaphore(%run_scoped3A : memref<!tpu.dma_semaphore, #tpu.memory_space<semaphore_mem>>) src(%arg10 : memref<64x128xf32, #tpu.memory_space<vmem>>) dst(%dma_wait3A_743 : memref<64x128xf32, #tpu.memory_space<vmem_shared>>)
        tpu.yield
      }) : () -> ()
    }
    %scan3A_10 = arith.constant 9 : i32
    %mul3A_11 = arith.constant 632 : i32
    %mul3A_12 = arith.muli %arg1, %mul3A_11 : i32
    %add3A_13 = arith.constant 576 : i32
    %add3A_14 = arith.addi %mul3A_12, %add3A_13 : i32
    "tpu.region"() ({
      %run_scoped3A = tpu.sem_alloc : memref<!tpu.dma_semaphore, #tpu.memory_space<semaphore_mem>>
      %dma_start3A_726 = arith.constant 0 : i32
      %dma_start3A_727 = arith.constant 0 : i32
      %dma_start3A_728 = tpu.memref_slice %arg10[%dma_start3A_726, %dma_start3A_727] : memref<64x128xf32, #tpu.memory_space<vmem>> -> memref<56x128xf32, #tpu.memory_space<vmem>>
      %dma_start3A_729 = arith.constant 0 : i32
      %dma_start3A_730 = tpu.memref_slice %arg12[%add3A_14, %dma_start3A_729] : memref<10112x128xf32, #tpu.memory_space<vmem_shared>> -> memref<56x128xf32, #tpu.memory_space<vmem_shared>>
      %dma_start3A_731 = arith.constant 0 : i32
      %dma_start3A_732 = tpu.memref_slice %arg12[%add3A_14, %dma_start3A_731] : memref<10112x128xf32, #tpu.memory_space<vmem_shared>> -> memref<56x128xf32, #tpu.memory_space<vmem_shared>>
      %dma_start3A_733 = arith.constant 0 : i32
      %dma_start3A_734 = arith.constant 0 : i32
      %dma_start3A_735 = tpu.memref_slice %arg10[%dma_start3A_733, %dma_start3A_734] : memref<64x128xf32, #tpu.memory_space<vmem>> -> memref<56x128xf32, #tpu.memory_space<vmem>>
      tpu.enqueue_dma source(%dma_start3A_735 : memref<56x128xf32, #tpu.memory_space<vmem>>) target(%dma_start3A_732 : memref<56x128xf32, #tpu.memory_space<vmem_shared>>) target_semaphore(%run_scoped3A : memref<!tpu.dma_semaphore, #tpu.memory_space<semaphore_mem>>)
      %dma_wait3A_736 = arith.constant 0 : i32
      %dma_wait3A_737 = arith.constant 0 : i32
      %dma_wait3A_738 = tpu.memref_slice %arg10[%dma_wait3A_736, %dma_wait3A_737] : memref<64x128xf32, #tpu.memory_space<vmem>> -> memref<56x128xf32, #tpu.memory_space<vmem>>
      %dma_wait3A_739 = arith.constant 0 : i32
      %dma_wait3A_740 = tpu.memref_slice %arg12[%add3A_14, %dma_wait3A_739] : memref<10112x128xf32, #tpu.memory_space<vmem_shared>> -> memref<56x128xf32, #tpu.memory_space<vmem_shared>>
      %dma_wait3A_741 = arith.constant 0 : i32
      %dma_wait3A_742 = tpu.memref_slice %arg12[%add3A_14, %dma_wait3A_741] : memref<10112x128xf32, #tpu.memory_space<vmem_shared>> -> memref<56x128xf32, #tpu.memory_space<vmem_shared>>
      %dma_wait3A_743 = arith.constant 0 : i32
      %dma_wait3A_744 = arith.constant 0 : i32
      %dma_wait3A_745 = tpu.memref_slice %arg10[%dma_wait3A_743, %dma_wait3A_744] : memref<64x128xf32, #tpu.memory_space<vmem>> -> memref<56x128xf32, #tpu.memory_space<vmem>>
      tpu.wait_dma2 semaphore(%run_scoped3A : memref<!tpu.dma_semaphore, #tpu.memory_space<semaphore_mem>>) src(%dma_wait3A_745 : memref<56x128xf32, #tpu.memory_space<vmem>>) dst(%dma_wait3A_742 : memref<56x128xf32, #tpu.memory_space<vmem_shared>>)
      tpu.yield
    }) : () -> ()
    %barrier3A = arith.constant 0 : index
    tpu.barrier barrier_id(%barrier3A)
    %mul3A_15 = arith.constant 160 : i32
    %mul3A_16 = arith.muli %add3A, %mul3A_15 : i32
    %add3A_17 = arith.constant 0 : i32
    %add3A_18 = arith.addi %mul3A_16, %add3A_17 : i32
    %dma_start3A = arith.constant 0 : i32
    %dma_start3A_19 = tpu.memref_slice %arg3[%add3A_18, %dma_start3A] : memref<5120x64xi32, #tpu.memory_space<hbm>> -> memref<40x64xi32, #tpu.memory_space<hbm>>
    %dma_start3A_20 = arith.constant 0 : i32
    %dma_start3A_21 = tpu.memref_slice %arg3[%add3A_18, %dma_start3A_20] : memref<5120x64xi32, #tpu.memory_space<hbm>> -> memref<40x64xi32, #tpu.memory_space<hbm>>
    tpu.enqueue_dma source(%dma_start3A_21 : memref<40x64xi32, #tpu.memory_space<hbm>>) target(%arg6 : memref<40x64xi32, #tpu.memory_space<vmem>>) target_semaphore(%arg13 : memref<!tpu.dma_semaphore, #tpu.memory_space<semaphore_mem>>)
    %dma_start3A_22 = arith.constant 0 : i32
    %dma_start3A_23 = tpu.memref_slice %arg4[%add3A_18, %dma_start3A_22] : memref<5120x64xi32, #tpu.memory_space<hbm>> -> memref<40x64xi32, #tpu.memory_space<hbm>>
    %dma_start3A_24 = arith.constant 0 : i32
    %dma_start3A_25 = tpu.memref_slice %arg4[%add3A_18, %dma_start3A_24] : memref<5120x64xi32, #tpu.memory_space<hbm>> -> memref<40x64xi32, #tpu.memory_space<hbm>>
    tpu.enqueue_dma source(%dma_start3A_25 : memref<40x64xi32, #tpu.memory_space<hbm>>) target(%arg7 : memref<40x64xi32, #tpu.memory_space<vmem>>) target_semaphore(%arg13 : memref<!tpu.dma_semaphore, #tpu.memory_space<semaphore_mem>>)
    %dma_wait3A = arith.constant 0 : i32
    %dma_wait3A_26 = arith.constant 0 : i32
    %dma_wait3A_27 = tpu.memref_slice %arg3[%dma_wait3A, %dma_wait3A_26] : memref<5120x64xi32, #tpu.memory_space<hbm>> -> memref<40x64xi32, #tpu.memory_space<hbm>>
    %dma_wait3A_28 = arith.constant 0 : i32
    %dma_wait3A_29 = arith.constant 0 : i32
    %dma_wait3A_30 = tpu.memref_slice %arg3[%dma_wait3A_28, %dma_wait3A_29] : memref<5120x64xi32, #tpu.memory_space<hbm>> -> memref<40x64xi32, #tpu.memory_space<hbm>>
    tpu.wait_dma2 semaphore(%arg13 : memref<!tpu.dma_semaphore, #tpu.memory_space<semaphore_mem>>) src(%dma_wait3A_30 : memref<40x64xi32, #tpu.memory_space<hbm>>) dst(%arg6 : memref<40x64xi32, #tpu.memory_space<vmem>>)
    %dma_wait3A_31 = arith.constant 0 : i32
    %dma_wait3A_32 = arith.constant 0 : i32
    %dma_wait3A_33 = tpu.memref_slice %arg4[%dma_wait3A_31, %dma_wait3A_32] : memref<5120x64xi32, #tpu.memory_space<hbm>> -> memref<40x64xi32, #tpu.memory_space<hbm>>
    %dma_wait3A_34 = arith.constant 0 : i32
    %dma_wait3A_35 = arith.constant 0 : i32
    %dma_wait3A_36 = tpu.memref_slice %arg4[%dma_wait3A_34, %dma_wait3A_35] : memref<5120x64xi32, #tpu.memory_space<hbm>> -> memref<40x64xi32, #tpu.memory_space<hbm>>
    tpu.wait_dma2 semaphore(%arg13 : memref<!tpu.dma_semaphore, #tpu.memory_space<semaphore_mem>>) src(%dma_wait3A_36 : memref<40x64xi32, #tpu.memory_space<hbm>>) dst(%arg7 : memref<40x64xi32, #tpu.memory_space<vmem>>)
    %dma_start3A_37 = arith.constant 0 : i32
    %dma_start3A_38 = arith.constant 0 : i32
    %dma_start3A_39 = tpu.memref_slice %arg6[%dma_start3A_37, %dma_start3A_38] : memref<40x64xi32, #tpu.memory_space<vmem>> -> memref<1x64xi32, #tpu.memory_space<vmem>>
    %dma_start3A_40 = tpu.memref_squeeze %dma_start3A_39 : memref<1x64xi32, #tpu.memory_space<vmem>> -> memref<64xi32, #tpu.memory_space<vmem>>
    %dma_start3A_41 = arith.constant 0 : i32
    %dma_start3A_42 = arith.constant 0 : i32
    %dma_start3A_43 = tpu.memref_slice %arg2[%dma_start3A_41, %dma_start3A_42] : memref<10000x64xi32, #tpu.memory_space<hbm>> -> memref<10000x64xi32, #tpu.memory_space<hbm>>
    tpu.enqueue_indirect_dma source(%dma_start3A_43 : memref<10000x64xi32, #tpu.memory_space<hbm>>) target(%arg8 : memref<64x64xi32, #tpu.memory_space<vmem>>) offsets(%dma_start3A_40 : memref<64xi32, #tpu.memory_space<vmem>>) semaphore(%arg14 : memref<!tpu.dma_semaphore, #tpu.memory_space<semaphore_mem>>)
    %dma_start3A_44 = arith.constant 1 : i32
    %dma_start3A_45 = arith.constant 0 : i32
    %dma_start3A_46 = tpu.memref_slice %arg6[%dma_start3A_44, %dma_start3A_45] : memref<40x64xi32, #tpu.memory_space<vmem>> -> memref<1x64xi32, #tpu.memory_space<vmem>>
    %dma_start3A_47 = tpu.memref_squeeze %dma_start3A_46 : memref<1x64xi32, #tpu.memory_space<vmem>> -> memref<64xi32, #tpu.memory_space<vmem>>
    %dma_start3A_48 = arith.constant 0 : i32
    %dma_start3A_49 = arith.constant 0 : i32
    %dma_start3A_50 = tpu.memref_slice %arg2[%dma_start3A_48, %dma_start3A_49] : memref<10000x64xi32, #tpu.memory_space<hbm>> -> memref<10000x64xi32, #tpu.memory_space<hbm>>
    tpu.enqueue_indirect_dma source(%dma_start3A_50 : memref<10000x64xi32, #tpu.memory_space<hbm>>) target(%arg9 : memref<64x64xi32, #tpu.memory_space<vmem>>) offsets(%dma_start3A_47 : memref<64xi32, #tpu.memory_space<vmem>>) semaphore(%arg15 : memref<!tpu.dma_semaphore, #tpu.memory_space<semaphore_mem>>)
    %dma_wait3A_51 = arith.constant 0 : i32
    %dma_wait3A_52 = arith.constant 0 : i32
    %dma_wait3A_53 = tpu.memref_slice %arg6[%dma_wait3A_51, %dma_wait3A_52] : memref<40x64xi32, #tpu.memory_space<vmem>> -> memref<1x64xi32, #tpu.memory_space<vmem>>
    %dma_wait3A_54 = tpu.memref_squeeze %dma_wait3A_53 : memref<1x64xi32, #tpu.memory_space<vmem>> -> memref<64xi32, #tpu.memory_space<vmem>>
    %dma_wait3A_55 = arith.constant 0 : i32
    %dma_wait3A_56 = arith.constant 0 : i32
    %dma_wait3A_57 = tpu.memref_slice %arg2[%dma_wait3A_55, %dma_wait3A_56] : memref<10000x64xi32, #tpu.memory_space<hbm>> -> memref<10000x64xi32, #tpu.memory_space<hbm>>
    tpu.wait_indirect_dma semaphore(%arg14 : memref<!tpu.dma_semaphore, #tpu.memory_space<semaphore_mem>>) src(%dma_wait3A_57 : memref<10000x64xi32, #tpu.memory_space<hbm>>) dst(%arg8 : memref<64x64xi32, #tpu.memory_space<vmem>>)
    %broadcast_in_dim3A_58 = arith.constant -65536 : i32
    %broadcast_in_dim3A_59 = vector.broadcast %broadcast_in_dim3A_58 : i32 to vector<16xi32>
    %broadcast_in_dim3A_60 = arith.constant 16 : i32
    %broadcast_in_dim3A_61 = vector.broadcast %broadcast_in_dim3A_60 : i32 to vector<16xi32>
    %scan3A_62 = arith.constant 0 : i32
    %scan3A_63 = arith.constant 64 : i32
    %scan3A_64 = arith.addi %scan3A_62, %scan3A_63 : i32
    %scan3A_65 = arith.constant 1 : i32
    scf.for %scan3A_726 = %scan3A_62 to %scan3A_64 step %scan3A_65  : i32 {
      %mul3A_727 = arith.constant 1 : i32
      %mul3A_728 = arith.muli %scan3A_726, %mul3A_727 : i32
      %add3A_729 = arith.constant 0 : i32
      %add3A_730 = arith.addi %add3A_729, %mul3A_728 : i32
      %get3A = arith.index_cast %add3A_730 : i32 to index
      %get3A_731 = arith.constant 0 : index
      %get3A_732 = tpu.vector_load %arg8[%get3A, %get3A_731] {strides = array<i32>} : memref<64x64xi32, #tpu.memory_space<vmem>>, vector<1x16xi32>,
      %get3A_733 = vector.shape_cast %get3A_732 : vector<1x16xi32> to vector<16xi32>
      %shift_left3A = arith.shli %get3A_733, %broadcast_in_dim3A_61 : vector<16xi32>
      %bitcast_convert_type3A = tpu.bitcast %shift_left3A : vector<16xi32> -> vector<16xf32>
      %and3A = arith.andi %get3A_733, %broadcast_in_dim3A_59 : vector<16xi32>
      %bitcast_convert_type3A_734 = tpu.bitcast %and3A : vector<16xi32> -> vector<16xf32>
      %swap3A = arith.index_cast %add3A_730 : i32 to index
      %swap3A_735 = arith.constant 0 : index
      %swap3A_736 = tpu.vector_load %arg10[%swap3A, %swap3A_735] {strides = array<i32>} : memref<64x128xf32, #tpu.memory_space<vmem>>, vector<1x16xf32>,
      %swap3A_737 = vector.shape_cast %swap3A_736 : vector<1x16xf32> to vector<16xf32>
      %swap3A_738 = vector.shape_cast %bitcast_convert_type3A : vector<16xf32> to vector<1x16xf32>
      tpu.vector_store %arg10[%swap3A, %swap3A_735], %swap3A_738 {strides = array<i32>} : memref<64x128xf32, #tpu.memory_space<vmem>>, vector<1x16xf32>,
      %swap3A_739 = arith.index_cast %add3A_730 : i32 to index
      %swap3A_740 = arith.constant 16 : index
      %swap3A_741 = tpu.vector_load %arg10[%swap3A_739, %swap3A_740] {strides = array<i32>} : memref<64x128xf32, #tpu.memory_space<vmem>>, vector<1x16xf32>,
      %swap3A_742 = vector.shape_cast %swap3A_741 : vector<1x16xf32> to vector<16xf32>
      %swap3A_743 = vector.shape_cast %bitcast_convert_type3A_734 : vector<16xf32> to vector<1x16xf32>
      tpu.vector_store %arg10[%swap3A_739, %swap3A_740], %swap3A_743 {strides = array<i32>} : memref<64x128xf32, #tpu.memory_space<vmem>>, vector<1x16xf32>,
      %get3A_744 = arith.index_cast %add3A_730 : i32 to index
      %get3A_745 = arith.constant 16 : index
      %get3A_746 = tpu.vector_load %arg8[%get3A_744, %get3A_745] {strides = array<i32>} : memref<64x64xi32, #tpu.memory_space<vmem>>, vector<1x16xi32>,
      %get3A_747 = vector.shape_cast %get3A_746 : vector<1x16xi32> to vector<16xi32>
      %shift_left3A_748 = arith.shli %get3A_747, %broadcast_in_dim3A_61 : vector<16xi32>
      %bitcast_convert_type3A_749 = tpu.bitcast %shift_left3A_748 : vector<16xi32> -> vector<16xf32>
      %and3A_750 = arith.andi %get3A_747, %broadcast_in_dim3A_59 : vector<16xi32>
      %bitcast_convert_type3A_751 = tpu.bitcast %and3A_750 : vector<16xi32> -> vector<16xf32>
      %swap3A_752 = arith.index_cast %add3A_730 : i32 to index
      %swap3A_753 = arith.constant 32 : index
      %swap3A_754 = tpu.vector_load %arg10[%swap3A_752, %swap3A_753] {strides = array<i32>} : memref<64x128xf32, #tpu.memory_space<vmem>>, vector<1x16xf32>,
      %swap3A_755 = vector.shape_cast %swap3A_754 : vector<1x16xf32> to vector<16xf32>
      %swap3A_756 = vector.shape_cast %bitcast_convert_type3A_749 : vector<16xf32> to vector<1x16xf32>
      tpu.vector_store %arg10[%swap3A_752, %swap3A_753], %swap3A_756 {strides = array<i32>} : memref<64x128xf32, #tpu.memory_space<vmem>>, vector<1x16xf32>,
      %swap3A_757 = arith.index_cast %add3A_730 : i32 to index
      %swap3A_758 = arith.constant 48 : index
      %swap3A_759 = tpu.vector_load %arg10[%swap3A_757, %swap3A_758] {strides = array<i32>} : memref<64x128xf32, #tpu.memory_space<vmem>>, vector<1x16xf32>,
      %swap3A_760 = vector.shape_cast %swap3A_759 : vector<1x16xf32> to vector<16xf32>
      %swap3A_761 = vector.shape_cast %bitcast_convert_type3A_751 : vector<16xf32> to vector<1x16xf32>
      tpu.vector_store %arg10[%swap3A_757, %swap3A_758], %swap3A_761 {strides = array<i32>} : memref<64x128xf32, #tpu.memory_space<vmem>>, vector<1x16xf32>,
      %get3A_762 = arith.index_cast %add3A_730 : i32 to index
      %get3A_763 = arith.constant 32 : index
      %get3A_764 = tpu.vector_load %arg8[%get3A_762, %get3A_763] {strides = array<i32>} : memref<64x64xi32, #tpu.memory_space<vmem>>, vector<1x16xi32>,
      %get3A_765 = vector.shape_cast %get3A_764 : vector<1x16xi32> to vector<16xi32>
      %shift_left3A_766 = arith.shli %get3A_765, %broadcast_in_dim3A_61 : vector<16xi32>
      %bitcast_convert_type3A_767 = tpu.bitcast %shift_left3A_766 : vector<16xi32> -> vector<16xf32>
      %and3A_768 = arith.andi %get3A_765, %broadcast_in_dim3A_59 : vector<16xi32>
      %bitcast_convert_type3A_769 = tpu.bitcast %and3A_768 : vector<16xi32> -> vector<16xf32>
      %swap3A_770 = arith.index_cast %add3A_730 : i32 to index
      %swap3A_771 = arith.constant 64 : index
      %swap3A_772 = tpu.vector_load %arg10[%swap3A_770, %swap3A_771] {strides = array<i32>} : memref<64x128xf32, #tpu.memory_space<vmem>>, vector<1x16xf32>,
      %swap3A_773 = vector.shape_cast %swap3A_772 : vector<1x16xf32> to vector<16xf32>
      %swap3A_774 = vector.shape_cast %bitcast_convert_type3A_767 : vector<16xf32> to vector<1x16xf32>
      tpu.vector_store %arg10[%swap3A_770, %swap3A_771], %swap3A_774 {strides = array<i32>} : memref<64x128xf32, #tpu.memory_space<vmem>>, vector<1x16xf32>,
      %swap3A_775 = arith.index_cast %add3A_730 : i32 to index
      %swap3A_776 = arith.constant 80 : index
      %swap3A_777 = tpu.vector_load %arg10[%swap3A_775, %swap3A_776] {strides = array<i32>} : memref<64x128xf32, #tpu.memory_space<vmem>>, vector<1x16xf32>,
      %swap3A_778 = vector.shape_cast %swap3A_777 : vector<1x16xf32> to vector<16xf32>
      %swap3A_779 = vector.shape_cast %bitcast_convert_type3A_769 : vector<16xf32> to vector<1x16xf32>
      tpu.vector_store %arg10[%swap3A_775, %swap3A_776], %swap3A_779 {strides = array<i32>} : memref<64x128xf32, #tpu.memory_space<vmem>>, vector<1x16xf32>,
      %get3A_780 = arith.index_cast %add3A_730 : i32 to index
      %get3A_781 = arith.constant 48 : index
      %get3A_782 = tpu.vector_load %arg8[%get3A_780, %get3A_781] {strides = array<i32>} : memref<64x64xi32, #tpu.memory_space<vmem>>, vector<1x16xi32>,
      %get3A_783 = vector.shape_cast %get3A_782 : vector<1x16xi32> to vector<16xi32>
      %shift_left3A_784 = arith.shli %get3A_783, %broadcast_in_dim3A_61 : vector<16xi32>
      %bitcast_convert_type3A_785 = tpu.bitcast %shift_left3A_784 : vector<16xi32> -> vector<16xf32>
      %and3A_786 = arith.andi %get3A_783, %broadcast_in_dim3A_59 : vector<16xi32>
      %bitcast_convert_type3A_787 = tpu.bitcast %and3A_786 : vector<16xi32> -> vector<16xf32>
      %swap3A_788 = arith.index_cast %add3A_730 : i32 to index
      %swap3A_789 = arith.constant 96 : index
      %swap3A_790 = tpu.vector_load %arg10[%swap3A_788, %swap3A_789] {strides = array<i32>} : memref<64x128xf32, #tpu.memory_space<vmem>>, vector<1x16xf32>,
      %swap3A_791 = vector.shape_cast %swap3A_790 : vector<1x16xf32> to vector<16xf32>
      %swap3A_792 = vector.shape_cast %bitcast_convert_type3A_785 : vector<16xf32> to vector<1x16xf32>
      tpu.vector_store %arg10[%swap3A_788, %swap3A_789], %swap3A_792 {strides = array<i32>} : memref<64x128xf32, #tpu.memory_space<vmem>>, vector<1x16xf32>,
      %swap3A_793 = arith.index_cast %add3A_730 : i32 to index
      %swap3A_794 = arith.constant 112 : index
      %swap3A_795 = tpu.vector_load %arg10[%swap3A_793, %swap3A_794] {strides = array<i32>} : memref<64x128xf32, #tpu.memory_space<vmem>>, vector<1x16xf32>,
      %swap3A_796 = vector.shape_cast %swap3A_795 : vector<1x16xf32> to vector<16xf32>
      %swap3A_797 = vector.shape_cast %bitcast_convert_type3A_787 : vector<16xf32> to vector<1x16xf32>
      tpu.vector_store %arg10[%swap3A_793, %swap3A_794], %swap3A_797 {strides = array<i32>} : memref<64x128xf32, #tpu.memory_space<vmem>>, vector<1x16xf32>,
    }
    %scan3A_66 = arith.constant 64 : i32
    %dma_start3A_67 = arith.constant 0 : i32
    %dma_start3A_68 = arith.constant 0 : i32
    %dma_start3A_69 = tpu.memref_slice %arg7[%dma_start3A_67, %dma_start3A_68] : memref<40x64xi32, #tpu.memory_space<vmem>> -> memref<1x64xi32, #tpu.memory_space<vmem>>
    %dma_start3A_70 = tpu.memref_squeeze %dma_start3A_69 : memref<1x64xi32, #tpu.memory_space<vmem>> -> memref<64xi32, #tpu.memory_space<vmem>>
    %dma_start3A_71 = arith.constant 0 : i32
    %dma_start3A_72 = arith.constant 0 : i32
    %dma_start3A_73 = tpu.memref_slice %arg12[%dma_start3A_71, %dma_start3A_72] : memref<10112x128xf32, #tpu.memory_space<vmem_shared>> -> memref<10112x128xf32, #tpu.memory_space<vmem_shared>>
    tpu.enqueue_indirect_dma source(%arg10 : memref<64x128xf32, #tpu.memory_space<vmem>>) target(%dma_start3A_73 : memref<10112x128xf32, #tpu.memory_space<vmem_shared>>) offsets(%dma_start3A_70 : memref<64xi32, #tpu.memory_space<vmem>>) semaphore(%arg16 : memref<!tpu.dma_semaphore, #tpu.memory_space<semaphore_mem>>) {add = true}
    %dma_start3A_74 = arith.constant 2 : i32
    %dma_start3A_75 = arith.constant 0 : i32
    %dma_start3A_76 = tpu.memref_slice %arg6[%dma_start3A_74, %dma_start3A_75] : memref<40x64xi32, #tpu.memory_space<vmem>> -> memref<1x64xi32, #tpu.memory_space<vmem>>
    %dma_start3A_77 = tpu.memref_squeeze %dma_start3A_76 : memref<1x64xi32, #tpu.memory_space<vmem>> -> memref<64xi32, #tpu.memory_space<vmem>>
    %dma_start3A_78 = arith.constant 0 : i32
    %dma_start3A_79 = arith.constant 0 : i32
    %dma_start3A_80 = tpu.memref_slice %arg2[%dma_start3A_78, %dma_start3A_79] : memref<10000x64xi32, #tpu.memory_space<hbm>> -> memref<10000x64xi32, #tpu.memory_space<hbm>>
    tpu.enqueue_indirect_dma source(%dma_start3A_80 : memref<10000x64xi32, #tpu.memory_space<hbm>>) target(%arg8 : memref<64x64xi32, #tpu.memory_space<vmem>>) offsets(%dma_start3A_77 : memref<64xi32, #tpu.memory_space<vmem>>) semaphore(%arg14 : memref<!tpu.dma_semaphore, #tpu.memory_space<semaphore_mem>>)
    %dma_wait3A_81 = arith.constant 0 : i32
    %dma_wait3A_82 = arith.constant 0 : i32
    %dma_wait3A_83 = tpu.memref_slice %arg6[%dma_wait3A_81, %dma_wait3A_82] : memref<40x64xi32, #tpu.memory_space<vmem>> -> memref<1x64xi32, #tpu.memory_space<vmem>>
    %dma_wait3A_84 = tpu.memref_squeeze %dma_wait3A_83 : memref<1x64xi32, #tpu.memory_space<vmem>> -> memref<64xi32, #tpu.memory_space<vmem>>
    %dma_wait3A_85 = arith.constant 0 : i32
    %dma_wait3A_86 = arith.constant 0 : i32
    %dma_wait3A_87 = tpu.memref_slice %arg2[%dma_wait3A_85, %dma_wait3A_86] : memref<10000x64xi32, #tpu.memory_space<hbm>> -> memref<10000x64xi32, #tpu.memory_space<hbm>>
    tpu.wait_indirect_dma semaphore(%arg15 : memref<!tpu.dma_semaphore, #tpu.memory_space<semaphore_mem>>) src(%dma_wait3A_87 : memref<10000x64xi32, #tpu.memory_space<hbm>>) dst(%arg9 : memref<64x64xi32, #tpu.memory_space<vmem>>)
    %broadcast_in_dim3A_88 = arith.constant -65536 : i32
    %broadcast_in_dim3A_89 = vector.broadcast %broadcast_in_dim3A_88 : i32 to vector<16xi32>
    %broadcast_in_dim3A_90 = arith.constant 16 : i32
    %broadcast_in_dim3A_91 = vector.broadcast %broadcast_in_dim3A_90 : i32 to vector<16xi32>
    %scan3A_92 = arith.constant 0 : i32
    %scan3A_93 = arith.constant 64 : i32
    %scan3A_94 = arith.addi %scan3A_92, %scan3A_93 : i32
    %scan3A_95 = arith.constant 1 : i32
    scf.for %scan3A_726 = %scan3A_92 to %scan3A_94 step %scan3A_95  : i32 {
      %mul3A_727 = arith.constant 1 : i32
      %mul3A_728 = arith.muli %scan3A_726, %mul3A_727 : i32
      %add3A_729 = arith.constant 0 : i32
      %add3A_730 = arith.addi %add3A_729, %mul3A_728 : i32
      %get3A = arith.index_cast %add3A_730 : i32 to index
      %get3A_731 = arith.constant 0 : index
      %get3A_732 = tpu.vector_load %arg9[%get3A, %get3A_731] {strides = array<i32>} : memref<64x64xi32, #tpu.memory_space<vmem>>, vector<1x16xi32>,
      %get3A_733 = vector.shape_cast %get3A_732 : vector<1x16xi32> to vector<16xi32>
      %shift_left3A = arith.shli %get3A_733, %broadcast_in_dim3A_91 : vector<16xi32>
      %bitcast_convert_type3A = tpu.bitcast %shift_left3A : vector<16xi32> -> vector<16xf32>
      %and3A = arith.andi %get3A_733, %broadcast_in_dim3A_89 : vector<16xi32>
      %bitcast_convert_type3A_734 = tpu.bitcast %and3A : vector<16xi32> -> vector<16xf32>
      %swap3A = arith.index_cast %add3A_730 : i32 to index
      %swap3A_735 = arith.constant 0 : index
      %swap3A_736 = tpu.vector_load %arg11[%swap3A, %swap3A_735] {strides = array<i32>} : memref<64x128xf32, #tpu.memory_space<vmem>>, vector<1x16xf32>,
      %swap3A_737 = vector.shape_cast %swap3A_736 : vector<1x16xf32> to vector<16xf32>
      %swap3A_738 = vector.shape_cast %bitcast_convert_type3A : vector<16xf32> to vector<1x16xf32>
      tpu.vector_store %arg11[%swap3A, %swap3A_735], %swap3A_738 {strides = array<i32>} : memref<64x128xf32, #tpu.memory_space<vmem>>, vector<1x16xf32>,
      %swap3A_739 = arith.index_cast %add3A_730 : i32 to index
      %swap3A_740 = arith.constant 16 : index
      %swap3A_741 = tpu.vector_load %arg11[%swap3A_739, %swap3A_740] {strides = array<i32>} : memref<64x128xf32, #tpu.memory_space<vmem>>, vector<1x16xf32>,
      %swap3A_742 = vector.shape_cast %swap3A_741 : vector<1x16xf32> to vector<16xf32>
      %swap3A_743 = vector.shape_cast %bitcast_convert_type3A_734 : vector<16xf32> to vector<1x16xf32>
      tpu.vector_store %arg11[%swap3A_739, %swap3A_740], %swap3A_743 {strides = array<i32>} : memref<64x128xf32, #tpu.memory_space<vmem>>, vector<1x16xf32>,
      %get3A_744 = arith.index_cast %add3A_730 : i32 to index
      %get3A_745 = arith.constant 16 : index
      %get3A_746 = tpu.vector_load %arg9[%get3A_744, %get3A_745] {strides = array<i32>} : memref<64x64xi32, #tpu.memory_space<vmem>>, vector<1x16xi32>,
      %get3A_747 = vector.shape_cast %get3A_746 : vector<1x16xi32> to vector<16xi32>
      %shift_left3A_748 = arith.shli %get3A_747, %broadcast_in_dim3A_91 : vector<16xi32>
      %bitcast_convert_type3A_749 = tpu.bitcast %shift_left3A_748 : vector<16xi32> -> vector<16xf32>
      %and3A_750 = arith.andi %get3A_747, %broadcast_in_dim3A_89 : vector<16xi32>
      %bitcast_convert_type3A_751 = tpu.bitcast %and3A_750 : vector<16xi32> -> vector<16xf32>
      %swap3A_752 = arith.index_cast %add3A_730 : i32 to index
      %swap3A_753 = arith.constant 32 : index
      %swap3A_754 = tpu.vector_load %arg11[%swap3A_752, %swap3A_753] {strides = array<i32>} : memref<64x128xf32, #tpu.memory_space<vmem>>, vector<1x16xf32>,
      %swap3A_755 = vector.shape_cast %swap3A_754 : vector<1x16xf32> to vector<16xf32>
      %swap3A_756 = vector.shape_cast %bitcast_convert_type3A_749 : vector<16xf32> to vector<1x16xf32>
      tpu.vector_store %arg11[%swap3A_752, %swap3A_753], %swap3A_756 {strides = array<i32>} : memref<64x128xf32, #tpu.memory_space<vmem>>, vector<1x16xf32>,
      %swap3A_757 = arith.index_cast %add3A_730 : i32 to index
      %swap3A_758 = arith.constant 48 : index
      %swap3A_759 = tpu.vector_load %arg11[%swap3A_757, %swap3A_758] {strides = array<i32>} : memref<64x128xf32, #tpu.memory_space<vmem>>, vector<1x16xf32>,
      %swap3A_760 = vector.shape_cast %swap3A_759 : vector<1x16xf32> to vector<16xf32>
      %swap3A_761 = vector.shape_cast %bitcast_convert_type3A_751 : vector<16xf32> to vector<1x16xf32>
      tpu.vector_store %arg11[%swap3A_757, %swap3A_758], %swap3A_761 {strides = array<i32>} : memref<64x128xf32, #tpu.memory_space<vmem>>, vector<1x16xf32>,
      %get3A_762 = arith.index_cast %add3A_730 : i32 to index
      %get3A_763 = arith.constant 32 : index
      %get3A_764 = tpu.vector_load %arg9[%get3A_762, %get3A_763] {strides = array<i32>} : memref<64x64xi32, #tpu.memory_space<vmem>>, vector<1x16xi32>,
      %get3A_765 = vector.shape_cast %get3A_764 : vector<1x16xi32> to vector<16xi32>
      %shift_left3A_766 = arith.shli %get3A_765, %broadcast_in_dim3A_91 : vector<16xi32>
      %bitcast_convert_type3A_767 = tpu.bitcast %shift_left3A_766 : vector<16xi32> -> vector<16xf32>
      %and3A_768 = arith.andi %get3A_765, %broadcast_in_dim3A_89 : vector<16xi32>
      %bitcast_convert_type3A_769 = tpu.bitcast %and3A_768 : vector<16xi32> -> vector<16xf32>
      %swap3A_770 = arith.index_cast %add3A_730 : i32 to index
      %swap3A_771 = arith.constant 64 : index
      %swap3A_772 = tpu.vector_load %arg11[%swap3A_770, %swap3A_771] {strides = array<i32>} : memref<64x128xf32, #tpu.memory_space<vmem>>, vector<1x16xf32>,
      %swap3A_773 = vector.shape_cast %swap3A_772 : vector<1x16xf32> to vector<16xf32>
      %swap3A_774 = vector.shape_cast %bitcast_convert_type3A_767 : vector<16xf32> to vector<1x16xf32>
      tpu.vector_store %arg11[%swap3A_770, %swap3A_771], %swap3A_774 {strides = array<i32>} : memref<64x128xf32, #tpu.memory_space<vmem>>, vector<1x16xf32>,
      %swap3A_775 = arith.index_cast %add3A_730 : i32 to index
      %swap3A_776 = arith.constant 80 : index
      %swap3A_777 = tpu.vector_load %arg11[%swap3A_775, %swap3A_776] {strides = array<i32>} : memref<64x128xf32, #tpu.memory_space<vmem>>, vector<1x16xf32>,
      %swap3A_778 = vector.shape_cast %swap3A_777 : vector<1x16xf32> to vector<16xf32>
      %swap3A_779 = vector.shape_cast %bitcast_convert_type3A_769 : vector<16xf32> to vector<1x16xf32>
      tpu.vector_store %arg11[%swap3A_775, %swap3A_776], %swap3A_779 {strides = array<i32>} : memref<64x128xf32, #tpu.memory_space<vmem>>, vector<1x16xf32>,
      %get3A_780 = arith.index_cast %add3A_730 : i32 to index
      %get3A_781 = arith.constant 48 : index
      %get3A_782 = tpu.vector_load %arg9[%get3A_780, %get3A_781] {strides = array<i32>} : memref<64x64xi32, #tpu.memory_space<vmem>>, vector<1x16xi32>,
      %get3A_783 = vector.shape_cast %get3A_782 : vector<1x16xi32> to vector<16xi32>
      %shift_left3A_784 = arith.shli %get3A_783, %broadcast_in_dim3A_91 : vector<16xi32>
      %bitcast_convert_type3A_785 = tpu.bitcast %shift_left3A_784 : vector<16xi32> -> vector<16xf32>
      %and3A_786 = arith.andi %get3A_783, %broadcast_in_dim3A_89 : vector<16xi32>
      %bitcast_convert_type3A_787 = tpu.bitcast %and3A_786 : vector<16xi32> -> vector<16xf32>
      %swap3A_788 = arith.index_cast %add3A_730 : i32 to index
      %swap3A_789 = arith.constant 96 : index
      %swap3A_790 = tpu.vector_load %arg11[%swap3A_788, %swap3A_789] {strides = array<i32>} : memref<64x128xf32, #tpu.memory_space<vmem>>, vector<1x16xf32>,
      %swap3A_791 = vector.shape_cast %swap3A_790 : vector<1x16xf32> to vector<16xf32>
      %swap3A_792 = vector.shape_cast %bitcast_convert_type3A_785 : vector<16xf32> to vector<1x16xf32>
      tpu.vector_store %arg11[%swap3A_788, %swap3A_789], %swap3A_792 {strides = array<i32>} : memref<64x128xf32, #tpu.memory_space<vmem>>, vector<1x16xf32>,
      %swap3A_793 = arith.index_cast %add3A_730 : i32 to index
      %swap3A_794 = arith.constant 112 : index
      %swap3A_795 = tpu.vector_load %arg11[%swap3A_793, %swap3A_794] {strides = array<i32>} : memref<64x128xf32, #tpu.memory_space<vmem>>, vector<1x16xf32>,
      %swap3A_796 = vector.shape_cast %swap3A_795 : vector<1x16xf32> to vector<16xf32>
      %swap3A_797 = vector.shape_cast %bitcast_convert_type3A_787 : vector<16xf32> to vector<1x16xf32>
      tpu.vector_store %arg11[%swap3A_793, %swap3A_794], %swap3A_797 {strides = array<i32>} : memref<64x128xf32, #tpu.memory_space<vmem>>, vector<1x16xf32>,
    }
    %scan3A_96 = arith.constant 64 : i32
    %dma_start3A_97 = arith.constant 1 : i32
    %dma_start3A_98 = arith.constant 0 : i32
    %dma_start3A_99 = tpu.memref_slice %arg7[%dma_start3A_97, %dma_start3A_98] : memref<40x64xi32, #tpu.memory_space<vmem>> -> memref<1x64xi32, #tpu.memory_space<vmem>>
    %dma_start3A_100 = tpu.memref_squeeze %dma_start3A_99 : memref<1x64xi32, #tpu.memory_space<vmem>> -> memref<64xi32, #tpu.memory_space<vmem>>
    %dma_start3A_101 = arith.constant 0 : i32
    %dma_start3A_102 = arith.constant 0 : i32
    %dma_start3A_103 = tpu.memref_slice %arg12[%dma_start3A_101, %dma_start3A_102] : memref<10112x128xf32, #tpu.memory_space<vmem_shared>> -> memref<10112x128xf32, #tpu.memory_space<vmem_shared>>
    tpu.enqueue_indirect_dma source(%arg11 : memref<64x128xf32, #tpu.memory_space<vmem>>) target(%dma_start3A_103 : memref<10112x128xf32, #tpu.memory_space<vmem_shared>>) offsets(%dma_start3A_100 : memref<64xi32, #tpu.memory_space<vmem>>) semaphore(%arg17 : memref<!tpu.dma_semaphore, #tpu.memory_space<semaphore_mem>>) {add = true}
    %dma_start3A_104 = arith.constant 3 : i32
    %dma_start3A_105 = arith.constant 0 : i32
    %dma_start3A_106 = tpu.memref_slice %arg6[%dma_start3A_104, %dma_start3A_105] : memref<40x64xi32, #tpu.memory_space<vmem>> -> memref<1x64xi32, #tpu.memory_space<vmem>>
    %dma_start3A_107 = tpu.memref_squeeze %dma_start3A_106 : memref<1x64xi32, #tpu.memory_space<vmem>> -> memref<64xi32, #tpu.memory_space<vmem>>
    %dma_start3A_108 = arith.constant 0 : i32
    %dma_start3A_109 = arith.constant 0 : i32
    %dma_start3A_110 = tpu.memref_slice %arg2[%dma_start3A_108, %dma_start3A_109] : memref<10000x64xi32, #tpu.memory_space<hbm>> -> memref<10000x64xi32, #tpu.memory_space<hbm>>
    tpu.enqueue_indirect_dma source(%dma_start3A_110 : memref<10000x64xi32, #tpu.memory_space<hbm>>) target(%arg9 : memref<64x64xi32, #tpu.memory_space<vmem>>) offsets(%dma_start3A_107 : memref<64xi32, #tpu.memory_space<vmem>>) semaphore(%arg15 : memref<!tpu.dma_semaphore, #tpu.memory_space<semaphore_mem>>)
    %scan3A_111 = arith.constant 0 : i32
    %scan3A_112 = arith.constant 18 : i32
    %scan3A_113 = arith.addi %scan3A_111, %scan3A_112 : i32
    %scan3A_114 = arith.constant 1 : i32
    scf.for %scan3A_726 = %scan3A_111 to %scan3A_113 step %scan3A_114  : i32 {
      %mul3A_727 = arith.constant 1 : i32
      %mul3A_728 = arith.muli %scan3A_726, %mul3A_727 : i32
      %add3A_729 = arith.constant 0 : i32
      %add3A_730 = arith.addi %add3A_729, %mul3A_728 : i32
      %add3A_731 = arith.constant 1 : i32
      %add3A_732 = arith.addi %add3A_730, %add3A_731 : i32
      %mul3A_733 = arith.constant 2 : i32
      %mul3A_734 = arith.muli %add3A_732, %mul3A_733 : i32
      %add3A_735 = arith.constant 0 : i32
      %add3A_736 = arith.addi %mul3A_734, %add3A_735 : i32
      %dma_wait3A_737 = arith.constant 0 : i32
      %dma_wait3A_738 = arith.constant 0 : i32
      %dma_wait3A_739 = tpu.memref_slice %arg6[%dma_wait3A_737, %dma_wait3A_738] : memref<40x64xi32, #tpu.memory_space<vmem>> -> memref<1x64xi32, #tpu.memory_space<vmem>>
      %dma_wait3A_740 = tpu.memref_squeeze %dma_wait3A_739 : memref<1x64xi32, #tpu.memory_space<vmem>> -> memref<64xi32, #tpu.memory_space<vmem>>
      %dma_wait3A_741 = arith.constant 0 : i32
      %dma_wait3A_742 = arith.constant 0 : i32
      %dma_wait3A_743 = tpu.memref_slice %arg2[%dma_wait3A_741, %dma_wait3A_742] : memref<10000x64xi32, #tpu.memory_space<hbm>> -> memref<10000x64xi32, #tpu.memory_space<hbm>>
      tpu.wait_indirect_dma semaphore(%arg14 : memref<!tpu.dma_semaphore, #tpu.memory_space<semaphore_mem>>) src(%dma_wait3A_743 : memref<10000x64xi32, #tpu.memory_space<hbm>>) dst(%arg8 : memref<64x64xi32, #tpu.memory_space<vmem>>)
      %dma_wait3A_744 = arith.constant 0 : i32
      %dma_wait3A_745 = arith.constant 0 : i32
      %dma_wait3A_746 = tpu.memref_slice %arg7[%dma_wait3A_744, %dma_wait3A_745] : memref<40x64xi32, #tpu.memory_space<vmem>> -> memref<1x64xi32, #tpu.memory_space<vmem>>
      %dma_wait3A_747 = tpu.memref_squeeze %dma_wait3A_746 : memref<1x64xi32, #tpu.memory_space<vmem>> -> memref<64xi32, #tpu.memory_space<vmem>>
      %dma_wait3A_748 = arith.constant 0 : i32
      %dma_wait3A_749 = arith.constant 0 : i32
      %dma_wait3A_750 = tpu.memref_slice %arg12[%dma_wait3A_748, %dma_wait3A_749] : memref<10112x128xf32, #tpu.memory_space<vmem_shared>> -> memref<10112x128xf32, #tpu.memory_space<vmem_shared>>
      tpu.wait_indirect_dma semaphore(%arg16 : memref<!tpu.dma_semaphore, #tpu.memory_space<semaphore_mem>>) src(%arg10 : memref<64x128xf32, #tpu.memory_space<vmem>>) dst(%dma_wait3A_750 : memref<10112x128xf32, #tpu.memory_space<vmem_shared>>)
      %broadcast_in_dim3A_751 = arith.constant -65536 : i32
      %broadcast_in_dim3A_752 = vector.broadcast %broadcast_in_dim3A_751 : i32 to vector<16xi32>
      %broadcast_in_dim3A_753 = arith.constant 16 : i32
      %broadcast_in_dim3A_754 = vector.broadcast %broadcast_in_dim3A_753 : i32 to vector<16xi32>
      %scan3A_755 = arith.constant 0 : i32
      %scan3A_756 = arith.constant 64 : i32
      %scan3A_757 = arith.addi %scan3A_755, %scan3A_756 : i32
      %scan3A_758 = arith.constant 1 : i32
      scf.for %scan3A_817 = %scan3A_755 to %scan3A_757 step %scan3A_758  : i32 {
        %mul3A_818 = arith.constant 1 : i32
        %mul3A_819 = arith.muli %scan3A_817, %mul3A_818 : i32
        %add3A_820 = arith.constant 0 : i32
        %add3A_821 = arith.addi %add3A_820, %mul3A_819 : i32
        %get3A = arith.index_cast %add3A_821 : i32 to index
        %get3A_822 = arith.constant 0 : index
        %get3A_823 = tpu.vector_load %arg8[%get3A, %get3A_822] {strides = array<i32>} : memref<64x64xi32, #tpu.memory_space<vmem>>, vector<1x16xi32>,
        %get3A_824 = vector.shape_cast %get3A_823 : vector<1x16xi32> to vector<16xi32>
        %shift_left3A = arith.shli %get3A_824, %broadcast_in_dim3A_754 : vector<16xi32>
        %bitcast_convert_type3A = tpu.bitcast %shift_left3A : vector<16xi32> -> vector<16xf32>
        %and3A = arith.andi %get3A_824, %broadcast_in_dim3A_752 : vector<16xi32>
        %bitcast_convert_type3A_825 = tpu.bitcast %and3A : vector<16xi32> -> vector<16xf32>
        %swap3A = arith.index_cast %add3A_821 : i32 to index
        %swap3A_826 = arith.constant 0 : index
        %swap3A_827 = tpu.vector_load %arg10[%swap3A, %swap3A_826] {strides = array<i32>} : memref<64x128xf32, #tpu.memory_space<vmem>>, vector<1x16xf32>,
        %swap3A_828 = vector.shape_cast %swap3A_827 : vector<1x16xf32> to vector<16xf32>
        %swap3A_829 = vector.shape_cast %bitcast_convert_type3A : vector<16xf32> to vector<1x16xf32>
        tpu.vector_store %arg10[%swap3A, %swap3A_826], %swap3A_829 {strides = array<i32>} : memref<64x128xf32, #tpu.memory_space<vmem>>, vector<1x16xf32>,
        %swap3A_830 = arith.index_cast %add3A_821 : i32 to index
        %swap3A_831 = arith.constant 16 : index
        %swap3A_832 = tpu.vector_load %arg10[%swap3A_830, %swap3A_831] {strides = array<i32>} : memref<64x128xf32, #tpu.memory_space<vmem>>, vector<1x16xf32>,
        %swap3A_833 = vector.shape_cast %swap3A_832 : vector<1x16xf32> to vector<16xf32>
        %swap3A_834 = vector.shape_cast %bitcast_convert_type3A_825 : vector<16xf32> to vector<1x16xf32>
        tpu.vector_store %arg10[%swap3A_830, %swap3A_831], %swap3A_834 {strides = array<i32>} : memref<64x128xf32, #tpu.memory_space<vmem>>, vector<1x16xf32>,
        %get3A_835 = arith.index_cast %add3A_821 : i32 to index
        %get3A_836 = arith.constant 16 : index
        %get3A_837 = tpu.vector_load %arg8[%get3A_835, %get3A_836] {strides = array<i32>} : memref<64x64xi32, #tpu.memory_space<vmem>>, vector<1x16xi32>,
        %get3A_838 = vector.shape_cast %get3A_837 : vector<1x16xi32> to vector<16xi32>
        %shift_left3A_839 = arith.shli %get3A_838, %broadcast_in_dim3A_754 : vector<16xi32>
        %bitcast_convert_type3A_840 = tpu.bitcast %shift_left3A_839 : vector<16xi32> -> vector<16xf32>
        %and3A_841 = arith.andi %get3A_838, %broadcast_in_dim3A_752 : vector<16xi32>
        %bitcast_convert_type3A_842 = tpu.bitcast %and3A_841 : vector<16xi32> -> vector<16xf32>
        %swap3A_843 = arith.index_cast %add3A_821 : i32 to index
        %swap3A_844 = arith.constant 32 : index
        %swap3A_845 = tpu.vector_load %arg10[%swap3A_843, %swap3A_844] {strides = array<i32>} : memref<64x128xf32, #tpu.memory_space<vmem>>, vector<1x16xf32>,
        %swap3A_846 = vector.shape_cast %swap3A_845 : vector<1x16xf32> to vector<16xf32>
        %swap3A_847 = vector.shape_cast %bitcast_convert_type3A_840 : vector<16xf32> to vector<1x16xf32>
        tpu.vector_store %arg10[%swap3A_843, %swap3A_844], %swap3A_847 {strides = array<i32>} : memref<64x128xf32, #tpu.memory_space<vmem>>, vector<1x16xf32>,
        %swap3A_848 = arith.index_cast %add3A_821 : i32 to index
        %swap3A_849 = arith.constant 48 : index
        %swap3A_850 = tpu.vector_load %arg10[%swap3A_848, %swap3A_849] {strides = array<i32>} : memref<64x128xf32, #tpu.memory_space<vmem>>, vector<1x16xf32>,
        %swap3A_851 = vector.shape_cast %swap3A_850 : vector<1x16xf32> to vector<16xf32>
        %swap3A_852 = vector.shape_cast %bitcast_convert_type3A_842 : vector<16xf32> to vector<1x16xf32>
        tpu.vector_store %arg10[%swap3A_848, %swap3A_849], %swap3A_852 {strides = array<i32>} : memref<64x128xf32, #tpu.memory_space<vmem>>, vector<1x16xf32>,
        %get3A_853 = arith.index_cast %add3A_821 : i32 to index
        %get3A_854 = arith.constant 32 : index
        %get3A_855 = tpu.vector_load %arg8[%get3A_853, %get3A_854] {strides = array<i32>} : memref<64x64xi32, #tpu.memory_space<vmem>>, vector<1x16xi32>,
        %get3A_856 = vector.shape_cast %get3A_855 : vector<1x16xi32> to vector<16xi32>
        %shift_left3A_857 = arith.shli %get3A_856, %broadcast_in_dim3A_754 : vector<16xi32>
        %bitcast_convert_type3A_858 = tpu.bitcast %shift_left3A_857 : vector<16xi32> -> vector<16xf32>
        %and3A_859 = arith.andi %get3A_856, %broadcast_in_dim3A_752 : vector<16xi32>
        %bitcast_convert_type3A_860 = tpu.bitcast %and3A_859 : vector<16xi32> -> vector<16xf32>
        %swap3A_861 = arith.index_cast %add3A_821 : i32 to index
        %swap3A_862 = arith.constant 64 : index
        %swap3A_863 = tpu.vector_load %arg10[%swap3A_861, %swap3A_862] {strides = array<i32>} : memref<64x128xf32, #tpu.memory_space<vmem>>, vector<1x16xf32>,
        %swap3A_864 = vector.shape_cast %swap3A_863 : vector<1x16xf32> to vector<16xf32>
        %swap3A_865 = vector.shape_cast %bitcast_convert_type3A_858 : vector<16xf32> to vector<1x16xf32>
        tpu.vector_store %arg10[%swap3A_861, %swap3A_862], %swap3A_865 {strides = array<i32>} : memref<64x128xf32, #tpu.memory_space<vmem>>, vector<1x16xf32>,
        %swap3A_866 = arith.index_cast %add3A_821 : i32 to index
        %swap3A_867 = arith.constant 80 : index
        %swap3A_868 = tpu.vector_load %arg10[%swap3A_866, %swap3A_867] {strides = array<i32>} : memref<64x128xf32, #tpu.memory_space<vmem>>, vector<1x16xf32>,
        %swap3A_869 = vector.shape_cast %swap3A_868 : vector<1x16xf32> to vector<16xf32>
        %swap3A_870 = vector.shape_cast %bitcast_convert_type3A_860 : vector<16xf32> to vector<1x16xf32>
        tpu.vector_store %arg10[%swap3A_866, %swap3A_867], %swap3A_870 {strides = array<i32>} : memref<64x128xf32, #tpu.memory_space<vmem>>, vector<1x16xf32>,
        %get3A_871 = arith.index_cast %add3A_821 : i32 to index
        %get3A_872 = arith.constant 48 : index
        %get3A_873 = tpu.vector_load %arg8[%get3A_871, %get3A_872] {strides = array<i32>} : memref<64x64xi32, #tpu.memory_space<vmem>>, vector<1x16xi32>,
        %get3A_874 = vector.shape_cast %get3A_873 : vector<1x16xi32> to vector<16xi32>
        %shift_left3A_875 = arith.shli %get3A_874, %broadcast_in_dim3A_754 : vector<16xi32>
        %bitcast_convert_type3A_876 = tpu.bitcast %shift_left3A_875 : vector<16xi32> -> vector<16xf32>
        %and3A_877 = arith.andi %get3A_874, %broadcast_in_dim3A_752 : vector<16xi32>
        %bitcast_convert_type3A_878 = tpu.bitcast %and3A_877 : vector<16xi32> -> vector<16xf32>
        %swap3A_879 = arith.index_cast %add3A_821 : i32 to index
        %swap3A_880 = arith.constant 96 : index
        %swap3A_881 = tpu.vector_load %arg10[%swap3A_879, %swap3A_880] {strides = array<i32>} : memref<64x128xf32, #tpu.memory_space<vmem>>, vector<1x16xf32>,
        %swap3A_882 = vector.shape_cast %swap3A_881 : vector<1x16xf32> to vector<16xf32>
        %swap3A_883 = vector.shape_cast %bitcast_convert_type3A_876 : vector<16xf32> to vector<1x16xf32>
        tpu.vector_store %arg10[%swap3A_879, %swap3A_880], %swap3A_883 {strides = array<i32>} : memref<64x128xf32, #tpu.memory_space<vmem>>, vector<1x16xf32>,
        %swap3A_884 = arith.index_cast %add3A_821 : i32 to index
        %swap3A_885 = arith.constant 112 : index
        %swap3A_886 = tpu.vector_load %arg10[%swap3A_884, %swap3A_885] {strides = array<i32>} : memref<64x128xf32, #tpu.memory_space<vmem>>, vector<1x16xf32>,
        %swap3A_887 = vector.shape_cast %swap3A_886 : vector<1x16xf32> to vector<16xf32>
        %swap3A_888 = vector.shape_cast %bitcast_convert_type3A_878 : vector<16xf32> to vector<1x16xf32>
        tpu.vector_store %arg10[%swap3A_884, %swap3A_885], %swap3A_888 {strides = array<i32>} : memref<64x128xf32, #tpu.memory_space<vmem>>, vector<1x16xf32>,
      }
      %scan3A_759 = arith.constant 64 : i32
      %dma_start3A_760 = arith.constant 0 : i32
      %dma_start3A_761 = tpu.memref_slice %arg7[%add3A_736, %dma_start3A_760] : memref<40x64xi32, #tpu.memory_space<vmem>> -> memref<1x64xi32, #tpu.memory_space<vmem>>
      %dma_start3A_762 = tpu.memref_squeeze %dma_start3A_761 : memref<1x64xi32, #tpu.memory_space<vmem>> -> memref<64xi32, #tpu.memory_space<vmem>>
      %dma_start3A_763 = arith.constant 0 : i32
      %dma_start3A_764 = arith.constant 0 : i32
      %dma_start3A_765 = tpu.memref_slice %arg12[%dma_start3A_763, %dma_start3A_764] : memref<10112x128xf32, #tpu.memory_space<vmem_shared>> -> memref<10112x128xf32, #tpu.memory_space<vmem_shared>>
      tpu.enqueue_indirect_dma source(%arg10 : memref<64x128xf32, #tpu.memory_space<vmem>>) target(%dma_start3A_765 : memref<10112x128xf32, #tpu.memory_space<vmem_shared>>) offsets(%dma_start3A_762 : memref<64xi32, #tpu.memory_space<vmem>>) semaphore(%arg16 : memref<!tpu.dma_semaphore, #tpu.memory_space<semaphore_mem>>) {add = true}
      %add3A_766 = arith.constant 2 : i32
      %add3A_767 = arith.addi %add3A_736, %add3A_766 : i32
      %dma_start3A_768 = arith.constant 0 : i32
      %dma_start3A_769 = tpu.memref_slice %arg6[%add3A_767, %dma_start3A_768] : memref<40x64xi32, #tpu.memory_space<vmem>> -> memref<1x64xi32, #tpu.memory_space<vmem>>
      %dma_start3A_770 = tpu.memref_squeeze %dma_start3A_769 : memref<1x64xi32, #tpu.memory_space<vmem>> -> memref<64xi32, #tpu.memory_space<vmem>>
      %dma_start3A_771 = arith.constant 0 : i32
      %dma_start3A_772 = arith.constant 0 : i32
      %dma_start3A_773 = tpu.memref_slice %arg2[%dma_start3A_771, %dma_start3A_772] : memref<10000x64xi32, #tpu.memory_space<hbm>> -> memref<10000x64xi32, #tpu.memory_space<hbm>>
      tpu.enqueue_indirect_dma source(%dma_start3A_773 : memref<10000x64xi32, #tpu.memory_space<hbm>>) target(%arg8 : memref<64x64xi32, #tpu.memory_space<vmem>>) offsets(%dma_start3A_770 : memref<64xi32, #tpu.memory_space<vmem>>) semaphore(%arg14 : memref<!tpu.dma_semaphore, #tpu.memory_space<semaphore_mem>>)
      %add3A_774 = arith.constant 1 : i32
      %add3A_775 = arith.addi %add3A_730, %add3A_774 : i32
      %mul3A_776 = arith.constant 2 : i32
      %mul3A_777 = arith.muli %add3A_775, %mul3A_776 : i32
      %add3A_778 = arith.constant 1 : i32
      %add3A_779 = arith.addi %mul3A_777, %add3A_778 : i32
      %dma_wait3A_780 = arith.constant 0 : i32
      %dma_wait3A_781 = arith.constant 0 : i32
      %dma_wait3A_782 = tpu.memref_slice %arg6[%dma_wait3A_780, %dma_wait3A_781] : memref<40x64xi32, #tpu.memory_space<vmem>> -> memref<1x64xi32, #tpu.memory_space<vmem>>
      %dma_wait3A_783 = tpu.memref_squeeze %dma_wait3A_782 : memref<1x64xi32, #tpu.memory_space<vmem>> -> memref<64xi32, #tpu.memory_space<vmem>>
      %dma_wait3A_784 = arith.constant 0 : i32
      %dma_wait3A_785 = arith.constant 0 : i32
      %dma_wait3A_786 = tpu.memref_slice %arg2[%dma_wait3A_784, %dma_wait3A_785] : memref<10000x64xi32, #tpu.memory_space<hbm>> -> memref<10000x64xi32, #tpu.memory_space<hbm>>
      tpu.wait_indirect_dma semaphore(%arg15 : memref<!tpu.dma_semaphore, #tpu.memory_space<semaphore_mem>>) src(%dma_wait3A_786 : memref<10000x64xi32, #tpu.memory_space<hbm>>) dst(%arg9 : memref<64x64xi32, #tpu.memory_space<vmem>>)
      %dma_wait3A_787 = arith.constant 0 : i32
      %dma_wait3A_788 = arith.constant 0 : i32
      %dma_wait3A_789 = tpu.memref_slice %arg7[%dma_wait3A_787, %dma_wait3A_788] : memref<40x64xi32, #tpu.memory_space<vmem>> -> memref<1x64xi32, #tpu.memory_space<vmem>>
      %dma_wait3A_790 = tpu.memref_squeeze %dma_wait3A_789 : memref<1x64xi32, #tpu.memory_space<vmem>> -> memref<64xi32, #tpu.memory_space<vmem>>
      %dma_wait3A_791 = arith.constant 0 : i32
      %dma_wait3A_792 = arith.constant 0 : i32
      %dma_wait3A_793 = tpu.memref_slice %arg12[%dma_wait3A_791, %dma_wait3A_792] : memref<10112x128xf32, #tpu.memory_space<vmem_shared>> -> memref<10112x128xf32, #tpu.memory_space<vmem_shared>>
      tpu.wait_indirect_dma semaphore(%arg17 : memref<!tpu.dma_semaphore, #tpu.memory_space<semaphore_mem>>) src(%arg11 : memref<64x128xf32, #tpu.memory_space<vmem>>) dst(%dma_wait3A_793 : memref<10112x128xf32, #tpu.memory_space<vmem_shared>>)
      %broadcast_in_dim3A_794 = arith.constant -65536 : i32
      %broadcast_in_dim3A_795 = vector.broadcast %broadcast_in_dim3A_794 : i32 to vector<16xi32>
      %broadcast_in_dim3A_796 = arith.constant 16 : i32
      %broadcast_in_dim3A_797 = vector.broadcast %broadcast_in_dim3A_796 : i32 to vector<16xi32>
      %scan3A_798 = arith.constant 0 : i32
      %scan3A_799 = arith.constant 64 : i32
      %scan3A_800 = arith.addi %scan3A_798, %scan3A_799 : i32
      %scan3A_801 = arith.constant 1 : i32
      scf.for %scan3A_817 = %scan3A_798 to %scan3A_800 step %scan3A_801  : i32 {
        %mul3A_818 = arith.constant 1 : i32
        %mul3A_819 = arith.muli %scan3A_817, %mul3A_818 : i32
        %add3A_820 = arith.constant 0 : i32
        %add3A_821 = arith.addi %add3A_820, %mul3A_819 : i32
        %get3A = arith.index_cast %add3A_821 : i32 to index
        %get3A_822 = arith.constant 0 : index
        %get3A_823 = tpu.vector_load %arg9[%get3A, %get3A_822] {strides = array<i32>} : memref<64x64xi32, #tpu.memory_space<vmem>>, vector<1x16xi32>,
        %get3A_824 = vector.shape_cast %get3A_823 : vector<1x16xi32> to vector<16xi32>
        %shift_left3A = arith.shli %get3A_824, %broadcast_in_dim3A_797 : vector<16xi32>
        %bitcast_convert_type3A = tpu.bitcast %shift_left3A : vector<16xi32> -> vector<16xf32>
        %and3A = arith.andi %get3A_824, %broadcast_in_dim3A_795 : vector<16xi32>
        %bitcast_convert_type3A_825 = tpu.bitcast %and3A : vector<16xi32> -> vector<16xf32>
        %swap3A = arith.index_cast %add3A_821 : i32 to index
        %swap3A_826 = arith.constant 0 : index
        %swap3A_827 = tpu.vector_load %arg11[%swap3A, %swap3A_826] {strides = array<i32>} : memref<64x128xf32, #tpu.memory_space<vmem>>, vector<1x16xf32>,
        %swap3A_828 = vector.shape_cast %swap3A_827 : vector<1x16xf32> to vector<16xf32>
        %swap3A_829 = vector.shape_cast %bitcast_convert_type3A : vector<16xf32> to vector<1x16xf32>
        tpu.vector_store %arg11[%swap3A, %swap3A_826], %swap3A_829 {strides = array<i32>} : memref<64x128xf32, #tpu.memory_space<vmem>>, vector<1x16xf32>,
        %swap3A_830 = arith.index_cast %add3A_821 : i32 to index
        %swap3A_831 = arith.constant 16 : index
        %swap3A_832 = tpu.vector_load %arg11[%swap3A_830, %swap3A_831] {strides = array<i32>} : memref<64x128xf32, #tpu.memory_space<vmem>>, vector<1x16xf32>,
        %swap3A_833 = vector.shape_cast %swap3A_832 : vector<1x16xf32> to vector<16xf32>
        %swap3A_834 = vector.shape_cast %bitcast_convert_type3A_825 : vector<16xf32> to vector<1x16xf32>
        tpu.vector_store %arg11[%swap3A_830, %swap3A_831], %swap3A_834 {strides = array<i32>} : memref<64x128xf32, #tpu.memory_space<vmem>>, vector<1x16xf32>,
        %get3A_835 = arith.index_cast %add3A_821 : i32 to index
        %get3A_836 = arith.constant 16 : index
        %get3A_837 = tpu.vector_load %arg9[%get3A_835, %get3A_836] {strides = array<i32>} : memref<64x64xi32, #tpu.memory_space<vmem>>, vector<1x16xi32>,
        %get3A_838 = vector.shape_cast %get3A_837 : vector<1x16xi32> to vector<16xi32>
        %shift_left3A_839 = arith.shli %get3A_838, %broadcast_in_dim3A_797 : vector<16xi32>
        %bitcast_convert_type3A_840 = tpu.bitcast %shift_left3A_839 : vector<16xi32> -> vector<16xf32>
        %and3A_841 = arith.andi %get3A_838, %broadcast_in_dim3A_795 : vector<16xi32>
        %bitcast_convert_type3A_842 = tpu.bitcast %and3A_841 : vector<16xi32> -> vector<16xf32>
        %swap3A_843 = arith.index_cast %add3A_821 : i32 to index
        %swap3A_844 = arith.constant 32 : index
        %swap3A_845 = tpu.vector_load %arg11[%swap3A_843, %swap3A_844] {strides = array<i32>} : memref<64x128xf32, #tpu.memory_space<vmem>>, vector<1x16xf32>,
        %swap3A_846 = vector.shape_cast %swap3A_845 : vector<1x16xf32> to vector<16xf32>
        %swap3A_847 = vector.shape_cast %bitcast_convert_type3A_840 : vector<16xf32> to vector<1x16xf32>
        tpu.vector_store %arg11[%swap3A_843, %swap3A_844], %swap3A_847 {strides = array<i32>} : memref<64x128xf32, #tpu.memory_space<vmem>>, vector<1x16xf32>,
        %swap3A_848 = arith.index_cast %add3A_821 : i32 to index
        %swap3A_849 = arith.constant 48 : index
        %swap3A_850 = tpu.vector_load %arg11[%swap3A_848, %swap3A_849] {strides = array<i32>} : memref<64x128xf32, #tpu.memory_space<vmem>>, vector<1x16xf32>,
        %swap3A_851 = vector.shape_cast %swap3A_850 : vector<1x16xf32> to vector<16xf32>
        %swap3A_852 = vector.shape_cast %bitcast_convert_type3A_842 : vector<16xf32> to vector<1x16xf32>
        tpu.vector_store %arg11[%swap3A_848, %swap3A_849], %swap3A_852 {strides = array<i32>} : memref<64x128xf32, #tpu.memory_space<vmem>>, vector<1x16xf32>,
        %get3A_853 = arith.index_cast %add3A_821 : i32 to index
        %get3A_854 = arith.constant 32 : index
        %get3A_855 = tpu.vector_load %arg9[%get3A_853, %get3A_854] {strides = array<i32>} : memref<64x64xi32, #tpu.memory_space<vmem>>, vector<1x16xi32>,
        %get3A_856 = vector.shape_cast %get3A_855 : vector<1x16xi32> to vector<16xi32>
        %shift_left3A_857 = arith.shli %get3A_856, %broadcast_in_dim3A_797 : vector<16xi32>
        %bitcast_convert_type3A_858 = tpu.bitcast %shift_left3A_857 : vector<16xi32> -> vector<16xf32>
        %and3A_859 = arith.andi %get3A_856, %broadcast_in_dim3A_795 : vector<16xi32>
        %bitcast_convert_type3A_860 = tpu.bitcast %and3A_859 : vector<16xi32> -> vector<16xf32>
        %swap3A_861 = arith.index_cast %add3A_821 : i32 to index
        %swap3A_862 = arith.constant 64 : index
        %swap3A_863 = tpu.vector_load %arg11[%swap3A_861, %swap3A_862] {strides = array<i32>} : memref<64x128xf32, #tpu.memory_space<vmem>>, vector<1x16xf32>,
        %swap3A_864 = vector.shape_cast %swap3A_863 : vector<1x16xf32> to vector<16xf32>
        %swap3A_865 = vector.shape_cast %bitcast_convert_type3A_858 : vector<16xf32> to vector<1x16xf32>
        tpu.vector_store %arg11[%swap3A_861, %swap3A_862], %swap3A_865 {strides = array<i32>} : memref<64x128xf32, #tpu.memory_space<vmem>>, vector<1x16xf32>,
        %swap3A_866 = arith.index_cast %add3A_821 : i32 to index
        %swap3A_867 = arith.constant 80 : index
        %swap3A_868 = tpu.vector_load %arg11[%swap3A_866, %swap3A_867] {strides = array<i32>} : memref<64x128xf32, #tpu.memory_space<vmem>>, vector<1x16xf32>,
        %swap3A_869 = vector.shape_cast %swap3A_868 : vector<1x16xf32> to vector<16xf32>
        %swap3A_870 = vector.shape_cast %bitcast_convert_type3A_860 : vector<16xf32> to vector<1x16xf32>
        tpu.vector_store %arg11[%swap3A_866, %swap3A_867], %swap3A_870 {strides = array<i32>} : memref<64x128xf32, #tpu.memory_space<vmem>>, vector<1x16xf32>,
        %get3A_871 = arith.index_cast %add3A_821 : i32 to index
        %get3A_872 = arith.constant 48 : index
        %get3A_873 = tpu.vector_load %arg9[%get3A_871, %get3A_872] {strides = array<i32>} : memref<64x64xi32, #tpu.memory_space<vmem>>, vector<1x16xi32>,
        %get3A_874 = vector.shape_cast %get3A_873 : vector<1x16xi32> to vector<16xi32>
        %shift_left3A_875 = arith.shli %get3A_874, %broadcast_in_dim3A_797 : vector<16xi32>
        %bitcast_convert_type3A_876 = tpu.bitcast %shift_left3A_875 : vector<16xi32> -> vector<16xf32>
        %and3A_877 = arith.andi %get3A_874, %broadcast_in_dim3A_795 : vector<16xi32>
        %bitcast_convert_type3A_878 = tpu.bitcast %and3A_877 : vector<16xi32> -> vector<16xf32>
        %swap3A_879 = arith.index_cast %add3A_821 : i32 to index
        %swap3A_880 = arith.constant 96 : index
        %swap3A_881 = tpu.vector_load %arg11[%swap3A_879, %swap3A_880] {strides = array<i32>} : memref<64x128xf32, #tpu.memory_space<vmem>>, vector<1x16xf32>,
        %swap3A_882 = vector.shape_cast %swap3A_881 : vector<1x16xf32> to vector<16xf32>
        %swap3A_883 = vector.shape_cast %bitcast_convert_type3A_876 : vector<16xf32> to vector<1x16xf32>
        tpu.vector_store %arg11[%swap3A_879, %swap3A_880], %swap3A_883 {strides = array<i32>} : memref<64x128xf32, #tpu.memory_space<vmem>>, vector<1x16xf32>,
        %swap3A_884 = arith.index_cast %add3A_821 : i32 to index
        %swap3A_885 = arith.constant 112 : index
        %swap3A_886 = tpu.vector_load %arg11[%swap3A_884, %swap3A_885] {strides = array<i32>} : memref<64x128xf32, #tpu.memory_space<vmem>>, vector<1x16xf32>,
        %swap3A_887 = vector.shape_cast %swap3A_886 : vector<1x16xf32> to vector<16xf32>
        %swap3A_888 = vector.shape_cast %bitcast_convert_type3A_878 : vector<16xf32> to vector<1x16xf32>
        tpu.vector_store %arg11[%swap3A_884, %swap3A_885], %swap3A_888 {strides = array<i32>} : memref<64x128xf32, #tpu.memory_space<vmem>>, vector<1x16xf32>,
      }
      %scan3A_802 = arith.constant 64 : i32
      %dma_start3A_803 = arith.constant 0 : i32
      %dma_start3A_804 = tpu.memref_slice %arg7[%add3A_779, %dma_start3A_803] : memref<40x64xi32, #tpu.memory_space<vmem>> -> memref<1x64xi32, #tpu.memory_space<vmem>>
      %dma_start3A_805 = tpu.memref_squeeze %dma_start3A_804 : memref<1x64xi32, #tpu.memory_space<vmem>> -> memref<64xi32, #tpu.memory_space<vmem>>
      %dma_start3A_806 = arith.constant 0 : i32
      %dma_start3A_807 = arith.constant 0 : i32
      %dma_start3A_808 = tpu.memref_slice %arg12[%dma_start3A_806, %dma_start3A_807] : memref<10112x128xf32, #tpu.memory_space<vmem_shared>> -> memref<10112x128xf32, #tpu.memory_space<vmem_shared>>
      tpu.enqueue_indirect_dma source(%arg11 : memref<64x128xf32, #tpu.memory_space<vmem>>) target(%dma_start3A_808 : memref<10112x128xf32, #tpu.memory_space<vmem_shared>>) offsets(%dma_start3A_805 : memref<64xi32, #tpu.memory_space<vmem>>) semaphore(%arg17 : memref<!tpu.dma_semaphore, #tpu.memory_space<semaphore_mem>>) {add = true}
      %add3A_809 = arith.constant 2 : i32
      %add3A_810 = arith.addi %add3A_779, %add3A_809 : i32
      %dma_start3A_811 = arith.constant 0 : i32
      %dma_start3A_812 = tpu.memref_slice %arg6[%add3A_810, %dma_start3A_811] : memref<40x64xi32, #tpu.memory_space<vmem>> -> memref<1x64xi32, #tpu.memory_space<vmem>>
      %dma_start3A_813 = tpu.memref_squeeze %dma_start3A_812 : memref<1x64xi32, #tpu.memory_space<vmem>> -> memref<64xi32, #tpu.memory_space<vmem>>
      %dma_start3A_814 = arith.constant 0 : i32
      %dma_start3A_815 = arith.constant 0 : i32
      %dma_start3A_816 = tpu.memref_slice %arg2[%dma_start3A_814, %dma_start3A_815] : memref<10000x64xi32, #tpu.memory_space<hbm>> -> memref<10000x64xi32, #tpu.memory_space<hbm>>
      tpu.enqueue_indirect_dma source(%dma_start3A_816 : memref<10000x64xi32, #tpu.memory_space<hbm>>) target(%arg9 : memref<64x64xi32, #tpu.memory_space<vmem>>) offsets(%dma_start3A_813 : memref<64xi32, #tpu.memory_space<vmem>>) semaphore(%arg15 : memref<!tpu.dma_semaphore, #tpu.memory_space<semaphore_mem>>)
    }
    %scan3A_115 = arith.constant 18 : i32
    %dma_wait3A_116 = arith.constant 0 : i32
    %dma_wait3A_117 = arith.constant 0 : i32
    %dma_wait3A_118 = tpu.memref_slice %arg6[%dma_wait3A_116, %dma_wait3A_117] : memref<40x64xi32, #tpu.memory_space<vmem>> -> memref<1x64xi32, #tpu.memory_space<vmem>>
    %dma_wait3A_119 = tpu.memref_squeeze %dma_wait3A_118 : memref<1x64xi32, #tpu.memory_space<vmem>> -> memref<64xi32, #tpu.memory_space<vmem>>
    %dma_wait3A_120 = arith.constant 0 : i32
    %dma_wait3A_121 = arith.constant 0 : i32
    %dma_wait3A_122 = tpu.memref_slice %arg2[%dma_wait3A_120, %dma_wait3A_121] : memref<10000x64xi32, #tpu.memory_space<hbm>> -> memref<10000x64xi32, #tpu.memory_space<hbm>>
    tpu.wait_indirect_dma semaphore(%arg14 : memref<!tpu.dma_semaphore, #tpu.memory_space<semaphore_mem>>) src(%dma_wait3A_122 : memref<10000x64xi32, #tpu.memory_space<hbm>>) dst(%arg8 : memref<64x64xi32, #tpu.memory_space<vmem>>)
    %dma_wait3A_123 = arith.constant 0 : i32
    %dma_wait3A_124 = arith.constant 0 : i32
    %dma_wait3A_125 = tpu.memref_slice %arg7[%dma_wait3A_123, %dma_wait3A_124] : memref<40x64xi32, #tpu.memory_space<vmem>> -> memref<1x64xi32, #tpu.memory_space<vmem>>
    %dma_wait3A_126 = tpu.memref_squeeze %dma_wait3A_125 : memref<1x64xi32, #tpu.memory_space<vmem>> -> memref<64xi32, #tpu.memory_space<vmem>>
    %dma_wait3A_127 = arith.constant 0 : i32
    %dma_wait3A_128 = arith.constant 0 : i32
    %dma_wait3A_129 = tpu.memref_slice %arg12[%dma_wait3A_127, %dma_wait3A_128] : memref<10112x128xf32, #tpu.memory_space<vmem_shared>> -> memref<10112x128xf32, #tpu.memory_space<vmem_shared>>
    tpu.wait_indirect_dma semaphore(%arg16 : memref<!tpu.dma_semaphore, #tpu.memory_space<semaphore_mem>>) src(%arg10 : memref<64x128xf32, #tpu.memory_space<vmem>>) dst(%dma_wait3A_129 : memref<10112x128xf32, #tpu.memory_space<vmem_shared>>)
    %broadcast_in_dim3A_130 = arith.constant -65536 : i32
    %broadcast_in_dim3A_131 = vector.broadcast %broadcast_in_dim3A_130 : i32 to vector<16xi32>
    %broadcast_in_dim3A_132 = arith.constant 16 : i32
    %broadcast_in_dim3A_133 = vector.broadcast %broadcast_in_dim3A_132 : i32 to vector<16xi32>
    %scan3A_134 = arith.constant 0 : i32
    %scan3A_135 = arith.constant 64 : i32
    %scan3A_136 = arith.addi %scan3A_134, %scan3A_135 : i32
    %scan3A_137 = arith.constant 1 : i32
    scf.for %scan3A_726 = %scan3A_134 to %scan3A_136 step %scan3A_137  : i32 {
      %mul3A_727 = arith.constant 1 : i32
      %mul3A_728 = arith.muli %scan3A_726, %mul3A_727 : i32
      %add3A_729 = arith.constant 0 : i32
      %add3A_730 = arith.addi %add3A_729, %mul3A_728 : i32
      %get3A = arith.index_cast %add3A_730 : i32 to index
      %get3A_731 = arith.constant 0 : index
      %get3A_732 = tpu.vector_load %arg8[%get3A, %get3A_731] {strides = array<i32>} : memref<64x64xi32, #tpu.memory_space<vmem>>, vector<1x16xi32>,
      %get3A_733 = vector.shape_cast %get3A_732 : vector<1x16xi32> to vector<16xi32>
      %shift_left3A = arith.shli %get3A_733, %broadcast_in_dim3A_133 : vector<16xi32>
      %bitcast_convert_type3A = tpu.bitcast %shift_left3A : vector<16xi32> -> vector<16xf32>
      %and3A = arith.andi %get3A_733, %broadcast_in_dim3A_131 : vector<16xi32>
      %bitcast_convert_type3A_734 = tpu.bitcast %and3A : vector<16xi32> -> vector<16xf32>
      %swap3A = arith.index_cast %add3A_730 : i32 to index
      %swap3A_735 = arith.constant 0 : index
      %swap3A_736 = tpu.vector_load %arg10[%swap3A, %swap3A_735] {strides = array<i32>} : memref<64x128xf32, #tpu.memory_space<vmem>>, vector<1x16xf32>,
      %swap3A_737 = vector.shape_cast %swap3A_736 : vector<1x16xf32> to vector<16xf32>
      %swap3A_738 = vector.shape_cast %bitcast_convert_type3A : vector<16xf32> to vector<1x16xf32>
      tpu.vector_store %arg10[%swap3A, %swap3A_735], %swap3A_738 {strides = array<i32>} : memref<64x128xf32, #tpu.memory_space<vmem>>, vector<1x16xf32>,
      %swap3A_739 = arith.index_cast %add3A_730 : i32 to index
      %swap3A_740 = arith.constant 16 : index
      %swap3A_741 = tpu.vector_load %arg10[%swap3A_739, %swap3A_740] {strides = array<i32>} : memref<64x128xf32, #tpu.memory_space<vmem>>, vector<1x16xf32>,
      %swap3A_742 = vector.shape_cast %swap3A_741 : vector<1x16xf32> to vector<16xf32>
      %swap3A_743 = vector.shape_cast %bitcast_convert_type3A_734 : vector<16xf32> to vector<1x16xf32>
      tpu.vector_store %arg10[%swap3A_739, %swap3A_740], %swap3A_743 {strides = array<i32>} : memref<64x128xf32, #tpu.memory_space<vmem>>, vector<1x16xf32>,
      %get3A_744 = arith.index_cast %add3A_730 : i32 to index
      %get3A_745 = arith.constant 16 : index
      %get3A_746 = tpu.vector_load %arg8[%get3A_744, %get3A_745] {strides = array<i32>} : memref<64x64xi32, #tpu.memory_space<vmem>>, vector<1x16xi32>,
      %get3A_747 = vector.shape_cast %get3A_746 : vector<1x16xi32> to vector<16xi32>
      %shift_left3A_748 = arith.shli %get3A_747, %broadcast_in_dim3A_133 : vector<16xi32>
      %bitcast_convert_type3A_749 = tpu.bitcast %shift_left3A_748 : vector<16xi32> -> vector<16xf32>
      %and3A_750 = arith.andi %get3A_747, %broadcast_in_dim3A_131 : vector<16xi32>
      %bitcast_convert_type3A_751 = tpu.bitcast %and3A_750 : vector<16xi32> -> vector<16xf32>
      %swap3A_752 = arith.index_cast %add3A_730 : i32 to index
      %swap3A_753 = arith.constant 32 : index
      %swap3A_754 = tpu.vector_load %arg10[%swap3A_752, %swap3A_753] {strides = array<i32>} : memref<64x128xf32, #tpu.memory_space<vmem>>, vector<1x16xf32>,
      %swap3A_755 = vector.shape_cast %swap3A_754 : vector<1x16xf32> to vector<16xf32>
      %swap3A_756 = vector.shape_cast %bitcast_convert_type3A_749 : vector<16xf32> to vector<1x16xf32>
      tpu.vector_store %arg10[%swap3A_752, %swap3A_753], %swap3A_756 {strides = array<i32>} : memref<64x128xf32, #tpu.memory_space<vmem>>, vector<1x16xf32>,
      %swap3A_757 = arith.index_cast %add3A_730 : i32 to index
      %swap3A_758 = arith.constant 48 : index
      %swap3A_759 = tpu.vector_load %arg10[%swap3A_757, %swap3A_758] {strides = array<i32>} : memref<64x128xf32, #tpu.memory_space<vmem>>, vector<1x16xf32>,
      %swap3A_760 = vector.shape_cast %swap3A_759 : vector<1x16xf32> to vector<16xf32>
      %swap3A_761 = vector.shape_cast %bitcast_convert_type3A_751 : vector<16xf32> to vector<1x16xf32>
      tpu.vector_store %arg10[%swap3A_757, %swap3A_758], %swap3A_761 {strides = array<i32>} : memref<64x128xf32, #tpu.memory_space<vmem>>, vector<1x16xf32>,
      %get3A_762 = arith.index_cast %add3A_730 : i32 to index
      %get3A_763 = arith.constant 32 : index
      %get3A_764 = tpu.vector_load %arg8[%get3A_762, %get3A_763] {strides = array<i32>} : memref<64x64xi32, #tpu.memory_space<vmem>>, vector<1x16xi32>,
      %get3A_765 = vector.shape_cast %get3A_764 : vector<1x16xi32> to vector<16xi32>
      %shift_left3A_766 = arith.shli %get3A_765, %broadcast_in_dim3A_133 : vector<16xi32>
      %bitcast_convert_type3A_767 = tpu.bitcast %shift_left3A_766 : vector<16xi32> -> vector<16xf32>
      %and3A_768 = arith.andi %get3A_765, %broadcast_in_dim3A_131 : vector<16xi32>
      %bitcast_convert_type3A_769 = tpu.bitcast %and3A_768 : vector<16xi32> -> vector<16xf32>
      %swap3A_770 = arith.index_cast %add3A_730 : i32 to index
      %swap3A_771 = arith.constant 64 : index
      %swap3A_772 = tpu.vector_load %arg10[%swap3A_770, %swap3A_771] {strides = array<i32>} : memref<64x128xf32, #tpu.memory_space<vmem>>, vector<1x16xf32>,
      %swap3A_773 = vector.shape_cast %swap3A_772 : vector<1x16xf32> to vector<16xf32>
      %swap3A_774 = vector.shape_cast %bitcast_convert_type3A_767 : vector<16xf32> to vector<1x16xf32>
      tpu.vector_store %arg10[%swap3A_770, %swap3A_771], %swap3A_774 {strides = array<i32>} : memref<64x128xf32, #tpu.memory_space<vmem>>, vector<1x16xf32>,
      %swap3A_775 = arith.index_cast %add3A_730 : i32 to index
      %swap3A_776 = arith.constant 80 : index
      %swap3A_777 = tpu.vector_load %arg10[%swap3A_775, %swap3A_776] {strides = array<i32>} : memref<64x128xf32, #tpu.memory_space<vmem>>, vector<1x16xf32>,
      %swap3A_778 = vector.shape_cast %swap3A_777 : vector<1x16xf32> to vector<16xf32>
      %swap3A_779 = vector.shape_cast %bitcast_convert_type3A_769 : vector<16xf32> to vector<1x16xf32>
      tpu.vector_store %arg10[%swap3A_775, %swap3A_776], %swap3A_779 {strides = array<i32>} : memref<64x128xf32, #tpu.memory_space<vmem>>, vector<1x16xf32>,
      %get3A_780 = arith.index_cast %add3A_730 : i32 to index
      %get3A_781 = arith.constant 48 : index
      %get3A_782 = tpu.vector_load %arg8[%get3A_780, %get3A_781] {strides = array<i32>} : memref<64x64xi32, #tpu.memory_space<vmem>>, vector<1x16xi32>,
      %get3A_783 = vector.shape_cast %get3A_782 : vector<1x16xi32> to vector<16xi32>
      %shift_left3A_784 = arith.shli %get3A_783, %broadcast_in_dim3A_133 : vector<16xi32>
      %bitcast_convert_type3A_785 = tpu.bitcast %shift_left3A_784 : vector<16xi32> -> vector<16xf32>
      %and3A_786 = arith.andi %get3A_783, %broadcast_in_dim3A_131 : vector<16xi32>
      %bitcast_convert_type3A_787 = tpu.bitcast %and3A_786 : vector<16xi32> -> vector<16xf32>
      %swap3A_788 = arith.index_cast %add3A_730 : i32 to index
      %swap3A_789 = arith.constant 96 : index
      %swap3A_790 = tpu.vector_load %arg10[%swap3A_788, %swap3A_789] {strides = array<i32>} : memref<64x128xf32, #tpu.memory_space<vmem>>, vector<1x16xf32>,
      %swap3A_791 = vector.shape_cast %swap3A_790 : vector<1x16xf32> to vector<16xf32>
      %swap3A_792 = vector.shape_cast %bitcast_convert_type3A_785 : vector<16xf32> to vector<1x16xf32>
      tpu.vector_store %arg10[%swap3A_788, %swap3A_789], %swap3A_792 {strides = array<i32>} : memref<64x128xf32, #tpu.memory_space<vmem>>, vector<1x16xf32>,
      %swap3A_793 = arith.index_cast %add3A_730 : i32 to index
      %swap3A_794 = arith.constant 112 : index
      %swap3A_795 = tpu.vector_load %arg10[%swap3A_793, %swap3A_794] {strides = array<i32>} : memref<64x128xf32, #tpu.memory_space<vmem>>, vector<1x16xf32>,
      %swap3A_796 = vector.shape_cast %swap3A_795 : vector<1x16xf32> to vector<16xf32>
      %swap3A_797 = vector.shape_cast %bitcast_convert_type3A_787 : vector<16xf32> to vector<1x16xf32>
      tpu.vector_store %arg10[%swap3A_793, %swap3A_794], %swap3A_797 {strides = array<i32>} : memref<64x128xf32, #tpu.memory_space<vmem>>, vector<1x16xf32>,
    }
    %scan3A_138 = arith.constant 64 : i32
    %dma_start3A_139 = arith.constant 38 : i32
    %dma_start3A_140 = arith.constant 0 : i32
    %dma_start3A_141 = tpu.memref_slice %arg7[%dma_start3A_139, %dma_start3A_140] : memref<40x64xi32, #tpu.memory_space<vmem>> -> memref<1x64xi32, #tpu.memory_space<vmem>>
    %dma_start3A_142 = tpu.memref_squeeze %dma_start3A_141 : memref<1x64xi32, #tpu.memory_space<vmem>> -> memref<64xi32, #tpu.memory_space<vmem>>
    %dma_start3A_143 = arith.constant 0 : i32
    %dma_start3A_144 = arith.constant 0 : i32
    %dma_start3A_145 = tpu.memref_slice %arg12[%dma_start3A_143, %dma_start3A_144] : memref<10112x128xf32, #tpu.memory_space<vmem_shared>> -> memref<10112x128xf32, #tpu.memory_space<vmem_shared>>
    tpu.enqueue_indirect_dma source(%arg10 : memref<64x128xf32, #tpu.memory_space<vmem>>) target(%dma_start3A_145 : memref<10112x128xf32, #tpu.memory_space<vmem_shared>>) offsets(%dma_start3A_142 : memref<64xi32, #tpu.memory_space<vmem>>) semaphore(%arg16 : memref<!tpu.dma_semaphore, #tpu.memory_space<semaphore_mem>>) {add = true}
    %dma_wait3A_146 = arith.constant 0 : i32
    %dma_wait3A_147 = arith.constant 0 : i32
    %dma_wait3A_148 = tpu.memref_slice %arg6[%dma_wait3A_146, %dma_wait3A_147] : memref<40x64xi32, #tpu.memory_space<vmem>> -> memref<1x64xi32, #tpu.memory_space<vmem>>
    %dma_wait3A_149 = tpu.memref_squeeze %dma_wait3A_148 : memref<1x64xi32, #tpu.memory_space<vmem>> -> memref<64xi32, #tpu.memory_space<vmem>>
    %dma_wait3A_150 = arith.constant 0 : i32
    %dma_wait3A_151 = arith.constant 0 : i32
    %dma_wait3A_152 = tpu.memref_slice %arg2[%dma_wait3A_150, %dma_wait3A_151] : memref<10000x64xi32, #tpu.memory_space<hbm>> -> memref<10000x64xi32, #tpu.memory_space<hbm>>
    tpu.wait_indirect_dma semaphore(%arg15 : memref<!tpu.dma_semaphore, #tpu.memory_space<semaphore_mem>>) src(%dma_wait3A_152 : memref<10000x64xi32, #tpu.memory_space<hbm>>) dst(%arg9 : memref<64x64xi32, #tpu.memory_space<vmem>>)
    %dma_wait3A_153 = arith.constant 0 : i32
    %dma_wait3A_154 = arith.constant 0 : i32
    %dma_wait3A_155 = tpu.memref_slice %arg7[%dma_wait3A_153, %dma_wait3A_154] : memref<40x64xi32, #tpu.memory_space<vmem>> -> memref<1x64xi32, #tpu.memory_space<vmem>>
    %dma_wait3A_156 = tpu.memref_squeeze %dma_wait3A_155 : memref<1x64xi32, #tpu.memory_space<vmem>> -> memref<64xi32, #tpu.memory_space<vmem>>
    %dma_wait3A_157 = arith.constant 0 : i32
    %dma_wait3A_158 = arith.constant 0 : i32
    %dma_wait3A_159 = tpu.memref_slice %arg12[%dma_wait3A_157, %dma_wait3A_158] : memref<10112x128xf32, #tpu.memory_space<vmem_shared>> -> memref<10112x128xf32, #tpu.memory_space<vmem_shared>>
    tpu.wait_indirect_dma semaphore(%arg17 : memref<!tpu.dma_semaphore, #tpu.memory_space<semaphore_mem>>) src(%arg11 : memref<64x128xf32, #tpu.memory_space<vmem>>) dst(%dma_wait3A_159 : memref<10112x128xf32, #tpu.memory_space<vmem_shared>>)
    %broadcast_in_dim3A_160 = arith.constant -65536 : i32
    %broadcast_in_dim3A_161 = vector.broadcast %broadcast_in_dim3A_160 : i32 to vector<16xi32>
    %broadcast_in_dim3A_162 = arith.constant 16 : i32
    %broadcast_in_dim3A_163 = vector.broadcast %broadcast_in_dim3A_162 : i32 to vector<16xi32>
    %scan3A_164 = arith.constant 0 : i32
    %scan3A_165 = arith.constant 64 : i32
    %scan3A_166 = arith.addi %scan3A_164, %scan3A_165 : i32
    %scan3A_167 = arith.constant 1 : i32
    scf.for %scan3A_726 = %scan3A_164 to %scan3A_166 step %scan3A_167  : i32 {
      %mul3A_727 = arith.constant 1 : i32
      %mul3A_728 = arith.muli %scan3A_726, %mul3A_727 : i32
      %add3A_729 = arith.constant 0 : i32
      %add3A_730 = arith.addi %add3A_729, %mul3A_728 : i32
      %get3A = arith.index_cast %add3A_730 : i32 to index
      %get3A_731 = arith.constant 0 : index
      %get3A_732 = tpu.vector_load %arg9[%get3A, %get3A_731] {strides = array<i32>} : memref<64x64xi32, #tpu.memory_space<vmem>>, vector<1x16xi32>,
      %get3A_733 = vector.shape_cast %get3A_732 : vector<1x16xi32> to vector<16xi32>
      %shift_left3A = arith.shli %get3A_733, %broadcast_in_dim3A_163 : vector<16xi32>
      %bitcast_convert_type3A = tpu.bitcast %shift_left3A : vector<16xi32> -> vector<16xf32>
      %and3A = arith.andi %get3A_733, %broadcast_in_dim3A_161 : vector<16xi32>
      %bitcast_convert_type3A_734 = tpu.bitcast %and3A : vector<16xi32> -> vector<16xf32>
      %swap3A = arith.index_cast %add3A_730 : i32 to index
      %swap3A_735 = arith.constant 0 : index
      %swap3A_736 = tpu.vector_load %arg11[%swap3A, %swap3A_735] {strides = array<i32>} : memref<64x128xf32, #tpu.memory_space<vmem>>, vector<1x16xf32>,
      %swap3A_737 = vector.shape_cast %swap3A_736 : vector<1x16xf32> to vector<16xf32>
      %swap3A_738 = vector.shape_cast %bitcast_convert_type3A : vector<16xf32> to vector<1x16xf32>
      tpu.vector_store %arg11[%swap3A, %swap3A_735], %swap3A_738 {strides = array<i32>} : memref<64x128xf32, #tpu.memory_space<vmem>>, vector<1x16xf32>,
      %swap3A_739 = arith.index_cast %add3A_730 : i32 to index
      %swap3A_740 = arith.constant 16 : index
      %swap3A_741 = tpu.vector_load %arg11[%swap3A_739, %swap3A_740] {strides = array<i32>} : memref<64x128xf32, #tpu.memory_space<vmem>>, vector<1x16xf32>,
      %swap3A_742 = vector.shape_cast %swap3A_741 : vector<1x16xf32> to vector<16xf32>
      %swap3A_743 = vector.shape_cast %bitcast_convert_type3A_734 : vector<16xf32> to vector<1x16xf32>
      tpu.vector_store %arg11[%swap3A_739, %swap3A_740], %swap3A_743 {strides = array<i32>} : memref<64x128xf32, #tpu.memory_space<vmem>>, vector<1x16xf32>,
      %get3A_744 = arith.index_cast %add3A_730 : i32 to index
      %get3A_745 = arith.constant 16 : index
      %get3A_746 = tpu.vector_load %arg9[%get3A_744, %get3A_745] {strides = array<i32>} : memref<64x64xi32, #tpu.memory_space<vmem>>, vector<1x16xi32>,
      %get3A_747 = vector.shape_cast %get3A_746 : vector<1x16xi32> to vector<16xi32>
      %shift_left3A_748 = arith.shli %get3A_747, %broadcast_in_dim3A_163 : vector<16xi32>
      %bitcast_convert_type3A_749 = tpu.bitcast %shift_left3A_748 : vector<16xi32> -> vector<16xf32>
      %and3A_750 = arith.andi %get3A_747, %broadcast_in_dim3A_161 : vector<16xi32>
      %bitcast_convert_type3A_751 = tpu.bitcast %and3A_750 : vector<16xi32> -> vector<16xf32>
      %swap3A_752 = arith.index_cast %add3A_730 : i32 to index
      %swap3A_753 = arith.constant 32 : index
      %swap3A_754 = tpu.vector_load %arg11[%swap3A_752, %swap3A_753] {strides = array<i32>} : memref<64x128xf32, #tpu.memory_space<vmem>>, vector<1x16xf32>,
      %swap3A_755 = vector.shape_cast %swap3A_754 : vector<1x16xf32> to vector<16xf32>
      %swap3A_756 = vector.shape_cast %bitcast_convert_type3A_749 : vector<16xf32> to vector<1x16xf32>
      tpu.vector_store %arg11[%swap3A_752, %swap3A_753], %swap3A_756 {strides = array<i32>} : memref<64x128xf32, #tpu.memory_space<vmem>>, vector<1x16xf32>,
      %swap3A_757 = arith.index_cast %add3A_730 : i32 to index
      %swap3A_758 = arith.constant 48 : index
      %swap3A_759 = tpu.vector_load %arg11[%swap3A_757, %swap3A_758] {strides = array<i32>} : memref<64x128xf32, #tpu.memory_space<vmem>>, vector<1x16xf32>,
      %swap3A_760 = vector.shape_cast %swap3A_759 : vector<1x16xf32> to vector<16xf32>
      %swap3A_761 = vector.shape_cast %bitcast_convert_type3A_751 : vector<16xf32> to vector<1x16xf32>
      tpu.vector_store %arg11[%swap3A_757, %swap3A_758], %swap3A_761 {strides = array<i32>} : memref<64x128xf32, #tpu.memory_space<vmem>>, vector<1x16xf32>,
      %get3A_762 = arith.index_cast %add3A_730 : i32 to index
      %get3A_763 = arith.constant 32 : index
      %get3A_764 = tpu.vector_load %arg9[%get3A_762, %get3A_763] {strides = array<i32>} : memref<64x64xi32, #tpu.memory_space<vmem>>, vector<1x16xi32>,
      %get3A_765 = vector.shape_cast %get3A_764 : vector<1x16xi32> to vector<16xi32>
      %shift_left3A_766 = arith.shli %get3A_765, %broadcast_in_dim3A_163 : vector<16xi32>
      %bitcast_convert_type3A_767 = tpu.bitcast %shift_left3A_766 : vector<16xi32> -> vector<16xf32>
      %and3A_768 = arith.andi %get3A_765, %broadcast_in_dim3A_161 : vector<16xi32>
      %bitcast_convert_type3A_769 = tpu.bitcast %and3A_768 : vector<16xi32> -> vector<16xf32>
      %swap3A_770 = arith.index_cast %add3A_730 : i32 to index
      %swap3A_771 = arith.constant 64 : index
      %swap3A_772 = tpu.vector_load %arg11[%swap3A_770, %swap3A_771] {strides = array<i32>} : memref<64x128xf32, #tpu.memory_space<vmem>>, vector<1x16xf32>,
      %swap3A_773 = vector.shape_cast %swap3A_772 : vector<1x16xf32> to vector<16xf32>
      %swap3A_774 = vector.shape_cast %bitcast_convert_type3A_767 : vector<16xf32> to vector<1x16xf32>
      tpu.vector_store %arg11[%swap3A_770, %swap3A_771], %swap3A_774 {strides = array<i32>} : memref<64x128xf32, #tpu.memory_space<vmem>>, vector<1x16xf32>,
      %swap3A_775 = arith.index_cast %add3A_730 : i32 to index
      %swap3A_776 = arith.constant 80 : index
      %swap3A_777 = tpu.vector_load %arg11[%swap3A_775, %swap3A_776] {strides = array<i32>} : memref<64x128xf32, #tpu.memory_space<vmem>>, vector<1x16xf32>,
      %swap3A_778 = vector.shape_cast %swap3A_777 : vector<1x16xf32> to vector<16xf32>
      %swap3A_779 = vector.shape_cast %bitcast_convert_type3A_769 : vector<16xf32> to vector<1x16xf32>
      tpu.vector_store %arg11[%swap3A_775, %swap3A_776], %swap3A_779 {strides = array<i32>} : memref<64x128xf32, #tpu.memory_space<vmem>>, vector<1x16xf32>,
      %get3A_780 = arith.index_cast %add3A_730 : i32 to index
      %get3A_781 = arith.constant 48 : index
      %get3A_782 = tpu.vector_load %arg9[%get3A_780, %get3A_781] {strides = array<i32>} : memref<64x64xi32, #tpu.memory_space<vmem>>, vector<1x16xi32>,
      %get3A_783 = vector.shape_cast %get3A_782 : vector<1x16xi32> to vector<16xi32>
      %shift_left3A_784 = arith.shli %get3A_783, %broadcast_in_dim3A_163 : vector<16xi32>
      %bitcast_convert_type3A_785 = tpu.bitcast %shift_left3A_784 : vector<16xi32> -> vector<16xf32>
      %and3A_786 = arith.andi %get3A_783, %broadcast_in_dim3A_161 : vector<16xi32>
      %bitcast_convert_type3A_787 = tpu.bitcast %and3A_786 : vector<16xi32> -> vector<16xf32>
      %swap3A_788 = arith.index_cast %add3A_730 : i32 to index
      %swap3A_789 = arith.constant 96 : index
      %swap3A_790 = tpu.vector_load %arg11[%swap3A_788, %swap3A_789] {strides = array<i32>} : memref<64x128xf32, #tpu.memory_space<vmem>>, vector<1x16xf32>,
      %swap3A_791 = vector.shape_cast %swap3A_790 : vector<1x16xf32> to vector<16xf32>
      %swap3A_792 = vector.shape_cast %bitcast_convert_type3A_785 : vector<16xf32> to vector<1x16xf32>
      tpu.vector_store %arg11[%swap3A_788, %swap3A_789], %swap3A_792 {strides = array<i32>} : memref<64x128xf32, #tpu.memory_space<vmem>>, vector<1x16xf32>,
      %swap3A_793 = arith.index_cast %add3A_730 : i32 to index
      %swap3A_794 = arith.constant 112 : index
      %swap3A_795 = tpu.vector_load %arg11[%swap3A_793, %swap3A_794] {strides = array<i32>} : memref<64x128xf32, #tpu.memory_space<vmem>>, vector<1x16xf32>,
      %swap3A_796 = vector.shape_cast %swap3A_795 : vector<1x16xf32> to vector<16xf32>
      %swap3A_797 = vector.shape_cast %bitcast_convert_type3A_787 : vector<16xf32> to vector<1x16xf32>
      tpu.vector_store %arg11[%swap3A_793, %swap3A_794], %swap3A_797 {strides = array<i32>} : memref<64x128xf32, #tpu.memory_space<vmem>>, vector<1x16xf32>,
    }
    %scan3A_168 = arith.constant 64 : i32
    %dma_start3A_169 = arith.constant 39 : i32
    %dma_start3A_170 = arith.constant 0 : i32
    %dma_start3A_171 = tpu.memref_slice %arg7[%dma_start3A_169, %dma_start3A_170] : memref<40x64xi32, #tpu.memory_space<vmem>> -> memref<1x64xi32, #tpu.memory_space<vmem>>
    %dma_start3A_172 = tpu.memref_squeeze %dma_start3A_171 : memref<1x64xi32, #tpu.memory_space<vmem>> -> memref<64xi32, #tpu.memory_space<vmem>>
    %dma_start3A_173 = arith.constant 0 : i32
    %dma_start3A_174 = arith.constant 0 : i32
    %dma_start3A_175 = tpu.memref_slice %arg12[%dma_start3A_173, %dma_start3A_174] : memref<10112x128xf32, #tpu.memory_space<vmem_shared>> -> memref<10112x128xf32, #tpu.memory_space<vmem_shared>>
    tpu.enqueue_indirect_dma source(%arg11 : memref<64x128xf32, #tpu.memory_space<vmem>>) target(%dma_start3A_175 : memref<10112x128xf32, #tpu.memory_space<vmem_shared>>) offsets(%dma_start3A_172 : memref<64xi32, #tpu.memory_space<vmem>>) semaphore(%arg17 : memref<!tpu.dma_semaphore, #tpu.memory_space<semaphore_mem>>) {add = true}
    %dma_wait3A_176 = arith.constant 0 : i32
    %dma_wait3A_177 = arith.constant 0 : i32
    %dma_wait3A_178 = tpu.memref_slice %arg7[%dma_wait3A_176, %dma_wait3A_177] : memref<40x64xi32, #tpu.memory_space<vmem>> -> memref<1x64xi32, #tpu.memory_space<vmem>>
    %dma_wait3A_179 = tpu.memref_squeeze %dma_wait3A_178 : memref<1x64xi32, #tpu.memory_space<vmem>> -> memref<64xi32, #tpu.memory_space<vmem>>
    %dma_wait3A_180 = arith.constant 0 : i32
    %dma_wait3A_181 = arith.constant 0 : i32
    %dma_wait3A_182 = tpu.memref_slice %arg12[%dma_wait3A_180, %dma_wait3A_181] : memref<10112x128xf32, #tpu.memory_space<vmem_shared>> -> memref<10112x128xf32, #tpu.memory_space<vmem_shared>>
    tpu.wait_indirect_dma semaphore(%arg16 : memref<!tpu.dma_semaphore, #tpu.memory_space<semaphore_mem>>) src(%arg10 : memref<64x128xf32, #tpu.memory_space<vmem>>) dst(%dma_wait3A_182 : memref<10112x128xf32, #tpu.memory_space<vmem_shared>>)
    %dma_wait3A_183 = arith.constant 0 : i32
    %dma_wait3A_184 = arith.constant 0 : i32
    %dma_wait3A_185 = tpu.memref_slice %arg7[%dma_wait3A_183, %dma_wait3A_184] : memref<40x64xi32, #tpu.memory_space<vmem>> -> memref<1x64xi32, #tpu.memory_space<vmem>>
    %dma_wait3A_186 = tpu.memref_squeeze %dma_wait3A_185 : memref<1x64xi32, #tpu.memory_space<vmem>> -> memref<64xi32, #tpu.memory_space<vmem>>
    %dma_wait3A_187 = arith.constant 0 : i32
    %dma_wait3A_188 = arith.constant 0 : i32
    %dma_wait3A_189 = tpu.memref_slice %arg12[%dma_wait3A_187, %dma_wait3A_188] : memref<10112x128xf32, #tpu.memory_space<vmem_shared>> -> memref<10112x128xf32, #tpu.memory_space<vmem_shared>>
    tpu.wait_indirect_dma semaphore(%arg17 : memref<!tpu.dma_semaphore, #tpu.memory_space<semaphore_mem>>) src(%arg11 : memref<64x128xf32, #tpu.memory_space<vmem>>) dst(%dma_wait3A_189 : memref<10112x128xf32, #tpu.memory_space<vmem_shared>>)
    %mul3A_190 = arith.constant 160 : i32
    %mul3A_191 = arith.muli %add3A, %mul3A_190 : i32
    %add3A_192 = arith.constant 40 : i32
    %add3A_193 = arith.addi %mul3A_191, %add3A_192 : i32
    %dma_start3A_194 = arith.constant 0 : i32
    %dma_start3A_195 = tpu.memref_slice %arg3[%add3A_193, %dma_start3A_194] : memref<5120x64xi32, #tpu.memory_space<hbm>> -> memref<40x64xi32, #tpu.memory_space<hbm>>
    %dma_start3A_196 = arith.constant 0 : i32
    %dma_start3A_197 = tpu.memref_slice %arg3[%add3A_193, %dma_start3A_196] : memref<5120x64xi32, #tpu.memory_space<hbm>> -> memref<40x64xi32, #tpu.memory_space<hbm>>
    tpu.enqueue_dma source(%dma_start3A_197 : memref<40x64xi32, #tpu.memory_space<hbm>>) target(%arg6 : memref<40x64xi32, #tpu.memory_space<vmem>>) target_semaphore(%arg13 : memref<!tpu.dma_semaphore, #tpu.memory_space<semaphore_mem>>)
    %dma_start3A_198 = arith.constant 0 : i32
    %dma_start3A_199 = tpu.memref_slice %arg4[%add3A_193, %dma_start3A_198] : memref<5120x64xi32, #tpu.memory_space<hbm>> -> memref<40x64xi32, #tpu.memory_space<hbm>>
    %dma_start3A_200 = arith.constant 0 : i32
    %dma_start3A_201 = tpu.memref_slice %arg4[%add3A_193, %dma_start3A_200] : memref<5120x64xi32, #tpu.memory_space<hbm>> -> memref<40x64xi32, #tpu.memory_space<hbm>>
    tpu.enqueue_dma source(%dma_start3A_201 : memref<40x64xi32, #tpu.memory_space<hbm>>) target(%arg7 : memref<40x64xi32, #tpu.memory_space<vmem>>) target_semaphore(%arg13 : memref<!tpu.dma_semaphore, #tpu.memory_space<semaphore_mem>>)
    %dma_wait3A_202 = arith.constant 0 : i32
    %dma_wait3A_203 = arith.constant 0 : i32
    %dma_wait3A_204 = tpu.memref_slice %arg3[%dma_wait3A_202, %dma_wait3A_203] : memref<5120x64xi32, #tpu.memory_space<hbm>> -> memref<40x64xi32, #tpu.memory_space<hbm>>
    %dma_wait3A_205 = arith.constant 0 : i32
    %dma_wait3A_206 = arith.constant 0 : i32
    %dma_wait3A_207 = tpu.memref_slice %arg3[%dma_wait3A_205, %dma_wait3A_206] : memref<5120x64xi32, #tpu.memory_space<hbm>> -> memref<40x64xi32, #tpu.memory_space<hbm>>
    tpu.wait_dma2 semaphore(%arg13 : memref<!tpu.dma_semaphore, #tpu.memory_space<semaphore_mem>>) src(%dma_wait3A_207 : memref<40x64xi32, #tpu.memory_space<hbm>>) dst(%arg6 : memref<40x64xi32, #tpu.memory_space<vmem>>)
    %dma_wait3A_208 = arith.constant 0 : i32
    %dma_wait3A_209 = arith.constant 0 : i32
    %dma_wait3A_210 = tpu.memref_slice %arg4[%dma_wait3A_208, %dma_wait3A_209] : memref<5120x64xi32, #tpu.memory_space<hbm>> -> memref<40x64xi32, #tpu.memory_space<hbm>>
    %dma_wait3A_211 = arith.constant 0 : i32
    %dma_wait3A_212 = arith.constant 0 : i32
    %dma_wait3A_213 = tpu.memref_slice %arg4[%dma_wait3A_211, %dma_wait3A_212] : memref<5120x64xi32, #tpu.memory_space<hbm>> -> memref<40x64xi32, #tpu.memory_space<hbm>>
    tpu.wait_dma2 semaphore(%arg13 : memref<!tpu.dma_semaphore, #tpu.memory_space<semaphore_mem>>) src(%dma_wait3A_213 : memref<40x64xi32, #tpu.memory_space<hbm>>) dst(%arg7 : memref<40x64xi32, #tpu.memory_space<vmem>>)
    %dma_start3A_214 = arith.constant 0 : i32
    %dma_start3A_215 = arith.constant 0 : i32
    %dma_start3A_216 = tpu.memref_slice %arg6[%dma_start3A_214, %dma_start3A_215] : memref<40x64xi32, #tpu.memory_space<vmem>> -> memref<1x64xi32, #tpu.memory_space<vmem>>
    %dma_start3A_217 = tpu.memref_squeeze %dma_start3A_216 : memref<1x64xi32, #tpu.memory_space<vmem>> -> memref<64xi32, #tpu.memory_space<vmem>>
    %dma_start3A_218 = arith.constant 0 : i32
    %dma_start3A_219 = arith.constant 0 : i32
    %dma_start3A_220 = tpu.memref_slice %arg2[%dma_start3A_218, %dma_start3A_219] : memref<10000x64xi32, #tpu.memory_space<hbm>> -> memref<10000x64xi32, #tpu.memory_space<hbm>>
    tpu.enqueue_indirect_dma source(%dma_start3A_220 : memref<10000x64xi32, #tpu.memory_space<hbm>>) target(%arg8 : memref<64x64xi32, #tpu.memory_space<vmem>>) offsets(%dma_start3A_217 : memref<64xi32, #tpu.memory_space<vmem>>) semaphore(%arg14 : memref<!tpu.dma_semaphore, #tpu.memory_space<semaphore_mem>>)
    %dma_start3A_221 = arith.constant 1 : i32
    %dma_start3A_222 = arith.constant 0 : i32
    %dma_start3A_223 = tpu.memref_slice %arg6[%dma_start3A_221, %dma_start3A_222] : memref<40x64xi32, #tpu.memory_space<vmem>> -> memref<1x64xi32, #tpu.memory_space<vmem>>
    %dma_start3A_224 = tpu.memref_squeeze %dma_start3A_223 : memref<1x64xi32, #tpu.memory_space<vmem>> -> memref<64xi32, #tpu.memory_space<vmem>>
    %dma_start3A_225 = arith.constant 0 : i32
    %dma_start3A_226 = arith.constant 0 : i32
    %dma_start3A_227 = tpu.memref_slice %arg2[%dma_start3A_225, %dma_start3A_226] : memref<10000x64xi32, #tpu.memory_space<hbm>> -> memref<10000x64xi32, #tpu.memory_space<hbm>>
    tpu.enqueue_indirect_dma source(%dma_start3A_227 : memref<10000x64xi32, #tpu.memory_space<hbm>>) target(%arg9 : memref<64x64xi32, #tpu.memory_space<vmem>>) offsets(%dma_start3A_224 : memref<64xi32, #tpu.memory_space<vmem>>) semaphore(%arg15 : memref<!tpu.dma_semaphore, #tpu.memory_space<semaphore_mem>>)
    %dma_wait3A_228 = arith.constant 0 : i32
    %dma_wait3A_229 = arith.constant 0 : i32
    %dma_wait3A_230 = tpu.memref_slice %arg6[%dma_wait3A_228, %dma_wait3A_229] : memref<40x64xi32, #tpu.memory_space<vmem>> -> memref<1x64xi32, #tpu.memory_space<vmem>>
    %dma_wait3A_231 = tpu.memref_squeeze %dma_wait3A_230 : memref<1x64xi32, #tpu.memory_space<vmem>> -> memref<64xi32, #tpu.memory_space<vmem>>
    %dma_wait3A_232 = arith.constant 0 : i32
    %dma_wait3A_233 = arith.constant 0 : i32
    %dma_wait3A_234 = tpu.memref_slice %arg2[%dma_wait3A_232, %dma_wait3A_233] : memref<10000x64xi32, #tpu.memory_space<hbm>> -> memref<10000x64xi32, #tpu.memory_space<hbm>>
    tpu.wait_indirect_dma semaphore(%arg14 : memref<!tpu.dma_semaphore, #tpu.memory_space<semaphore_mem>>) src(%dma_wait3A_234 : memref<10000x64xi32, #tpu.memory_space<hbm>>) dst(%arg8 : memref<64x64xi32, #tpu.memory_space<vmem>>)
    %broadcast_in_dim3A_235 = arith.constant -65536 : i32
    %broadcast_in_dim3A_236 = vector.broadcast %broadcast_in_dim3A_235 : i32 to vector<16xi32>
    %broadcast_in_dim3A_237 = arith.constant 16 : i32
    %broadcast_in_dim3A_238 = vector.broadcast %broadcast_in_dim3A_237 : i32 to vector<16xi32>
    %scan3A_239 = arith.constant 0 : i32
    %scan3A_240 = arith.constant 64 : i32
    %scan3A_241 = arith.addi %scan3A_239, %scan3A_240 : i32
    %scan3A_242 = arith.constant 1 : i32
    scf.for %scan3A_726 = %scan3A_239 to %scan3A_241 step %scan3A_242  : i32 {
      %mul3A_727 = arith.constant 1 : i32
      %mul3A_728 = arith.muli %scan3A_726, %mul3A_727 : i32
      %add3A_729 = arith.constant 0 : i32
      %add3A_730 = arith.addi %add3A_729, %mul3A_728 : i32
      %get3A = arith.index_cast %add3A_730 : i32 to index
      %get3A_731 = arith.constant 0 : index
      %get3A_732 = tpu.vector_load %arg8[%get3A, %get3A_731] {strides = array<i32>} : memref<64x64xi32, #tpu.memory_space<vmem>>, vector<1x16xi32>,
      %get3A_733 = vector.shape_cast %get3A_732 : vector<1x16xi32> to vector<16xi32>
      %shift_left3A = arith.shli %get3A_733, %broadcast_in_dim3A_238 : vector<16xi32>
      %bitcast_convert_type3A = tpu.bitcast %shift_left3A : vector<16xi32> -> vector<16xf32>
      %and3A = arith.andi %get3A_733, %broadcast_in_dim3A_236 : vector<16xi32>
      %bitcast_convert_type3A_734 = tpu.bitcast %and3A : vector<16xi32> -> vector<16xf32>
      %swap3A = arith.index_cast %add3A_730 : i32 to index
      %swap3A_735 = arith.constant 0 : index
      %swap3A_736 = tpu.vector_load %arg10[%swap3A, %swap3A_735] {strides = array<i32>} : memref<64x128xf32, #tpu.memory_space<vmem>>, vector<1x16xf32>,
      %swap3A_737 = vector.shape_cast %swap3A_736 : vector<1x16xf32> to vector<16xf32>
      %swap3A_738 = vector.shape_cast %bitcast_convert_type3A : vector<16xf32> to vector<1x16xf32>
      tpu.vector_store %arg10[%swap3A, %swap3A_735], %swap3A_738 {strides = array<i32>} : memref<64x128xf32, #tpu.memory_space<vmem>>, vector<1x16xf32>,
      %swap3A_739 = arith.index_cast %add3A_730 : i32 to index
      %swap3A_740 = arith.constant 16 : index
      %swap3A_741 = tpu.vector_load %arg10[%swap3A_739, %swap3A_740] {strides = array<i32>} : memref<64x128xf32, #tpu.memory_space<vmem>>, vector<1x16xf32>,
      %swap3A_742 = vector.shape_cast %swap3A_741 : vector<1x16xf32> to vector<16xf32>
      %swap3A_743 = vector.shape_cast %bitcast_convert_type3A_734 : vector<16xf32> to vector<1x16xf32>
      tpu.vector_store %arg10[%swap3A_739, %swap3A_740], %swap3A_743 {strides = array<i32>} : memref<64x128xf32, #tpu.memory_space<vmem>>, vector<1x16xf32>,
      %get3A_744 = arith.index_cast %add3A_730 : i32 to index
      %get3A_745 = arith.constant 16 : index
      %get3A_746 = tpu.vector_load %arg8[%get3A_744, %get3A_745] {strides = array<i32>} : memref<64x64xi32, #tpu.memory_space<vmem>>, vector<1x16xi32>,
      %get3A_747 = vector.shape_cast %get3A_746 : vector<1x16xi32> to vector<16xi32>
      %shift_left3A_748 = arith.shli %get3A_747, %broadcast_in_dim3A_238 : vector<16xi32>
      %bitcast_convert_type3A_749 = tpu.bitcast %shift_left3A_748 : vector<16xi32> -> vector<16xf32>
      %and3A_750 = arith.andi %get3A_747, %broadcast_in_dim3A_236 : vector<16xi32>
      %bitcast_convert_type3A_751 = tpu.bitcast %and3A_750 : vector<16xi32> -> vector<16xf32>
      %swap3A_752 = arith.index_cast %add3A_730 : i32 to index
      %swap3A_753 = arith.constant 32 : index
      %swap3A_754 = tpu.vector_load %arg10[%swap3A_752, %swap3A_753] {strides = array<i32>} : memref<64x128xf32, #tpu.memory_space<vmem>>, vector<1x16xf32>,
      %swap3A_755 = vector.shape_cast %swap3A_754 : vector<1x16xf32> to vector<16xf32>
      %swap3A_756 = vector.shape_cast %bitcast_convert_type3A_749 : vector<16xf32> to vector<1x16xf32>
      tpu.vector_store %arg10[%swap3A_752, %swap3A_753], %swap3A_756 {strides = array<i32>} : memref<64x128xf32, #tpu.memory_space<vmem>>, vector<1x16xf32>,
      %swap3A_757 = arith.index_cast %add3A_730 : i32 to index
      %swap3A_758 = arith.constant 48 : index
      %swap3A_759 = tpu.vector_load %arg10[%swap3A_757, %swap3A_758] {strides = array<i32>} : memref<64x128xf32, #tpu.memory_space<vmem>>, vector<1x16xf32>,
      %swap3A_760 = vector.shape_cast %swap3A_759 : vector<1x16xf32> to vector<16xf32>
      %swap3A_761 = vector.shape_cast %bitcast_convert_type3A_751 : vector<16xf32> to vector<1x16xf32>
      tpu.vector_store %arg10[%swap3A_757, %swap3A_758], %swap3A_761 {strides = array<i32>} : memref<64x128xf32, #tpu.memory_space<vmem>>, vector<1x16xf32>,
      %get3A_762 = arith.index_cast %add3A_730 : i32 to index
      %get3A_763 = arith.constant 32 : index
      %get3A_764 = tpu.vector_load %arg8[%get3A_762, %get3A_763] {strides = array<i32>} : memref<64x64xi32, #tpu.memory_space<vmem>>, vector<1x16xi32>,
      %get3A_765 = vector.shape_cast %get3A_764 : vector<1x16xi32> to vector<16xi32>
      %shift_left3A_766 = arith.shli %get3A_765, %broadcast_in_dim3A_238 : vector<16xi32>
      %bitcast_convert_type3A_767 = tpu.bitcast %shift_left3A_766 : vector<16xi32> -> vector<16xf32>
      %and3A_768 = arith.andi %get3A_765, %broadcast_in_dim3A_236 : vector<16xi32>
      %bitcast_convert_type3A_769 = tpu.bitcast %and3A_768 : vector<16xi32> -> vector<16xf32>
      %swap3A_770 = arith.index_cast %add3A_730 : i32 to index
      %swap3A_771 = arith.constant 64 : index
      %swap3A_772 = tpu.vector_load %arg10[%swap3A_770, %swap3A_771] {strides = array<i32>} : memref<64x128xf32, #tpu.memory_space<vmem>>, vector<1x16xf32>,
      %swap3A_773 = vector.shape_cast %swap3A_772 : vector<1x16xf32> to vector<16xf32>
      %swap3A_774 = vector.shape_cast %bitcast_convert_type3A_767 : vector<16xf32> to vector<1x16xf32>
      tpu.vector_store %arg10[%swap3A_770, %swap3A_771], %swap3A_774 {strides = array<i32>} : memref<64x128xf32, #tpu.memory_space<vmem>>, vector<1x16xf32>,
      %swap3A_775 = arith.index_cast %add3A_730 : i32 to index
      %swap3A_776 = arith.constant 80 : index
      %swap3A_777 = tpu.vector_load %arg10[%swap3A_775, %swap3A_776] {strides = array<i32>} : memref<64x128xf32, #tpu.memory_space<vmem>>, vector<1x16xf32>,
      %swap3A_778 = vector.shape_cast %swap3A_777 : vector<1x16xf32> to vector<16xf32>
      %swap3A_779 = vector.shape_cast %bitcast_convert_type3A_769 : vector<16xf32> to vector<1x16xf32>
      tpu.vector_store %arg10[%swap3A_775, %swap3A_776], %swap3A_779 {strides = array<i32>} : memref<64x128xf32, #tpu.memory_space<vmem>>, vector<1x16xf32>,
      %get3A_780 = arith.index_cast %add3A_730 : i32 to index
      %get3A_781 = arith.constant 48 : index
      %get3A_782 = tpu.vector_load %arg8[%get3A_780, %get3A_781] {strides = array<i32>} : memref<64x64xi32, #tpu.memory_space<vmem>>, vector<1x16xi32>,
      %get3A_783 = vector.shape_cast %get3A_782 : vector<1x16xi32> to vector<16xi32>
      %shift_left3A_784 = arith.shli %get3A_783, %broadcast_in_dim3A_238 : vector<16xi32>
      %bitcast_convert_type3A_785 = tpu.bitcast %shift_left3A_784 : vector<16xi32> -> vector<16xf32>
      %and3A_786 = arith.andi %get3A_783, %broadcast_in_dim3A_236 : vector<16xi32>
      %bitcast_convert_type3A_787 = tpu.bitcast %and3A_786 : vector<16xi32> -> vector<16xf32>
      %swap3A_788 = arith.index_cast %add3A_730 : i32 to index
      %swap3A_789 = arith.constant 96 : index
      %swap3A_790 = tpu.vector_load %arg10[%swap3A_788, %swap3A_789] {strides = array<i32>} : memref<64x128xf32, #tpu.memory_space<vmem>>, vector<1x16xf32>,
      %swap3A_791 = vector.shape_cast %swap3A_790 : vector<1x16xf32> to vector<16xf32>
      %swap3A_792 = vector.shape_cast %bitcast_convert_type3A_785 : vector<16xf32> to vector<1x16xf32>
      tpu.vector_store %arg10[%swap3A_788, %swap3A_789], %swap3A_792 {strides = array<i32>} : memref<64x128xf32, #tpu.memory_space<vmem>>, vector<1x16xf32>,
      %swap3A_793 = arith.index_cast %add3A_730 : i32 to index
      %swap3A_794 = arith.constant 112 : index
      %swap3A_795 = tpu.vector_load %arg10[%swap3A_793, %swap3A_794] {strides = array<i32>} : memref<64x128xf32, #tpu.memory_space<vmem>>, vector<1x16xf32>,
      %swap3A_796 = vector.shape_cast %swap3A_795 : vector<1x16xf32> to vector<16xf32>
      %swap3A_797 = vector.shape_cast %bitcast_convert_type3A_787 : vector<16xf32> to vector<1x16xf32>
      tpu.vector_store %arg10[%swap3A_793, %swap3A_794], %swap3A_797 {strides = array<i32>} : memref<64x128xf32, #tpu.memory_space<vmem>>, vector<1x16xf32>,
    }
    %scan3A_243 = arith.constant 64 : i32
    %dma_start3A_244 = arith.constant 0 : i32
    %dma_start3A_245 = arith.constant 0 : i32
    %dma_start3A_246 = tpu.memref_slice %arg7[%dma_start3A_244, %dma_start3A_245] : memref<40x64xi32, #tpu.memory_space<vmem>> -> memref<1x64xi32, #tpu.memory_space<vmem>>
    %dma_start3A_247 = tpu.memref_squeeze %dma_start3A_246 : memref<1x64xi32, #tpu.memory_space<vmem>> -> memref<64xi32, #tpu.memory_space<vmem>>
    %dma_start3A_248 = arith.constant 0 : i32
    %dma_start3A_249 = arith.constant 0 : i32
    %dma_start3A_250 = tpu.memref_slice %arg12[%dma_start3A_248, %dma_start3A_249] : memref<10112x128xf32, #tpu.memory_space<vmem_shared>> -> memref<10112x128xf32, #tpu.memory_space<vmem_shared>>
    tpu.enqueue_indirect_dma source(%arg10 : memref<64x128xf32, #tpu.memory_space<vmem>>) target(%dma_start3A_250 : memref<10112x128xf32, #tpu.memory_space<vmem_shared>>) offsets(%dma_start3A_247 : memref<64xi32, #tpu.memory_space<vmem>>) semaphore(%arg16 : memref<!tpu.dma_semaphore, #tpu.memory_space<semaphore_mem>>) {add = true}
    %dma_start3A_251 = arith.constant 2 : i32
    %dma_start3A_252 = arith.constant 0 : i32
    %dma_start3A_253 = tpu.memref_slice %arg6[%dma_start3A_251, %dma_start3A_252] : memref<40x64xi32, #tpu.memory_space<vmem>> -> memref<1x64xi32, #tpu.memory_space<vmem>>
    %dma_start3A_254 = tpu.memref_squeeze %dma_start3A_253 : memref<1x64xi32, #tpu.memory_space<vmem>> -> memref<64xi32, #tpu.memory_space<vmem>>
    %dma_start3A_255 = arith.constant 0 : i32
    %dma_start3A_256 = arith.constant 0 : i32
    %dma_start3A_257 = tpu.memref_slice %arg2[%dma_start3A_255, %dma_start3A_256] : memref<10000x64xi32, #tpu.memory_space<hbm>> -> memref<10000x64xi32, #tpu.memory_space<hbm>>
    tpu.enqueue_indirect_dma source(%dma_start3A_257 : memref<10000x64xi32, #tpu.memory_space<hbm>>) target(%arg8 : memref<64x64xi32, #tpu.memory_space<vmem>>) offsets(%dma_start3A_254 : memref<64xi32, #tpu.memory_space<vmem>>) semaphore(%arg14 : memref<!tpu.dma_semaphore, #tpu.memory_space<semaphore_mem>>)
    %dma_wait3A_258 = arith.constant 0 : i32
    %dma_wait3A_259 = arith.constant 0 : i32
    %dma_wait3A_260 = tpu.memref_slice %arg6[%dma_wait3A_258, %dma_wait3A_259] : memref<40x64xi32, #tpu.memory_space<vmem>> -> memref<1x64xi32, #tpu.memory_space<vmem>>
    %dma_wait3A_261 = tpu.memref_squeeze %dma_wait3A_260 : memref<1x64xi32, #tpu.memory_space<vmem>> -> memref<64xi32, #tpu.memory_space<vmem>>
    %dma_wait3A_262 = arith.constant 0 : i32
    %dma_wait3A_263 = arith.constant 0 : i32
    %dma_wait3A_264 = tpu.memref_slice %arg2[%dma_wait3A_262, %dma_wait3A_263] : memref<10000x64xi32, #tpu.memory_space<hbm>> -> memref<10000x64xi32, #tpu.memory_space<hbm>>
    tpu.wait_indirect_dma semaphore(%arg15 : memref<!tpu.dma_semaphore, #tpu.memory_space<semaphore_mem>>) src(%dma_wait3A_264 : memref<10000x64xi32, #tpu.memory_space<hbm>>) dst(%arg9 : memref<64x64xi32, #tpu.memory_space<vmem>>)
    %broadcast_in_dim3A_265 = arith.constant -65536 : i32
    %broadcast_in_dim3A_266 = vector.broadcast %broadcast_in_dim3A_265 : i32 to vector<16xi32>
    %broadcast_in_dim3A_267 = arith.constant 16 : i32
    %broadcast_in_dim3A_268 = vector.broadcast %broadcast_in_dim3A_267 : i32 to vector<16xi32>
    %scan3A_269 = arith.constant 0 : i32
    %scan3A_270 = arith.constant 64 : i32
    %scan3A_271 = arith.addi %scan3A_269, %scan3A_270 : i32
    %scan3A_272 = arith.constant 1 : i32
    scf.for %scan3A_726 = %scan3A_269 to %scan3A_271 step %scan3A_272  : i32 {
      %mul3A_727 = arith.constant 1 : i32
      %mul3A_728 = arith.muli %scan3A_726, %mul3A_727 : i32
      %add3A_729 = arith.constant 0 : i32
      %add3A_730 = arith.addi %add3A_729, %mul3A_728 : i32
      %get3A = arith.index_cast %add3A_730 : i32 to index
      %get3A_731 = arith.constant 0 : index
      %get3A_732 = tpu.vector_load %arg9[%get3A, %get3A_731] {strides = array<i32>} : memref<64x64xi32, #tpu.memory_space<vmem>>, vector<1x16xi32>,
      %get3A_733 = vector.shape_cast %get3A_732 : vector<1x16xi32> to vector<16xi32>
      %shift_left3A = arith.shli %get3A_733, %broadcast_in_dim3A_268 : vector<16xi32>
      %bitcast_convert_type3A = tpu.bitcast %shift_left3A : vector<16xi32> -> vector<16xf32>
      %and3A = arith.andi %get3A_733, %broadcast_in_dim3A_266 : vector<16xi32>
      %bitcast_convert_type3A_734 = tpu.bitcast %and3A : vector<16xi32> -> vector<16xf32>
      %swap3A = arith.index_cast %add3A_730 : i32 to index
      %swap3A_735 = arith.constant 0 : index
      %swap3A_736 = tpu.vector_load %arg11[%swap3A, %swap3A_735] {strides = array<i32>} : memref<64x128xf32, #tpu.memory_space<vmem>>, vector<1x16xf32>,
      %swap3A_737 = vector.shape_cast %swap3A_736 : vector<1x16xf32> to vector<16xf32>
      %swap3A_738 = vector.shape_cast %bitcast_convert_type3A : vector<16xf32> to vector<1x16xf32>
      tpu.vector_store %arg11[%swap3A, %swap3A_735], %swap3A_738 {strides = array<i32>} : memref<64x128xf32, #tpu.memory_space<vmem>>, vector<1x16xf32>,
      %swap3A_739 = arith.index_cast %add3A_730 : i32 to index
      %swap3A_740 = arith.constant 16 : index
      %swap3A_741 = tpu.vector_load %arg11[%swap3A_739, %swap3A_740] {strides = array<i32>} : memref<64x128xf32, #tpu.memory_space<vmem>>, vector<1x16xf32>,
      %swap3A_742 = vector.shape_cast %swap3A_741 : vector<1x16xf32> to vector<16xf32>
      %swap3A_743 = vector.shape_cast %bitcast_convert_type3A_734 : vector<16xf32> to vector<1x16xf32>
      tpu.vector_store %arg11[%swap3A_739, %swap3A_740], %swap3A_743 {strides = array<i32>} : memref<64x128xf32, #tpu.memory_space<vmem>>, vector<1x16xf32>,
      %get3A_744 = arith.index_cast %add3A_730 : i32 to index
      %get3A_745 = arith.constant 16 : index
      %get3A_746 = tpu.vector_load %arg9[%get3A_744, %get3A_745] {strides = array<i32>} : memref<64x64xi32, #tpu.memory_space<vmem>>, vector<1x16xi32>,
      %get3A_747 = vector.shape_cast %get3A_746 : vector<1x16xi32> to vector<16xi32>
      %shift_left3A_748 = arith.shli %get3A_747, %broadcast_in_dim3A_268 : vector<16xi32>
      %bitcast_convert_type3A_749 = tpu.bitcast %shift_left3A_748 : vector<16xi32> -> vector<16xf32>
      %and3A_750 = arith.andi %get3A_747, %broadcast_in_dim3A_266 : vector<16xi32>
      %bitcast_convert_type3A_751 = tpu.bitcast %and3A_750 : vector<16xi32> -> vector<16xf32>
      %swap3A_752 = arith.index_cast %add3A_730 : i32 to index
      %swap3A_753 = arith.constant 32 : index
      %swap3A_754 = tpu.vector_load %arg11[%swap3A_752, %swap3A_753] {strides = array<i32>} : memref<64x128xf32, #tpu.memory_space<vmem>>, vector<1x16xf32>,
      %swap3A_755 = vector.shape_cast %swap3A_754 : vector<1x16xf32> to vector<16xf32>
      %swap3A_756 = vector.shape_cast %bitcast_convert_type3A_749 : vector<16xf32> to vector<1x16xf32>
      tpu.vector_store %arg11[%swap3A_752, %swap3A_753], %swap3A_756 {strides = array<i32>} : memref<64x128xf32, #tpu.memory_space<vmem>>, vector<1x16xf32>,
      %swap3A_757 = arith.index_cast %add3A_730 : i32 to index
      %swap3A_758 = arith.constant 48 : index
      %swap3A_759 = tpu.vector_load %arg11[%swap3A_757, %swap3A_758] {strides = array<i32>} : memref<64x128xf32, #tpu.memory_space<vmem>>, vector<1x16xf32>,
      %swap3A_760 = vector.shape_cast %swap3A_759 : vector<1x16xf32> to vector<16xf32>
      %swap3A_761 = vector.shape_cast %bitcast_convert_type3A_751 : vector<16xf32> to vector<1x16xf32>
      tpu.vector_store %arg11[%swap3A_757, %swap3A_758], %swap3A_761 {strides = array<i32>} : memref<64x128xf32, #tpu.memory_space<vmem>>, vector<1x16xf32>,
      %get3A_762 = arith.index_cast %add3A_730 : i32 to index
      %get3A_763 = arith.constant 32 : index
      %get3A_764 = tpu.vector_load %arg9[%get3A_762, %get3A_763] {strides = array<i32>} : memref<64x64xi32, #tpu.memory_space<vmem>>, vector<1x16xi32>,
      %get3A_765 = vector.shape_cast %get3A_764 : vector<1x16xi32> to vector<16xi32>
      %shift_left3A_766 = arith.shli %get3A_765, %broadcast_in_dim3A_268 : vector<16xi32>
      %bitcast_convert_type3A_767 = tpu.bitcast %shift_left3A_766 : vector<16xi32> -> vector<16xf32>
      %and3A_768 = arith.andi %get3A_765, %broadcast_in_dim3A_266 : vector<16xi32>
      %bitcast_convert_type3A_769 = tpu.bitcast %and3A_768 : vector<16xi32> -> vector<16xf32>
      %swap3A_770 = arith.index_cast %add3A_730 : i32 to index
      %swap3A_771 = arith.constant 64 : index
      %swap3A_772 = tpu.vector_load %arg11[%swap3A_770, %swap3A_771] {strides = array<i32>} : memref<64x128xf32, #tpu.memory_space<vmem>>, vector<1x16xf32>,
      %swap3A_773 = vector.shape_cast %swap3A_772 : vector<1x16xf32> to vector<16xf32>
      %swap3A_774 = vector.shape_cast %bitcast_convert_type3A_767 : vector<16xf32> to vector<1x16xf32>
      tpu.vector_store %arg11[%swap3A_770, %swap3A_771], %swap3A_774 {strides = array<i32>} : memref<64x128xf32, #tpu.memory_space<vmem>>, vector<1x16xf32>,
      %swap3A_775 = arith.index_cast %add3A_730 : i32 to index
      %swap3A_776 = arith.constant 80 : index
      %swap3A_777 = tpu.vector_load %arg11[%swap3A_775, %swap3A_776] {strides = array<i32>} : memref<64x128xf32, #tpu.memory_space<vmem>>, vector<1x16xf32>,
      %swap3A_778 = vector.shape_cast %swap3A_777 : vector<1x16xf32> to vector<16xf32>
      %swap3A_779 = vector.shape_cast %bitcast_convert_type3A_769 : vector<16xf32> to vector<1x16xf32>
      tpu.vector_store %arg11[%swap3A_775, %swap3A_776], %swap3A_779 {strides = array<i32>} : memref<64x128xf32, #tpu.memory_space<vmem>>, vector<1x16xf32>,
      %get3A_780 = arith.index_cast %add3A_730 : i32 to index
      %get3A_781 = arith.constant 48 : index
      %get3A_782 = tpu.vector_load %arg9[%get3A_780, %get3A_781] {strides = array<i32>} : memref<64x64xi32, #tpu.memory_space<vmem>>, vector<1x16xi32>,
      %get3A_783 = vector.shape_cast %get3A_782 : vector<1x16xi32> to vector<16xi32>
      %shift_left3A_784 = arith.shli %get3A_783, %broadcast_in_dim3A_268 : vector<16xi32>
      %bitcast_convert_type3A_785 = tpu.bitcast %shift_left3A_784 : vector<16xi32> -> vector<16xf32>
      %and3A_786 = arith.andi %get3A_783, %broadcast_in_dim3A_266 : vector<16xi32>
      %bitcast_convert_type3A_787 = tpu.bitcast %and3A_786 : vector<16xi32> -> vector<16xf32>
      %swap3A_788 = arith.index_cast %add3A_730 : i32 to index
      %swap3A_789 = arith.constant 96 : index
      %swap3A_790 = tpu.vector_load %arg11[%swap3A_788, %swap3A_789] {strides = array<i32>} : memref<64x128xf32, #tpu.memory_space<vmem>>, vector<1x16xf32>,
      %swap3A_791 = vector.shape_cast %swap3A_790 : vector<1x16xf32> to vector<16xf32>
      %swap3A_792 = vector.shape_cast %bitcast_convert_type3A_785 : vector<16xf32> to vector<1x16xf32>
      tpu.vector_store %arg11[%swap3A_788, %swap3A_789], %swap3A_792 {strides = array<i32>} : memref<64x128xf32, #tpu.memory_space<vmem>>, vector<1x16xf32>,
      %swap3A_793 = arith.index_cast %add3A_730 : i32 to index
      %swap3A_794 = arith.constant 112 : index
      %swap3A_795 = tpu.vector_load %arg11[%swap3A_793, %swap3A_794] {strides = array<i32>} : memref<64x128xf32, #tpu.memory_space<vmem>>, vector<1x16xf32>,
      %swap3A_796 = vector.shape_cast %swap3A_795 : vector<1x16xf32> to vector<16xf32>
      %swap3A_797 = vector.shape_cast %bitcast_convert_type3A_787 : vector<16xf32> to vector<1x16xf32>
      tpu.vector_store %arg11[%swap3A_793, %swap3A_794], %swap3A_797 {strides = array<i32>} : memref<64x128xf32, #tpu.memory_space<vmem>>, vector<1x16xf32>,
    }
    %scan3A_273 = arith.constant 64 : i32
    %dma_start3A_274 = arith.constant 1 : i32
    %dma_start3A_275 = arith.constant 0 : i32
    %dma_start3A_276 = tpu.memref_slice %arg7[%dma_start3A_274, %dma_start3A_275] : memref<40x64xi32, #tpu.memory_space<vmem>> -> memref<1x64xi32, #tpu.memory_space<vmem>>
    %dma_start3A_277 = tpu.memref_squeeze %dma_start3A_276 : memref<1x64xi32, #tpu.memory_space<vmem>> -> memref<64xi32, #tpu.memory_space<vmem>>
    %dma_start3A_278 = arith.constant 0 : i32
    %dma_start3A_279 = arith.constant 0 : i32
    %dma_start3A_280 = tpu.memref_slice %arg12[%dma_start3A_278, %dma_start3A_279] : memref<10112x128xf32, #tpu.memory_space<vmem_shared>> -> memref<10112x128xf32, #tpu.memory_space<vmem_shared>>
    tpu.enqueue_indirect_dma source(%arg11 : memref<64x128xf32, #tpu.memory_space<vmem>>) target(%dma_start3A_280 : memref<10112x128xf32, #tpu.memory_space<vmem_shared>>) offsets(%dma_start3A_277 : memref<64xi32, #tpu.memory_space<vmem>>) semaphore(%arg17 : memref<!tpu.dma_semaphore, #tpu.memory_space<semaphore_mem>>) {add = true}
    %dma_start3A_281 = arith.constant 3 : i32
    %dma_start3A_282 = arith.constant 0 : i32
    %dma_start3A_283 = tpu.memref_slice %arg6[%dma_start3A_281, %dma_start3A_282] : memref<40x64xi32, #tpu.memory_space<vmem>> -> memref<1x64xi32, #tpu.memory_space<vmem>>
    %dma_start3A_284 = tpu.memref_squeeze %dma_start3A_283 : memref<1x64xi32, #tpu.memory_space<vmem>> -> memref<64xi32, #tpu.memory_space<vmem>>
    %dma_start3A_285 = arith.constant 0 : i32
    %dma_start3A_286 = arith.constant 0 : i32
    %dma_start3A_287 = tpu.memref_slice %arg2[%dma_start3A_285, %dma_start3A_286] : memref<10000x64xi32, #tpu.memory_space<hbm>> -> memref<10000x64xi32, #tpu.memory_space<hbm>>
    tpu.enqueue_indirect_dma source(%dma_start3A_287 : memref<10000x64xi32, #tpu.memory_space<hbm>>) target(%arg9 : memref<64x64xi32, #tpu.memory_space<vmem>>) offsets(%dma_start3A_284 : memref<64xi32, #tpu.memory_space<vmem>>) semaphore(%arg15 : memref<!tpu.dma_semaphore, #tpu.memory_space<semaphore_mem>>)
    %scan3A_288 = arith.constant 0 : i32
    %scan3A_289 = arith.constant 18 : i32
    %scan3A_290 = arith.addi %scan3A_288, %scan3A_289 : i32
    %scan3A_291 = arith.constant 1 : i32
    scf.for %scan3A_726 = %scan3A_288 to %scan3A_290 step %scan3A_291  : i32 {
      %mul3A_727 = arith.constant 1 : i32
      %mul3A_728 = arith.muli %scan3A_726, %mul3A_727 : i32
      %add3A_729 = arith.constant 0 : i32
      %add3A_730 = arith.addi %add3A_729, %mul3A_728 : i32
      %add3A_731 = arith.constant 1 : i32
      %add3A_732 = arith.addi %add3A_730, %add3A_731 : i32
      %mul3A_733 = arith.constant 2 : i32
      %mul3A_734 = arith.muli %add3A_732, %mul3A_733 : i32
      %add3A_735 = arith.constant 0 : i32
      %add3A_736 = arith.addi %mul3A_734, %add3A_735 : i32
      %dma_wait3A_737 = arith.constant 0 : i32
      %dma_wait3A_738 = arith.constant 0 : i32
      %dma_wait3A_739 = tpu.memref_slice %arg6[%dma_wait3A_737, %dma_wait3A_738] : memref<40x64xi32, #tpu.memory_space<vmem>> -> memref<1x64xi32, #tpu.memory_space<vmem>>
      %dma_wait3A_740 = tpu.memref_squeeze %dma_wait3A_739 : memref<1x64xi32, #tpu.memory_space<vmem>> -> memref<64xi32, #tpu.memory_space<vmem>>
      %dma_wait3A_741 = arith.constant 0 : i32
      %dma_wait3A_742 = arith.constant 0 : i32
      %dma_wait3A_743 = tpu.memref_slice %arg2[%dma_wait3A_741, %dma_wait3A_742] : memref<10000x64xi32, #tpu.memory_space<hbm>> -> memref<10000x64xi32, #tpu.memory_space<hbm>>
      tpu.wait_indirect_dma semaphore(%arg14 : memref<!tpu.dma_semaphore, #tpu.memory_space<semaphore_mem>>) src(%dma_wait3A_743 : memref<10000x64xi32, #tpu.memory_space<hbm>>) dst(%arg8 : memref<64x64xi32, #tpu.memory_space<vmem>>)
      %dma_wait3A_744 = arith.constant 0 : i32
      %dma_wait3A_745 = arith.constant 0 : i32
      %dma_wait3A_746 = tpu.memref_slice %arg7[%dma_wait3A_744, %dma_wait3A_745] : memref<40x64xi32, #tpu.memory_space<vmem>> -> memref<1x64xi32, #tpu.memory_space<vmem>>
      %dma_wait3A_747 = tpu.memref_squeeze %dma_wait3A_746 : memref<1x64xi32, #tpu.memory_space<vmem>> -> memref<64xi32, #tpu.memory_space<vmem>>
      %dma_wait3A_748 = arith.constant 0 : i32
      %dma_wait3A_749 = arith.constant 0 : i32
      %dma_wait3A_750 = tpu.memref_slice %arg12[%dma_wait3A_748, %dma_wait3A_749] : memref<10112x128xf32, #tpu.memory_space<vmem_shared>> -> memref<10112x128xf32, #tpu.memory_space<vmem_shared>>
      tpu.wait_indirect_dma semaphore(%arg16 : memref<!tpu.dma_semaphore, #tpu.memory_space<semaphore_mem>>) src(%arg10 : memref<64x128xf32, #tpu.memory_space<vmem>>) dst(%dma_wait3A_750 : memref<10112x128xf32, #tpu.memory_space<vmem_shared>>)
      %broadcast_in_dim3A_751 = arith.constant -65536 : i32
      %broadcast_in_dim3A_752 = vector.broadcast %broadcast_in_dim3A_751 : i32 to vector<16xi32>
      %broadcast_in_dim3A_753 = arith.constant 16 : i32
      %broadcast_in_dim3A_754 = vector.broadcast %broadcast_in_dim3A_753 : i32 to vector<16xi32>
      %scan3A_755 = arith.constant 0 : i32
      %scan3A_756 = arith.constant 64 : i32
      %scan3A_757 = arith.addi %scan3A_755, %scan3A_756 : i32
      %scan3A_758 = arith.constant 1 : i32
      scf.for %scan3A_817 = %scan3A_755 to %scan3A_757 step %scan3A_758  : i32 {
        %mul3A_818 = arith.constant 1 : i32
        %mul3A_819 = arith.muli %scan3A_817, %mul3A_818 : i32
        %add3A_820 = arith.constant 0 : i32
        %add3A_821 = arith.addi %add3A_820, %mul3A_819 : i32
        %get3A = arith.index_cast %add3A_821 : i32 to index
        %get3A_822 = arith.constant 0 : index
        %get3A_823 = tpu.vector_load %arg8[%get3A, %get3A_822] {strides = array<i32>} : memref<64x64xi32, #tpu.memory_space<vmem>>, vector<1x16xi32>,
        %get3A_824 = vector.shape_cast %get3A_823 : vector<1x16xi32> to vector<16xi32>
        %shift_left3A = arith.shli %get3A_824, %broadcast_in_dim3A_754 : vector<16xi32>
        %bitcast_convert_type3A = tpu.bitcast %shift_left3A : vector<16xi32> -> vector<16xf32>
        %and3A = arith.andi %get3A_824, %broadcast_in_dim3A_752 : vector<16xi32>
        %bitcast_convert_type3A_825 = tpu.bitcast %and3A : vector<16xi32> -> vector<16xf32>
        %swap3A = arith.index_cast %add3A_821 : i32 to index
        %swap3A_826 = arith.constant 0 : index
        %swap3A_827 = tpu.vector_load %arg10[%swap3A, %swap3A_826] {strides = array<i32>} : memref<64x128xf32, #tpu.memory_space<vmem>>, vector<1x16xf32>,
        %swap3A_828 = vector.shape_cast %swap3A_827 : vector<1x16xf32> to vector<16xf32>
        %swap3A_829 = vector.shape_cast %bitcast_convert_type3A : vector<16xf32> to vector<1x16xf32>
        tpu.vector_store %arg10[%swap3A, %swap3A_826], %swap3A_829 {strides = array<i32>} : memref<64x128xf32, #tpu.memory_space<vmem>>, vector<1x16xf32>,
        %swap3A_830 = arith.index_cast %add3A_821 : i32 to index
        %swap3A_831 = arith.constant 16 : index
        %swap3A_832 = tpu.vector_load %arg10[%swap3A_830, %swap3A_831] {strides = array<i32>} : memref<64x128xf32, #tpu.memory_space<vmem>>, vector<1x16xf32>,
        %swap3A_833 = vector.shape_cast %swap3A_832 : vector<1x16xf32> to vector<16xf32>
        %swap3A_834 = vector.shape_cast %bitcast_convert_type3A_825 : vector<16xf32> to vector<1x16xf32>
        tpu.vector_store %arg10[%swap3A_830, %swap3A_831], %swap3A_834 {strides = array<i32>} : memref<64x128xf32, #tpu.memory_space<vmem>>, vector<1x16xf32>,
        %get3A_835 = arith.index_cast %add3A_821 : i32 to index
        %get3A_836 = arith.constant 16 : index
        %get3A_837 = tpu.vector_load %arg8[%get3A_835, %get3A_836] {strides = array<i32>} : memref<64x64xi32, #tpu.memory_space<vmem>>, vector<1x16xi32>,
        %get3A_838 = vector.shape_cast %get3A_837 : vector<1x16xi32> to vector<16xi32>
        %shift_left3A_839 = arith.shli %get3A_838, %broadcast_in_dim3A_754 : vector<16xi32>
        %bitcast_convert_type3A_840 = tpu.bitcast %shift_left3A_839 : vector<16xi32> -> vector<16xf32>
        %and3A_841 = arith.andi %get3A_838, %broadcast_in_dim3A_752 : vector<16xi32>
        %bitcast_convert_type3A_842 = tpu.bitcast %and3A_841 : vector<16xi32> -> vector<16xf32>
        %swap3A_843 = arith.index_cast %add3A_821 : i32 to index
        %swap3A_844 = arith.constant 32 : index
        %swap3A_845 = tpu.vector_load %arg10[%swap3A_843, %swap3A_844] {strides = array<i32>} : memref<64x128xf32, #tpu.memory_space<vmem>>, vector<1x16xf32>,
        %swap3A_846 = vector.shape_cast %swap3A_845 : vector<1x16xf32> to vector<16xf32>
        %swap3A_847 = vector.shape_cast %bitcast_convert_type3A_840 : vector<16xf32> to vector<1x16xf32>
        tpu.vector_store %arg10[%swap3A_843, %swap3A_844], %swap3A_847 {strides = array<i32>} : memref<64x128xf32, #tpu.memory_space<vmem>>, vector<1x16xf32>,
        %swap3A_848 = arith.index_cast %add3A_821 : i32 to index
        %swap3A_849 = arith.constant 48 : index
        %swap3A_850 = tpu.vector_load %arg10[%swap3A_848, %swap3A_849] {strides = array<i32>} : memref<64x128xf32, #tpu.memory_space<vmem>>, vector<1x16xf32>,
        %swap3A_851 = vector.shape_cast %swap3A_850 : vector<1x16xf32> to vector<16xf32>
        %swap3A_852 = vector.shape_cast %bitcast_convert_type3A_842 : vector<16xf32> to vector<1x16xf32>
        tpu.vector_store %arg10[%swap3A_848, %swap3A_849], %swap3A_852 {strides = array<i32>} : memref<64x128xf32, #tpu.memory_space<vmem>>, vector<1x16xf32>,
        %get3A_853 = arith.index_cast %add3A_821 : i32 to index
        %get3A_854 = arith.constant 32 : index
        %get3A_855 = tpu.vector_load %arg8[%get3A_853, %get3A_854] {strides = array<i32>} : memref<64x64xi32, #tpu.memory_space<vmem>>, vector<1x16xi32>,
        %get3A_856 = vector.shape_cast %get3A_855 : vector<1x16xi32> to vector<16xi32>
        %shift_left3A_857 = arith.shli %get3A_856, %broadcast_in_dim3A_754 : vector<16xi32>
        %bitcast_convert_type3A_858 = tpu.bitcast %shift_left3A_857 : vector<16xi32> -> vector<16xf32>
        %and3A_859 = arith.andi %get3A_856, %broadcast_in_dim3A_752 : vector<16xi32>
        %bitcast_convert_type3A_860 = tpu.bitcast %and3A_859 : vector<16xi32> -> vector<16xf32>
        %swap3A_861 = arith.index_cast %add3A_821 : i32 to index
        %swap3A_862 = arith.constant 64 : index
        %swap3A_863 = tpu.vector_load %arg10[%swap3A_861, %swap3A_862] {strides = array<i32>} : memref<64x128xf32, #tpu.memory_space<vmem>>, vector<1x16xf32>,
        %swap3A_864 = vector.shape_cast %swap3A_863 : vector<1x16xf32> to vector<16xf32>
        %swap3A_865 = vector.shape_cast %bitcast_convert_type3A_858 : vector<16xf32> to vector<1x16xf32>
        tpu.vector_store %arg10[%swap3A_861, %swap3A_862], %swap3A_865 {strides = array<i32>} : memref<64x128xf32, #tpu.memory_space<vmem>>, vector<1x16xf32>,
        %swap3A_866 = arith.index_cast %add3A_821 : i32 to index
        %swap3A_867 = arith.constant 80 : index
        %swap3A_868 = tpu.vector_load %arg10[%swap3A_866, %swap3A_867] {strides = array<i32>} : memref<64x128xf32, #tpu.memory_space<vmem>>, vector<1x16xf32>,
        %swap3A_869 = vector.shape_cast %swap3A_868 : vector<1x16xf32> to vector<16xf32>
        %swap3A_870 = vector.shape_cast %bitcast_convert_type3A_860 : vector<16xf32> to vector<1x16xf32>
        tpu.vector_store %arg10[%swap3A_866, %swap3A_867], %swap3A_870 {strides = array<i32>} : memref<64x128xf32, #tpu.memory_space<vmem>>, vector<1x16xf32>,
        %get3A_871 = arith.index_cast %add3A_821 : i32 to index
        %get3A_872 = arith.constant 48 : index
        %get3A_873 = tpu.vector_load %arg8[%get3A_871, %get3A_872] {strides = array<i32>} : memref<64x64xi32, #tpu.memory_space<vmem>>, vector<1x16xi32>,
        %get3A_874 = vector.shape_cast %get3A_873 : vector<1x16xi32> to vector<16xi32>
        %shift_left3A_875 = arith.shli %get3A_874, %broadcast_in_dim3A_754 : vector<16xi32>
        %bitcast_convert_type3A_876 = tpu.bitcast %shift_left3A_875 : vector<16xi32> -> vector<16xf32>
        %and3A_877 = arith.andi %get3A_874, %broadcast_in_dim3A_752 : vector<16xi32>
        %bitcast_convert_type3A_878 = tpu.bitcast %and3A_877 : vector<16xi32> -> vector<16xf32>
        %swap3A_879 = arith.index_cast %add3A_821 : i32 to index
        %swap3A_880 = arith.constant 96 : index
        %swap3A_881 = tpu.vector_load %arg10[%swap3A_879, %swap3A_880] {strides = array<i32>} : memref<64x128xf32, #tpu.memory_space<vmem>>, vector<1x16xf32>,
        %swap3A_882 = vector.shape_cast %swap3A_881 : vector<1x16xf32> to vector<16xf32>
        %swap3A_883 = vector.shape_cast %bitcast_convert_type3A_876 : vector<16xf32> to vector<1x16xf32>
        tpu.vector_store %arg10[%swap3A_879, %swap3A_880], %swap3A_883 {strides = array<i32>} : memref<64x128xf32, #tpu.memory_space<vmem>>, vector<1x16xf32>,
        %swap3A_884 = arith.index_cast %add3A_821 : i32 to index
        %swap3A_885 = arith.constant 112 : index
        %swap3A_886 = tpu.vector_load %arg10[%swap3A_884, %swap3A_885] {strides = array<i32>} : memref<64x128xf32, #tpu.memory_space<vmem>>, vector<1x16xf32>,
        %swap3A_887 = vector.shape_cast %swap3A_886 : vector<1x16xf32> to vector<16xf32>
        %swap3A_888 = vector.shape_cast %bitcast_convert_type3A_878 : vector<16xf32> to vector<1x16xf32>
        tpu.vector_store %arg10[%swap3A_884, %swap3A_885], %swap3A_888 {strides = array<i32>} : memref<64x128xf32, #tpu.memory_space<vmem>>, vector<1x16xf32>,
      }
      %scan3A_759 = arith.constant 64 : i32
      %dma_start3A_760 = arith.constant 0 : i32
      %dma_start3A_761 = tpu.memref_slice %arg7[%add3A_736, %dma_start3A_760] : memref<40x64xi32, #tpu.memory_space<vmem>> -> memref<1x64xi32, #tpu.memory_space<vmem>>
      %dma_start3A_762 = tpu.memref_squeeze %dma_start3A_761 : memref<1x64xi32, #tpu.memory_space<vmem>> -> memref<64xi32, #tpu.memory_space<vmem>>
      %dma_start3A_763 = arith.constant 0 : i32
      %dma_start3A_764 = arith.constant 0 : i32
      %dma_start3A_765 = tpu.memref_slice %arg12[%dma_start3A_763, %dma_start3A_764] : memref<10112x128xf32, #tpu.memory_space<vmem_shared>> -> memref<10112x128xf32, #tpu.memory_space<vmem_shared>>
      tpu.enqueue_indirect_dma source(%arg10 : memref<64x128xf32, #tpu.memory_space<vmem>>) target(%dma_start3A_765 : memref<10112x128xf32, #tpu.memory_space<vmem_shared>>) offsets(%dma_start3A_762 : memref<64xi32, #tpu.memory_space<vmem>>) semaphore(%arg16 : memref<!tpu.dma_semaphore, #tpu.memory_space<semaphore_mem>>) {add = true}
      %add3A_766 = arith.constant 2 : i32
      %add3A_767 = arith.addi %add3A_736, %add3A_766 : i32
      %dma_start3A_768 = arith.constant 0 : i32
      %dma_start3A_769 = tpu.memref_slice %arg6[%add3A_767, %dma_start3A_768] : memref<40x64xi32, #tpu.memory_space<vmem>> -> memref<1x64xi32, #tpu.memory_space<vmem>>
      %dma_start3A_770 = tpu.memref_squeeze %dma_start3A_769 : memref<1x64xi32, #tpu.memory_space<vmem>> -> memref<64xi32, #tpu.memory_space<vmem>>
      %dma_start3A_771 = arith.constant 0 : i32
      %dma_start3A_772 = arith.constant 0 : i32
      %dma_start3A_773 = tpu.memref_slice %arg2[%dma_start3A_771, %dma_start3A_772] : memref<10000x64xi32, #tpu.memory_space<hbm>> -> memref<10000x64xi32, #tpu.memory_space<hbm>>
      tpu.enqueue_indirect_dma source(%dma_start3A_773 : memref<10000x64xi32, #tpu.memory_space<hbm>>) target(%arg8 : memref<64x64xi32, #tpu.memory_space<vmem>>) offsets(%dma_start3A_770 : memref<64xi32, #tpu.memory_space<vmem>>) semaphore(%arg14 : memref<!tpu.dma_semaphore, #tpu.memory_space<semaphore_mem>>)
      %add3A_774 = arith.constant 1 : i32
      %add3A_775 = arith.addi %add3A_730, %add3A_774 : i32
      %mul3A_776 = arith.constant 2 : i32
      %mul3A_777 = arith.muli %add3A_775, %mul3A_776 : i32
      %add3A_778 = arith.constant 1 : i32
      %add3A_779 = arith.addi %mul3A_777, %add3A_778 : i32
      %dma_wait3A_780 = arith.constant 0 : i32
      %dma_wait3A_781 = arith.constant 0 : i32
      %dma_wait3A_782 = tpu.memref_slice %arg6[%dma_wait3A_780, %dma_wait3A_781] : memref<40x64xi32, #tpu.memory_space<vmem>> -> memref<1x64xi32, #tpu.memory_space<vmem>>
      %dma_wait3A_783 = tpu.memref_squeeze %dma_wait3A_782 : memref<1x64xi32, #tpu.memory_space<vmem>> -> memref<64xi32, #tpu.memory_space<vmem>>
      %dma_wait3A_784 = arith.constant 0 : i32
      %dma_wait3A_785 = arith.constant 0 : i32
      %dma_wait3A_786 = tpu.memref_slice %arg2[%dma_wait3A_784, %dma_wait3A_785] : memref<10000x64xi32, #tpu.memory_space<hbm>> -> memref<10000x64xi32, #tpu.memory_space<hbm>>
      tpu.wait_indirect_dma semaphore(%arg15 : memref<!tpu.dma_semaphore, #tpu.memory_space<semaphore_mem>>) src(%dma_wait3A_786 : memref<10000x64xi32, #tpu.memory_space<hbm>>) dst(%arg9 : memref<64x64xi32, #tpu.memory_space<vmem>>)
      %dma_wait3A_787 = arith.constant 0 : i32
      %dma_wait3A_788 = arith.constant 0 : i32
      %dma_wait3A_789 = tpu.memref_slice %arg7[%dma_wait3A_787, %dma_wait3A_788] : memref<40x64xi32, #tpu.memory_space<vmem>> -> memref<1x64xi32, #tpu.memory_space<vmem>>
      %dma_wait3A_790 = tpu.memref_squeeze %dma_wait3A_789 : memref<1x64xi32, #tpu.memory_space<vmem>> -> memref<64xi32, #tpu.memory_space<vmem>>
      %dma_wait3A_791 = arith.constant 0 : i32
      %dma_wait3A_792 = arith.constant 0 : i32
      %dma_wait3A_793 = tpu.memref_slice %arg12[%dma_wait3A_791, %dma_wait3A_792] : memref<10112x128xf32, #tpu.memory_space<vmem_shared>> -> memref<10112x128xf32, #tpu.memory_space<vmem_shared>>
      tpu.wait_indirect_dma semaphore(%arg17 : memref<!tpu.dma_semaphore, #tpu.memory_space<semaphore_mem>>) src(%arg11 : memref<64x128xf32, #tpu.memory_space<vmem>>) dst(%dma_wait3A_793 : memref<10112x128xf32, #tpu.memory_space<vmem_shared>>)
      %broadcast_in_dim3A_794 = arith.constant -65536 : i32
      %broadcast_in_dim3A_795 = vector.broadcast %broadcast_in_dim3A_794 : i32 to vector<16xi32>
      %broadcast_in_dim3A_796 = arith.constant 16 : i32
      %broadcast_in_dim3A_797 = vector.broadcast %broadcast_in_dim3A_796 : i32 to vector<16xi32>
      %scan3A_798 = arith.constant 0 : i32
      %scan3A_799 = arith.constant 64 : i32
      %scan3A_800 = arith.addi %scan3A_798, %scan3A_799 : i32
      %scan3A_801 = arith.constant 1 : i32
      scf.for %scan3A_817 = %scan3A_798 to %scan3A_800 step %scan3A_801  : i32 {
        %mul3A_818 = arith.constant 1 : i32
        %mul3A_819 = arith.muli %scan3A_817, %mul3A_818 : i32
        %add3A_820 = arith.constant 0 : i32
        %add3A_821 = arith.addi %add3A_820, %mul3A_819 : i32
        %get3A = arith.index_cast %add3A_821 : i32 to index
        %get3A_822 = arith.constant 0 : index
        %get3A_823 = tpu.vector_load %arg9[%get3A, %get3A_822] {strides = array<i32>} : memref<64x64xi32, #tpu.memory_space<vmem>>, vector<1x16xi32>,
        %get3A_824 = vector.shape_cast %get3A_823 : vector<1x16xi32> to vector<16xi32>
        %shift_left3A = arith.shli %get3A_824, %broadcast_in_dim3A_797 : vector<16xi32>
        %bitcast_convert_type3A = tpu.bitcast %shift_left3A : vector<16xi32> -> vector<16xf32>
        %and3A = arith.andi %get3A_824, %broadcast_in_dim3A_795 : vector<16xi32>
        %bitcast_convert_type3A_825 = tpu.bitcast %and3A : vector<16xi32> -> vector<16xf32>
        %swap3A = arith.index_cast %add3A_821 : i32 to index
        %swap3A_826 = arith.constant 0 : index
        %swap3A_827 = tpu.vector_load %arg11[%swap3A, %swap3A_826] {strides = array<i32>} : memref<64x128xf32, #tpu.memory_space<vmem>>, vector<1x16xf32>,
        %swap3A_828 = vector.shape_cast %swap3A_827 : vector<1x16xf32> to vector<16xf32>
        %swap3A_829 = vector.shape_cast %bitcast_convert_type3A : vector<16xf32> to vector<1x16xf32>
        tpu.vector_store %arg11[%swap3A, %swap3A_826], %swap3A_829 {strides = array<i32>} : memref<64x128xf32, #tpu.memory_space<vmem>>, vector<1x16xf32>,
        %swap3A_830 = arith.index_cast %add3A_821 : i32 to index
        %swap3A_831 = arith.constant 16 : index
        %swap3A_832 = tpu.vector_load %arg11[%swap3A_830, %swap3A_831] {strides = array<i32>} : memref<64x128xf32, #tpu.memory_space<vmem>>, vector<1x16xf32>,
        %swap3A_833 = vector.shape_cast %swap3A_832 : vector<1x16xf32> to vector<16xf32>
        %swap3A_834 = vector.shape_cast %bitcast_convert_type3A_825 : vector<16xf32> to vector<1x16xf32>
        tpu.vector_store %arg11[%swap3A_830, %swap3A_831], %swap3A_834 {strides = array<i32>} : memref<64x128xf32, #tpu.memory_space<vmem>>, vector<1x16xf32>,
        %get3A_835 = arith.index_cast %add3A_821 : i32 to index
        %get3A_836 = arith.constant 16 : index
        %get3A_837 = tpu.vector_load %arg9[%get3A_835, %get3A_836] {strides = array<i32>} : memref<64x64xi32, #tpu.memory_space<vmem>>, vector<1x16xi32>,
        %get3A_838 = vector.shape_cast %get3A_837 : vector<1x16xi32> to vector<16xi32>
        %shift_left3A_839 = arith.shli %get3A_838, %broadcast_in_dim3A_797 : vector<16xi32>
        %bitcast_convert_type3A_840 = tpu.bitcast %shift_left3A_839 : vector<16xi32> -> vector<16xf32>
        %and3A_841 = arith.andi %get3A_838, %broadcast_in_dim3A_795 : vector<16xi32>
        %bitcast_convert_type3A_842 = tpu.bitcast %and3A_841 : vector<16xi32> -> vector<16xf32>
        %swap3A_843 = arith.index_cast %add3A_821 : i32 to index
        %swap3A_844 = arith.constant 32 : index
        %swap3A_845 = tpu.vector_load %arg11[%swap3A_843, %swap3A_844] {strides = array<i32>} : memref<64x128xf32, #tpu.memory_space<vmem>>, vector<1x16xf32>,
        %swap3A_846 = vector.shape_cast %swap3A_845 : vector<1x16xf32> to vector<16xf32>
        %swap3A_847 = vector.shape_cast %bitcast_convert_type3A_840 : vector<16xf32> to vector<1x16xf32>
        tpu.vector_store %arg11[%swap3A_843, %swap3A_844], %swap3A_847 {strides = array<i32>} : memref<64x128xf32, #tpu.memory_space<vmem>>, vector<1x16xf32>,
        %swap3A_848 = arith.index_cast %add3A_821 : i32 to index
        %swap3A_849 = arith.constant 48 : index
        %swap3A_850 = tpu.vector_load %arg11[%swap3A_848, %swap3A_849] {strides = array<i32>} : memref<64x128xf32, #tpu.memory_space<vmem>>, vector<1x16xf32>,
        %swap3A_851 = vector.shape_cast %swap3A_850 : vector<1x16xf32> to vector<16xf32>
        %swap3A_852 = vector.shape_cast %bitcast_convert_type3A_842 : vector<16xf32> to vector<1x16xf32>
        tpu.vector_store %arg11[%swap3A_848, %swap3A_849], %swap3A_852 {strides = array<i32>} : memref<64x128xf32, #tpu.memory_space<vmem>>, vector<1x16xf32>,
        %get3A_853 = arith.index_cast %add3A_821 : i32 to index
        %get3A_854 = arith.constant 32 : index
        %get3A_855 = tpu.vector_load %arg9[%get3A_853, %get3A_854] {strides = array<i32>} : memref<64x64xi32, #tpu.memory_space<vmem>>, vector<1x16xi32>,
        %get3A_856 = vector.shape_cast %get3A_855 : vector<1x16xi32> to vector<16xi32>
        %shift_left3A_857 = arith.shli %get3A_856, %broadcast_in_dim3A_797 : vector<16xi32>
        %bitcast_convert_type3A_858 = tpu.bitcast %shift_left3A_857 : vector<16xi32> -> vector<16xf32>
        %and3A_859 = arith.andi %get3A_856, %broadcast_in_dim3A_795 : vector<16xi32>
        %bitcast_convert_type3A_860 = tpu.bitcast %and3A_859 : vector<16xi32> -> vector<16xf32>
        %swap3A_861 = arith.index_cast %add3A_821 : i32 to index
        %swap3A_862 = arith.constant 64 : index
        %swap3A_863 = tpu.vector_load %arg11[%swap3A_861, %swap3A_862] {strides = array<i32>} : memref<64x128xf32, #tpu.memory_space<vmem>>, vector<1x16xf32>,
        %swap3A_864 = vector.shape_cast %swap3A_863 : vector<1x16xf32> to vector<16xf32>
        %swap3A_865 = vector.shape_cast %bitcast_convert_type3A_858 : vector<16xf32> to vector<1x16xf32>
        tpu.vector_store %arg11[%swap3A_861, %swap3A_862], %swap3A_865 {strides = array<i32>} : memref<64x128xf32, #tpu.memory_space<vmem>>, vector<1x16xf32>,
        %swap3A_866 = arith.index_cast %add3A_821 : i32 to index
        %swap3A_867 = arith.constant 80 : index
        %swap3A_868 = tpu.vector_load %arg11[%swap3A_866, %swap3A_867] {strides = array<i32>} : memref<64x128xf32, #tpu.memory_space<vmem>>, vector<1x16xf32>,
        %swap3A_869 = vector.shape_cast %swap3A_868 : vector<1x16xf32> to vector<16xf32>
        %swap3A_870 = vector.shape_cast %bitcast_convert_type3A_860 : vector<16xf32> to vector<1x16xf32>
        tpu.vector_store %arg11[%swap3A_866, %swap3A_867], %swap3A_870 {strides = array<i32>} : memref<64x128xf32, #tpu.memory_space<vmem>>, vector<1x16xf32>,
        %get3A_871 = arith.index_cast %add3A_821 : i32 to index
        %get3A_872 = arith.constant 48 : index
        %get3A_873 = tpu.vector_load %arg9[%get3A_871, %get3A_872] {strides = array<i32>} : memref<64x64xi32, #tpu.memory_space<vmem>>, vector<1x16xi32>,
        %get3A_874 = vector.shape_cast %get3A_873 : vector<1x16xi32> to vector<16xi32>
        %shift_left3A_875 = arith.shli %get3A_874, %broadcast_in_dim3A_797 : vector<16xi32>
        %bitcast_convert_type3A_876 = tpu.bitcast %shift_left3A_875 : vector<16xi32> -> vector<16xf32>
        %and3A_877 = arith.andi %get3A_874, %broadcast_in_dim3A_795 : vector<16xi32>
        %bitcast_convert_type3A_878 = tpu.bitcast %and3A_877 : vector<16xi32> -> vector<16xf32>
        %swap3A_879 = arith.index_cast %add3A_821 : i32 to index
        %swap3A_880 = arith.constant 96 : index
        %swap3A_881 = tpu.vector_load %arg11[%swap3A_879, %swap3A_880] {strides = array<i32>} : memref<64x128xf32, #tpu.memory_space<vmem>>, vector<1x16xf32>,
        %swap3A_882 = vector.shape_cast %swap3A_881 : vector<1x16xf32> to vector<16xf32>
        %swap3A_883 = vector.shape_cast %bitcast_convert_type3A_876 : vector<16xf32> to vector<1x16xf32>
        tpu.vector_store %arg11[%swap3A_879, %swap3A_880], %swap3A_883 {strides = array<i32>} : memref<64x128xf32, #tpu.memory_space<vmem>>, vector<1x16xf32>,
        %swap3A_884 = arith.index_cast %add3A_821 : i32 to index
        %swap3A_885 = arith.constant 112 : index
        %swap3A_886 = tpu.vector_load %arg11[%swap3A_884, %swap3A_885] {strides = array<i32>} : memref<64x128xf32, #tpu.memory_space<vmem>>, vector<1x16xf32>,
        %swap3A_887 = vector.shape_cast %swap3A_886 : vector<1x16xf32> to vector<16xf32>
        %swap3A_888 = vector.shape_cast %bitcast_convert_type3A_878 : vector<16xf32> to vector<1x16xf32>
        tpu.vector_store %arg11[%swap3A_884, %swap3A_885], %swap3A_888 {strides = array<i32>} : memref<64x128xf32, #tpu.memory_space<vmem>>, vector<1x16xf32>,
      }
      %scan3A_802 = arith.constant 64 : i32
      %dma_start3A_803 = arith.constant 0 : i32
      %dma_start3A_804 = tpu.memref_slice %arg7[%add3A_779, %dma_start3A_803] : memref<40x64xi32, #tpu.memory_space<vmem>> -> memref<1x64xi32, #tpu.memory_space<vmem>>
      %dma_start3A_805 = tpu.memref_squeeze %dma_start3A_804 : memref<1x64xi32, #tpu.memory_space<vmem>> -> memref<64xi32, #tpu.memory_space<vmem>>
      %dma_start3A_806 = arith.constant 0 : i32
      %dma_start3A_807 = arith.constant 0 : i32
      %dma_start3A_808 = tpu.memref_slice %arg12[%dma_start3A_806, %dma_start3A_807] : memref<10112x128xf32, #tpu.memory_space<vmem_shared>> -> memref<10112x128xf32, #tpu.memory_space<vmem_shared>>
      tpu.enqueue_indirect_dma source(%arg11 : memref<64x128xf32, #tpu.memory_space<vmem>>) target(%dma_start3A_808 : memref<10112x128xf32, #tpu.memory_space<vmem_shared>>) offsets(%dma_start3A_805 : memref<64xi32, #tpu.memory_space<vmem>>) semaphore(%arg17 : memref<!tpu.dma_semaphore, #tpu.memory_space<semaphore_mem>>) {add = true}
      %add3A_809 = arith.constant 2 : i32
      %add3A_810 = arith.addi %add3A_779, %add3A_809 : i32
      %dma_start3A_811 = arith.constant 0 : i32
      %dma_start3A_812 = tpu.memref_slice %arg6[%add3A_810, %dma_start3A_811] : memref<40x64xi32, #tpu.memory_space<vmem>> -> memref<1x64xi32, #tpu.memory_space<vmem>>
      %dma_start3A_813 = tpu.memref_squeeze %dma_start3A_812 : memref<1x64xi32, #tpu.memory_space<vmem>> -> memref<64xi32, #tpu.memory_space<vmem>>
      %dma_start3A_814 = arith.constant 0 : i32
      %dma_start3A_815 = arith.constant 0 : i32
      %dma_start3A_816 = tpu.memref_slice %arg2[%dma_start3A_814, %dma_start3A_815] : memref<10000x64xi32, #tpu.memory_space<hbm>> -> memref<10000x64xi32, #tpu.memory_space<hbm>>
      tpu.enqueue_indirect_dma source(%dma_start3A_816 : memref<10000x64xi32, #tpu.memory_space<hbm>>) target(%arg9 : memref<64x64xi32, #tpu.memory_space<vmem>>) offsets(%dma_start3A_813 : memref<64xi32, #tpu.memory_space<vmem>>) semaphore(%arg15 : memref<!tpu.dma_semaphore, #tpu.memory_space<semaphore_mem>>)
    }
    %scan3A_292 = arith.constant 18 : i32
    %dma_wait3A_293 = arith.constant 0 : i32
    %dma_wait3A_294 = arith.constant 0 : i32
    %dma_wait3A_295 = tpu.memref_slice %arg6[%dma_wait3A_293, %dma_wait3A_294] : memref<40x64xi32, #tpu.memory_space<vmem>> -> memref<1x64xi32, #tpu.memory_space<vmem>>
    %dma_wait3A_296 = tpu.memref_squeeze %dma_wait3A_295 : memref<1x64xi32, #tpu.memory_space<vmem>> -> memref<64xi32, #tpu.memory_space<vmem>>
    %dma_wait3A_297 = arith.constant 0 : i32
    %dma_wait3A_298 = arith.constant 0 : i32
    %dma_wait3A_299 = tpu.memref_slice %arg2[%dma_wait3A_297, %dma_wait3A_298] : memref<10000x64xi32, #tpu.memory_space<hbm>> -> memref<10000x64xi32, #tpu.memory_space<hbm>>
    tpu.wait_indirect_dma semaphore(%arg14 : memref<!tpu.dma_semaphore, #tpu.memory_space<semaphore_mem>>) src(%dma_wait3A_299 : memref<10000x64xi32, #tpu.memory_space<hbm>>) dst(%arg8 : memref<64x64xi32, #tpu.memory_space<vmem>>)
    %dma_wait3A_300 = arith.constant 0 : i32
    %dma_wait3A_301 = arith.constant 0 : i32
    %dma_wait3A_302 = tpu.memref_slice %arg7[%dma_wait3A_300, %dma_wait3A_301] : memref<40x64xi32, #tpu.memory_space<vmem>> -> memref<1x64xi32, #tpu.memory_space<vmem>>
    %dma_wait3A_303 = tpu.memref_squeeze %dma_wait3A_302 : memref<1x64xi32, #tpu.memory_space<vmem>> -> memref<64xi32, #tpu.memory_space<vmem>>
    %dma_wait3A_304 = arith.constant 0 : i32
    %dma_wait3A_305 = arith.constant 0 : i32
    %dma_wait3A_306 = tpu.memref_slice %arg12[%dma_wait3A_304, %dma_wait3A_305] : memref<10112x128xf32, #tpu.memory_space<vmem_shared>> -> memref<10112x128xf32, #tpu.memory_space<vmem_shared>>
    tpu.wait_indirect_dma semaphore(%arg16 : memref<!tpu.dma_semaphore, #tpu.memory_space<semaphore_mem>>) src(%arg10 : memref<64x128xf32, #tpu.memory_space<vmem>>) dst(%dma_wait3A_306 : memref<10112x128xf32, #tpu.memory_space<vmem_shared>>)
    %broadcast_in_dim3A_307 = arith.constant -65536 : i32
    %broadcast_in_dim3A_308 = vector.broadcast %broadcast_in_dim3A_307 : i32 to vector<16xi32>
    %broadcast_in_dim3A_309 = arith.constant 16 : i32
    %broadcast_in_dim3A_310 = vector.broadcast %broadcast_in_dim3A_309 : i32 to vector<16xi32>
    %scan3A_311 = arith.constant 0 : i32
    %scan3A_312 = arith.constant 64 : i32
    %scan3A_313 = arith.addi %scan3A_311, %scan3A_312 : i32
    %scan3A_314 = arith.constant 1 : i32
    scf.for %scan3A_726 = %scan3A_311 to %scan3A_313 step %scan3A_314  : i32 {
      %mul3A_727 = arith.constant 1 : i32
      %mul3A_728 = arith.muli %scan3A_726, %mul3A_727 : i32
      %add3A_729 = arith.constant 0 : i32
      %add3A_730 = arith.addi %add3A_729, %mul3A_728 : i32
      %get3A = arith.index_cast %add3A_730 : i32 to index
      %get3A_731 = arith.constant 0 : index
      %get3A_732 = tpu.vector_load %arg8[%get3A, %get3A_731] {strides = array<i32>} : memref<64x64xi32, #tpu.memory_space<vmem>>, vector<1x16xi32>,
      %get3A_733 = vector.shape_cast %get3A_732 : vector<1x16xi32> to vector<16xi32>
      %shift_left3A = arith.shli %get3A_733, %broadcast_in_dim3A_310 : vector<16xi32>
      %bitcast_convert_type3A = tpu.bitcast %shift_left3A : vector<16xi32> -> vector<16xf32>
      %and3A = arith.andi %get3A_733, %broadcast_in_dim3A_308 : vector<16xi32>
      %bitcast_convert_type3A_734 = tpu.bitcast %and3A : vector<16xi32> -> vector<16xf32>
      %swap3A = arith.index_cast %add3A_730 : i32 to index
      %swap3A_735 = arith.constant 0 : index
      %swap3A_736 = tpu.vector_load %arg10[%swap3A, %swap3A_735] {strides = array<i32>} : memref<64x128xf32, #tpu.memory_space<vmem>>, vector<1x16xf32>,
      %swap3A_737 = vector.shape_cast %swap3A_736 : vector<1x16xf32> to vector<16xf32>
      %swap3A_738 = vector.shape_cast %bitcast_convert_type3A : vector<16xf32> to vector<1x16xf32>
      tpu.vector_store %arg10[%swap3A, %swap3A_735], %swap3A_738 {strides = array<i32>} : memref<64x128xf32, #tpu.memory_space<vmem>>, vector<1x16xf32>,
      %swap3A_739 = arith.index_cast %add3A_730 : i32 to index
      %swap3A_740 = arith.constant 16 : index
      %swap3A_741 = tpu.vector_load %arg10[%swap3A_739, %swap3A_740] {strides = array<i32>} : memref<64x128xf32, #tpu.memory_space<vmem>>, vector<1x16xf32>,
      %swap3A_742 = vector.shape_cast %swap3A_741 : vector<1x16xf32> to vector<16xf32>
      %swap3A_743 = vector.shape_cast %bitcast_convert_type3A_734 : vector<16xf32> to vector<1x16xf32>
      tpu.vector_store %arg10[%swap3A_739, %swap3A_740], %swap3A_743 {strides = array<i32>} : memref<64x128xf32, #tpu.memory_space<vmem>>, vector<1x16xf32>,
      %get3A_744 = arith.index_cast %add3A_730 : i32 to index
      %get3A_745 = arith.constant 16 : index
      %get3A_746 = tpu.vector_load %arg8[%get3A_744, %get3A_745] {strides = array<i32>} : memref<64x64xi32, #tpu.memory_space<vmem>>, vector<1x16xi32>,
      %get3A_747 = vector.shape_cast %get3A_746 : vector<1x16xi32> to vector<16xi32>
      %shift_left3A_748 = arith.shli %get3A_747, %broadcast_in_dim3A_310 : vector<16xi32>
      %bitcast_convert_type3A_749 = tpu.bitcast %shift_left3A_748 : vector<16xi32> -> vector<16xf32>
      %and3A_750 = arith.andi %get3A_747, %broadcast_in_dim3A_308 : vector<16xi32>
      %bitcast_convert_type3A_751 = tpu.bitcast %and3A_750 : vector<16xi32> -> vector<16xf32>
      %swap3A_752 = arith.index_cast %add3A_730 : i32 to index
      %swap3A_753 = arith.constant 32 : index
      %swap3A_754 = tpu.vector_load %arg10[%swap3A_752, %swap3A_753] {strides = array<i32>} : memref<64x128xf32, #tpu.memory_space<vmem>>, vector<1x16xf32>,
      %swap3A_755 = vector.shape_cast %swap3A_754 : vector<1x16xf32> to vector<16xf32>
      %swap3A_756 = vector.shape_cast %bitcast_convert_type3A_749 : vector<16xf32> to vector<1x16xf32>
      tpu.vector_store %arg10[%swap3A_752, %swap3A_753], %swap3A_756 {strides = array<i32>} : memref<64x128xf32, #tpu.memory_space<vmem>>, vector<1x16xf32>,
      %swap3A_757 = arith.index_cast %add3A_730 : i32 to index
      %swap3A_758 = arith.constant 48 : index
      %swap3A_759 = tpu.vector_load %arg10[%swap3A_757, %swap3A_758] {strides = array<i32>} : memref<64x128xf32, #tpu.memory_space<vmem>>, vector<1x16xf32>,
      %swap3A_760 = vector.shape_cast %swap3A_759 : vector<1x16xf32> to vector<16xf32>
      %swap3A_761 = vector.shape_cast %bitcast_convert_type3A_751 : vector<16xf32> to vector<1x16xf32>
      tpu.vector_store %arg10[%swap3A_757, %swap3A_758], %swap3A_761 {strides = array<i32>} : memref<64x128xf32, #tpu.memory_space<vmem>>, vector<1x16xf32>,
      %get3A_762 = arith.index_cast %add3A_730 : i32 to index
      %get3A_763 = arith.constant 32 : index
      %get3A_764 = tpu.vector_load %arg8[%get3A_762, %get3A_763] {strides = array<i32>} : memref<64x64xi32, #tpu.memory_space<vmem>>, vector<1x16xi32>,
      %get3A_765 = vector.shape_cast %get3A_764 : vector<1x16xi32> to vector<16xi32>
      %shift_left3A_766 = arith.shli %get3A_765, %broadcast_in_dim3A_310 : vector<16xi32>
      %bitcast_convert_type3A_767 = tpu.bitcast %shift_left3A_766 : vector<16xi32> -> vector<16xf32>
      %and3A_768 = arith.andi %get3A_765, %broadcast_in_dim3A_308 : vector<16xi32>
      %bitcast_convert_type3A_769 = tpu.bitcast %and3A_768 : vector<16xi32> -> vector<16xf32>
      %swap3A_770 = arith.index_cast %add3A_730 : i32 to index
      %swap3A_771 = arith.constant 64 : index
      %swap3A_772 = tpu.vector_load %arg10[%swap3A_770, %swap3A_771] {strides = array<i32>} : memref<64x128xf32, #tpu.memory_space<vmem>>, vector<1x16xf32>,
      %swap3A_773 = vector.shape_cast %swap3A_772 : vector<1x16xf32> to vector<16xf32>
      %swap3A_774 = vector.shape_cast %bitcast_convert_type3A_767 : vector<16xf32> to vector<1x16xf32>
      tpu.vector_store %arg10[%swap3A_770, %swap3A_771], %swap3A_774 {strides = array<i32>} : memref<64x128xf32, #tpu.memory_space<vmem>>, vector<1x16xf32>,
      %swap3A_775 = arith.index_cast %add3A_730 : i32 to index
      %swap3A_776 = arith.constant 80 : index
      %swap3A_777 = tpu.vector_load %arg10[%swap3A_775, %swap3A_776] {strides = array<i32>} : memref<64x128xf32, #tpu.memory_space<vmem>>, vector<1x16xf32>,
      %swap3A_778 = vector.shape_cast %swap3A_777 : vector<1x16xf32> to vector<16xf32>
      %swap3A_779 = vector.shape_cast %bitcast_convert_type3A_769 : vector<16xf32> to vector<1x16xf32>
      tpu.vector_store %arg10[%swap3A_775, %swap3A_776], %swap3A_779 {strides = array<i32>} : memref<64x128xf32, #tpu.memory_space<vmem>>, vector<1x16xf32>,
      %get3A_780 = arith.index_cast %add3A_730 : i32 to index
      %get3A_781 = arith.constant 48 : index
      %get3A_782 = tpu.vector_load %arg8[%get3A_780, %get3A_781] {strides = array<i32>} : memref<64x64xi32, #tpu.memory_space<vmem>>, vector<1x16xi32>,
      %get3A_783 = vector.shape_cast %get3A_782 : vector<1x16xi32> to vector<16xi32>
      %shift_left3A_784 = arith.shli %get3A_783, %broadcast_in_dim3A_310 : vector<16xi32>
      %bitcast_convert_type3A_785 = tpu.bitcast %shift_left3A_784 : vector<16xi32> -> vector<16xf32>
      %and3A_786 = arith.andi %get3A_783, %broadcast_in_dim3A_308 : vector<16xi32>
      %bitcast_convert_type3A_787 = tpu.bitcast %and3A_786 : vector<16xi32> -> vector<16xf32>
      %swap3A_788 = arith.index_cast %add3A_730 : i32 to index
      %swap3A_789 = arith.constant 96 : index
      %swap3A_790 = tpu.vector_load %arg10[%swap3A_788, %swap3A_789] {strides = array<i32>} : memref<64x128xf32, #tpu.memory_space<vmem>>, vector<1x16xf32>,
      %swap3A_791 = vector.shape_cast %swap3A_790 : vector<1x16xf32> to vector<16xf32>
      %swap3A_792 = vector.shape_cast %bitcast_convert_type3A_785 : vector<16xf32> to vector<1x16xf32>
      tpu.vector_store %arg10[%swap3A_788, %swap3A_789], %swap3A_792 {strides = array<i32>} : memref<64x128xf32, #tpu.memory_space<vmem>>, vector<1x16xf32>,
      %swap3A_793 = arith.index_cast %add3A_730 : i32 to index
      %swap3A_794 = arith.constant 112 : index
      %swap3A_795 = tpu.vector_load %arg10[%swap3A_793, %swap3A_794] {strides = array<i32>} : memref<64x128xf32, #tpu.memory_space<vmem>>, vector<1x16xf32>,
      %swap3A_796 = vector.shape_cast %swap3A_795 : vector<1x16xf32> to vector<16xf32>
      %swap3A_797 = vector.shape_cast %bitcast_convert_type3A_787 : vector<16xf32> to vector<1x16xf32>
      tpu.vector_store %arg10[%swap3A_793, %swap3A_794], %swap3A_797 {strides = array<i32>} : memref<64x128xf32, #tpu.memory_space<vmem>>, vector<1x16xf32>,
    }
    %scan3A_315 = arith.constant 64 : i32
    %dma_start3A_316 = arith.constant 38 : i32
    %dma_start3A_317 = arith.constant 0 : i32
    %dma_start3A_318 = tpu.memref_slice %arg7[%dma_start3A_316, %dma_start3A_317] : memref<40x64xi32, #tpu.memory_space<vmem>> -> memref<1x64xi32, #tpu.memory_space<vmem>>
    %dma_start3A_319 = tpu.memref_squeeze %dma_start3A_318 : memref<1x64xi32, #tpu.memory_space<vmem>> -> memref<64xi32, #tpu.memory_space<vmem>>
    %dma_start3A_320 = arith.constant 0 : i32
    %dma_start3A_321 = arith.constant 0 : i32
    %dma_start3A_322 = tpu.memref_slice %arg12[%dma_start3A_320, %dma_start3A_321] : memref<10112x128xf32, #tpu.memory_space<vmem_shared>> -> memref<10112x128xf32, #tpu.memory_space<vmem_shared>>
    tpu.enqueue_indirect_dma source(%arg10 : memref<64x128xf32, #tpu.memory_space<vmem>>) target(%dma_start3A_322 : memref<10112x128xf32, #tpu.memory_space<vmem_shared>>) offsets(%dma_start3A_319 : memref<64xi32, #tpu.memory_space<vmem>>) semaphore(%arg16 : memref<!tpu.dma_semaphore, #tpu.memory_space<semaphore_mem>>) {add = true}
    %dma_wait3A_323 = arith.constant 0 : i32
    %dma_wait3A_324 = arith.constant 0 : i32
    %dma_wait3A_325 = tpu.memref_slice %arg6[%dma_wait3A_323, %dma_wait3A_324] : memref<40x64xi32, #tpu.memory_space<vmem>> -> memref<1x64xi32, #tpu.memory_space<vmem>>
    %dma_wait3A_326 = tpu.memref_squeeze %dma_wait3A_325 : memref<1x64xi32, #tpu.memory_space<vmem>> -> memref<64xi32, #tpu.memory_space<vmem>>
    %dma_wait3A_327 = arith.constant 0 : i32
    %dma_wait3A_328 = arith.constant 0 : i32
    %dma_wait3A_329 = tpu.memref_slice %arg2[%dma_wait3A_327, %dma_wait3A_328] : memref<10000x64xi32, #tpu.memory_space<hbm>> -> memref<10000x64xi32, #tpu.memory_space<hbm>>
    tpu.wait_indirect_dma semaphore(%arg15 : memref<!tpu.dma_semaphore, #tpu.memory_space<semaphore_mem>>) src(%dma_wait3A_329 : memref<10000x64xi32, #tpu.memory_space<hbm>>) dst(%arg9 : memref<64x64xi32, #tpu.memory_space<vmem>>)
    %dma_wait3A_330 = arith.constant 0 : i32
    %dma_wait3A_331 = arith.constant 0 : i32
    %dma_wait3A_332 = tpu.memref_slice %arg7[%dma_wait3A_330, %dma_wait3A_331] : memref<40x64xi32, #tpu.memory_space<vmem>> -> memref<1x64xi32, #tpu.memory_space<vmem>>
    %dma_wait3A_333 = tpu.memref_squeeze %dma_wait3A_332 : memref<1x64xi32, #tpu.memory_space<vmem>> -> memref<64xi32, #tpu.memory_space<vmem>>
    %dma_wait3A_334 = arith.constant 0 : i32
    %dma_wait3A_335 = arith.constant 0 : i32
    %dma_wait3A_336 = tpu.memref_slice %arg12[%dma_wait3A_334, %dma_wait3A_335] : memref<10112x128xf32, #tpu.memory_space<vmem_shared>> -> memref<10112x128xf32, #tpu.memory_space<vmem_shared>>
    tpu.wait_indirect_dma semaphore(%arg17 : memref<!tpu.dma_semaphore, #tpu.memory_space<semaphore_mem>>) src(%arg11 : memref<64x128xf32, #tpu.memory_space<vmem>>) dst(%dma_wait3A_336 : memref<10112x128xf32, #tpu.memory_space<vmem_shared>>)
    %broadcast_in_dim3A_337 = arith.constant -65536 : i32
    %broadcast_in_dim3A_338 = vector.broadcast %broadcast_in_dim3A_337 : i32 to vector<16xi32>
    %broadcast_in_dim3A_339 = arith.constant 16 : i32
    %broadcast_in_dim3A_340 = vector.broadcast %broadcast_in_dim3A_339 : i32 to vector<16xi32>
    %scan3A_341 = arith.constant 0 : i32
    %scan3A_342 = arith.constant 64 : i32
    %scan3A_343 = arith.addi %scan3A_341, %scan3A_342 : i32
    %scan3A_344 = arith.constant 1 : i32
    scf.for %scan3A_726 = %scan3A_341 to %scan3A_343 step %scan3A_344  : i32 {
      %mul3A_727 = arith.constant 1 : i32
      %mul3A_728 = arith.muli %scan3A_726, %mul3A_727 : i32
      %add3A_729 = arith.constant 0 : i32
      %add3A_730 = arith.addi %add3A_729, %mul3A_728 : i32
      %get3A = arith.index_cast %add3A_730 : i32 to index
      %get3A_731 = arith.constant 0 : index
      %get3A_732 = tpu.vector_load %arg9[%get3A, %get3A_731] {strides = array<i32>} : memref<64x64xi32, #tpu.memory_space<vmem>>, vector<1x16xi32>,
      %get3A_733 = vector.shape_cast %get3A_732 : vector<1x16xi32> to vector<16xi32>
      %shift_left3A = arith.shli %get3A_733, %broadcast_in_dim3A_340 : vector<16xi32>
      %bitcast_convert_type3A = tpu.bitcast %shift_left3A : vector<16xi32> -> vector<16xf32>
      %and3A = arith.andi %get3A_733, %broadcast_in_dim3A_338 : vector<16xi32>
      %bitcast_convert_type3A_734 = tpu.bitcast %and3A : vector<16xi32> -> vector<16xf32>
      %swap3A = arith.index_cast %add3A_730 : i32 to index
      %swap3A_735 = arith.constant 0 : index
      %swap3A_736 = tpu.vector_load %arg11[%swap3A, %swap3A_735] {strides = array<i32>} : memref<64x128xf32, #tpu.memory_space<vmem>>, vector<1x16xf32>,
      %swap3A_737 = vector.shape_cast %swap3A_736 : vector<1x16xf32> to vector<16xf32>
      %swap3A_738 = vector.shape_cast %bitcast_convert_type3A : vector<16xf32> to vector<1x16xf32>
      tpu.vector_store %arg11[%swap3A, %swap3A_735], %swap3A_738 {strides = array<i32>} : memref<64x128xf32, #tpu.memory_space<vmem>>, vector<1x16xf32>,
      %swap3A_739 = arith.index_cast %add3A_730 : i32 to index
      %swap3A_740 = arith.constant 16 : index
      %swap3A_741 = tpu.vector_load %arg11[%swap3A_739, %swap3A_740] {strides = array<i32>} : memref<64x128xf32, #tpu.memory_space<vmem>>, vector<1x16xf32>,
      %swap3A_742 = vector.shape_cast %swap3A_741 : vector<1x16xf32> to vector<16xf32>
      %swap3A_743 = vector.shape_cast %bitcast_convert_type3A_734 : vector<16xf32> to vector<1x16xf32>
      tpu.vector_store %arg11[%swap3A_739, %swap3A_740], %swap3A_743 {strides = array<i32>} : memref<64x128xf32, #tpu.memory_space<vmem>>, vector<1x16xf32>,
      %get3A_744 = arith.index_cast %add3A_730 : i32 to index
      %get3A_745 = arith.constant 16 : index
      %get3A_746 = tpu.vector_load %arg9[%get3A_744, %get3A_745] {strides = array<i32>} : memref<64x64xi32, #tpu.memory_space<vmem>>, vector<1x16xi32>,
      %get3A_747 = vector.shape_cast %get3A_746 : vector<1x16xi32> to vector<16xi32>
      %shift_left3A_748 = arith.shli %get3A_747, %broadcast_in_dim3A_340 : vector<16xi32>
      %bitcast_convert_type3A_749 = tpu.bitcast %shift_left3A_748 : vector<16xi32> -> vector<16xf32>
      %and3A_750 = arith.andi %get3A_747, %broadcast_in_dim3A_338 : vector<16xi32>
      %bitcast_convert_type3A_751 = tpu.bitcast %and3A_750 : vector<16xi32> -> vector<16xf32>
      %swap3A_752 = arith.index_cast %add3A_730 : i32 to index
      %swap3A_753 = arith.constant 32 : index
      %swap3A_754 = tpu.vector_load %arg11[%swap3A_752, %swap3A_753] {strides = array<i32>} : memref<64x128xf32, #tpu.memory_space<vmem>>, vector<1x16xf32>,
      %swap3A_755 = vector.shape_cast %swap3A_754 : vector<1x16xf32> to vector<16xf32>
      %swap3A_756 = vector.shape_cast %bitcast_convert_type3A_749 : vector<16xf32> to vector<1x16xf32>
      tpu.vector_store %arg11[%swap3A_752, %swap3A_753], %swap3A_756 {strides = array<i32>} : memref<64x128xf32, #tpu.memory_space<vmem>>, vector<1x16xf32>,
      %swap3A_757 = arith.index_cast %add3A_730 : i32 to index
      %swap3A_758 = arith.constant 48 : index
      %swap3A_759 = tpu.vector_load %arg11[%swap3A_757, %swap3A_758] {strides = array<i32>} : memref<64x128xf32, #tpu.memory_space<vmem>>, vector<1x16xf32>,
      %swap3A_760 = vector.shape_cast %swap3A_759 : vector<1x16xf32> to vector<16xf32>
      %swap3A_761 = vector.shape_cast %bitcast_convert_type3A_751 : vector<16xf32> to vector<1x16xf32>
      tpu.vector_store %arg11[%swap3A_757, %swap3A_758], %swap3A_761 {strides = array<i32>} : memref<64x128xf32, #tpu.memory_space<vmem>>, vector<1x16xf32>,
      %get3A_762 = arith.index_cast %add3A_730 : i32 to index
      %get3A_763 = arith.constant 32 : index
      %get3A_764 = tpu.vector_load %arg9[%get3A_762, %get3A_763] {strides = array<i32>} : memref<64x64xi32, #tpu.memory_space<vmem>>, vector<1x16xi32>,
      %get3A_765 = vector.shape_cast %get3A_764 : vector<1x16xi32> to vector<16xi32>
      %shift_left3A_766 = arith.shli %get3A_765, %broadcast_in_dim3A_340 : vector<16xi32>
      %bitcast_convert_type3A_767 = tpu.bitcast %shift_left3A_766 : vector<16xi32> -> vector<16xf32>
      %and3A_768 = arith.andi %get3A_765, %broadcast_in_dim3A_338 : vector<16xi32>
      %bitcast_convert_type3A_769 = tpu.bitcast %and3A_768 : vector<16xi32> -> vector<16xf32>
      %swap3A_770 = arith.index_cast %add3A_730 : i32 to index
      %swap3A_771 = arith.constant 64 : index
      %swap3A_772 = tpu.vector_load %arg11[%swap3A_770, %swap3A_771] {strides = array<i32>} : memref<64x128xf32, #tpu.memory_space<vmem>>, vector<1x16xf32>,
      %swap3A_773 = vector.shape_cast %swap3A_772 : vector<1x16xf32> to vector<16xf32>
      %swap3A_774 = vector.shape_cast %bitcast_convert_type3A_767 : vector<16xf32> to vector<1x16xf32>
      tpu.vector_store %arg11[%swap3A_770, %swap3A_771], %swap3A_774 {strides = array<i32>} : memref<64x128xf32, #tpu.memory_space<vmem>>, vector<1x16xf32>,
      %swap3A_775 = arith.index_cast %add3A_730 : i32 to index
      %swap3A_776 = arith.constant 80 : index
      %swap3A_777 = tpu.vector_load %arg11[%swap3A_775, %swap3A_776] {strides = array<i32>} : memref<64x128xf32, #tpu.memory_space<vmem>>, vector<1x16xf32>,
      %swap3A_778 = vector.shape_cast %swap3A_777 : vector<1x16xf32> to vector<16xf32>
      %swap3A_779 = vector.shape_cast %bitcast_convert_type3A_769 : vector<16xf32> to vector<1x16xf32>
      tpu.vector_store %arg11[%swap3A_775, %swap3A_776], %swap3A_779 {strides = array<i32>} : memref<64x128xf32, #tpu.memory_space<vmem>>, vector<1x16xf32>,
      %get3A_780 = arith.index_cast %add3A_730 : i32 to index
      %get3A_781 = arith.constant 48 : index
      %get3A_782 = tpu.vector_load %arg9[%get3A_780, %get3A_781] {strides = array<i32>} : memref<64x64xi32, #tpu.memory_space<vmem>>, vector<1x16xi32>,
      %get3A_783 = vector.shape_cast %get3A_782 : vector<1x16xi32> to vector<16xi32>
      %shift_left3A_784 = arith.shli %get3A_783, %broadcast_in_dim3A_340 : vector<16xi32>
      %bitcast_convert_type3A_785 = tpu.bitcast %shift_left3A_784 : vector<16xi32> -> vector<16xf32>
      %and3A_786 = arith.andi %get3A_783, %broadcast_in_dim3A_338 : vector<16xi32>
      %bitcast_convert_type3A_787 = tpu.bitcast %and3A_786 : vector<16xi32> -> vector<16xf32>
      %swap3A_788 = arith.index_cast %add3A_730 : i32 to index
      %swap3A_789 = arith.constant 96 : index
      %swap3A_790 = tpu.vector_load %arg11[%swap3A_788, %swap3A_789] {strides = array<i32>} : memref<64x128xf32, #tpu.memory_space<vmem>>, vector<1x16xf32>,
      %swap3A_791 = vector.shape_cast %swap3A_790 : vector<1x16xf32> to vector<16xf32>
      %swap3A_792 = vector.shape_cast %bitcast_convert_type3A_785 : vector<16xf32> to vector<1x16xf32>
      tpu.vector_store %arg11[%swap3A_788, %swap3A_789], %swap3A_792 {strides = array<i32>} : memref<64x128xf32, #tpu.memory_space<vmem>>, vector<1x16xf32>,
      %swap3A_793 = arith.index_cast %add3A_730 : i32 to index
      %swap3A_794 = arith.constant 112 : index
      %swap3A_795 = tpu.vector_load %arg11[%swap3A_793, %swap3A_794] {strides = array<i32>} : memref<64x128xf32, #tpu.memory_space<vmem>>, vector<1x16xf32>,
      %swap3A_796 = vector.shape_cast %swap3A_795 : vector<1x16xf32> to vector<16xf32>
      %swap3A_797 = vector.shape_cast %bitcast_convert_type3A_787 : vector<16xf32> to vector<1x16xf32>
      tpu.vector_store %arg11[%swap3A_793, %swap3A_794], %swap3A_797 {strides = array<i32>} : memref<64x128xf32, #tpu.memory_space<vmem>>, vector<1x16xf32>,
    }
    %scan3A_345 = arith.constant 64 : i32
    %dma_start3A_346 = arith.constant 39 : i32
    %dma_start3A_347 = arith.constant 0 : i32
    %dma_start3A_348 = tpu.memref_slice %arg7[%dma_start3A_346, %dma_start3A_347] : memref<40x64xi32, #tpu.memory_space<vmem>> -> memref<1x64xi32, #tpu.memory_space<vmem>>
    %dma_start3A_349 = tpu.memref_squeeze %dma_start3A_348 : memref<1x64xi32, #tpu.memory_space<vmem>> -> memref<64xi32, #tpu.memory_space<vmem>>
    %dma_start3A_350 = arith.constant 0 : i32
    %dma_start3A_351 = arith.constant 0 : i32
    %dma_start3A_352 = tpu.memref_slice %arg12[%dma_start3A_350, %dma_start3A_351] : memref<10112x128xf32, #tpu.memory_space<vmem_shared>> -> memref<10112x128xf32, #tpu.memory_space<vmem_shared>>
    tpu.enqueue_indirect_dma source(%arg11 : memref<64x128xf32, #tpu.memory_space<vmem>>) target(%dma_start3A_352 : memref<10112x128xf32, #tpu.memory_space<vmem_shared>>) offsets(%dma_start3A_349 : memref<64xi32, #tpu.memory_space<vmem>>) semaphore(%arg17 : memref<!tpu.dma_semaphore, #tpu.memory_space<semaphore_mem>>) {add = true}
    %dma_wait3A_353 = arith.constant 0 : i32
    %dma_wait3A_354 = arith.constant 0 : i32
    %dma_wait3A_355 = tpu.memref_slice %arg7[%dma_wait3A_353, %dma_wait3A_354] : memref<40x64xi32, #tpu.memory_space<vmem>> -> memref<1x64xi32, #tpu.memory_space<vmem>>
    %dma_wait3A_356 = tpu.memref_squeeze %dma_wait3A_355 : memref<1x64xi32, #tpu.memory_space<vmem>> -> memref<64xi32, #tpu.memory_space<vmem>>
    %dma_wait3A_357 = arith.constant 0 : i32
    %dma_wait3A_358 = arith.constant 0 : i32
    %dma_wait3A_359 = tpu.memref_slice %arg12[%dma_wait3A_357, %dma_wait3A_358] : memref<10112x128xf32, #tpu.memory_space<vmem_shared>> -> memref<10112x128xf32, #tpu.memory_space<vmem_shared>>
    tpu.wait_indirect_dma semaphore(%arg16 : memref<!tpu.dma_semaphore, #tpu.memory_space<semaphore_mem>>) src(%arg10 : memref<64x128xf32, #tpu.memory_space<vmem>>) dst(%dma_wait3A_359 : memref<10112x128xf32, #tpu.memory_space<vmem_shared>>)
    %dma_wait3A_360 = arith.constant 0 : i32
    %dma_wait3A_361 = arith.constant 0 : i32
    %dma_wait3A_362 = tpu.memref_slice %arg7[%dma_wait3A_360, %dma_wait3A_361] : memref<40x64xi32, #tpu.memory_space<vmem>> -> memref<1x64xi32, #tpu.memory_space<vmem>>
    %dma_wait3A_363 = tpu.memref_squeeze %dma_wait3A_362 : memref<1x64xi32, #tpu.memory_space<vmem>> -> memref<64xi32, #tpu.memory_space<vmem>>
    %dma_wait3A_364 = arith.constant 0 : i32
    %dma_wait3A_365 = arith.constant 0 : i32
    %dma_wait3A_366 = tpu.memref_slice %arg12[%dma_wait3A_364, %dma_wait3A_365] : memref<10112x128xf32, #tpu.memory_space<vmem_shared>> -> memref<10112x128xf32, #tpu.memory_space<vmem_shared>>
    tpu.wait_indirect_dma semaphore(%arg17 : memref<!tpu.dma_semaphore, #tpu.memory_space<semaphore_mem>>) src(%arg11 : memref<64x128xf32, #tpu.memory_space<vmem>>) dst(%dma_wait3A_366 : memref<10112x128xf32, #tpu.memory_space<vmem_shared>>)
    %mul3A_367 = arith.constant 160 : i32
    %mul3A_368 = arith.muli %add3A, %mul3A_367 : i32
    %add3A_369 = arith.constant 80 : i32
    %add3A_370 = arith.addi %mul3A_368, %add3A_369 : i32
    %dma_start3A_371 = arith.constant 0 : i32
    %dma_start3A_372 = tpu.memref_slice %arg3[%add3A_370, %dma_start3A_371] : memref<5120x64xi32, #tpu.memory_space<hbm>> -> memref<40x64xi32, #tpu.memory_space<hbm>>
    %dma_start3A_373 = arith.constant 0 : i32
    %dma_start3A_374 = tpu.memref_slice %arg3[%add3A_370, %dma_start3A_373] : memref<5120x64xi32, #tpu.memory_space<hbm>> -> memref<40x64xi32, #tpu.memory_space<hbm>>
    tpu.enqueue_dma source(%dma_start3A_374 : memref<40x64xi32, #tpu.memory_space<hbm>>) target(%arg6 : memref<40x64xi32, #tpu.memory_space<vmem>>) target_semaphore(%arg13 : memref<!tpu.dma_semaphore, #tpu.memory_space<semaphore_mem>>)
    %dma_start3A_375 = arith.constant 0 : i32
    %dma_start3A_376 = tpu.memref_slice %arg4[%add3A_370, %dma_start3A_375] : memref<5120x64xi32, #tpu.memory_space<hbm>> -> memref<40x64xi32, #tpu.memory_space<hbm>>
    %dma_start3A_377 = arith.constant 0 : i32
    %dma_start3A_378 = tpu.memref_slice %arg4[%add3A_370, %dma_start3A_377] : memref<5120x64xi32, #tpu.memory_space<hbm>> -> memref<40x64xi32, #tpu.memory_space<hbm>>
    tpu.enqueue_dma source(%dma_start3A_378 : memref<40x64xi32, #tpu.memory_space<hbm>>) target(%arg7 : memref<40x64xi32, #tpu.memory_space<vmem>>) target_semaphore(%arg13 : memref<!tpu.dma_semaphore, #tpu.memory_space<semaphore_mem>>)
    %dma_wait3A_379 = arith.constant 0 : i32
    %dma_wait3A_380 = arith.constant 0 : i32
    %dma_wait3A_381 = tpu.memref_slice %arg3[%dma_wait3A_379, %dma_wait3A_380] : memref<5120x64xi32, #tpu.memory_space<hbm>> -> memref<40x64xi32, #tpu.memory_space<hbm>>
    %dma_wait3A_382 = arith.constant 0 : i32
    %dma_wait3A_383 = arith.constant 0 : i32
    %dma_wait3A_384 = tpu.memref_slice %arg3[%dma_wait3A_382, %dma_wait3A_383] : memref<5120x64xi32, #tpu.memory_space<hbm>> -> memref<40x64xi32, #tpu.memory_space<hbm>>
    tpu.wait_dma2 semaphore(%arg13 : memref<!tpu.dma_semaphore, #tpu.memory_space<semaphore_mem>>) src(%dma_wait3A_384 : memref<40x64xi32, #tpu.memory_space<hbm>>) dst(%arg6 : memref<40x64xi32, #tpu.memory_space<vmem>>)
    %dma_wait3A_385 = arith.constant 0 : i32
    %dma_wait3A_386 = arith.constant 0 : i32
    %dma_wait3A_387 = tpu.memref_slice %arg4[%dma_wait3A_385, %dma_wait3A_386] : memref<5120x64xi32, #tpu.memory_space<hbm>> -> memref<40x64xi32, #tpu.memory_space<hbm>>
    %dma_wait3A_388 = arith.constant 0 : i32
    %dma_wait3A_389 = arith.constant 0 : i32
    %dma_wait3A_390 = tpu.memref_slice %arg4[%dma_wait3A_388, %dma_wait3A_389] : memref<5120x64xi32, #tpu.memory_space<hbm>> -> memref<40x64xi32, #tpu.memory_space<hbm>>
    tpu.wait_dma2 semaphore(%arg13 : memref<!tpu.dma_semaphore, #tpu.memory_space<semaphore_mem>>) src(%dma_wait3A_390 : memref<40x64xi32, #tpu.memory_space<hbm>>) dst(%arg7 : memref<40x64xi32, #tpu.memory_space<vmem>>)
    %dma_start3A_391 = arith.constant 0 : i32
    %dma_start3A_392 = arith.constant 0 : i32
    %dma_start3A_393 = tpu.memref_slice %arg6[%dma_start3A_391, %dma_start3A_392] : memref<40x64xi32, #tpu.memory_space<vmem>> -> memref<1x64xi32, #tpu.memory_space<vmem>>
    %dma_start3A_394 = tpu.memref_squeeze %dma_start3A_393 : memref<1x64xi32, #tpu.memory_space<vmem>> -> memref<64xi32, #tpu.memory_space<vmem>>
    %dma_start3A_395 = arith.constant 0 : i32
    %dma_start3A_396 = arith.constant 0 : i32
    %dma_start3A_397 = tpu.memref_slice %arg2[%dma_start3A_395, %dma_start3A_396] : memref<10000x64xi32, #tpu.memory_space<hbm>> -> memref<10000x64xi32, #tpu.memory_space<hbm>>
    tpu.enqueue_indirect_dma source(%dma_start3A_397 : memref<10000x64xi32, #tpu.memory_space<hbm>>) target(%arg8 : memref<64x64xi32, #tpu.memory_space<vmem>>) offsets(%dma_start3A_394 : memref<64xi32, #tpu.memory_space<vmem>>) semaphore(%arg14 : memref<!tpu.dma_semaphore, #tpu.memory_space<semaphore_mem>>)
    %dma_start3A_398 = arith.constant 1 : i32
    %dma_start3A_399 = arith.constant 0 : i32
    %dma_start3A_400 = tpu.memref_slice %arg6[%dma_start3A_398, %dma_start3A_399] : memref<40x64xi32, #tpu.memory_space<vmem>> -> memref<1x64xi32, #tpu.memory_space<vmem>>
    %dma_start3A_401 = tpu.memref_squeeze %dma_start3A_400 : memref<1x64xi32, #tpu.memory_space<vmem>> -> memref<64xi32, #tpu.memory_space<vmem>>
    %dma_start3A_402 = arith.constant 0 : i32
    %dma_start3A_403 = arith.constant 0 : i32
    %dma_start3A_404 = tpu.memref_slice %arg2[%dma_start3A_402, %dma_start3A_403] : memref<10000x64xi32, #tpu.memory_space<hbm>> -> memref<10000x64xi32, #tpu.memory_space<hbm>>
    tpu.enqueue_indirect_dma source(%dma_start3A_404 : memref<10000x64xi32, #tpu.memory_space<hbm>>) target(%arg9 : memref<64x64xi32, #tpu.memory_space<vmem>>) offsets(%dma_start3A_401 : memref<64xi32, #tpu.memory_space<vmem>>) semaphore(%arg15 : memref<!tpu.dma_semaphore, #tpu.memory_space<semaphore_mem>>)
    %dma_wait3A_405 = arith.constant 0 : i32
    %dma_wait3A_406 = arith.constant 0 : i32
    %dma_wait3A_407 = tpu.memref_slice %arg6[%dma_wait3A_405, %dma_wait3A_406] : memref<40x64xi32, #tpu.memory_space<vmem>> -> memref<1x64xi32, #tpu.memory_space<vmem>>
    %dma_wait3A_408 = tpu.memref_squeeze %dma_wait3A_407 : memref<1x64xi32, #tpu.memory_space<vmem>> -> memref<64xi32, #tpu.memory_space<vmem>>
    %dma_wait3A_409 = arith.constant 0 : i32
    %dma_wait3A_410 = arith.constant 0 : i32
    %dma_wait3A_411 = tpu.memref_slice %arg2[%dma_wait3A_409, %dma_wait3A_410] : memref<10000x64xi32, #tpu.memory_space<hbm>> -> memref<10000x64xi32, #tpu.memory_space<hbm>>
    tpu.wait_indirect_dma semaphore(%arg14 : memref<!tpu.dma_semaphore, #tpu.memory_space<semaphore_mem>>) src(%dma_wait3A_411 : memref<10000x64xi32, #tpu.memory_space<hbm>>) dst(%arg8 : memref<64x64xi32, #tpu.memory_space<vmem>>)
    %broadcast_in_dim3A_412 = arith.constant -65536 : i32
    %broadcast_in_dim3A_413 = vector.broadcast %broadcast_in_dim3A_412 : i32 to vector<16xi32>
    %broadcast_in_dim3A_414 = arith.constant 16 : i32
    %broadcast_in_dim3A_415 = vector.broadcast %broadcast_in_dim3A_414 : i32 to vector<16xi32>
    %scan3A_416 = arith.constant 0 : i32
    %scan3A_417 = arith.constant 64 : i32
    %scan3A_418 = arith.addi %scan3A_416, %scan3A_417 : i32
    %scan3A_419 = arith.constant 1 : i32
    scf.for %scan3A_726 = %scan3A_416 to %scan3A_418 step %scan3A_419  : i32 {
      %mul3A_727 = arith.constant 1 : i32
      %mul3A_728 = arith.muli %scan3A_726, %mul3A_727 : i32
      %add3A_729 = arith.constant 0 : i32
      %add3A_730 = arith.addi %add3A_729, %mul3A_728 : i32
      %get3A = arith.index_cast %add3A_730 : i32 to index
      %get3A_731 = arith.constant 0 : index
      %get3A_732 = tpu.vector_load %arg8[%get3A, %get3A_731] {strides = array<i32>} : memref<64x64xi32, #tpu.memory_space<vmem>>, vector<1x16xi32>,
      %get3A_733 = vector.shape_cast %get3A_732 : vector<1x16xi32> to vector<16xi32>
      %shift_left3A = arith.shli %get3A_733, %broadcast_in_dim3A_415 : vector<16xi32>
      %bitcast_convert_type3A = tpu.bitcast %shift_left3A : vector<16xi32> -> vector<16xf32>
      %and3A = arith.andi %get3A_733, %broadcast_in_dim3A_413 : vector<16xi32>
      %bitcast_convert_type3A_734 = tpu.bitcast %and3A : vector<16xi32> -> vector<16xf32>
      %swap3A = arith.index_cast %add3A_730 : i32 to index
      %swap3A_735 = arith.constant 0 : index
      %swap3A_736 = tpu.vector_load %arg10[%swap3A, %swap3A_735] {strides = array<i32>} : memref<64x128xf32, #tpu.memory_space<vmem>>, vector<1x16xf32>,
      %swap3A_737 = vector.shape_cast %swap3A_736 : vector<1x16xf32> to vector<16xf32>
      %swap3A_738 = vector.shape_cast %bitcast_convert_type3A : vector<16xf32> to vector<1x16xf32>
      tpu.vector_store %arg10[%swap3A, %swap3A_735], %swap3A_738 {strides = array<i32>} : memref<64x128xf32, #tpu.memory_space<vmem>>, vector<1x16xf32>,
      %swap3A_739 = arith.index_cast %add3A_730 : i32 to index
      %swap3A_740 = arith.constant 16 : index
      %swap3A_741 = tpu.vector_load %arg10[%swap3A_739, %swap3A_740] {strides = array<i32>} : memref<64x128xf32, #tpu.memory_space<vmem>>, vector<1x16xf32>,
      %swap3A_742 = vector.shape_cast %swap3A_741 : vector<1x16xf32> to vector<16xf32>
      %swap3A_743 = vector.shape_cast %bitcast_convert_type3A_734 : vector<16xf32> to vector<1x16xf32>
      tpu.vector_store %arg10[%swap3A_739, %swap3A_740], %swap3A_743 {strides = array<i32>} : memref<64x128xf32, #tpu.memory_space<vmem>>, vector<1x16xf32>,
      %get3A_744 = arith.index_cast %add3A_730 : i32 to index
      %get3A_745 = arith.constant 16 : index
      %get3A_746 = tpu.vector_load %arg8[%get3A_744, %get3A_745] {strides = array<i32>} : memref<64x64xi32, #tpu.memory_space<vmem>>, vector<1x16xi32>,
      %get3A_747 = vector.shape_cast %get3A_746 : vector<1x16xi32> to vector<16xi32>
      %shift_left3A_748 = arith.shli %get3A_747, %broadcast_in_dim3A_415 : vector<16xi32>
      %bitcast_convert_type3A_749 = tpu.bitcast %shift_left3A_748 : vector<16xi32> -> vector<16xf32>
      %and3A_750 = arith.andi %get3A_747, %broadcast_in_dim3A_413 : vector<16xi32>
      %bitcast_convert_type3A_751 = tpu.bitcast %and3A_750 : vector<16xi32> -> vector<16xf32>
      %swap3A_752 = arith.index_cast %add3A_730 : i32 to index
      %swap3A_753 = arith.constant 32 : index
      %swap3A_754 = tpu.vector_load %arg10[%swap3A_752, %swap3A_753] {strides = array<i32>} : memref<64x128xf32, #tpu.memory_space<vmem>>, vector<1x16xf32>,
      %swap3A_755 = vector.shape_cast %swap3A_754 : vector<1x16xf32> to vector<16xf32>
      %swap3A_756 = vector.shape_cast %bitcast_convert_type3A_749 : vector<16xf32> to vector<1x16xf32>
      tpu.vector_store %arg10[%swap3A_752, %swap3A_753], %swap3A_756 {strides = array<i32>} : memref<64x128xf32, #tpu.memory_space<vmem>>, vector<1x16xf32>,
      %swap3A_757 = arith.index_cast %add3A_730 : i32 to index
      %swap3A_758 = arith.constant 48 : index
      %swap3A_759 = tpu.vector_load %arg10[%swap3A_757, %swap3A_758] {strides = array<i32>} : memref<64x128xf32, #tpu.memory_space<vmem>>, vector<1x16xf32>,
      %swap3A_760 = vector.shape_cast %swap3A_759 : vector<1x16xf32> to vector<16xf32>
      %swap3A_761 = vector.shape_cast %bitcast_convert_type3A_751 : vector<16xf32> to vector<1x16xf32>
      tpu.vector_store %arg10[%swap3A_757, %swap3A_758], %swap3A_761 {strides = array<i32>} : memref<64x128xf32, #tpu.memory_space<vmem>>, vector<1x16xf32>,
      %get3A_762 = arith.index_cast %add3A_730 : i32 to index
      %get3A_763 = arith.constant 32 : index
      %get3A_764 = tpu.vector_load %arg8[%get3A_762, %get3A_763] {strides = array<i32>} : memref<64x64xi32, #tpu.memory_space<vmem>>, vector<1x16xi32>,
      %get3A_765 = vector.shape_cast %get3A_764 : vector<1x16xi32> to vector<16xi32>
      %shift_left3A_766 = arith.shli %get3A_765, %broadcast_in_dim3A_415 : vector<16xi32>
      %bitcast_convert_type3A_767 = tpu.bitcast %shift_left3A_766 : vector<16xi32> -> vector<16xf32>
      %and3A_768 = arith.andi %get3A_765, %broadcast_in_dim3A_413 : vector<16xi32>
      %bitcast_convert_type3A_769 = tpu.bitcast %and3A_768 : vector<16xi32> -> vector<16xf32>
      %swap3A_770 = arith.index_cast %add3A_730 : i32 to index
      %swap3A_771 = arith.constant 64 : index
      %swap3A_772 = tpu.vector_load %arg10[%swap3A_770, %swap3A_771] {strides = array<i32>} : memref<64x128xf32, #tpu.memory_space<vmem>>, vector<1x16xf32>,
      %swap3A_773 = vector.shape_cast %swap3A_772 : vector<1x16xf32> to vector<16xf32>
      %swap3A_774 = vector.shape_cast %bitcast_convert_type3A_767 : vector<16xf32> to vector<1x16xf32>
      tpu.vector_store %arg10[%swap3A_770, %swap3A_771], %swap3A_774 {strides = array<i32>} : memref<64x128xf32, #tpu.memory_space<vmem>>, vector<1x16xf32>,
      %swap3A_775 = arith.index_cast %add3A_730 : i32 to index
      %swap3A_776 = arith.constant 80 : index
      %swap3A_777 = tpu.vector_load %arg10[%swap3A_775, %swap3A_776] {strides = array<i32>} : memref<64x128xf32, #tpu.memory_space<vmem>>, vector<1x16xf32>,
      %swap3A_778 = vector.shape_cast %swap3A_777 : vector<1x16xf32> to vector<16xf32>
      %swap3A_779 = vector.shape_cast %bitcast_convert_type3A_769 : vector<16xf32> to vector<1x16xf32>
      tpu.vector_store %arg10[%swap3A_775, %swap3A_776], %swap3A_779 {strides = array<i32>} : memref<64x128xf32, #tpu.memory_space<vmem>>, vector<1x16xf32>,
      %get3A_780 = arith.index_cast %add3A_730 : i32 to index
      %get3A_781 = arith.constant 48 : index
      %get3A_782 = tpu.vector_load %arg8[%get3A_780, %get3A_781] {strides = array<i32>} : memref<64x64xi32, #tpu.memory_space<vmem>>, vector<1x16xi32>,
      %get3A_783 = vector.shape_cast %get3A_782 : vector<1x16xi32> to vector<16xi32>
      %shift_left3A_784 = arith.shli %get3A_783, %broadcast_in_dim3A_415 : vector<16xi32>
      %bitcast_convert_type3A_785 = tpu.bitcast %shift_left3A_784 : vector<16xi32> -> vector<16xf32>
      %and3A_786 = arith.andi %get3A_783, %broadcast_in_dim3A_413 : vector<16xi32>
      %bitcast_convert_type3A_787 = tpu.bitcast %and3A_786 : vector<16xi32> -> vector<16xf32>
      %swap3A_788 = arith.index_cast %add3A_730 : i32 to index
      %swap3A_789 = arith.constant 96 : index
      %swap3A_790 = tpu.vector_load %arg10[%swap3A_788, %swap3A_789] {strides = array<i32>} : memref<64x128xf32, #tpu.memory_space<vmem>>, vector<1x16xf32>,
      %swap3A_791 = vector.shape_cast %swap3A_790 : vector<1x16xf32> to vector<16xf32>
      %swap3A_792 = vector.shape_cast %bitcast_convert_type3A_785 : vector<16xf32> to vector<1x16xf32>
      tpu.vector_store %arg10[%swap3A_788, %swap3A_789], %swap3A_792 {strides = array<i32>} : memref<64x128xf32, #tpu.memory_space<vmem>>, vector<1x16xf32>,
      %swap3A_793 = arith.index_cast %add3A_730 : i32 to index
      %swap3A_794 = arith.constant 112 : index
      %swap3A_795 = tpu.vector_load %arg10[%swap3A_793, %swap3A_794] {strides = array<i32>} : memref<64x128xf32, #tpu.memory_space<vmem>>, vector<1x16xf32>,
      %swap3A_796 = vector.shape_cast %swap3A_795 : vector<1x16xf32> to vector<16xf32>
      %swap3A_797 = vector.shape_cast %bitcast_convert_type3A_787 : vector<16xf32> to vector<1x16xf32>
      tpu.vector_store %arg10[%swap3A_793, %swap3A_794], %swap3A_797 {strides = array<i32>} : memref<64x128xf32, #tpu.memory_space<vmem>>, vector<1x16xf32>,
    }
    %scan3A_420 = arith.constant 64 : i32
    %dma_start3A_421 = arith.constant 0 : i32
    %dma_start3A_422 = arith.constant 0 : i32
    %dma_start3A_423 = tpu.memref_slice %arg7[%dma_start3A_421, %dma_start3A_422] : memref<40x64xi32, #tpu.memory_space<vmem>> -> memref<1x64xi32, #tpu.memory_space<vmem>>
    %dma_start3A_424 = tpu.memref_squeeze %dma_start3A_423 : memref<1x64xi32, #tpu.memory_space<vmem>> -> memref<64xi32, #tpu.memory_space<vmem>>
    %dma_start3A_425 = arith.constant 0 : i32
    %dma_start3A_426 = arith.constant 0 : i32
    %dma_start3A_427 = tpu.memref_slice %arg12[%dma_start3A_425, %dma_start3A_426] : memref<10112x128xf32, #tpu.memory_space<vmem_shared>> -> memref<10112x128xf32, #tpu.memory_space<vmem_shared>>
    tpu.enqueue_indirect_dma source(%arg10 : memref<64x128xf32, #tpu.memory_space<vmem>>) target(%dma_start3A_427 : memref<10112x128xf32, #tpu.memory_space<vmem_shared>>) offsets(%dma_start3A_424 : memref<64xi32, #tpu.memory_space<vmem>>) semaphore(%arg16 : memref<!tpu.dma_semaphore, #tpu.memory_space<semaphore_mem>>) {add = true}
    %dma_start3A_428 = arith.constant 2 : i32
    %dma_start3A_429 = arith.constant 0 : i32
    %dma_start3A_430 = tpu.memref_slice %arg6[%dma_start3A_428, %dma_start3A_429] : memref<40x64xi32, #tpu.memory_space<vmem>> -> memref<1x64xi32, #tpu.memory_space<vmem>>
    %dma_start3A_431 = tpu.memref_squeeze %dma_start3A_430 : memref<1x64xi32, #tpu.memory_space<vmem>> -> memref<64xi32, #tpu.memory_space<vmem>>
    %dma_start3A_432 = arith.constant 0 : i32
    %dma_start3A_433 = arith.constant 0 : i32
    %dma_start3A_434 = tpu.memref_slice %arg2[%dma_start3A_432, %dma_start3A_433] : memref<10000x64xi32, #tpu.memory_space<hbm>> -> memref<10000x64xi32, #tpu.memory_space<hbm>>
    tpu.enqueue_indirect_dma source(%dma_start3A_434 : memref<10000x64xi32, #tpu.memory_space<hbm>>) target(%arg8 : memref<64x64xi32, #tpu.memory_space<vmem>>) offsets(%dma_start3A_431 : memref<64xi32, #tpu.memory_space<vmem>>) semaphore(%arg14 : memref<!tpu.dma_semaphore, #tpu.memory_space<semaphore_mem>>)
    %dma_wait3A_435 = arith.constant 0 : i32
    %dma_wait3A_436 = arith.constant 0 : i32
    %dma_wait3A_437 = tpu.memref_slice %arg6[%dma_wait3A_435, %dma_wait3A_436] : memref<40x64xi32, #tpu.memory_space<vmem>> -> memref<1x64xi32, #tpu.memory_space<vmem>>
    %dma_wait3A_438 = tpu.memref_squeeze %dma_wait3A_437 : memref<1x64xi32, #tpu.memory_space<vmem>> -> memref<64xi32, #tpu.memory_space<vmem>>
    %dma_wait3A_439 = arith.constant 0 : i32
    %dma_wait3A_440 = arith.constant 0 : i32
    %dma_wait3A_441 = tpu.memref_slice %arg2[%dma_wait3A_439, %dma_wait3A_440] : memref<10000x64xi32, #tpu.memory_space<hbm>> -> memref<10000x64xi32, #tpu.memory_space<hbm>>
    tpu.wait_indirect_dma semaphore(%arg15 : memref<!tpu.dma_semaphore, #tpu.memory_space<semaphore_mem>>) src(%dma_wait3A_441 : memref<10000x64xi32, #tpu.memory_space<hbm>>) dst(%arg9 : memref<64x64xi32, #tpu.memory_space<vmem>>)
    %broadcast_in_dim3A_442 = arith.constant -65536 : i32
    %broadcast_in_dim3A_443 = vector.broadcast %broadcast_in_dim3A_442 : i32 to vector<16xi32>
    %broadcast_in_dim3A_444 = arith.constant 16 : i32
    %broadcast_in_dim3A_445 = vector.broadcast %broadcast_in_dim3A_444 : i32 to vector<16xi32>
    %scan3A_446 = arith.constant 0 : i32
    %scan3A_447 = arith.constant 64 : i32
    %scan3A_448 = arith.addi %scan3A_446, %scan3A_447 : i32
    %scan3A_449 = arith.constant 1 : i32
    scf.for %scan3A_726 = %scan3A_446 to %scan3A_448 step %scan3A_449  : i32 {
      %mul3A_727 = arith.constant 1 : i32
      %mul3A_728 = arith.muli %scan3A_726, %mul3A_727 : i32
      %add3A_729 = arith.constant 0 : i32
      %add3A_730 = arith.addi %add3A_729, %mul3A_728 : i32
      %get3A = arith.index_cast %add3A_730 : i32 to index
      %get3A_731 = arith.constant 0 : index
      %get3A_732 = tpu.vector_load %arg9[%get3A, %get3A_731] {strides = array<i32>} : memref<64x64xi32, #tpu.memory_space<vmem>>, vector<1x16xi32>,
      %get3A_733 = vector.shape_cast %get3A_732 : vector<1x16xi32> to vector<16xi32>
      %shift_left3A = arith.shli %get3A_733, %broadcast_in_dim3A_445 : vector<16xi32>
      %bitcast_convert_type3A = tpu.bitcast %shift_left3A : vector<16xi32> -> vector<16xf32>
      %and3A = arith.andi %get3A_733, %broadcast_in_dim3A_443 : vector<16xi32>
      %bitcast_convert_type3A_734 = tpu.bitcast %and3A : vector<16xi32> -> vector<16xf32>
      %swap3A = arith.index_cast %add3A_730 : i32 to index
      %swap3A_735 = arith.constant 0 : index
      %swap3A_736 = tpu.vector_load %arg11[%swap3A, %swap3A_735] {strides = array<i32>} : memref<64x128xf32, #tpu.memory_space<vmem>>, vector<1x16xf32>,
      %swap3A_737 = vector.shape_cast %swap3A_736 : vector<1x16xf32> to vector<16xf32>
      %swap3A_738 = vector.shape_cast %bitcast_convert_type3A : vector<16xf32> to vector<1x16xf32>
      tpu.vector_store %arg11[%swap3A, %swap3A_735], %swap3A_738 {strides = array<i32>} : memref<64x128xf32, #tpu.memory_space<vmem>>, vector<1x16xf32>,
      %swap3A_739 = arith.index_cast %add3A_730 : i32 to index
      %swap3A_740 = arith.constant 16 : index
      %swap3A_741 = tpu.vector_load %arg11[%swap3A_739, %swap3A_740] {strides = array<i32>} : memref<64x128xf32, #tpu.memory_space<vmem>>, vector<1x16xf32>,
      %swap3A_742 = vector.shape_cast %swap3A_741 : vector<1x16xf32> to vector<16xf32>
      %swap3A_743 = vector.shape_cast %bitcast_convert_type3A_734 : vector<16xf32> to vector<1x16xf32>
      tpu.vector_store %arg11[%swap3A_739, %swap3A_740], %swap3A_743 {strides = array<i32>} : memref<64x128xf32, #tpu.memory_space<vmem>>, vector<1x16xf32>,
      %get3A_744 = arith.index_cast %add3A_730 : i32 to index
      %get3A_745 = arith.constant 16 : index
      %get3A_746 = tpu.vector_load %arg9[%get3A_744, %get3A_745] {strides = array<i32>} : memref<64x64xi32, #tpu.memory_space<vmem>>, vector<1x16xi32>,
      %get3A_747 = vector.shape_cast %get3A_746 : vector<1x16xi32> to vector<16xi32>
      %shift_left3A_748 = arith.shli %get3A_747, %broadcast_in_dim3A_445 : vector<16xi32>
      %bitcast_convert_type3A_749 = tpu.bitcast %shift_left3A_748 : vector<16xi32> -> vector<16xf32>
      %and3A_750 = arith.andi %get3A_747, %broadcast_in_dim3A_443 : vector<16xi32>
      %bitcast_convert_type3A_751 = tpu.bitcast %and3A_750 : vector<16xi32> -> vector<16xf32>
      %swap3A_752 = arith.index_cast %add3A_730 : i32 to index
      %swap3A_753 = arith.constant 32 : index
      %swap3A_754 = tpu.vector_load %arg11[%swap3A_752, %swap3A_753] {strides = array<i32>} : memref<64x128xf32, #tpu.memory_space<vmem>>, vector<1x16xf32>,
      %swap3A_755 = vector.shape_cast %swap3A_754 : vector<1x16xf32> to vector<16xf32>
      %swap3A_756 = vector.shape_cast %bitcast_convert_type3A_749 : vector<16xf32> to vector<1x16xf32>
      tpu.vector_store %arg11[%swap3A_752, %swap3A_753], %swap3A_756 {strides = array<i32>} : memref<64x128xf32, #tpu.memory_space<vmem>>, vector<1x16xf32>,
      %swap3A_757 = arith.index_cast %add3A_730 : i32 to index
      %swap3A_758 = arith.constant 48 : index
      %swap3A_759 = tpu.vector_load %arg11[%swap3A_757, %swap3A_758] {strides = array<i32>} : memref<64x128xf32, #tpu.memory_space<vmem>>, vector<1x16xf32>,
      %swap3A_760 = vector.shape_cast %swap3A_759 : vector<1x16xf32> to vector<16xf32>
      %swap3A_761 = vector.shape_cast %bitcast_convert_type3A_751 : vector<16xf32> to vector<1x16xf32>
      tpu.vector_store %arg11[%swap3A_757, %swap3A_758], %swap3A_761 {strides = array<i32>} : memref<64x128xf32, #tpu.memory_space<vmem>>, vector<1x16xf32>,
      %get3A_762 = arith.index_cast %add3A_730 : i32 to index
      %get3A_763 = arith.constant 32 : index
      %get3A_764 = tpu.vector_load %arg9[%get3A_762, %get3A_763] {strides = array<i32>} : memref<64x64xi32, #tpu.memory_space<vmem>>, vector<1x16xi32>,
      %get3A_765 = vector.shape_cast %get3A_764 : vector<1x16xi32> to vector<16xi32>
      %shift_left3A_766 = arith.shli %get3A_765, %broadcast_in_dim3A_445 : vector<16xi32>
      %bitcast_convert_type3A_767 = tpu.bitcast %shift_left3A_766 : vector<16xi32> -> vector<16xf32>
      %and3A_768 = arith.andi %get3A_765, %broadcast_in_dim3A_443 : vector<16xi32>
      %bitcast_convert_type3A_769 = tpu.bitcast %and3A_768 : vector<16xi32> -> vector<16xf32>
      %swap3A_770 = arith.index_cast %add3A_730 : i32 to index
      %swap3A_771 = arith.constant 64 : index
      %swap3A_772 = tpu.vector_load %arg11[%swap3A_770, %swap3A_771] {strides = array<i32>} : memref<64x128xf32, #tpu.memory_space<vmem>>, vector<1x16xf32>,
      %swap3A_773 = vector.shape_cast %swap3A_772 : vector<1x16xf32> to vector<16xf32>
      %swap3A_774 = vector.shape_cast %bitcast_convert_type3A_767 : vector<16xf32> to vector<1x16xf32>
      tpu.vector_store %arg11[%swap3A_770, %swap3A_771], %swap3A_774 {strides = array<i32>} : memref<64x128xf32, #tpu.memory_space<vmem>>, vector<1x16xf32>,
      %swap3A_775 = arith.index_cast %add3A_730 : i32 to index
      %swap3A_776 = arith.constant 80 : index
      %swap3A_777 = tpu.vector_load %arg11[%swap3A_775, %swap3A_776] {strides = array<i32>} : memref<64x128xf32, #tpu.memory_space<vmem>>, vector<1x16xf32>,
      %swap3A_778 = vector.shape_cast %swap3A_777 : vector<1x16xf32> to vector<16xf32>
      %swap3A_779 = vector.shape_cast %bitcast_convert_type3A_769 : vector<16xf32> to vector<1x16xf32>
      tpu.vector_store %arg11[%swap3A_775, %swap3A_776], %swap3A_779 {strides = array<i32>} : memref<64x128xf32, #tpu.memory_space<vmem>>, vector<1x16xf32>,
      %get3A_780 = arith.index_cast %add3A_730 : i32 to index
      %get3A_781 = arith.constant 48 : index
      %get3A_782 = tpu.vector_load %arg9[%get3A_780, %get3A_781] {strides = array<i32>} : memref<64x64xi32, #tpu.memory_space<vmem>>, vector<1x16xi32>,
      %get3A_783 = vector.shape_cast %get3A_782 : vector<1x16xi32> to vector<16xi32>
      %shift_left3A_784 = arith.shli %get3A_783, %broadcast_in_dim3A_445 : vector<16xi32>
      %bitcast_convert_type3A_785 = tpu.bitcast %shift_left3A_784 : vector<16xi32> -> vector<16xf32>
      %and3A_786 = arith.andi %get3A_783, %broadcast_in_dim3A_443 : vector<16xi32>
      %bitcast_convert_type3A_787 = tpu.bitcast %and3A_786 : vector<16xi32> -> vector<16xf32>
      %swap3A_788 = arith.index_cast %add3A_730 : i32 to index
      %swap3A_789 = arith.constant 96 : index
      %swap3A_790 = tpu.vector_load %arg11[%swap3A_788, %swap3A_789] {strides = array<i32>} : memref<64x128xf32, #tpu.memory_space<vmem>>, vector<1x16xf32>,
      %swap3A_791 = vector.shape_cast %swap3A_790 : vector<1x16xf32> to vector<16xf32>
      %swap3A_792 = vector.shape_cast %bitcast_convert_type3A_785 : vector<16xf32> to vector<1x16xf32>
      tpu.vector_store %arg11[%swap3A_788, %swap3A_789], %swap3A_792 {strides = array<i32>} : memref<64x128xf32, #tpu.memory_space<vmem>>, vector<1x16xf32>,
      %swap3A_793 = arith.index_cast %add3A_730 : i32 to index
      %swap3A_794 = arith.constant 112 : index
      %swap3A_795 = tpu.vector_load %arg11[%swap3A_793, %swap3A_794] {strides = array<i32>} : memref<64x128xf32, #tpu.memory_space<vmem>>, vector<1x16xf32>,
      %swap3A_796 = vector.shape_cast %swap3A_795 : vector<1x16xf32> to vector<16xf32>
      %swap3A_797 = vector.shape_cast %bitcast_convert_type3A_787 : vector<16xf32> to vector<1x16xf32>
      tpu.vector_store %arg11[%swap3A_793, %swap3A_794], %swap3A_797 {strides = array<i32>} : memref<64x128xf32, #tpu.memory_space<vmem>>, vector<1x16xf32>,
    }
    %scan3A_450 = arith.constant 64 : i32
    %dma_start3A_451 = arith.constant 1 : i32
    %dma_start3A_452 = arith.constant 0 : i32
    %dma_start3A_453 = tpu.memref_slice %arg7[%dma_start3A_451, %dma_start3A_452] : memref<40x64xi32, #tpu.memory_space<vmem>> -> memref<1x64xi32, #tpu.memory_space<vmem>>
    %dma_start3A_454 = tpu.memref_squeeze %dma_start3A_453 : memref<1x64xi32, #tpu.memory_space<vmem>> -> memref<64xi32, #tpu.memory_space<vmem>>
    %dma_start3A_455 = arith.constant 0 : i32
    %dma_start3A_456 = arith.constant 0 : i32
    %dma_start3A_457 = tpu.memref_slice %arg12[%dma_start3A_455, %dma_start3A_456] : memref<10112x128xf32, #tpu.memory_space<vmem_shared>> -> memref<10112x128xf32, #tpu.memory_space<vmem_shared>>
    tpu.enqueue_indirect_dma source(%arg11 : memref<64x128xf32, #tpu.memory_space<vmem>>) target(%dma_start3A_457 : memref<10112x128xf32, #tpu.memory_space<vmem_shared>>) offsets(%dma_start3A_454 : memref<64xi32, #tpu.memory_space<vmem>>) semaphore(%arg17 : memref<!tpu.dma_semaphore, #tpu.memory_space<semaphore_mem>>) {add = true}
    %dma_start3A_458 = arith.constant 3 : i32
    %dma_start3A_459 = arith.constant 0 : i32
    %dma_start3A_460 = tpu.memref_slice %arg6[%dma_start3A_458, %dma_start3A_459] : memref<40x64xi32, #tpu.memory_space<vmem>> -> memref<1x64xi32, #tpu.memory_space<vmem>>
    %dma_start3A_461 = tpu.memref_squeeze %dma_start3A_460 : memref<1x64xi32, #tpu.memory_space<vmem>> -> memref<64xi32, #tpu.memory_space<vmem>>
    %dma_start3A_462 = arith.constant 0 : i32
    %dma_start3A_463 = arith.constant 0 : i32
    %dma_start3A_464 = tpu.memref_slice %arg2[%dma_start3A_462, %dma_start3A_463] : memref<10000x64xi32, #tpu.memory_space<hbm>> -> memref<10000x64xi32, #tpu.memory_space<hbm>>
    tpu.enqueue_indirect_dma source(%dma_start3A_464 : memref<10000x64xi32, #tpu.memory_space<hbm>>) target(%arg9 : memref<64x64xi32, #tpu.memory_space<vmem>>) offsets(%dma_start3A_461 : memref<64xi32, #tpu.memory_space<vmem>>) semaphore(%arg15 : memref<!tpu.dma_semaphore, #tpu.memory_space<semaphore_mem>>)
    %scan3A_465 = arith.constant 0 : i32
    %scan3A_466 = arith.constant 18 : i32
    %scan3A_467 = arith.addi %scan3A_465, %scan3A_466 : i32
    %scan3A_468 = arith.constant 1 : i32
    scf.for %scan3A_726 = %scan3A_465 to %scan3A_467 step %scan3A_468  : i32 {
      %mul3A_727 = arith.constant 1 : i32
      %mul3A_728 = arith.muli %scan3A_726, %mul3A_727 : i32
      %add3A_729 = arith.constant 0 : i32
      %add3A_730 = arith.addi %add3A_729, %mul3A_728 : i32
      %add3A_731 = arith.constant 1 : i32
      %add3A_732 = arith.addi %add3A_730, %add3A_731 : i32
      %mul3A_733 = arith.constant 2 : i32
      %mul3A_734 = arith.muli %add3A_732, %mul3A_733 : i32
      %add3A_735 = arith.constant 0 : i32
      %add3A_736 = arith.addi %mul3A_734, %add3A_735 : i32
      %dma_wait3A_737 = arith.constant 0 : i32
      %dma_wait3A_738 = arith.constant 0 : i32
      %dma_wait3A_739 = tpu.memref_slice %arg6[%dma_wait3A_737, %dma_wait3A_738] : memref<40x64xi32, #tpu.memory_space<vmem>> -> memref<1x64xi32, #tpu.memory_space<vmem>>
      %dma_wait3A_740 = tpu.memref_squeeze %dma_wait3A_739 : memref<1x64xi32, #tpu.memory_space<vmem>> -> memref<64xi32, #tpu.memory_space<vmem>>
      %dma_wait3A_741 = arith.constant 0 : i32
      %dma_wait3A_742 = arith.constant 0 : i32
      %dma_wait3A_743 = tpu.memref_slice %arg2[%dma_wait3A_741, %dma_wait3A_742] : memref<10000x64xi32, #tpu.memory_space<hbm>> -> memref<10000x64xi32, #tpu.memory_space<hbm>>
      tpu.wait_indirect_dma semaphore(%arg14 : memref<!tpu.dma_semaphore, #tpu.memory_space<semaphore_mem>>) src(%dma_wait3A_743 : memref<10000x64xi32, #tpu.memory_space<hbm>>) dst(%arg8 : memref<64x64xi32, #tpu.memory_space<vmem>>)
      %dma_wait3A_744 = arith.constant 0 : i32
      %dma_wait3A_745 = arith.constant 0 : i32
      %dma_wait3A_746 = tpu.memref_slice %arg7[%dma_wait3A_744, %dma_wait3A_745] : memref<40x64xi32, #tpu.memory_space<vmem>> -> memref<1x64xi32, #tpu.memory_space<vmem>>
      %dma_wait3A_747 = tpu.memref_squeeze %dma_wait3A_746 : memref<1x64xi32, #tpu.memory_space<vmem>> -> memref<64xi32, #tpu.memory_space<vmem>>
      %dma_wait3A_748 = arith.constant 0 : i32
      %dma_wait3A_749 = arith.constant 0 : i32
      %dma_wait3A_750 = tpu.memref_slice %arg12[%dma_wait3A_748, %dma_wait3A_749] : memref<10112x128xf32, #tpu.memory_space<vmem_shared>> -> memref<10112x128xf32, #tpu.memory_space<vmem_shared>>
      tpu.wait_indirect_dma semaphore(%arg16 : memref<!tpu.dma_semaphore, #tpu.memory_space<semaphore_mem>>) src(%arg10 : memref<64x128xf32, #tpu.memory_space<vmem>>) dst(%dma_wait3A_750 : memref<10112x128xf32, #tpu.memory_space<vmem_shared>>)
      %broadcast_in_dim3A_751 = arith.constant -65536 : i32
      %broadcast_in_dim3A_752 = vector.broadcast %broadcast_in_dim3A_751 : i32 to vector<16xi32>
      %broadcast_in_dim3A_753 = arith.constant 16 : i32
      %broadcast_in_dim3A_754 = vector.broadcast %broadcast_in_dim3A_753 : i32 to vector<16xi32>
      %scan3A_755 = arith.constant 0 : i32
      %scan3A_756 = arith.constant 64 : i32
      %scan3A_757 = arith.addi %scan3A_755, %scan3A_756 : i32
      %scan3A_758 = arith.constant 1 : i32
      scf.for %scan3A_817 = %scan3A_755 to %scan3A_757 step %scan3A_758  : i32 {
        %mul3A_818 = arith.constant 1 : i32
        %mul3A_819 = arith.muli %scan3A_817, %mul3A_818 : i32
        %add3A_820 = arith.constant 0 : i32
        %add3A_821 = arith.addi %add3A_820, %mul3A_819 : i32
        %get3A = arith.index_cast %add3A_821 : i32 to index
        %get3A_822 = arith.constant 0 : index
        %get3A_823 = tpu.vector_load %arg8[%get3A, %get3A_822] {strides = array<i32>} : memref<64x64xi32, #tpu.memory_space<vmem>>, vector<1x16xi32>,
        %get3A_824 = vector.shape_cast %get3A_823 : vector<1x16xi32> to vector<16xi32>
        %shift_left3A = arith.shli %get3A_824, %broadcast_in_dim3A_754 : vector<16xi32>
        %bitcast_convert_type3A = tpu.bitcast %shift_left3A : vector<16xi32> -> vector<16xf32>
        %and3A = arith.andi %get3A_824, %broadcast_in_dim3A_752 : vector<16xi32>
        %bitcast_convert_type3A_825 = tpu.bitcast %and3A : vector<16xi32> -> vector<16xf32>
        %swap3A = arith.index_cast %add3A_821 : i32 to index
        %swap3A_826 = arith.constant 0 : index
        %swap3A_827 = tpu.vector_load %arg10[%swap3A, %swap3A_826] {strides = array<i32>} : memref<64x128xf32, #tpu.memory_space<vmem>>, vector<1x16xf32>,
        %swap3A_828 = vector.shape_cast %swap3A_827 : vector<1x16xf32> to vector<16xf32>
        %swap3A_829 = vector.shape_cast %bitcast_convert_type3A : vector<16xf32> to vector<1x16xf32>
        tpu.vector_store %arg10[%swap3A, %swap3A_826], %swap3A_829 {strides = array<i32>} : memref<64x128xf32, #tpu.memory_space<vmem>>, vector<1x16xf32>,
        %swap3A_830 = arith.index_cast %add3A_821 : i32 to index
        %swap3A_831 = arith.constant 16 : index
        %swap3A_832 = tpu.vector_load %arg10[%swap3A_830, %swap3A_831] {strides = array<i32>} : memref<64x128xf32, #tpu.memory_space<vmem>>, vector<1x16xf32>,
        %swap3A_833 = vector.shape_cast %swap3A_832 : vector<1x16xf32> to vector<16xf32>
        %swap3A_834 = vector.shape_cast %bitcast_convert_type3A_825 : vector<16xf32> to vector<1x16xf32>
        tpu.vector_store %arg10[%swap3A_830, %swap3A_831], %swap3A_834 {strides = array<i32>} : memref<64x128xf32, #tpu.memory_space<vmem>>, vector<1x16xf32>,
        %get3A_835 = arith.index_cast %add3A_821 : i32 to index
        %get3A_836 = arith.constant 16 : index
        %get3A_837 = tpu.vector_load %arg8[%get3A_835, %get3A_836] {strides = array<i32>} : memref<64x64xi32, #tpu.memory_space<vmem>>, vector<1x16xi32>,
        %get3A_838 = vector.shape_cast %get3A_837 : vector<1x16xi32> to vector<16xi32>
        %shift_left3A_839 = arith.shli %get3A_838, %broadcast_in_dim3A_754 : vector<16xi32>
        %bitcast_convert_type3A_840 = tpu.bitcast %shift_left3A_839 : vector<16xi32> -> vector<16xf32>
        %and3A_841 = arith.andi %get3A_838, %broadcast_in_dim3A_752 : vector<16xi32>
        %bitcast_convert_type3A_842 = tpu.bitcast %and3A_841 : vector<16xi32> -> vector<16xf32>
        %swap3A_843 = arith.index_cast %add3A_821 : i32 to index
        %swap3A_844 = arith.constant 32 : index
        %swap3A_845 = tpu.vector_load %arg10[%swap3A_843, %swap3A_844] {strides = array<i32>} : memref<64x128xf32, #tpu.memory_space<vmem>>, vector<1x16xf32>,
        %swap3A_846 = vector.shape_cast %swap3A_845 : vector<1x16xf32> to vector<16xf32>
        %swap3A_847 = vector.shape_cast %bitcast_convert_type3A_840 : vector<16xf32> to vector<1x16xf32>
        tpu.vector_store %arg10[%swap3A_843, %swap3A_844], %swap3A_847 {strides = array<i32>} : memref<64x128xf32, #tpu.memory_space<vmem>>, vector<1x16xf32>,
        %swap3A_848 = arith.index_cast %add3A_821 : i32 to index
        %swap3A_849 = arith.constant 48 : index
        %swap3A_850 = tpu.vector_load %arg10[%swap3A_848, %swap3A_849] {strides = array<i32>} : memref<64x128xf32, #tpu.memory_space<vmem>>, vector<1x16xf32>,
        %swap3A_851 = vector.shape_cast %swap3A_850 : vector<1x16xf32> to vector<16xf32>
        %swap3A_852 = vector.shape_cast %bitcast_convert_type3A_842 : vector<16xf32> to vector<1x16xf32>
        tpu.vector_store %arg10[%swap3A_848, %swap3A_849], %swap3A_852 {strides = array<i32>} : memref<64x128xf32, #tpu.memory_space<vmem>>, vector<1x16xf32>,
        %get3A_853 = arith.index_cast %add3A_821 : i32 to index
        %get3A_854 = arith.constant 32 : index
        %get3A_855 = tpu.vector_load %arg8[%get3A_853, %get3A_854] {strides = array<i32>} : memref<64x64xi32, #tpu.memory_space<vmem>>, vector<1x16xi32>,
        %get3A_856 = vector.shape_cast %get3A_855 : vector<1x16xi32> to vector<16xi32>
        %shift_left3A_857 = arith.shli %get3A_856, %broadcast_in_dim3A_754 : vector<16xi32>
        %bitcast_convert_type3A_858 = tpu.bitcast %shift_left3A_857 : vector<16xi32> -> vector<16xf32>
        %and3A_859 = arith.andi %get3A_856, %broadcast_in_dim3A_752 : vector<16xi32>
        %bitcast_convert_type3A_860 = tpu.bitcast %and3A_859 : vector<16xi32> -> vector<16xf32>
        %swap3A_861 = arith.index_cast %add3A_821 : i32 to index
        %swap3A_862 = arith.constant 64 : index
        %swap3A_863 = tpu.vector_load %arg10[%swap3A_861, %swap3A_862] {strides = array<i32>} : memref<64x128xf32, #tpu.memory_space<vmem>>, vector<1x16xf32>,
        %swap3A_864 = vector.shape_cast %swap3A_863 : vector<1x16xf32> to vector<16xf32>
        %swap3A_865 = vector.shape_cast %bitcast_convert_type3A_858 : vector<16xf32> to vector<1x16xf32>
        tpu.vector_store %arg10[%swap3A_861, %swap3A_862], %swap3A_865 {strides = array<i32>} : memref<64x128xf32, #tpu.memory_space<vmem>>, vector<1x16xf32>,
        %swap3A_866 = arith.index_cast %add3A_821 : i32 to index
        %swap3A_867 = arith.constant 80 : index
        %swap3A_868 = tpu.vector_load %arg10[%swap3A_866, %swap3A_867] {strides = array<i32>} : memref<64x128xf32, #tpu.memory_space<vmem>>, vector<1x16xf32>,
        %swap3A_869 = vector.shape_cast %swap3A_868 : vector<1x16xf32> to vector<16xf32>
        %swap3A_870 = vector.shape_cast %bitcast_convert_type3A_860 : vector<16xf32> to vector<1x16xf32>
        tpu.vector_store %arg10[%swap3A_866, %swap3A_867], %swap3A_870 {strides = array<i32>} : memref<64x128xf32, #tpu.memory_space<vmem>>, vector<1x16xf32>,
        %get3A_871 = arith.index_cast %add3A_821 : i32 to index
        %get3A_872 = arith.constant 48 : index
        %get3A_873 = tpu.vector_load %arg8[%get3A_871, %get3A_872] {strides = array<i32>} : memref<64x64xi32, #tpu.memory_space<vmem>>, vector<1x16xi32>,
        %get3A_874 = vector.shape_cast %get3A_873 : vector<1x16xi32> to vector<16xi32>
        %shift_left3A_875 = arith.shli %get3A_874, %broadcast_in_dim3A_754 : vector<16xi32>
        %bitcast_convert_type3A_876 = tpu.bitcast %shift_left3A_875 : vector<16xi32> -> vector<16xf32>
        %and3A_877 = arith.andi %get3A_874, %broadcast_in_dim3A_752 : vector<16xi32>
        %bitcast_convert_type3A_878 = tpu.bitcast %and3A_877 : vector<16xi32> -> vector<16xf32>
        %swap3A_879 = arith.index_cast %add3A_821 : i32 to index
        %swap3A_880 = arith.constant 96 : index
        %swap3A_881 = tpu.vector_load %arg10[%swap3A_879, %swap3A_880] {strides = array<i32>} : memref<64x128xf32, #tpu.memory_space<vmem>>, vector<1x16xf32>,
        %swap3A_882 = vector.shape_cast %swap3A_881 : vector<1x16xf32> to vector<16xf32>
        %swap3A_883 = vector.shape_cast %bitcast_convert_type3A_876 : vector<16xf32> to vector<1x16xf32>
        tpu.vector_store %arg10[%swap3A_879, %swap3A_880], %swap3A_883 {strides = array<i32>} : memref<64x128xf32, #tpu.memory_space<vmem>>, vector<1x16xf32>,
        %swap3A_884 = arith.index_cast %add3A_821 : i32 to index
        %swap3A_885 = arith.constant 112 : index
        %swap3A_886 = tpu.vector_load %arg10[%swap3A_884, %swap3A_885] {strides = array<i32>} : memref<64x128xf32, #tpu.memory_space<vmem>>, vector<1x16xf32>,
        %swap3A_887 = vector.shape_cast %swap3A_886 : vector<1x16xf32> to vector<16xf32>
        %swap3A_888 = vector.shape_cast %bitcast_convert_type3A_878 : vector<16xf32> to vector<1x16xf32>
        tpu.vector_store %arg10[%swap3A_884, %swap3A_885], %swap3A_888 {strides = array<i32>} : memref<64x128xf32, #tpu.memory_space<vmem>>, vector<1x16xf32>,
      }
      %scan3A_759 = arith.constant 64 : i32
      %dma_start3A_760 = arith.constant 0 : i32
      %dma_start3A_761 = tpu.memref_slice %arg7[%add3A_736, %dma_start3A_760] : memref<40x64xi32, #tpu.memory_space<vmem>> -> memref<1x64xi32, #tpu.memory_space<vmem>>
      %dma_start3A_762 = tpu.memref_squeeze %dma_start3A_761 : memref<1x64xi32, #tpu.memory_space<vmem>> -> memref<64xi32, #tpu.memory_space<vmem>>
      %dma_start3A_763 = arith.constant 0 : i32
      %dma_start3A_764 = arith.constant 0 : i32
      %dma_start3A_765 = tpu.memref_slice %arg12[%dma_start3A_763, %dma_start3A_764] : memref<10112x128xf32, #tpu.memory_space<vmem_shared>> -> memref<10112x128xf32, #tpu.memory_space<vmem_shared>>
      tpu.enqueue_indirect_dma source(%arg10 : memref<64x128xf32, #tpu.memory_space<vmem>>) target(%dma_start3A_765 : memref<10112x128xf32, #tpu.memory_space<vmem_shared>>) offsets(%dma_start3A_762 : memref<64xi32, #tpu.memory_space<vmem>>) semaphore(%arg16 : memref<!tpu.dma_semaphore, #tpu.memory_space<semaphore_mem>>) {add = true}
      %add3A_766 = arith.constant 2 : i32
      %add3A_767 = arith.addi %add3A_736, %add3A_766 : i32
      %dma_start3A_768 = arith.constant 0 : i32
      %dma_start3A_769 = tpu.memref_slice %arg6[%add3A_767, %dma_start3A_768] : memref<40x64xi32, #tpu.memory_space<vmem>> -> memref<1x64xi32, #tpu.memory_space<vmem>>
      %dma_start3A_770 = tpu.memref_squeeze %dma_start3A_769 : memref<1x64xi32, #tpu.memory_space<vmem>> -> memref<64xi32, #tpu.memory_space<vmem>>
      %dma_start3A_771 = arith.constant 0 : i32
      %dma_start3A_772 = arith.constant 0 : i32
      %dma_start3A_773 = tpu.memref_slice %arg2[%dma_start3A_771, %dma_start3A_772] : memref<10000x64xi32, #tpu.memory_space<hbm>> -> memref<10000x64xi32, #tpu.memory_space<hbm>>
      tpu.enqueue_indirect_dma source(%dma_start3A_773 : memref<10000x64xi32, #tpu.memory_space<hbm>>) target(%arg8 : memref<64x64xi32, #tpu.memory_space<vmem>>) offsets(%dma_start3A_770 : memref<64xi32, #tpu.memory_space<vmem>>) semaphore(%arg14 : memref<!tpu.dma_semaphore, #tpu.memory_space<semaphore_mem>>)
      %add3A_774 = arith.constant 1 : i32
      %add3A_775 = arith.addi %add3A_730, %add3A_774 : i32
      %mul3A_776 = arith.constant 2 : i32
      %mul3A_777 = arith.muli %add3A_775, %mul3A_776 : i32
      %add3A_778 = arith.constant 1 : i32
      %add3A_779 = arith.addi %mul3A_777, %add3A_778 : i32
      %dma_wait3A_780 = arith.constant 0 : i32
      %dma_wait3A_781 = arith.constant 0 : i32
      %dma_wait3A_782 = tpu.memref_slice %arg6[%dma_wait3A_780, %dma_wait3A_781] : memref<40x64xi32, #tpu.memory_space<vmem>> -> memref<1x64xi32, #tpu.memory_space<vmem>>
      %dma_wait3A_783 = tpu.memref_squeeze %dma_wait3A_782 : memref<1x64xi32, #tpu.memory_space<vmem>> -> memref<64xi32, #tpu.memory_space<vmem>>
      %dma_wait3A_784 = arith.constant 0 : i32
      %dma_wait3A_785 = arith.constant 0 : i32
      %dma_wait3A_786 = tpu.memref_slice %arg2[%dma_wait3A_784, %dma_wait3A_785] : memref<10000x64xi32, #tpu.memory_space<hbm>> -> memref<10000x64xi32, #tpu.memory_space<hbm>>
      tpu.wait_indirect_dma semaphore(%arg15 : memref<!tpu.dma_semaphore, #tpu.memory_space<semaphore_mem>>) src(%dma_wait3A_786 : memref<10000x64xi32, #tpu.memory_space<hbm>>) dst(%arg9 : memref<64x64xi32, #tpu.memory_space<vmem>>)
      %dma_wait3A_787 = arith.constant 0 : i32
      %dma_wait3A_788 = arith.constant 0 : i32
      %dma_wait3A_789 = tpu.memref_slice %arg7[%dma_wait3A_787, %dma_wait3A_788] : memref<40x64xi32, #tpu.memory_space<vmem>> -> memref<1x64xi32, #tpu.memory_space<vmem>>
      %dma_wait3A_790 = tpu.memref_squeeze %dma_wait3A_789 : memref<1x64xi32, #tpu.memory_space<vmem>> -> memref<64xi32, #tpu.memory_space<vmem>>
      %dma_wait3A_791 = arith.constant 0 : i32
      %dma_wait3A_792 = arith.constant 0 : i32
      %dma_wait3A_793 = tpu.memref_slice %arg12[%dma_wait3A_791, %dma_wait3A_792] : memref<10112x128xf32, #tpu.memory_space<vmem_shared>> -> memref<10112x128xf32, #tpu.memory_space<vmem_shared>>
      tpu.wait_indirect_dma semaphore(%arg17 : memref<!tpu.dma_semaphore, #tpu.memory_space<semaphore_mem>>) src(%arg11 : memref<64x128xf32, #tpu.memory_space<vmem>>) dst(%dma_wait3A_793 : memref<10112x128xf32, #tpu.memory_space<vmem_shared>>)
      %broadcast_in_dim3A_794 = arith.constant -65536 : i32
      %broadcast_in_dim3A_795 = vector.broadcast %broadcast_in_dim3A_794 : i32 to vector<16xi32>
      %broadcast_in_dim3A_796 = arith.constant 16 : i32
      %broadcast_in_dim3A_797 = vector.broadcast %broadcast_in_dim3A_796 : i32 to vector<16xi32>
      %scan3A_798 = arith.constant 0 : i32
      %scan3A_799 = arith.constant 64 : i32
      %scan3A_800 = arith.addi %scan3A_798, %scan3A_799 : i32
      %scan3A_801 = arith.constant 1 : i32
      scf.for %scan3A_817 = %scan3A_798 to %scan3A_800 step %scan3A_801  : i32 {
        %mul3A_818 = arith.constant 1 : i32
        %mul3A_819 = arith.muli %scan3A_817, %mul3A_818 : i32
        %add3A_820 = arith.constant 0 : i32
        %add3A_821 = arith.addi %add3A_820, %mul3A_819 : i32
        %get3A = arith.index_cast %add3A_821 : i32 to index
        %get3A_822 = arith.constant 0 : index
        %get3A_823 = tpu.vector_load %arg9[%get3A, %get3A_822] {strides = array<i32>} : memref<64x64xi32, #tpu.memory_space<vmem>>, vector<1x16xi32>,
        %get3A_824 = vector.shape_cast %get3A_823 : vector<1x16xi32> to vector<16xi32>
        %shift_left3A = arith.shli %get3A_824, %broadcast_in_dim3A_797 : vector<16xi32>
        %bitcast_convert_type3A = tpu.bitcast %shift_left3A : vector<16xi32> -> vector<16xf32>
        %and3A = arith.andi %get3A_824, %broadcast_in_dim3A_795 : vector<16xi32>
        %bitcast_convert_type3A_825 = tpu.bitcast %and3A : vector<16xi32> -> vector<16xf32>
        %swap3A = arith.index_cast %add3A_821 : i32 to index
        %swap3A_826 = arith.constant 0 : index
        %swap3A_827 = tpu.vector_load %arg11[%swap3A, %swap3A_826] {strides = array<i32>} : memref<64x128xf32, #tpu.memory_space<vmem>>, vector<1x16xf32>,
        %swap3A_828 = vector.shape_cast %swap3A_827 : vector<1x16xf32> to vector<16xf32>
        %swap3A_829 = vector.shape_cast %bitcast_convert_type3A : vector<16xf32> to vector<1x16xf32>
        tpu.vector_store %arg11[%swap3A, %swap3A_826], %swap3A_829 {strides = array<i32>} : memref<64x128xf32, #tpu.memory_space<vmem>>, vector<1x16xf32>,
        %swap3A_830 = arith.index_cast %add3A_821 : i32 to index
        %swap3A_831 = arith.constant 16 : index
        %swap3A_832 = tpu.vector_load %arg11[%swap3A_830, %swap3A_831] {strides = array<i32>} : memref<64x128xf32, #tpu.memory_space<vmem>>, vector<1x16xf32>,
        %swap3A_833 = vector.shape_cast %swap3A_832 : vector<1x16xf32> to vector<16xf32>
        %swap3A_834 = vector.shape_cast %bitcast_convert_type3A_825 : vector<16xf32> to vector<1x16xf32>
        tpu.vector_store %arg11[%swap3A_830, %swap3A_831], %swap3A_834 {strides = array<i32>} : memref<64x128xf32, #tpu.memory_space<vmem>>, vector<1x16xf32>,
        %get3A_835 = arith.index_cast %add3A_821 : i32 to index
        %get3A_836 = arith.constant 16 : index
        %get3A_837 = tpu.vector_load %arg9[%get3A_835, %get3A_836] {strides = array<i32>} : memref<64x64xi32, #tpu.memory_space<vmem>>, vector<1x16xi32>,
        %get3A_838 = vector.shape_cast %get3A_837 : vector<1x16xi32> to vector<16xi32>
        %shift_left3A_839 = arith.shli %get3A_838, %broadcast_in_dim3A_797 : vector<16xi32>
        %bitcast_convert_type3A_840 = tpu.bitcast %shift_left3A_839 : vector<16xi32> -> vector<16xf32>
        %and3A_841 = arith.andi %get3A_838, %broadcast_in_dim3A_795 : vector<16xi32>
        %bitcast_convert_type3A_842 = tpu.bitcast %and3A_841 : vector<16xi32> -> vector<16xf32>
        %swap3A_843 = arith.index_cast %add3A_821 : i32 to index
        %swap3A_844 = arith.constant 32 : index
        %swap3A_845 = tpu.vector_load %arg11[%swap3A_843, %swap3A_844] {strides = array<i32>} : memref<64x128xf32, #tpu.memory_space<vmem>>, vector<1x16xf32>,
        %swap3A_846 = vector.shape_cast %swap3A_845 : vector<1x16xf32> to vector<16xf32>
        %swap3A_847 = vector.shape_cast %bitcast_convert_type3A_840 : vector<16xf32> to vector<1x16xf32>
        tpu.vector_store %arg11[%swap3A_843, %swap3A_844], %swap3A_847 {strides = array<i32>} : memref<64x128xf32, #tpu.memory_space<vmem>>, vector<1x16xf32>,
        %swap3A_848 = arith.index_cast %add3A_821 : i32 to index
        %swap3A_849 = arith.constant 48 : index
        %swap3A_850 = tpu.vector_load %arg11[%swap3A_848, %swap3A_849] {strides = array<i32>} : memref<64x128xf32, #tpu.memory_space<vmem>>, vector<1x16xf32>,
        %swap3A_851 = vector.shape_cast %swap3A_850 : vector<1x16xf32> to vector<16xf32>
        %swap3A_852 = vector.shape_cast %bitcast_convert_type3A_842 : vector<16xf32> to vector<1x16xf32>
        tpu.vector_store %arg11[%swap3A_848, %swap3A_849], %swap3A_852 {strides = array<i32>} : memref<64x128xf32, #tpu.memory_space<vmem>>, vector<1x16xf32>,
        %get3A_853 = arith.index_cast %add3A_821 : i32 to index
        %get3A_854 = arith.constant 32 : index
        %get3A_855 = tpu.vector_load %arg9[%get3A_853, %get3A_854] {strides = array<i32>} : memref<64x64xi32, #tpu.memory_space<vmem>>, vector<1x16xi32>,
        %get3A_856 = vector.shape_cast %get3A_855 : vector<1x16xi32> to vector<16xi32>
        %shift_left3A_857 = arith.shli %get3A_856, %broadcast_in_dim3A_797 : vector<16xi32>
        %bitcast_convert_type3A_858 = tpu.bitcast %shift_left3A_857 : vector<16xi32> -> vector<16xf32>
        %and3A_859 = arith.andi %get3A_856, %broadcast_in_dim3A_795 : vector<16xi32>
        %bitcast_convert_type3A_860 = tpu.bitcast %and3A_859 : vector<16xi32> -> vector<16xf32>
        %swap3A_861 = arith.index_cast %add3A_821 : i32 to index
        %swap3A_862 = arith.constant 64 : index
        %swap3A_863 = tpu.vector_load %arg11[%swap3A_861, %swap3A_862] {strides = array<i32>} : memref<64x128xf32, #tpu.memory_space<vmem>>, vector<1x16xf32>,
        %swap3A_864 = vector.shape_cast %swap3A_863 : vector<1x16xf32> to vector<16xf32>
        %swap3A_865 = vector.shape_cast %bitcast_convert_type3A_858 : vector<16xf32> to vector<1x16xf32>
        tpu.vector_store %arg11[%swap3A_861, %swap3A_862], %swap3A_865 {strides = array<i32>} : memref<64x128xf32, #tpu.memory_space<vmem>>, vector<1x16xf32>,
        %swap3A_866 = arith.index_cast %add3A_821 : i32 to index
        %swap3A_867 = arith.constant 80 : index
        %swap3A_868 = tpu.vector_load %arg11[%swap3A_866, %swap3A_867] {strides = array<i32>} : memref<64x128xf32, #tpu.memory_space<vmem>>, vector<1x16xf32>,
        %swap3A_869 = vector.shape_cast %swap3A_868 : vector<1x16xf32> to vector<16xf32>
        %swap3A_870 = vector.shape_cast %bitcast_convert_type3A_860 : vector<16xf32> to vector<1x16xf32>
        tpu.vector_store %arg11[%swap3A_866, %swap3A_867], %swap3A_870 {strides = array<i32>} : memref<64x128xf32, #tpu.memory_space<vmem>>, vector<1x16xf32>,
        %get3A_871 = arith.index_cast %add3A_821 : i32 to index
        %get3A_872 = arith.constant 48 : index
        %get3A_873 = tpu.vector_load %arg9[%get3A_871, %get3A_872] {strides = array<i32>} : memref<64x64xi32, #tpu.memory_space<vmem>>, vector<1x16xi32>,
        %get3A_874 = vector.shape_cast %get3A_873 : vector<1x16xi32> to vector<16xi32>
        %shift_left3A_875 = arith.shli %get3A_874, %broadcast_in_dim3A_797 : vector<16xi32>
        %bitcast_convert_type3A_876 = tpu.bitcast %shift_left3A_875 : vector<16xi32> -> vector<16xf32>
        %and3A_877 = arith.andi %get3A_874, %broadcast_in_dim3A_795 : vector<16xi32>
        %bitcast_convert_type3A_878 = tpu.bitcast %and3A_877 : vector<16xi32> -> vector<16xf32>
        %swap3A_879 = arith.index_cast %add3A_821 : i32 to index
        %swap3A_880 = arith.constant 96 : index
        %swap3A_881 = tpu.vector_load %arg11[%swap3A_879, %swap3A_880] {strides = array<i32>} : memref<64x128xf32, #tpu.memory_space<vmem>>, vector<1x16xf32>,
        %swap3A_882 = vector.shape_cast %swap3A_881 : vector<1x16xf32> to vector<16xf32>
        %swap3A_883 = vector.shape_cast %bitcast_convert_type3A_876 : vector<16xf32> to vector<1x16xf32>
        tpu.vector_store %arg11[%swap3A_879, %swap3A_880], %swap3A_883 {strides = array<i32>} : memref<64x128xf32, #tpu.memory_space<vmem>>, vector<1x16xf32>,
        %swap3A_884 = arith.index_cast %add3A_821 : i32 to index
        %swap3A_885 = arith.constant 112 : index
        %swap3A_886 = tpu.vector_load %arg11[%swap3A_884, %swap3A_885] {strides = array<i32>} : memref<64x128xf32, #tpu.memory_space<vmem>>, vector<1x16xf32>,
        %swap3A_887 = vector.shape_cast %swap3A_886 : vector<1x16xf32> to vector<16xf32>
        %swap3A_888 = vector.shape_cast %bitcast_convert_type3A_878 : vector<16xf32> to vector<1x16xf32>
        tpu.vector_store %arg11[%swap3A_884, %swap3A_885], %swap3A_888 {strides = array<i32>} : memref<64x128xf32, #tpu.memory_space<vmem>>, vector<1x16xf32>,
      }
      %scan3A_802 = arith.constant 64 : i32
      %dma_start3A_803 = arith.constant 0 : i32
      %dma_start3A_804 = tpu.memref_slice %arg7[%add3A_779, %dma_start3A_803] : memref<40x64xi32, #tpu.memory_space<vmem>> -> memref<1x64xi32, #tpu.memory_space<vmem>>
      %dma_start3A_805 = tpu.memref_squeeze %dma_start3A_804 : memref<1x64xi32, #tpu.memory_space<vmem>> -> memref<64xi32, #tpu.memory_space<vmem>>
      %dma_start3A_806 = arith.constant 0 : i32
      %dma_start3A_807 = arith.constant 0 : i32
      %dma_start3A_808 = tpu.memref_slice %arg12[%dma_start3A_806, %dma_start3A_807] : memref<10112x128xf32, #tpu.memory_space<vmem_shared>> -> memref<10112x128xf32, #tpu.memory_space<vmem_shared>>
      tpu.enqueue_indirect_dma source(%arg11 : memref<64x128xf32, #tpu.memory_space<vmem>>) target(%dma_start3A_808 : memref<10112x128xf32, #tpu.memory_space<vmem_shared>>) offsets(%dma_start3A_805 : memref<64xi32, #tpu.memory_space<vmem>>) semaphore(%arg17 : memref<!tpu.dma_semaphore, #tpu.memory_space<semaphore_mem>>) {add = true}
      %add3A_809 = arith.constant 2 : i32
      %add3A_810 = arith.addi %add3A_779, %add3A_809 : i32
      %dma_start3A_811 = arith.constant 0 : i32
      %dma_start3A_812 = tpu.memref_slice %arg6[%add3A_810, %dma_start3A_811] : memref<40x64xi32, #tpu.memory_space<vmem>> -> memref<1x64xi32, #tpu.memory_space<vmem>>
      %dma_start3A_813 = tpu.memref_squeeze %dma_start3A_812 : memref<1x64xi32, #tpu.memory_space<vmem>> -> memref<64xi32, #tpu.memory_space<vmem>>
      %dma_start3A_814 = arith.constant 0 : i32
      %dma_start3A_815 = arith.constant 0 : i32
      %dma_start3A_816 = tpu.memref_slice %arg2[%dma_start3A_814, %dma_start3A_815] : memref<10000x64xi32, #tpu.memory_space<hbm>> -> memref<10000x64xi32, #tpu.memory_space<hbm>>
      tpu.enqueue_indirect_dma source(%dma_start3A_816 : memref<10000x64xi32, #tpu.memory_space<hbm>>) target(%arg9 : memref<64x64xi32, #tpu.memory_space<vmem>>) offsets(%dma_start3A_813 : memref<64xi32, #tpu.memory_space<vmem>>) semaphore(%arg15 : memref<!tpu.dma_semaphore, #tpu.memory_space<semaphore_mem>>)
    }
    %scan3A_469 = arith.constant 18 : i32
    %dma_wait3A_470 = arith.constant 0 : i32
    %dma_wait3A_471 = arith.constant 0 : i32
    %dma_wait3A_472 = tpu.memref_slice %arg6[%dma_wait3A_470, %dma_wait3A_471] : memref<40x64xi32, #tpu.memory_space<vmem>> -> memref<1x64xi32, #tpu.memory_space<vmem>>
    %dma_wait3A_473 = tpu.memref_squeeze %dma_wait3A_472 : memref<1x64xi32, #tpu.memory_space<vmem>> -> memref<64xi32, #tpu.memory_space<vmem>>
    %dma_wait3A_474 = arith.constant 0 : i32
    %dma_wait3A_475 = arith.constant 0 : i32
    %dma_wait3A_476 = tpu.memref_slice %arg2[%dma_wait3A_474, %dma_wait3A_475] : memref<10000x64xi32, #tpu.memory_space<hbm>> -> memref<10000x64xi32, #tpu.memory_space<hbm>>
    tpu.wait_indirect_dma semaphore(%arg14 : memref<!tpu.dma_semaphore, #tpu.memory_space<semaphore_mem>>) src(%dma_wait3A_476 : memref<10000x64xi32, #tpu.memory_space<hbm>>) dst(%arg8 : memref<64x64xi32, #tpu.memory_space<vmem>>)
    %dma_wait3A_477 = arith.constant 0 : i32
    %dma_wait3A_478 = arith.constant 0 : i32
    %dma_wait3A_479 = tpu.memref_slice %arg7[%dma_wait3A_477, %dma_wait3A_478] : memref<40x64xi32, #tpu.memory_space<vmem>> -> memref<1x64xi32, #tpu.memory_space<vmem>>
    %dma_wait3A_480 = tpu.memref_squeeze %dma_wait3A_479 : memref<1x64xi32, #tpu.memory_space<vmem>> -> memref<64xi32, #tpu.memory_space<vmem>>
    %dma_wait3A_481 = arith.constant 0 : i32
    %dma_wait3A_482 = arith.constant 0 : i32
    %dma_wait3A_483 = tpu.memref_slice %arg12[%dma_wait3A_481, %dma_wait3A_482] : memref<10112x128xf32, #tpu.memory_space<vmem_shared>> -> memref<10112x128xf32, #tpu.memory_space<vmem_shared>>
    tpu.wait_indirect_dma semaphore(%arg16 : memref<!tpu.dma_semaphore, #tpu.memory_space<semaphore_mem>>) src(%arg10 : memref<64x128xf32, #tpu.memory_space<vmem>>) dst(%dma_wait3A_483 : memref<10112x128xf32, #tpu.memory_space<vmem_shared>>)
    %broadcast_in_dim3A_484 = arith.constant -65536 : i32
    %broadcast_in_dim3A_485 = vector.broadcast %broadcast_in_dim3A_484 : i32 to vector<16xi32>
    %broadcast_in_dim3A_486 = arith.constant 16 : i32
    %broadcast_in_dim3A_487 = vector.broadcast %broadcast_in_dim3A_486 : i32 to vector<16xi32>
    %scan3A_488 = arith.constant 0 : i32
    %scan3A_489 = arith.constant 64 : i32
    %scan3A_490 = arith.addi %scan3A_488, %scan3A_489 : i32
    %scan3A_491 = arith.constant 1 : i32
    scf.for %scan3A_726 = %scan3A_488 to %scan3A_490 step %scan3A_491  : i32 {
      %mul3A_727 = arith.constant 1 : i32
      %mul3A_728 = arith.muli %scan3A_726, %mul3A_727 : i32
      %add3A_729 = arith.constant 0 : i32
      %add3A_730 = arith.addi %add3A_729, %mul3A_728 : i32
      %get3A = arith.index_cast %add3A_730 : i32 to index
      %get3A_731 = arith.constant 0 : index
      %get3A_732 = tpu.vector_load %arg8[%get3A, %get3A_731] {strides = array<i32>} : memref<64x64xi32, #tpu.memory_space<vmem>>, vector<1x16xi32>,
      %get3A_733 = vector.shape_cast %get3A_732 : vector<1x16xi32> to vector<16xi32>
      %shift_left3A = arith.shli %get3A_733, %broadcast_in_dim3A_487 : vector<16xi32>
      %bitcast_convert_type3A = tpu.bitcast %shift_left3A : vector<16xi32> -> vector<16xf32>
      %and3A = arith.andi %get3A_733, %broadcast_in_dim3A_485 : vector<16xi32>
      %bitcast_convert_type3A_734 = tpu.bitcast %and3A : vector<16xi32> -> vector<16xf32>
      %swap3A = arith.index_cast %add3A_730 : i32 to index
      %swap3A_735 = arith.constant 0 : index
      %swap3A_736 = tpu.vector_load %arg10[%swap3A, %swap3A_735] {strides = array<i32>} : memref<64x128xf32, #tpu.memory_space<vmem>>, vector<1x16xf32>,
      %swap3A_737 = vector.shape_cast %swap3A_736 : vector<1x16xf32> to vector<16xf32>
      %swap3A_738 = vector.shape_cast %bitcast_convert_type3A : vector<16xf32> to vector<1x16xf32>
      tpu.vector_store %arg10[%swap3A, %swap3A_735], %swap3A_738 {strides = array<i32>} : memref<64x128xf32, #tpu.memory_space<vmem>>, vector<1x16xf32>,
      %swap3A_739 = arith.index_cast %add3A_730 : i32 to index
      %swap3A_740 = arith.constant 16 : index
      %swap3A_741 = tpu.vector_load %arg10[%swap3A_739, %swap3A_740] {strides = array<i32>} : memref<64x128xf32, #tpu.memory_space<vmem>>, vector<1x16xf32>,
      %swap3A_742 = vector.shape_cast %swap3A_741 : vector<1x16xf32> to vector<16xf32>
      %swap3A_743 = vector.shape_cast %bitcast_convert_type3A_734 : vector<16xf32> to vector<1x16xf32>
      tpu.vector_store %arg10[%swap3A_739, %swap3A_740], %swap3A_743 {strides = array<i32>} : memref<64x128xf32, #tpu.memory_space<vmem>>, vector<1x16xf32>,
      %get3A_744 = arith.index_cast %add3A_730 : i32 to index
      %get3A_745 = arith.constant 16 : index
      %get3A_746 = tpu.vector_load %arg8[%get3A_744, %get3A_745] {strides = array<i32>} : memref<64x64xi32, #tpu.memory_space<vmem>>, vector<1x16xi32>,
      %get3A_747 = vector.shape_cast %get3A_746 : vector<1x16xi32> to vector<16xi32>
      %shift_left3A_748 = arith.shli %get3A_747, %broadcast_in_dim3A_487 : vector<16xi32>
      %bitcast_convert_type3A_749 = tpu.bitcast %shift_left3A_748 : vector<16xi32> -> vector<16xf32>
      %and3A_750 = arith.andi %get3A_747, %broadcast_in_dim3A_485 : vector<16xi32>
      %bitcast_convert_type3A_751 = tpu.bitcast %and3A_750 : vector<16xi32> -> vector<16xf32>
      %swap3A_752 = arith.index_cast %add3A_730 : i32 to index
      %swap3A_753 = arith.constant 32 : index
      %swap3A_754 = tpu.vector_load %arg10[%swap3A_752, %swap3A_753] {strides = array<i32>} : memref<64x128xf32, #tpu.memory_space<vmem>>, vector<1x16xf32>,
      %swap3A_755 = vector.shape_cast %swap3A_754 : vector<1x16xf32> to vector<16xf32>
      %swap3A_756 = vector.shape_cast %bitcast_convert_type3A_749 : vector<16xf32> to vector<1x16xf32>
      tpu.vector_store %arg10[%swap3A_752, %swap3A_753], %swap3A_756 {strides = array<i32>} : memref<64x128xf32, #tpu.memory_space<vmem>>, vector<1x16xf32>,
      %swap3A_757 = arith.index_cast %add3A_730 : i32 to index
      %swap3A_758 = arith.constant 48 : index
      %swap3A_759 = tpu.vector_load %arg10[%swap3A_757, %swap3A_758] {strides = array<i32>} : memref<64x128xf32, #tpu.memory_space<vmem>>, vector<1x16xf32>,
      %swap3A_760 = vector.shape_cast %swap3A_759 : vector<1x16xf32> to vector<16xf32>
      %swap3A_761 = vector.shape_cast %bitcast_convert_type3A_751 : vector<16xf32> to vector<1x16xf32>
      tpu.vector_store %arg10[%swap3A_757, %swap3A_758], %swap3A_761 {strides = array<i32>} : memref<64x128xf32, #tpu.memory_space<vmem>>, vector<1x16xf32>,
      %get3A_762 = arith.index_cast %add3A_730 : i32 to index
      %get3A_763 = arith.constant 32 : index
      %get3A_764 = tpu.vector_load %arg8[%get3A_762, %get3A_763] {strides = array<i32>} : memref<64x64xi32, #tpu.memory_space<vmem>>, vector<1x16xi32>,
      %get3A_765 = vector.shape_cast %get3A_764 : vector<1x16xi32> to vector<16xi32>
      %shift_left3A_766 = arith.shli %get3A_765, %broadcast_in_dim3A_487 : vector<16xi32>
      %bitcast_convert_type3A_767 = tpu.bitcast %shift_left3A_766 : vector<16xi32> -> vector<16xf32>
      %and3A_768 = arith.andi %get3A_765, %broadcast_in_dim3A_485 : vector<16xi32>
      %bitcast_convert_type3A_769 = tpu.bitcast %and3A_768 : vector<16xi32> -> vector<16xf32>
      %swap3A_770 = arith.index_cast %add3A_730 : i32 to index
      %swap3A_771 = arith.constant 64 : index
      %swap3A_772 = tpu.vector_load %arg10[%swap3A_770, %swap3A_771] {strides = array<i32>} : memref<64x128xf32, #tpu.memory_space<vmem>>, vector<1x16xf32>,
      %swap3A_773 = vector.shape_cast %swap3A_772 : vector<1x16xf32> to vector<16xf32>
      %swap3A_774 = vector.shape_cast %bitcast_convert_type3A_767 : vector<16xf32> to vector<1x16xf32>
      tpu.vector_store %arg10[%swap3A_770, %swap3A_771], %swap3A_774 {strides = array<i32>} : memref<64x128xf32, #tpu.memory_space<vmem>>, vector<1x16xf32>,
      %swap3A_775 = arith.index_cast %add3A_730 : i32 to index
      %swap3A_776 = arith.constant 80 : index
      %swap3A_777 = tpu.vector_load %arg10[%swap3A_775, %swap3A_776] {strides = array<i32>} : memref<64x128xf32, #tpu.memory_space<vmem>>, vector<1x16xf32>,
      %swap3A_778 = vector.shape_cast %swap3A_777 : vector<1x16xf32> to vector<16xf32>
      %swap3A_779 = vector.shape_cast %bitcast_convert_type3A_769 : vector<16xf32> to vector<1x16xf32>
      tpu.vector_store %arg10[%swap3A_775, %swap3A_776], %swap3A_779 {strides = array<i32>} : memref<64x128xf32, #tpu.memory_space<vmem>>, vector<1x16xf32>,
      %get3A_780 = arith.index_cast %add3A_730 : i32 to index
      %get3A_781 = arith.constant 48 : index
      %get3A_782 = tpu.vector_load %arg8[%get3A_780, %get3A_781] {strides = array<i32>} : memref<64x64xi32, #tpu.memory_space<vmem>>, vector<1x16xi32>,
      %get3A_783 = vector.shape_cast %get3A_782 : vector<1x16xi32> to vector<16xi32>
      %shift_left3A_784 = arith.shli %get3A_783, %broadcast_in_dim3A_487 : vector<16xi32>
      %bitcast_convert_type3A_785 = tpu.bitcast %shift_left3A_784 : vector<16xi32> -> vector<16xf32>
      %and3A_786 = arith.andi %get3A_783, %broadcast_in_dim3A_485 : vector<16xi32>
      %bitcast_convert_type3A_787 = tpu.bitcast %and3A_786 : vector<16xi32> -> vector<16xf32>
      %swap3A_788 = arith.index_cast %add3A_730 : i32 to index
      %swap3A_789 = arith.constant 96 : index
      %swap3A_790 = tpu.vector_load %arg10[%swap3A_788, %swap3A_789] {strides = array<i32>} : memref<64x128xf32, #tpu.memory_space<vmem>>, vector<1x16xf32>,
      %swap3A_791 = vector.shape_cast %swap3A_790 : vector<1x16xf32> to vector<16xf32>
      %swap3A_792 = vector.shape_cast %bitcast_convert_type3A_785 : vector<16xf32> to vector<1x16xf32>
      tpu.vector_store %arg10[%swap3A_788, %swap3A_789], %swap3A_792 {strides = array<i32>} : memref<64x128xf32, #tpu.memory_space<vmem>>, vector<1x16xf32>,
      %swap3A_793 = arith.index_cast %add3A_730 : i32 to index
      %swap3A_794 = arith.constant 112 : index
      %swap3A_795 = tpu.vector_load %arg10[%swap3A_793, %swap3A_794] {strides = array<i32>} : memref<64x128xf32, #tpu.memory_space<vmem>>, vector<1x16xf32>,
      %swap3A_796 = vector.shape_cast %swap3A_795 : vector<1x16xf32> to vector<16xf32>
      %swap3A_797 = vector.shape_cast %bitcast_convert_type3A_787 : vector<16xf32> to vector<1x16xf32>
      tpu.vector_store %arg10[%swap3A_793, %swap3A_794], %swap3A_797 {strides = array<i32>} : memref<64x128xf32, #tpu.memory_space<vmem>>, vector<1x16xf32>,
    }
    %scan3A_492 = arith.constant 64 : i32
    %dma_start3A_493 = arith.constant 38 : i32
    %dma_start3A_494 = arith.constant 0 : i32
    %dma_start3A_495 = tpu.memref_slice %arg7[%dma_start3A_493, %dma_start3A_494] : memref<40x64xi32, #tpu.memory_space<vmem>> -> memref<1x64xi32, #tpu.memory_space<vmem>>
    %dma_start3A_496 = tpu.memref_squeeze %dma_start3A_495 : memref<1x64xi32, #tpu.memory_space<vmem>> -> memref<64xi32, #tpu.memory_space<vmem>>
    %dma_start3A_497 = arith.constant 0 : i32
    %dma_start3A_498 = arith.constant 0 : i32
    %dma_start3A_499 = tpu.memref_slice %arg12[%dma_start3A_497, %dma_start3A_498] : memref<10112x128xf32, #tpu.memory_space<vmem_shared>> -> memref<10112x128xf32, #tpu.memory_space<vmem_shared>>
    tpu.enqueue_indirect_dma source(%arg10 : memref<64x128xf32, #tpu.memory_space<vmem>>) target(%dma_start3A_499 : memref<10112x128xf32, #tpu.memory_space<vmem_shared>>) offsets(%dma_start3A_496 : memref<64xi32, #tpu.memory_space<vmem>>) semaphore(%arg16 : memref<!tpu.dma_semaphore, #tpu.memory_space<semaphore_mem>>) {add = true}
    %dma_wait3A_500 = arith.constant 0 : i32
    %dma_wait3A_501 = arith.constant 0 : i32
    %dma_wait3A_502 = tpu.memref_slice %arg6[%dma_wait3A_500, %dma_wait3A_501] : memref<40x64xi32, #tpu.memory_space<vmem>> -> memref<1x64xi32, #tpu.memory_space<vmem>>
    %dma_wait3A_503 = tpu.memref_squeeze %dma_wait3A_502 : memref<1x64xi32, #tpu.memory_space<vmem>> -> memref<64xi32, #tpu.memory_space<vmem>>
    %dma_wait3A_504 = arith.constant 0 : i32
    %dma_wait3A_505 = arith.constant 0 : i32
    %dma_wait3A_506 = tpu.memref_slice %arg2[%dma_wait3A_504, %dma_wait3A_505] : memref<10000x64xi32, #tpu.memory_space<hbm>> -> memref<10000x64xi32, #tpu.memory_space<hbm>>
    tpu.wait_indirect_dma semaphore(%arg15 : memref<!tpu.dma_semaphore, #tpu.memory_space<semaphore_mem>>) src(%dma_wait3A_506 : memref<10000x64xi32, #tpu.memory_space<hbm>>) dst(%arg9 : memref<64x64xi32, #tpu.memory_space<vmem>>)
    %dma_wait3A_507 = arith.constant 0 : i32
    %dma_wait3A_508 = arith.constant 0 : i32
    %dma_wait3A_509 = tpu.memref_slice %arg7[%dma_wait3A_507, %dma_wait3A_508] : memref<40x64xi32, #tpu.memory_space<vmem>> -> memref<1x64xi32, #tpu.memory_space<vmem>>
    %dma_wait3A_510 = tpu.memref_squeeze %dma_wait3A_509 : memref<1x64xi32, #tpu.memory_space<vmem>> -> memref<64xi32, #tpu.memory_space<vmem>>
    %dma_wait3A_511 = arith.constant 0 : i32
    %dma_wait3A_512 = arith.constant 0 : i32
    %dma_wait3A_513 = tpu.memref_slice %arg12[%dma_wait3A_511, %dma_wait3A_512] : memref<10112x128xf32, #tpu.memory_space<vmem_shared>> -> memref<10112x128xf32, #tpu.memory_space<vmem_shared>>
    tpu.wait_indirect_dma semaphore(%arg17 : memref<!tpu.dma_semaphore, #tpu.memory_space<semaphore_mem>>) src(%arg11 : memref<64x128xf32, #tpu.memory_space<vmem>>) dst(%dma_wait3A_513 : memref<10112x128xf32, #tpu.memory_space<vmem_shared>>)
    %broadcast_in_dim3A_514 = arith.constant -65536 : i32
    %broadcast_in_dim3A_515 = vector.broadcast %broadcast_in_dim3A_514 : i32 to vector<16xi32>
    %broadcast_in_dim3A_516 = arith.constant 16 : i32
    %broadcast_in_dim3A_517 = vector.broadcast %broadcast_in_dim3A_516 : i32 to vector<16xi32>
    %scan3A_518 = arith.constant 0 : i32
    %scan3A_519 = arith.constant 64 : i32
    %scan3A_520 = arith.addi %scan3A_518, %scan3A_519 : i32
    %scan3A_521 = arith.constant 1 : i32
    scf.for %scan3A_726 = %scan3A_518 to %scan3A_520 step %scan3A_521  : i32 {
      %mul3A_727 = arith.constant 1 : i32
      %mul3A_728 = arith.muli %scan3A_726, %mul3A_727 : i32
      %add3A_729 = arith.constant 0 : i32
      %add3A_730 = arith.addi %add3A_729, %mul3A_728 : i32
      %get3A = arith.index_cast %add3A_730 : i32 to index
      %get3A_731 = arith.constant 0 : index
      %get3A_732 = tpu.vector_load %arg9[%get3A, %get3A_731] {strides = array<i32>} : memref<64x64xi32, #tpu.memory_space<vmem>>, vector<1x16xi32>,
      %get3A_733 = vector.shape_cast %get3A_732 : vector<1x16xi32> to vector<16xi32>
      %shift_left3A = arith.shli %get3A_733, %broadcast_in_dim3A_517 : vector<16xi32>
      %bitcast_convert_type3A = tpu.bitcast %shift_left3A : vector<16xi32> -> vector<16xf32>
      %and3A = arith.andi %get3A_733, %broadcast_in_dim3A_515 : vector<16xi32>
      %bitcast_convert_type3A_734 = tpu.bitcast %and3A : vector<16xi32> -> vector<16xf32>
      %swap3A = arith.index_cast %add3A_730 : i32 to index
      %swap3A_735 = arith.constant 0 : index
      %swap3A_736 = tpu.vector_load %arg11[%swap3A, %swap3A_735] {strides = array<i32>} : memref<64x128xf32, #tpu.memory_space<vmem>>, vector<1x16xf32>,
      %swap3A_737 = vector.shape_cast %swap3A_736 : vector<1x16xf32> to vector<16xf32>
      %swap3A_738 = vector.shape_cast %bitcast_convert_type3A : vector<16xf32> to vector<1x16xf32>
      tpu.vector_store %arg11[%swap3A, %swap3A_735], %swap3A_738 {strides = array<i32>} : memref<64x128xf32, #tpu.memory_space<vmem>>, vector<1x16xf32>,
      %swap3A_739 = arith.index_cast %add3A_730 : i32 to index
      %swap3A_740 = arith.constant 16 : index
      %swap3A_741 = tpu.vector_load %arg11[%swap3A_739, %swap3A_740] {strides = array<i32>} : memref<64x128xf32, #tpu.memory_space<vmem>>, vector<1x16xf32>,
      %swap3A_742 = vector.shape_cast %swap3A_741 : vector<1x16xf32> to vector<16xf32>
      %swap3A_743 = vector.shape_cast %bitcast_convert_type3A_734 : vector<16xf32> to vector<1x16xf32>
      tpu.vector_store %arg11[%swap3A_739, %swap3A_740], %swap3A_743 {strides = array<i32>} : memref<64x128xf32, #tpu.memory_space<vmem>>, vector<1x16xf32>,
      %get3A_744 = arith.index_cast %add3A_730 : i32 to index
      %get3A_745 = arith.constant 16 : index
      %get3A_746 = tpu.vector_load %arg9[%get3A_744, %get3A_745] {strides = array<i32>} : memref<64x64xi32, #tpu.memory_space<vmem>>, vector<1x16xi32>,
      %get3A_747 = vector.shape_cast %get3A_746 : vector<1x16xi32> to vector<16xi32>
      %shift_left3A_748 = arith.shli %get3A_747, %broadcast_in_dim3A_517 : vector<16xi32>
      %bitcast_convert_type3A_749 = tpu.bitcast %shift_left3A_748 : vector<16xi32> -> vector<16xf32>
      %and3A_750 = arith.andi %get3A_747, %broadcast_in_dim3A_515 : vector<16xi32>
      %bitcast_convert_type3A_751 = tpu.bitcast %and3A_750 : vector<16xi32> -> vector<16xf32>
      %swap3A_752 = arith.index_cast %add3A_730 : i32 to index
      %swap3A_753 = arith.constant 32 : index
      %swap3A_754 = tpu.vector_load %arg11[%swap3A_752, %swap3A_753] {strides = array<i32>} : memref<64x128xf32, #tpu.memory_space<vmem>>, vector<1x16xf32>,
      %swap3A_755 = vector.shape_cast %swap3A_754 : vector<1x16xf32> to vector<16xf32>
      %swap3A_756 = vector.shape_cast %bitcast_convert_type3A_749 : vector<16xf32> to vector<1x16xf32>
      tpu.vector_store %arg11[%swap3A_752, %swap3A_753], %swap3A_756 {strides = array<i32>} : memref<64x128xf32, #tpu.memory_space<vmem>>, vector<1x16xf32>,
      %swap3A_757 = arith.index_cast %add3A_730 : i32 to index
      %swap3A_758 = arith.constant 48 : index
      %swap3A_759 = tpu.vector_load %arg11[%swap3A_757, %swap3A_758] {strides = array<i32>} : memref<64x128xf32, #tpu.memory_space<vmem>>, vector<1x16xf32>,
      %swap3A_760 = vector.shape_cast %swap3A_759 : vector<1x16xf32> to vector<16xf32>
      %swap3A_761 = vector.shape_cast %bitcast_convert_type3A_751 : vector<16xf32> to vector<1x16xf32>
      tpu.vector_store %arg11[%swap3A_757, %swap3A_758], %swap3A_761 {strides = array<i32>} : memref<64x128xf32, #tpu.memory_space<vmem>>, vector<1x16xf32>,
      %get3A_762 = arith.index_cast %add3A_730 : i32 to index
      %get3A_763 = arith.constant 32 : index
      %get3A_764 = tpu.vector_load %arg9[%get3A_762, %get3A_763] {strides = array<i32>} : memref<64x64xi32, #tpu.memory_space<vmem>>, vector<1x16xi32>,
      %get3A_765 = vector.shape_cast %get3A_764 : vector<1x16xi32> to vector<16xi32>
      %shift_left3A_766 = arith.shli %get3A_765, %broadcast_in_dim3A_517 : vector<16xi32>
      %bitcast_convert_type3A_767 = tpu.bitcast %shift_left3A_766 : vector<16xi32> -> vector<16xf32>
      %and3A_768 = arith.andi %get3A_765, %broadcast_in_dim3A_515 : vector<16xi32>
      %bitcast_convert_type3A_769 = tpu.bitcast %and3A_768 : vector<16xi32> -> vector<16xf32>
      %swap3A_770 = arith.index_cast %add3A_730 : i32 to index
      %swap3A_771 = arith.constant 64 : index
      %swap3A_772 = tpu.vector_load %arg11[%swap3A_770, %swap3A_771] {strides = array<i32>} : memref<64x128xf32, #tpu.memory_space<vmem>>, vector<1x16xf32>,
      %swap3A_773 = vector.shape_cast %swap3A_772 : vector<1x16xf32> to vector<16xf32>
      %swap3A_774 = vector.shape_cast %bitcast_convert_type3A_767 : vector<16xf32> to vector<1x16xf32>
      tpu.vector_store %arg11[%swap3A_770, %swap3A_771], %swap3A_774 {strides = array<i32>} : memref<64x128xf32, #tpu.memory_space<vmem>>, vector<1x16xf32>,
      %swap3A_775 = arith.index_cast %add3A_730 : i32 to index
      %swap3A_776 = arith.constant 80 : index
      %swap3A_777 = tpu.vector_load %arg11[%swap3A_775, %swap3A_776] {strides = array<i32>} : memref<64x128xf32, #tpu.memory_space<vmem>>, vector<1x16xf32>,
      %swap3A_778 = vector.shape_cast %swap3A_777 : vector<1x16xf32> to vector<16xf32>
      %swap3A_779 = vector.shape_cast %bitcast_convert_type3A_769 : vector<16xf32> to vector<1x16xf32>
      tpu.vector_store %arg11[%swap3A_775, %swap3A_776], %swap3A_779 {strides = array<i32>} : memref<64x128xf32, #tpu.memory_space<vmem>>, vector<1x16xf32>,
      %get3A_780 = arith.index_cast %add3A_730 : i32 to index
      %get3A_781 = arith.constant 48 : index
      %get3A_782 = tpu.vector_load %arg9[%get3A_780, %get3A_781] {strides = array<i32>} : memref<64x64xi32, #tpu.memory_space<vmem>>, vector<1x16xi32>,
      %get3A_783 = vector.shape_cast %get3A_782 : vector<1x16xi32> to vector<16xi32>
      %shift_left3A_784 = arith.shli %get3A_783, %broadcast_in_dim3A_517 : vector<16xi32>
      %bitcast_convert_type3A_785 = tpu.bitcast %shift_left3A_784 : vector<16xi32> -> vector<16xf32>
      %and3A_786 = arith.andi %get3A_783, %broadcast_in_dim3A_515 : vector<16xi32>
      %bitcast_convert_type3A_787 = tpu.bitcast %and3A_786 : vector<16xi32> -> vector<16xf32>
      %swap3A_788 = arith.index_cast %add3A_730 : i32 to index
      %swap3A_789 = arith.constant 96 : index
      %swap3A_790 = tpu.vector_load %arg11[%swap3A_788, %swap3A_789] {strides = array<i32>} : memref<64x128xf32, #tpu.memory_space<vmem>>, vector<1x16xf32>,
      %swap3A_791 = vector.shape_cast %swap3A_790 : vector<1x16xf32> to vector<16xf32>
      %swap3A_792 = vector.shape_cast %bitcast_convert_type3A_785 : vector<16xf32> to vector<1x16xf32>
      tpu.vector_store %arg11[%swap3A_788, %swap3A_789], %swap3A_792 {strides = array<i32>} : memref<64x128xf32, #tpu.memory_space<vmem>>, vector<1x16xf32>,
      %swap3A_793 = arith.index_cast %add3A_730 : i32 to index
      %swap3A_794 = arith.constant 112 : index
      %swap3A_795 = tpu.vector_load %arg11[%swap3A_793, %swap3A_794] {strides = array<i32>} : memref<64x128xf32, #tpu.memory_space<vmem>>, vector<1x16xf32>,
      %swap3A_796 = vector.shape_cast %swap3A_795 : vector<1x16xf32> to vector<16xf32>
      %swap3A_797 = vector.shape_cast %bitcast_convert_type3A_787 : vector<16xf32> to vector<1x16xf32>
      tpu.vector_store %arg11[%swap3A_793, %swap3A_794], %swap3A_797 {strides = array<i32>} : memref<64x128xf32, #tpu.memory_space<vmem>>, vector<1x16xf32>,
    }
    %scan3A_522 = arith.constant 64 : i32
    %dma_start3A_523 = arith.constant 39 : i32
    %dma_start3A_524 = arith.constant 0 : i32
    %dma_start3A_525 = tpu.memref_slice %arg7[%dma_start3A_523, %dma_start3A_524] : memref<40x64xi32, #tpu.memory_space<vmem>> -> memref<1x64xi32, #tpu.memory_space<vmem>>
    %dma_start3A_526 = tpu.memref_squeeze %dma_start3A_525 : memref<1x64xi32, #tpu.memory_space<vmem>> -> memref<64xi32, #tpu.memory_space<vmem>>
    %dma_start3A_527 = arith.constant 0 : i32
    %dma_start3A_528 = arith.constant 0 : i32
    %dma_start3A_529 = tpu.memref_slice %arg12[%dma_start3A_527, %dma_start3A_528] : memref<10112x128xf32, #tpu.memory_space<vmem_shared>> -> memref<10112x128xf32, #tpu.memory_space<vmem_shared>>
    tpu.enqueue_indirect_dma source(%arg11 : memref<64x128xf32, #tpu.memory_space<vmem>>) target(%dma_start3A_529 : memref<10112x128xf32, #tpu.memory_space<vmem_shared>>) offsets(%dma_start3A_526 : memref<64xi32, #tpu.memory_space<vmem>>) semaphore(%arg17 : memref<!tpu.dma_semaphore, #tpu.memory_space<semaphore_mem>>) {add = true}
    %dma_wait3A_530 = arith.constant 0 : i32
    %dma_wait3A_531 = arith.constant 0 : i32
    %dma_wait3A_532 = tpu.memref_slice %arg7[%dma_wait3A_530, %dma_wait3A_531] : memref<40x64xi32, #tpu.memory_space<vmem>> -> memref<1x64xi32, #tpu.memory_space<vmem>>
    %dma_wait3A_533 = tpu.memref_squeeze %dma_wait3A_532 : memref<1x64xi32, #tpu.memory_space<vmem>> -> memref<64xi32, #tpu.memory_space<vmem>>
    %dma_wait3A_534 = arith.constant 0 : i32
    %dma_wait3A_535 = arith.constant 0 : i32
    %dma_wait3A_536 = tpu.memref_slice %arg12[%dma_wait3A_534, %dma_wait3A_535] : memref<10112x128xf32, #tpu.memory_space<vmem_shared>> -> memref<10112x128xf32, #tpu.memory_space<vmem_shared>>
    tpu.wait_indirect_dma semaphore(%arg16 : memref<!tpu.dma_semaphore, #tpu.memory_space<semaphore_mem>>) src(%arg10 : memref<64x128xf32, #tpu.memory_space<vmem>>) dst(%dma_wait3A_536 : memref<10112x128xf32, #tpu.memory_space<vmem_shared>>)
    %dma_wait3A_537 = arith.constant 0 : i32
    %dma_wait3A_538 = arith.constant 0 : i32
    %dma_wait3A_539 = tpu.memref_slice %arg7[%dma_wait3A_537, %dma_wait3A_538] : memref<40x64xi32, #tpu.memory_space<vmem>> -> memref<1x64xi32, #tpu.memory_space<vmem>>
    %dma_wait3A_540 = tpu.memref_squeeze %dma_wait3A_539 : memref<1x64xi32, #tpu.memory_space<vmem>> -> memref<64xi32, #tpu.memory_space<vmem>>
    %dma_wait3A_541 = arith.constant 0 : i32
    %dma_wait3A_542 = arith.constant 0 : i32
    %dma_wait3A_543 = tpu.memref_slice %arg12[%dma_wait3A_541, %dma_wait3A_542] : memref<10112x128xf32, #tpu.memory_space<vmem_shared>> -> memref<10112x128xf32, #tpu.memory_space<vmem_shared>>
    tpu.wait_indirect_dma semaphore(%arg17 : memref<!tpu.dma_semaphore, #tpu.memory_space<semaphore_mem>>) src(%arg11 : memref<64x128xf32, #tpu.memory_space<vmem>>) dst(%dma_wait3A_543 : memref<10112x128xf32, #tpu.memory_space<vmem_shared>>)
    %mul3A_544 = arith.constant 160 : i32
    %mul3A_545 = arith.muli %add3A, %mul3A_544 : i32
    %add3A_546 = arith.constant 120 : i32
    %add3A_547 = arith.addi %mul3A_545, %add3A_546 : i32
    %dma_start3A_548 = arith.constant 0 : i32
    %dma_start3A_549 = tpu.memref_slice %arg3[%add3A_547, %dma_start3A_548] : memref<5120x64xi32, #tpu.memory_space<hbm>> -> memref<40x64xi32, #tpu.memory_space<hbm>>
    %dma_start3A_550 = arith.constant 0 : i32
    %dma_start3A_551 = tpu.memref_slice %arg3[%add3A_547, %dma_start3A_550] : memref<5120x64xi32, #tpu.memory_space<hbm>> -> memref<40x64xi32, #tpu.memory_space<hbm>>
    tpu.enqueue_dma source(%dma_start3A_551 : memref<40x64xi32, #tpu.memory_space<hbm>>) target(%arg6 : memref<40x64xi32, #tpu.memory_space<vmem>>) target_semaphore(%arg13 : memref<!tpu.dma_semaphore, #tpu.memory_space<semaphore_mem>>)
    %dma_start3A_552 = arith.constant 0 : i32
    %dma_start3A_553 = tpu.memref_slice %arg4[%add3A_547, %dma_start3A_552] : memref<5120x64xi32, #tpu.memory_space<hbm>> -> memref<40x64xi32, #tpu.memory_space<hbm>>
    %dma_start3A_554 = arith.constant 0 : i32
    %dma_start3A_555 = tpu.memref_slice %arg4[%add3A_547, %dma_start3A_554] : memref<5120x64xi32, #tpu.memory_space<hbm>> -> memref<40x64xi32, #tpu.memory_space<hbm>>
    tpu.enqueue_dma source(%dma_start3A_555 : memref<40x64xi32, #tpu.memory_space<hbm>>) target(%arg7 : memref<40x64xi32, #tpu.memory_space<vmem>>) target_semaphore(%arg13 : memref<!tpu.dma_semaphore, #tpu.memory_space<semaphore_mem>>)
    %dma_wait3A_556 = arith.constant 0 : i32
    %dma_wait3A_557 = arith.constant 0 : i32
    %dma_wait3A_558 = tpu.memref_slice %arg3[%dma_wait3A_556, %dma_wait3A_557] : memref<5120x64xi32, #tpu.memory_space<hbm>> -> memref<40x64xi32, #tpu.memory_space<hbm>>
    %dma_wait3A_559 = arith.constant 0 : i32
    %dma_wait3A_560 = arith.constant 0 : i32
    %dma_wait3A_561 = tpu.memref_slice %arg3[%dma_wait3A_559, %dma_wait3A_560] : memref<5120x64xi32, #tpu.memory_space<hbm>> -> memref<40x64xi32, #tpu.memory_space<hbm>>
    tpu.wait_dma2 semaphore(%arg13 : memref<!tpu.dma_semaphore, #tpu.memory_space<semaphore_mem>>) src(%dma_wait3A_561 : memref<40x64xi32, #tpu.memory_space<hbm>>) dst(%arg6 : memref<40x64xi32, #tpu.memory_space<vmem>>)
    %dma_wait3A_562 = arith.constant 0 : i32
    %dma_wait3A_563 = arith.constant 0 : i32
    %dma_wait3A_564 = tpu.memref_slice %arg4[%dma_wait3A_562, %dma_wait3A_563] : memref<5120x64xi32, #tpu.memory_space<hbm>> -> memref<40x64xi32, #tpu.memory_space<hbm>>
    %dma_wait3A_565 = arith.constant 0 : i32
    %dma_wait3A_566 = arith.constant 0 : i32
    %dma_wait3A_567 = tpu.memref_slice %arg4[%dma_wait3A_565, %dma_wait3A_566] : memref<5120x64xi32, #tpu.memory_space<hbm>> -> memref<40x64xi32, #tpu.memory_space<hbm>>
    tpu.wait_dma2 semaphore(%arg13 : memref<!tpu.dma_semaphore, #tpu.memory_space<semaphore_mem>>) src(%dma_wait3A_567 : memref<40x64xi32, #tpu.memory_space<hbm>>) dst(%arg7 : memref<40x64xi32, #tpu.memory_space<vmem>>)
    %dma_start3A_568 = arith.constant 0 : i32
    %dma_start3A_569 = arith.constant 0 : i32
    %dma_start3A_570 = tpu.memref_slice %arg6[%dma_start3A_568, %dma_start3A_569] : memref<40x64xi32, #tpu.memory_space<vmem>> -> memref<1x64xi32, #tpu.memory_space<vmem>>
    %dma_start3A_571 = tpu.memref_squeeze %dma_start3A_570 : memref<1x64xi32, #tpu.memory_space<vmem>> -> memref<64xi32, #tpu.memory_space<vmem>>
    %dma_start3A_572 = arith.constant 0 : i32
    %dma_start3A_573 = arith.constant 0 : i32
    %dma_start3A_574 = tpu.memref_slice %arg2[%dma_start3A_572, %dma_start3A_573] : memref<10000x64xi32, #tpu.memory_space<hbm>> -> memref<10000x64xi32, #tpu.memory_space<hbm>>
    tpu.enqueue_indirect_dma source(%dma_start3A_574 : memref<10000x64xi32, #tpu.memory_space<hbm>>) target(%arg8 : memref<64x64xi32, #tpu.memory_space<vmem>>) offsets(%dma_start3A_571 : memref<64xi32, #tpu.memory_space<vmem>>) semaphore(%arg14 : memref<!tpu.dma_semaphore, #tpu.memory_space<semaphore_mem>>)
    %dma_start3A_575 = arith.constant 1 : i32
    %dma_start3A_576 = arith.constant 0 : i32
    %dma_start3A_577 = tpu.memref_slice %arg6[%dma_start3A_575, %dma_start3A_576] : memref<40x64xi32, #tpu.memory_space<vmem>> -> memref<1x64xi32, #tpu.memory_space<vmem>>
    %dma_start3A_578 = tpu.memref_squeeze %dma_start3A_577 : memref<1x64xi32, #tpu.memory_space<vmem>> -> memref<64xi32, #tpu.memory_space<vmem>>
    %dma_start3A_579 = arith.constant 0 : i32
    %dma_start3A_580 = arith.constant 0 : i32
    %dma_start3A_581 = tpu.memref_slice %arg2[%dma_start3A_579, %dma_start3A_580] : memref<10000x64xi32, #tpu.memory_space<hbm>> -> memref<10000x64xi32, #tpu.memory_space<hbm>>
    tpu.enqueue_indirect_dma source(%dma_start3A_581 : memref<10000x64xi32, #tpu.memory_space<hbm>>) target(%arg9 : memref<64x64xi32, #tpu.memory_space<vmem>>) offsets(%dma_start3A_578 : memref<64xi32, #tpu.memory_space<vmem>>) semaphore(%arg15 : memref<!tpu.dma_semaphore, #tpu.memory_space<semaphore_mem>>)
    %dma_wait3A_582 = arith.constant 0 : i32
    %dma_wait3A_583 = arith.constant 0 : i32
    %dma_wait3A_584 = tpu.memref_slice %arg6[%dma_wait3A_582, %dma_wait3A_583] : memref<40x64xi32, #tpu.memory_space<vmem>> -> memref<1x64xi32, #tpu.memory_space<vmem>>
    %dma_wait3A_585 = tpu.memref_squeeze %dma_wait3A_584 : memref<1x64xi32, #tpu.memory_space<vmem>> -> memref<64xi32, #tpu.memory_space<vmem>>
    %dma_wait3A_586 = arith.constant 0 : i32
    %dma_wait3A_587 = arith.constant 0 : i32
    %dma_wait3A_588 = tpu.memref_slice %arg2[%dma_wait3A_586, %dma_wait3A_587] : memref<10000x64xi32, #tpu.memory_space<hbm>> -> memref<10000x64xi32, #tpu.memory_space<hbm>>
    tpu.wait_indirect_dma semaphore(%arg14 : memref<!tpu.dma_semaphore, #tpu.memory_space<semaphore_mem>>) src(%dma_wait3A_588 : memref<10000x64xi32, #tpu.memory_space<hbm>>) dst(%arg8 : memref<64x64xi32, #tpu.memory_space<vmem>>)
    %broadcast_in_dim3A_589 = arith.constant -65536 : i32
    %broadcast_in_dim3A_590 = vector.broadcast %broadcast_in_dim3A_589 : i32 to vector<16xi32>
    %broadcast_in_dim3A_591 = arith.constant 16 : i32
    %broadcast_in_dim3A_592 = vector.broadcast %broadcast_in_dim3A_591 : i32 to vector<16xi32>
    %scan3A_593 = arith.constant 0 : i32
    %scan3A_594 = arith.constant 64 : i32
    %scan3A_595 = arith.addi %scan3A_593, %scan3A_594 : i32
    %scan3A_596 = arith.constant 1 : i32
    scf.for %scan3A_726 = %scan3A_593 to %scan3A_595 step %scan3A_596  : i32 {
      %mul3A_727 = arith.constant 1 : i32
      %mul3A_728 = arith.muli %scan3A_726, %mul3A_727 : i32
      %add3A_729 = arith.constant 0 : i32
      %add3A_730 = arith.addi %add3A_729, %mul3A_728 : i32
      %get3A = arith.index_cast %add3A_730 : i32 to index
      %get3A_731 = arith.constant 0 : index
      %get3A_732 = tpu.vector_load %arg8[%get3A, %get3A_731] {strides = array<i32>} : memref<64x64xi32, #tpu.memory_space<vmem>>, vector<1x16xi32>,
      %get3A_733 = vector.shape_cast %get3A_732 : vector<1x16xi32> to vector<16xi32>
      %shift_left3A = arith.shli %get3A_733, %broadcast_in_dim3A_592 : vector<16xi32>
      %bitcast_convert_type3A = tpu.bitcast %shift_left3A : vector<16xi32> -> vector<16xf32>
      %and3A = arith.andi %get3A_733, %broadcast_in_dim3A_590 : vector<16xi32>
      %bitcast_convert_type3A_734 = tpu.bitcast %and3A : vector<16xi32> -> vector<16xf32>
      %swap3A = arith.index_cast %add3A_730 : i32 to index
      %swap3A_735 = arith.constant 0 : index
      %swap3A_736 = tpu.vector_load %arg10[%swap3A, %swap3A_735] {strides = array<i32>} : memref<64x128xf32, #tpu.memory_space<vmem>>, vector<1x16xf32>,
      %swap3A_737 = vector.shape_cast %swap3A_736 : vector<1x16xf32> to vector<16xf32>
      %swap3A_738 = vector.shape_cast %bitcast_convert_type3A : vector<16xf32> to vector<1x16xf32>
      tpu.vector_store %arg10[%swap3A, %swap3A_735], %swap3A_738 {strides = array<i32>} : memref<64x128xf32, #tpu.memory_space<vmem>>, vector<1x16xf32>,
      %swap3A_739 = arith.index_cast %add3A_730 : i32 to index
      %swap3A_740 = arith.constant 16 : index
      %swap3A_741 = tpu.vector_load %arg10[%swap3A_739, %swap3A_740] {strides = array<i32>} : memref<64x128xf32, #tpu.memory_space<vmem>>, vector<1x16xf32>,
      %swap3A_742 = vector.shape_cast %swap3A_741 : vector<1x16xf32> to vector<16xf32>
      %swap3A_743 = vector.shape_cast %bitcast_convert_type3A_734 : vector<16xf32> to vector<1x16xf32>
      tpu.vector_store %arg10[%swap3A_739, %swap3A_740], %swap3A_743 {strides = array<i32>} : memref<64x128xf32, #tpu.memory_space<vmem>>, vector<1x16xf32>,
      %get3A_744 = arith.index_cast %add3A_730 : i32 to index
      %get3A_745 = arith.constant 16 : index
      %get3A_746 = tpu.vector_load %arg8[%get3A_744, %get3A_745] {strides = array<i32>} : memref<64x64xi32, #tpu.memory_space<vmem>>, vector<1x16xi32>,
      %get3A_747 = vector.shape_cast %get3A_746 : vector<1x16xi32> to vector<16xi32>
      %shift_left3A_748 = arith.shli %get3A_747, %broadcast_in_dim3A_592 : vector<16xi32>
      %bitcast_convert_type3A_749 = tpu.bitcast %shift_left3A_748 : vector<16xi32> -> vector<16xf32>
      %and3A_750 = arith.andi %get3A_747, %broadcast_in_dim3A_590 : vector<16xi32>
      %bitcast_convert_type3A_751 = tpu.bitcast %and3A_750 : vector<16xi32> -> vector<16xf32>
      %swap3A_752 = arith.index_cast %add3A_730 : i32 to index
      %swap3A_753 = arith.constant 32 : index
      %swap3A_754 = tpu.vector_load %arg10[%swap3A_752, %swap3A_753] {strides = array<i32>} : memref<64x128xf32, #tpu.memory_space<vmem>>, vector<1x16xf32>,
      %swap3A_755 = vector.shape_cast %swap3A_754 : vector<1x16xf32> to vector<16xf32>
      %swap3A_756 = vector.shape_cast %bitcast_convert_type3A_749 : vector<16xf32> to vector<1x16xf32>
      tpu.vector_store %arg10[%swap3A_752, %swap3A_753], %swap3A_756 {strides = array<i32>} : memref<64x128xf32, #tpu.memory_space<vmem>>, vector<1x16xf32>,
      %swap3A_757 = arith.index_cast %add3A_730 : i32 to index
      %swap3A_758 = arith.constant 48 : index
      %swap3A_759 = tpu.vector_load %arg10[%swap3A_757, %swap3A_758] {strides = array<i32>} : memref<64x128xf32, #tpu.memory_space<vmem>>, vector<1x16xf32>,
      %swap3A_760 = vector.shape_cast %swap3A_759 : vector<1x16xf32> to vector<16xf32>
      %swap3A_761 = vector.shape_cast %bitcast_convert_type3A_751 : vector<16xf32> to vector<1x16xf32>
      tpu.vector_store %arg10[%swap3A_757, %swap3A_758], %swap3A_761 {strides = array<i32>} : memref<64x128xf32, #tpu.memory_space<vmem>>, vector<1x16xf32>,
      %get3A_762 = arith.index_cast %add3A_730 : i32 to index
      %get3A_763 = arith.constant 32 : index
      %get3A_764 = tpu.vector_load %arg8[%get3A_762, %get3A_763] {strides = array<i32>} : memref<64x64xi32, #tpu.memory_space<vmem>>, vector<1x16xi32>,
      %get3A_765 = vector.shape_cast %get3A_764 : vector<1x16xi32> to vector<16xi32>
      %shift_left3A_766 = arith.shli %get3A_765, %broadcast_in_dim3A_592 : vector<16xi32>
      %bitcast_convert_type3A_767 = tpu.bitcast %shift_left3A_766 : vector<16xi32> -> vector<16xf32>
      %and3A_768 = arith.andi %get3A_765, %broadcast_in_dim3A_590 : vector<16xi32>
      %bitcast_convert_type3A_769 = tpu.bitcast %and3A_768 : vector<16xi32> -> vector<16xf32>
      %swap3A_770 = arith.index_cast %add3A_730 : i32 to index
      %swap3A_771 = arith.constant 64 : index
      %swap3A_772 = tpu.vector_load %arg10[%swap3A_770, %swap3A_771] {strides = array<i32>} : memref<64x128xf32, #tpu.memory_space<vmem>>, vector<1x16xf32>,
      %swap3A_773 = vector.shape_cast %swap3A_772 : vector<1x16xf32> to vector<16xf32>
      %swap3A_774 = vector.shape_cast %bitcast_convert_type3A_767 : vector<16xf32> to vector<1x16xf32>
      tpu.vector_store %arg10[%swap3A_770, %swap3A_771], %swap3A_774 {strides = array<i32>} : memref<64x128xf32, #tpu.memory_space<vmem>>, vector<1x16xf32>,
      %swap3A_775 = arith.index_cast %add3A_730 : i32 to index
      %swap3A_776 = arith.constant 80 : index
      %swap3A_777 = tpu.vector_load %arg10[%swap3A_775, %swap3A_776] {strides = array<i32>} : memref<64x128xf32, #tpu.memory_space<vmem>>, vector<1x16xf32>,
      %swap3A_778 = vector.shape_cast %swap3A_777 : vector<1x16xf32> to vector<16xf32>
      %swap3A_779 = vector.shape_cast %bitcast_convert_type3A_769 : vector<16xf32> to vector<1x16xf32>
      tpu.vector_store %arg10[%swap3A_775, %swap3A_776], %swap3A_779 {strides = array<i32>} : memref<64x128xf32, #tpu.memory_space<vmem>>, vector<1x16xf32>,
      %get3A_780 = arith.index_cast %add3A_730 : i32 to index
      %get3A_781 = arith.constant 48 : index
      %get3A_782 = tpu.vector_load %arg8[%get3A_780, %get3A_781] {strides = array<i32>} : memref<64x64xi32, #tpu.memory_space<vmem>>, vector<1x16xi32>,
      %get3A_783 = vector.shape_cast %get3A_782 : vector<1x16xi32> to vector<16xi32>
      %shift_left3A_784 = arith.shli %get3A_783, %broadcast_in_dim3A_592 : vector<16xi32>
      %bitcast_convert_type3A_785 = tpu.bitcast %shift_left3A_784 : vector<16xi32> -> vector<16xf32>
      %and3A_786 = arith.andi %get3A_783, %broadcast_in_dim3A_590 : vector<16xi32>
      %bitcast_convert_type3A_787 = tpu.bitcast %and3A_786 : vector<16xi32> -> vector<16xf32>
      %swap3A_788 = arith.index_cast %add3A_730 : i32 to index
      %swap3A_789 = arith.constant 96 : index
      %swap3A_790 = tpu.vector_load %arg10[%swap3A_788, %swap3A_789] {strides = array<i32>} : memref<64x128xf32, #tpu.memory_space<vmem>>, vector<1x16xf32>,
      %swap3A_791 = vector.shape_cast %swap3A_790 : vector<1x16xf32> to vector<16xf32>
      %swap3A_792 = vector.shape_cast %bitcast_convert_type3A_785 : vector<16xf32> to vector<1x16xf32>
      tpu.vector_store %arg10[%swap3A_788, %swap3A_789], %swap3A_792 {strides = array<i32>} : memref<64x128xf32, #tpu.memory_space<vmem>>, vector<1x16xf32>,
      %swap3A_793 = arith.index_cast %add3A_730 : i32 to index
      %swap3A_794 = arith.constant 112 : index
      %swap3A_795 = tpu.vector_load %arg10[%swap3A_793, %swap3A_794] {strides = array<i32>} : memref<64x128xf32, #tpu.memory_space<vmem>>, vector<1x16xf32>,
      %swap3A_796 = vector.shape_cast %swap3A_795 : vector<1x16xf32> to vector<16xf32>
      %swap3A_797 = vector.shape_cast %bitcast_convert_type3A_787 : vector<16xf32> to vector<1x16xf32>
      tpu.vector_store %arg10[%swap3A_793, %swap3A_794], %swap3A_797 {strides = array<i32>} : memref<64x128xf32, #tpu.memory_space<vmem>>, vector<1x16xf32>,
    }
    %scan3A_597 = arith.constant 64 : i32
    %dma_start3A_598 = arith.constant 0 : i32
    %dma_start3A_599 = arith.constant 0 : i32
    %dma_start3A_600 = tpu.memref_slice %arg7[%dma_start3A_598, %dma_start3A_599] : memref<40x64xi32, #tpu.memory_space<vmem>> -> memref<1x64xi32, #tpu.memory_space<vmem>>
    %dma_start3A_601 = tpu.memref_squeeze %dma_start3A_600 : memref<1x64xi32, #tpu.memory_space<vmem>> -> memref<64xi32, #tpu.memory_space<vmem>>
    %dma_start3A_602 = arith.constant 0 : i32
    %dma_start3A_603 = arith.constant 0 : i32
    %dma_start3A_604 = tpu.memref_slice %arg12[%dma_start3A_602, %dma_start3A_603] : memref<10112x128xf32, #tpu.memory_space<vmem_shared>> -> memref<10112x128xf32, #tpu.memory_space<vmem_shared>>
    tpu.enqueue_indirect_dma source(%arg10 : memref<64x128xf32, #tpu.memory_space<vmem>>) target(%dma_start3A_604 : memref<10112x128xf32, #tpu.memory_space<vmem_shared>>) offsets(%dma_start3A_601 : memref<64xi32, #tpu.memory_space<vmem>>) semaphore(%arg16 : memref<!tpu.dma_semaphore, #tpu.memory_space<semaphore_mem>>) {add = true}
    %dma_start3A_605 = arith.constant 2 : i32
    %dma_start3A_606 = arith.constant 0 : i32
    %dma_start3A_607 = tpu.memref_slice %arg6[%dma_start3A_605, %dma_start3A_606] : memref<40x64xi32, #tpu.memory_space<vmem>> -> memref<1x64xi32, #tpu.memory_space<vmem>>
    %dma_start3A_608 = tpu.memref_squeeze %dma_start3A_607 : memref<1x64xi32, #tpu.memory_space<vmem>> -> memref<64xi32, #tpu.memory_space<vmem>>
    %dma_start3A_609 = arith.constant 0 : i32
    %dma_start3A_610 = arith.constant 0 : i32
    %dma_start3A_611 = tpu.memref_slice %arg2[%dma_start3A_609, %dma_start3A_610] : memref<10000x64xi32, #tpu.memory_space<hbm>> -> memref<10000x64xi32, #tpu.memory_space<hbm>>
    tpu.enqueue_indirect_dma source(%dma_start3A_611 : memref<10000x64xi32, #tpu.memory_space<hbm>>) target(%arg8 : memref<64x64xi32, #tpu.memory_space<vmem>>) offsets(%dma_start3A_608 : memref<64xi32, #tpu.memory_space<vmem>>) semaphore(%arg14 : memref<!tpu.dma_semaphore, #tpu.memory_space<semaphore_mem>>)
    %dma_wait3A_612 = arith.constant 0 : i32
    %dma_wait3A_613 = arith.constant 0 : i32
    %dma_wait3A_614 = tpu.memref_slice %arg6[%dma_wait3A_612, %dma_wait3A_613] : memref<40x64xi32, #tpu.memory_space<vmem>> -> memref<1x64xi32, #tpu.memory_space<vmem>>
    %dma_wait3A_615 = tpu.memref_squeeze %dma_wait3A_614 : memref<1x64xi32, #tpu.memory_space<vmem>> -> memref<64xi32, #tpu.memory_space<vmem>>
    %dma_wait3A_616 = arith.constant 0 : i32
    %dma_wait3A_617 = arith.constant 0 : i32
    %dma_wait3A_618 = tpu.memref_slice %arg2[%dma_wait3A_616, %dma_wait3A_617] : memref<10000x64xi32, #tpu.memory_space<hbm>> -> memref<10000x64xi32, #tpu.memory_space<hbm>>
    tpu.wait_indirect_dma semaphore(%arg15 : memref<!tpu.dma_semaphore, #tpu.memory_space<semaphore_mem>>) src(%dma_wait3A_618 : memref<10000x64xi32, #tpu.memory_space<hbm>>) dst(%arg9 : memref<64x64xi32, #tpu.memory_space<vmem>>)
    %broadcast_in_dim3A_619 = arith.constant -65536 : i32
    %broadcast_in_dim3A_620 = vector.broadcast %broadcast_in_dim3A_619 : i32 to vector<16xi32>
    %broadcast_in_dim3A_621 = arith.constant 16 : i32
    %broadcast_in_dim3A_622 = vector.broadcast %broadcast_in_dim3A_621 : i32 to vector<16xi32>
    %scan3A_623 = arith.constant 0 : i32
    %scan3A_624 = arith.constant 64 : i32
    %scan3A_625 = arith.addi %scan3A_623, %scan3A_624 : i32
    %scan3A_626 = arith.constant 1 : i32
    scf.for %scan3A_726 = %scan3A_623 to %scan3A_625 step %scan3A_626  : i32 {
      %mul3A_727 = arith.constant 1 : i32
      %mul3A_728 = arith.muli %scan3A_726, %mul3A_727 : i32
      %add3A_729 = arith.constant 0 : i32
      %add3A_730 = arith.addi %add3A_729, %mul3A_728 : i32
      %get3A = arith.index_cast %add3A_730 : i32 to index
      %get3A_731 = arith.constant 0 : index
      %get3A_732 = tpu.vector_load %arg9[%get3A, %get3A_731] {strides = array<i32>} : memref<64x64xi32, #tpu.memory_space<vmem>>, vector<1x16xi32>,
      %get3A_733 = vector.shape_cast %get3A_732 : vector<1x16xi32> to vector<16xi32>
      %shift_left3A = arith.shli %get3A_733, %broadcast_in_dim3A_622 : vector<16xi32>
      %bitcast_convert_type3A = tpu.bitcast %shift_left3A : vector<16xi32> -> vector<16xf32>
      %and3A = arith.andi %get3A_733, %broadcast_in_dim3A_620 : vector<16xi32>
      %bitcast_convert_type3A_734 = tpu.bitcast %and3A : vector<16xi32> -> vector<16xf32>
      %swap3A = arith.index_cast %add3A_730 : i32 to index
      %swap3A_735 = arith.constant 0 : index
      %swap3A_736 = tpu.vector_load %arg11[%swap3A, %swap3A_735] {strides = array<i32>} : memref<64x128xf32, #tpu.memory_space<vmem>>, vector<1x16xf32>,
      %swap3A_737 = vector.shape_cast %swap3A_736 : vector<1x16xf32> to vector<16xf32>
      %swap3A_738 = vector.shape_cast %bitcast_convert_type3A : vector<16xf32> to vector<1x16xf32>
      tpu.vector_store %arg11[%swap3A, %swap3A_735], %swap3A_738 {strides = array<i32>} : memref<64x128xf32, #tpu.memory_space<vmem>>, vector<1x16xf32>,
      %swap3A_739 = arith.index_cast %add3A_730 : i32 to index
      %swap3A_740 = arith.constant 16 : index
      %swap3A_741 = tpu.vector_load %arg11[%swap3A_739, %swap3A_740] {strides = array<i32>} : memref<64x128xf32, #tpu.memory_space<vmem>>, vector<1x16xf32>,
      %swap3A_742 = vector.shape_cast %swap3A_741 : vector<1x16xf32> to vector<16xf32>
      %swap3A_743 = vector.shape_cast %bitcast_convert_type3A_734 : vector<16xf32> to vector<1x16xf32>
      tpu.vector_store %arg11[%swap3A_739, %swap3A_740], %swap3A_743 {strides = array<i32>} : memref<64x128xf32, #tpu.memory_space<vmem>>, vector<1x16xf32>,
      %get3A_744 = arith.index_cast %add3A_730 : i32 to index
      %get3A_745 = arith.constant 16 : index
      %get3A_746 = tpu.vector_load %arg9[%get3A_744, %get3A_745] {strides = array<i32>} : memref<64x64xi32, #tpu.memory_space<vmem>>, vector<1x16xi32>,
      %get3A_747 = vector.shape_cast %get3A_746 : vector<1x16xi32> to vector<16xi32>
      %shift_left3A_748 = arith.shli %get3A_747, %broadcast_in_dim3A_622 : vector<16xi32>
      %bitcast_convert_type3A_749 = tpu.bitcast %shift_left3A_748 : vector<16xi32> -> vector<16xf32>
      %and3A_750 = arith.andi %get3A_747, %broadcast_in_dim3A_620 : vector<16xi32>
      %bitcast_convert_type3A_751 = tpu.bitcast %and3A_750 : vector<16xi32> -> vector<16xf32>
      %swap3A_752 = arith.index_cast %add3A_730 : i32 to index
      %swap3A_753 = arith.constant 32 : index
      %swap3A_754 = tpu.vector_load %arg11[%swap3A_752, %swap3A_753] {strides = array<i32>} : memref<64x128xf32, #tpu.memory_space<vmem>>, vector<1x16xf32>,
      %swap3A_755 = vector.shape_cast %swap3A_754 : vector<1x16xf32> to vector<16xf32>
      %swap3A_756 = vector.shape_cast %bitcast_convert_type3A_749 : vector<16xf32> to vector<1x16xf32>
      tpu.vector_store %arg11[%swap3A_752, %swap3A_753], %swap3A_756 {strides = array<i32>} : memref<64x128xf32, #tpu.memory_space<vmem>>, vector<1x16xf32>,
      %swap3A_757 = arith.index_cast %add3A_730 : i32 to index
      %swap3A_758 = arith.constant 48 : index
      %swap3A_759 = tpu.vector_load %arg11[%swap3A_757, %swap3A_758] {strides = array<i32>} : memref<64x128xf32, #tpu.memory_space<vmem>>, vector<1x16xf32>,
      %swap3A_760 = vector.shape_cast %swap3A_759 : vector<1x16xf32> to vector<16xf32>
      %swap3A_761 = vector.shape_cast %bitcast_convert_type3A_751 : vector<16xf32> to vector<1x16xf32>
      tpu.vector_store %arg11[%swap3A_757, %swap3A_758], %swap3A_761 {strides = array<i32>} : memref<64x128xf32, #tpu.memory_space<vmem>>, vector<1x16xf32>,
      %get3A_762 = arith.index_cast %add3A_730 : i32 to index
      %get3A_763 = arith.constant 32 : index
      %get3A_764 = tpu.vector_load %arg9[%get3A_762, %get3A_763] {strides = array<i32>} : memref<64x64xi32, #tpu.memory_space<vmem>>, vector<1x16xi32>,
      %get3A_765 = vector.shape_cast %get3A_764 : vector<1x16xi32> to vector<16xi32>
      %shift_left3A_766 = arith.shli %get3A_765, %broadcast_in_dim3A_622 : vector<16xi32>
      %bitcast_convert_type3A_767 = tpu.bitcast %shift_left3A_766 : vector<16xi32> -> vector<16xf32>
      %and3A_768 = arith.andi %get3A_765, %broadcast_in_dim3A_620 : vector<16xi32>
      %bitcast_convert_type3A_769 = tpu.bitcast %and3A_768 : vector<16xi32> -> vector<16xf32>
      %swap3A_770 = arith.index_cast %add3A_730 : i32 to index
      %swap3A_771 = arith.constant 64 : index
      %swap3A_772 = tpu.vector_load %arg11[%swap3A_770, %swap3A_771] {strides = array<i32>} : memref<64x128xf32, #tpu.memory_space<vmem>>, vector<1x16xf32>,
      %swap3A_773 = vector.shape_cast %swap3A_772 : vector<1x16xf32> to vector<16xf32>
      %swap3A_774 = vector.shape_cast %bitcast_convert_type3A_767 : vector<16xf32> to vector<1x16xf32>
      tpu.vector_store %arg11[%swap3A_770, %swap3A_771], %swap3A_774 {strides = array<i32>} : memref<64x128xf32, #tpu.memory_space<vmem>>, vector<1x16xf32>,
      %swap3A_775 = arith.index_cast %add3A_730 : i32 to index
      %swap3A_776 = arith.constant 80 : index
      %swap3A_777 = tpu.vector_load %arg11[%swap3A_775, %swap3A_776] {strides = array<i32>} : memref<64x128xf32, #tpu.memory_space<vmem>>, vector<1x16xf32>,
      %swap3A_778 = vector.shape_cast %swap3A_777 : vector<1x16xf32> to vector<16xf32>
      %swap3A_779 = vector.shape_cast %bitcast_convert_type3A_769 : vector<16xf32> to vector<1x16xf32>
      tpu.vector_store %arg11[%swap3A_775, %swap3A_776], %swap3A_779 {strides = array<i32>} : memref<64x128xf32, #tpu.memory_space<vmem>>, vector<1x16xf32>,
      %get3A_780 = arith.index_cast %add3A_730 : i32 to index
      %get3A_781 = arith.constant 48 : index
      %get3A_782 = tpu.vector_load %arg9[%get3A_780, %get3A_781] {strides = array<i32>} : memref<64x64xi32, #tpu.memory_space<vmem>>, vector<1x16xi32>,
      %get3A_783 = vector.shape_cast %get3A_782 : vector<1x16xi32> to vector<16xi32>
      %shift_left3A_784 = arith.shli %get3A_783, %broadcast_in_dim3A_622 : vector<16xi32>
      %bitcast_convert_type3A_785 = tpu.bitcast %shift_left3A_784 : vector<16xi32> -> vector<16xf32>
      %and3A_786 = arith.andi %get3A_783, %broadcast_in_dim3A_620 : vector<16xi32>
      %bitcast_convert_type3A_787 = tpu.bitcast %and3A_786 : vector<16xi32> -> vector<16xf32>
      %swap3A_788 = arith.index_cast %add3A_730 : i32 to index
      %swap3A_789 = arith.constant 96 : index
      %swap3A_790 = tpu.vector_load %arg11[%swap3A_788, %swap3A_789] {strides = array<i32>} : memref<64x128xf32, #tpu.memory_space<vmem>>, vector<1x16xf32>,
      %swap3A_791 = vector.shape_cast %swap3A_790 : vector<1x16xf32> to vector<16xf32>
      %swap3A_792 = vector.shape_cast %bitcast_convert_type3A_785 : vector<16xf32> to vector<1x16xf32>
      tpu.vector_store %arg11[%swap3A_788, %swap3A_789], %swap3A_792 {strides = array<i32>} : memref<64x128xf32, #tpu.memory_space<vmem>>, vector<1x16xf32>,
      %swap3A_793 = arith.index_cast %add3A_730 : i32 to index
      %swap3A_794 = arith.constant 112 : index
      %swap3A_795 = tpu.vector_load %arg11[%swap3A_793, %swap3A_794] {strides = array<i32>} : memref<64x128xf32, #tpu.memory_space<vmem>>, vector<1x16xf32>,
      %swap3A_796 = vector.shape_cast %swap3A_795 : vector<1x16xf32> to vector<16xf32>
      %swap3A_797 = vector.shape_cast %bitcast_convert_type3A_787 : vector<16xf32> to vector<1x16xf32>
      tpu.vector_store %arg11[%swap3A_793, %swap3A_794], %swap3A_797 {strides = array<i32>} : memref<64x128xf32, #tpu.memory_space<vmem>>, vector<1x16xf32>,
    }
    %scan3A_627 = arith.constant 64 : i32
    %dma_start3A_628 = arith.constant 1 : i32
    %dma_start3A_629 = arith.constant 0 : i32
    %dma_start3A_630 = tpu.memref_slice %arg7[%dma_start3A_628, %dma_start3A_629] : memref<40x64xi32, #tpu.memory_space<vmem>> -> memref<1x64xi32, #tpu.memory_space<vmem>>
    %dma_start3A_631 = tpu.memref_squeeze %dma_start3A_630 : memref<1x64xi32, #tpu.memory_space<vmem>> -> memref<64xi32, #tpu.memory_space<vmem>>
    %dma_start3A_632 = arith.constant 0 : i32
    %dma_start3A_633 = arith.constant 0 : i32
    %dma_start3A_634 = tpu.memref_slice %arg12[%dma_start3A_632, %dma_start3A_633] : memref<10112x128xf32, #tpu.memory_space<vmem_shared>> -> memref<10112x128xf32, #tpu.memory_space<vmem_shared>>
    tpu.enqueue_indirect_dma source(%arg11 : memref<64x128xf32, #tpu.memory_space<vmem>>) target(%dma_start3A_634 : memref<10112x128xf32, #tpu.memory_space<vmem_shared>>) offsets(%dma_start3A_631 : memref<64xi32, #tpu.memory_space<vmem>>) semaphore(%arg17 : memref<!tpu.dma_semaphore, #tpu.memory_space<semaphore_mem>>) {add = true}
    %dma_start3A_635 = arith.constant 3 : i32
    %dma_start3A_636 = arith.constant 0 : i32
    %dma_start3A_637 = tpu.memref_slice %arg6[%dma_start3A_635, %dma_start3A_636] : memref<40x64xi32, #tpu.memory_space<vmem>> -> memref<1x64xi32, #tpu.memory_space<vmem>>
    %dma_start3A_638 = tpu.memref_squeeze %dma_start3A_637 : memref<1x64xi32, #tpu.memory_space<vmem>> -> memref<64xi32, #tpu.memory_space<vmem>>
    %dma_start3A_639 = arith.constant 0 : i32
    %dma_start3A_640 = arith.constant 0 : i32
    %dma_start3A_641 = tpu.memref_slice %arg2[%dma_start3A_639, %dma_start3A_640] : memref<10000x64xi32, #tpu.memory_space<hbm>> -> memref<10000x64xi32, #tpu.memory_space<hbm>>
    tpu.enqueue_indirect_dma source(%dma_start3A_641 : memref<10000x64xi32, #tpu.memory_space<hbm>>) target(%arg9 : memref<64x64xi32, #tpu.memory_space<vmem>>) offsets(%dma_start3A_638 : memref<64xi32, #tpu.memory_space<vmem>>) semaphore(%arg15 : memref<!tpu.dma_semaphore, #tpu.memory_space<semaphore_mem>>)
    %scan3A_642 = arith.constant 0 : i32
    %scan3A_643 = arith.constant 18 : i32
    %scan3A_644 = arith.addi %scan3A_642, %scan3A_643 : i32
    %scan3A_645 = arith.constant 1 : i32
    scf.for %scan3A_726 = %scan3A_642 to %scan3A_644 step %scan3A_645  : i32 {
      %mul3A_727 = arith.constant 1 : i32
      %mul3A_728 = arith.muli %scan3A_726, %mul3A_727 : i32
      %add3A_729 = arith.constant 0 : i32
      %add3A_730 = arith.addi %add3A_729, %mul3A_728 : i32
      %add3A_731 = arith.constant 1 : i32
      %add3A_732 = arith.addi %add3A_730, %add3A_731 : i32
      %mul3A_733 = arith.constant 2 : i32
      %mul3A_734 = arith.muli %add3A_732, %mul3A_733 : i32
      %add3A_735 = arith.constant 0 : i32
      %add3A_736 = arith.addi %mul3A_734, %add3A_735 : i32
      %dma_wait3A_737 = arith.constant 0 : i32
      %dma_wait3A_738 = arith.constant 0 : i32
      %dma_wait3A_739 = tpu.memref_slice %arg6[%dma_wait3A_737, %dma_wait3A_738] : memref<40x64xi32, #tpu.memory_space<vmem>> -> memref<1x64xi32, #tpu.memory_space<vmem>>
      %dma_wait3A_740 = tpu.memref_squeeze %dma_wait3A_739 : memref<1x64xi32, #tpu.memory_space<vmem>> -> memref<64xi32, #tpu.memory_space<vmem>>
      %dma_wait3A_741 = arith.constant 0 : i32
      %dma_wait3A_742 = arith.constant 0 : i32
      %dma_wait3A_743 = tpu.memref_slice %arg2[%dma_wait3A_741, %dma_wait3A_742] : memref<10000x64xi32, #tpu.memory_space<hbm>> -> memref<10000x64xi32, #tpu.memory_space<hbm>>
      tpu.wait_indirect_dma semaphore(%arg14 : memref<!tpu.dma_semaphore, #tpu.memory_space<semaphore_mem>>) src(%dma_wait3A_743 : memref<10000x64xi32, #tpu.memory_space<hbm>>) dst(%arg8 : memref<64x64xi32, #tpu.memory_space<vmem>>)
      %dma_wait3A_744 = arith.constant 0 : i32
      %dma_wait3A_745 = arith.constant 0 : i32
      %dma_wait3A_746 = tpu.memref_slice %arg7[%dma_wait3A_744, %dma_wait3A_745] : memref<40x64xi32, #tpu.memory_space<vmem>> -> memref<1x64xi32, #tpu.memory_space<vmem>>
      %dma_wait3A_747 = tpu.memref_squeeze %dma_wait3A_746 : memref<1x64xi32, #tpu.memory_space<vmem>> -> memref<64xi32, #tpu.memory_space<vmem>>
      %dma_wait3A_748 = arith.constant 0 : i32
      %dma_wait3A_749 = arith.constant 0 : i32
      %dma_wait3A_750 = tpu.memref_slice %arg12[%dma_wait3A_748, %dma_wait3A_749] : memref<10112x128xf32, #tpu.memory_space<vmem_shared>> -> memref<10112x128xf32, #tpu.memory_space<vmem_shared>>
      tpu.wait_indirect_dma semaphore(%arg16 : memref<!tpu.dma_semaphore, #tpu.memory_space<semaphore_mem>>) src(%arg10 : memref<64x128xf32, #tpu.memory_space<vmem>>) dst(%dma_wait3A_750 : memref<10112x128xf32, #tpu.memory_space<vmem_shared>>)
      %broadcast_in_dim3A_751 = arith.constant -65536 : i32
      %broadcast_in_dim3A_752 = vector.broadcast %broadcast_in_dim3A_751 : i32 to vector<16xi32>
      %broadcast_in_dim3A_753 = arith.constant 16 : i32
      %broadcast_in_dim3A_754 = vector.broadcast %broadcast_in_dim3A_753 : i32 to vector<16xi32>
      %scan3A_755 = arith.constant 0 : i32
      %scan3A_756 = arith.constant 64 : i32
      %scan3A_757 = arith.addi %scan3A_755, %scan3A_756 : i32
      %scan3A_758 = arith.constant 1 : i32
      scf.for %scan3A_817 = %scan3A_755 to %scan3A_757 step %scan3A_758  : i32 {
        %mul3A_818 = arith.constant 1 : i32
        %mul3A_819 = arith.muli %scan3A_817, %mul3A_818 : i32
        %add3A_820 = arith.constant 0 : i32
        %add3A_821 = arith.addi %add3A_820, %mul3A_819 : i32
        %get3A = arith.index_cast %add3A_821 : i32 to index
        %get3A_822 = arith.constant 0 : index
        %get3A_823 = tpu.vector_load %arg8[%get3A, %get3A_822] {strides = array<i32>} : memref<64x64xi32, #tpu.memory_space<vmem>>, vector<1x16xi32>,
        %get3A_824 = vector.shape_cast %get3A_823 : vector<1x16xi32> to vector<16xi32>
        %shift_left3A = arith.shli %get3A_824, %broadcast_in_dim3A_754 : vector<16xi32>
        %bitcast_convert_type3A = tpu.bitcast %shift_left3A : vector<16xi32> -> vector<16xf32>
        %and3A = arith.andi %get3A_824, %broadcast_in_dim3A_752 : vector<16xi32>
        %bitcast_convert_type3A_825 = tpu.bitcast %and3A : vector<16xi32> -> vector<16xf32>
        %swap3A = arith.index_cast %add3A_821 : i32 to index
        %swap3A_826 = arith.constant 0 : index
        %swap3A_827 = tpu.vector_load %arg10[%swap3A, %swap3A_826] {strides = array<i32>} : memref<64x128xf32, #tpu.memory_space<vmem>>, vector<1x16xf32>,
        %swap3A_828 = vector.shape_cast %swap3A_827 : vector<1x16xf32> to vector<16xf32>
        %swap3A_829 = vector.shape_cast %bitcast_convert_type3A : vector<16xf32> to vector<1x16xf32>
        tpu.vector_store %arg10[%swap3A, %swap3A_826], %swap3A_829 {strides = array<i32>} : memref<64x128xf32, #tpu.memory_space<vmem>>, vector<1x16xf32>,
        %swap3A_830 = arith.index_cast %add3A_821 : i32 to index
        %swap3A_831 = arith.constant 16 : index
        %swap3A_832 = tpu.vector_load %arg10[%swap3A_830, %swap3A_831] {strides = array<i32>} : memref<64x128xf32, #tpu.memory_space<vmem>>, vector<1x16xf32>,
        %swap3A_833 = vector.shape_cast %swap3A_832 : vector<1x16xf32> to vector<16xf32>
        %swap3A_834 = vector.shape_cast %bitcast_convert_type3A_825 : vector<16xf32> to vector<1x16xf32>
        tpu.vector_store %arg10[%swap3A_830, %swap3A_831], %swap3A_834 {strides = array<i32>} : memref<64x128xf32, #tpu.memory_space<vmem>>, vector<1x16xf32>,
        %get3A_835 = arith.index_cast %add3A_821 : i32 to index
        %get3A_836 = arith.constant 16 : index
        %get3A_837 = tpu.vector_load %arg8[%get3A_835, %get3A_836] {strides = array<i32>} : memref<64x64xi32, #tpu.memory_space<vmem>>, vector<1x16xi32>,
        %get3A_838 = vector.shape_cast %get3A_837 : vector<1x16xi32> to vector<16xi32>
        %shift_left3A_839 = arith.shli %get3A_838, %broadcast_in_dim3A_754 : vector<16xi32>
        %bitcast_convert_type3A_840 = tpu.bitcast %shift_left3A_839 : vector<16xi32> -> vector<16xf32>
        %and3A_841 = arith.andi %get3A_838, %broadcast_in_dim3A_752 : vector<16xi32>
        %bitcast_convert_type3A_842 = tpu.bitcast %and3A_841 : vector<16xi32> -> vector<16xf32>
        %swap3A_843 = arith.index_cast %add3A_821 : i32 to index
        %swap3A_844 = arith.constant 32 : index
        %swap3A_845 = tpu.vector_load %arg10[%swap3A_843, %swap3A_844] {strides = array<i32>} : memref<64x128xf32, #tpu.memory_space<vmem>>, vector<1x16xf32>,
        %swap3A_846 = vector.shape_cast %swap3A_845 : vector<1x16xf32> to vector<16xf32>
        %swap3A_847 = vector.shape_cast %bitcast_convert_type3A_840 : vector<16xf32> to vector<1x16xf32>
        tpu.vector_store %arg10[%swap3A_843, %swap3A_844], %swap3A_847 {strides = array<i32>} : memref<64x128xf32, #tpu.memory_space<vmem>>, vector<1x16xf32>,
        %swap3A_848 = arith.index_cast %add3A_821 : i32 to index
        %swap3A_849 = arith.constant 48 : index
        %swap3A_850 = tpu.vector_load %arg10[%swap3A_848, %swap3A_849] {strides = array<i32>} : memref<64x128xf32, #tpu.memory_space<vmem>>, vector<1x16xf32>,
        %swap3A_851 = vector.shape_cast %swap3A_850 : vector<1x16xf32> to vector<16xf32>
        %swap3A_852 = vector.shape_cast %bitcast_convert_type3A_842 : vector<16xf32> to vector<1x16xf32>
        tpu.vector_store %arg10[%swap3A_848, %swap3A_849], %swap3A_852 {strides = array<i32>} : memref<64x128xf32, #tpu.memory_space<vmem>>, vector<1x16xf32>,
        %get3A_853 = arith.index_cast %add3A_821 : i32 to index
        %get3A_854 = arith.constant 32 : index
        %get3A_855 = tpu.vector_load %arg8[%get3A_853, %get3A_854] {strides = array<i32>} : memref<64x64xi32, #tpu.memory_space<vmem>>, vector<1x16xi32>,
        %get3A_856 = vector.shape_cast %get3A_855 : vector<1x16xi32> to vector<16xi32>
        %shift_left3A_857 = arith.shli %get3A_856, %broadcast_in_dim3A_754 : vector<16xi32>
        %bitcast_convert_type3A_858 = tpu.bitcast %shift_left3A_857 : vector<16xi32> -> vector<16xf32>
        %and3A_859 = arith.andi %get3A_856, %broadcast_in_dim3A_752 : vector<16xi32>
        %bitcast_convert_type3A_860 = tpu.bitcast %and3A_859 : vector<16xi32> -> vector<16xf32>
        %swap3A_861 = arith.index_cast %add3A_821 : i32 to index
        %swap3A_862 = arith.constant 64 : index
        %swap3A_863 = tpu.vector_load %arg10[%swap3A_861, %swap3A_862] {strides = array<i32>} : memref<64x128xf32, #tpu.memory_space<vmem>>, vector<1x16xf32>,
        %swap3A_864 = vector.shape_cast %swap3A_863 : vector<1x16xf32> to vector<16xf32>
        %swap3A_865 = vector.shape_cast %bitcast_convert_type3A_858 : vector<16xf32> to vector<1x16xf32>
        tpu.vector_store %arg10[%swap3A_861, %swap3A_862], %swap3A_865 {strides = array<i32>} : memref<64x128xf32, #tpu.memory_space<vmem>>, vector<1x16xf32>,
        %swap3A_866 = arith.index_cast %add3A_821 : i32 to index
        %swap3A_867 = arith.constant 80 : index
        %swap3A_868 = tpu.vector_load %arg10[%swap3A_866, %swap3A_867] {strides = array<i32>} : memref<64x128xf32, #tpu.memory_space<vmem>>, vector<1x16xf32>,
        %swap3A_869 = vector.shape_cast %swap3A_868 : vector<1x16xf32> to vector<16xf32>
        %swap3A_870 = vector.shape_cast %bitcast_convert_type3A_860 : vector<16xf32> to vector<1x16xf32>
        tpu.vector_store %arg10[%swap3A_866, %swap3A_867], %swap3A_870 {strides = array<i32>} : memref<64x128xf32, #tpu.memory_space<vmem>>, vector<1x16xf32>,
        %get3A_871 = arith.index_cast %add3A_821 : i32 to index
        %get3A_872 = arith.constant 48 : index
        %get3A_873 = tpu.vector_load %arg8[%get3A_871, %get3A_872] {strides = array<i32>} : memref<64x64xi32, #tpu.memory_space<vmem>>, vector<1x16xi32>,
        %get3A_874 = vector.shape_cast %get3A_873 : vector<1x16xi32> to vector<16xi32>
        %shift_left3A_875 = arith.shli %get3A_874, %broadcast_in_dim3A_754 : vector<16xi32>
        %bitcast_convert_type3A_876 = tpu.bitcast %shift_left3A_875 : vector<16xi32> -> vector<16xf32>
        %and3A_877 = arith.andi %get3A_874, %broadcast_in_dim3A_752 : vector<16xi32>
        %bitcast_convert_type3A_878 = tpu.bitcast %and3A_877 : vector<16xi32> -> vector<16xf32>
        %swap3A_879 = arith.index_cast %add3A_821 : i32 to index
        %swap3A_880 = arith.constant 96 : index
        %swap3A_881 = tpu.vector_load %arg10[%swap3A_879, %swap3A_880] {strides = array<i32>} : memref<64x128xf32, #tpu.memory_space<vmem>>, vector<1x16xf32>,
        %swap3A_882 = vector.shape_cast %swap3A_881 : vector<1x16xf32> to vector<16xf32>
        %swap3A_883 = vector.shape_cast %bitcast_convert_type3A_876 : vector<16xf32> to vector<1x16xf32>
        tpu.vector_store %arg10[%swap3A_879, %swap3A_880], %swap3A_883 {strides = array<i32>} : memref<64x128xf32, #tpu.memory_space<vmem>>, vector<1x16xf32>,
        %swap3A_884 = arith.index_cast %add3A_821 : i32 to index
        %swap3A_885 = arith.constant 112 : index
        %swap3A_886 = tpu.vector_load %arg10[%swap3A_884, %swap3A_885] {strides = array<i32>} : memref<64x128xf32, #tpu.memory_space<vmem>>, vector<1x16xf32>,
        %swap3A_887 = vector.shape_cast %swap3A_886 : vector<1x16xf32> to vector<16xf32>
        %swap3A_888 = vector.shape_cast %bitcast_convert_type3A_878 : vector<16xf32> to vector<1x16xf32>
        tpu.vector_store %arg10[%swap3A_884, %swap3A_885], %swap3A_888 {strides = array<i32>} : memref<64x128xf32, #tpu.memory_space<vmem>>, vector<1x16xf32>,
      }
      %scan3A_759 = arith.constant 64 : i32
      %dma_start3A_760 = arith.constant 0 : i32
      %dma_start3A_761 = tpu.memref_slice %arg7[%add3A_736, %dma_start3A_760] : memref<40x64xi32, #tpu.memory_space<vmem>> -> memref<1x64xi32, #tpu.memory_space<vmem>>
      %dma_start3A_762 = tpu.memref_squeeze %dma_start3A_761 : memref<1x64xi32, #tpu.memory_space<vmem>> -> memref<64xi32, #tpu.memory_space<vmem>>
      %dma_start3A_763 = arith.constant 0 : i32
      %dma_start3A_764 = arith.constant 0 : i32
      %dma_start3A_765 = tpu.memref_slice %arg12[%dma_start3A_763, %dma_start3A_764] : memref<10112x128xf32, #tpu.memory_space<vmem_shared>> -> memref<10112x128xf32, #tpu.memory_space<vmem_shared>>
      tpu.enqueue_indirect_dma source(%arg10 : memref<64x128xf32, #tpu.memory_space<vmem>>) target(%dma_start3A_765 : memref<10112x128xf32, #tpu.memory_space<vmem_shared>>) offsets(%dma_start3A_762 : memref<64xi32, #tpu.memory_space<vmem>>) semaphore(%arg16 : memref<!tpu.dma_semaphore, #tpu.memory_space<semaphore_mem>>) {add = true}
      %add3A_766 = arith.constant 2 : i32
      %add3A_767 = arith.addi %add3A_736, %add3A_766 : i32
      %dma_start3A_768 = arith.constant 0 : i32
      %dma_start3A_769 = tpu.memref_slice %arg6[%add3A_767, %dma_start3A_768] : memref<40x64xi32, #tpu.memory_space<vmem>> -> memref<1x64xi32, #tpu.memory_space<vmem>>
      %dma_start3A_770 = tpu.memref_squeeze %dma_start3A_769 : memref<1x64xi32, #tpu.memory_space<vmem>> -> memref<64xi32, #tpu.memory_space<vmem>>
      %dma_start3A_771 = arith.constant 0 : i32
      %dma_start3A_772 = arith.constant 0 : i32
      %dma_start3A_773 = tpu.memref_slice %arg2[%dma_start3A_771, %dma_start3A_772] : memref<10000x64xi32, #tpu.memory_space<hbm>> -> memref<10000x64xi32, #tpu.memory_space<hbm>>
      tpu.enqueue_indirect_dma source(%dma_start3A_773 : memref<10000x64xi32, #tpu.memory_space<hbm>>) target(%arg8 : memref<64x64xi32, #tpu.memory_space<vmem>>) offsets(%dma_start3A_770 : memref<64xi32, #tpu.memory_space<vmem>>) semaphore(%arg14 : memref<!tpu.dma_semaphore, #tpu.memory_space<semaphore_mem>>)
      %add3A_774 = arith.constant 1 : i32
      %add3A_775 = arith.addi %add3A_730, %add3A_774 : i32
      %mul3A_776 = arith.constant 2 : i32
      %mul3A_777 = arith.muli %add3A_775, %mul3A_776 : i32
      %add3A_778 = arith.constant 1 : i32
      %add3A_779 = arith.addi %mul3A_777, %add3A_778 : i32
      %dma_wait3A_780 = arith.constant 0 : i32
      %dma_wait3A_781 = arith.constant 0 : i32
      %dma_wait3A_782 = tpu.memref_slice %arg6[%dma_wait3A_780, %dma_wait3A_781] : memref<40x64xi32, #tpu.memory_space<vmem>> -> memref<1x64xi32, #tpu.memory_space<vmem>>
      %dma_wait3A_783 = tpu.memref_squeeze %dma_wait3A_782 : memref<1x64xi32, #tpu.memory_space<vmem>> -> memref<64xi32, #tpu.memory_space<vmem>>
      %dma_wait3A_784 = arith.constant 0 : i32
      %dma_wait3A_785 = arith.constant 0 : i32
      %dma_wait3A_786 = tpu.memref_slice %arg2[%dma_wait3A_784, %dma_wait3A_785] : memref<10000x64xi32, #tpu.memory_space<hbm>> -> memref<10000x64xi32, #tpu.memory_space<hbm>>
      tpu.wait_indirect_dma semaphore(%arg15 : memref<!tpu.dma_semaphore, #tpu.memory_space<semaphore_mem>>) src(%dma_wait3A_786 : memref<10000x64xi32, #tpu.memory_space<hbm>>) dst(%arg9 : memref<64x64xi32, #tpu.memory_space<vmem>>)
      %dma_wait3A_787 = arith.constant 0 : i32
      %dma_wait3A_788 = arith.constant 0 : i32
      %dma_wait3A_789 = tpu.memref_slice %arg7[%dma_wait3A_787, %dma_wait3A_788] : memref<40x64xi32, #tpu.memory_space<vmem>> -> memref<1x64xi32, #tpu.memory_space<vmem>>
      %dma_wait3A_790 = tpu.memref_squeeze %dma_wait3A_789 : memref<1x64xi32, #tpu.memory_space<vmem>> -> memref<64xi32, #tpu.memory_space<vmem>>
      %dma_wait3A_791 = arith.constant 0 : i32
      %dma_wait3A_792 = arith.constant 0 : i32
      %dma_wait3A_793 = tpu.memref_slice %arg12[%dma_wait3A_791, %dma_wait3A_792] : memref<10112x128xf32, #tpu.memory_space<vmem_shared>> -> memref<10112x128xf32, #tpu.memory_space<vmem_shared>>
      tpu.wait_indirect_dma semaphore(%arg17 : memref<!tpu.dma_semaphore, #tpu.memory_space<semaphore_mem>>) src(%arg11 : memref<64x128xf32, #tpu.memory_space<vmem>>) dst(%dma_wait3A_793 : memref<10112x128xf32, #tpu.memory_space<vmem_shared>>)
      %broadcast_in_dim3A_794 = arith.constant -65536 : i32
      %broadcast_in_dim3A_795 = vector.broadcast %broadcast_in_dim3A_794 : i32 to vector<16xi32>
      %broadcast_in_dim3A_796 = arith.constant 16 : i32
      %broadcast_in_dim3A_797 = vector.broadcast %broadcast_in_dim3A_796 : i32 to vector<16xi32>
      %scan3A_798 = arith.constant 0 : i32
      %scan3A_799 = arith.constant 64 : i32
      %scan3A_800 = arith.addi %scan3A_798, %scan3A_799 : i32
      %scan3A_801 = arith.constant 1 : i32
      scf.for %scan3A_817 = %scan3A_798 to %scan3A_800 step %scan3A_801  : i32 {
        %mul3A_818 = arith.constant 1 : i32
        %mul3A_819 = arith.muli %scan3A_817, %mul3A_818 : i32
        %add3A_820 = arith.constant 0 : i32
        %add3A_821 = arith.addi %add3A_820, %mul3A_819 : i32
        %get3A = arith.index_cast %add3A_821 : i32 to index
        %get3A_822 = arith.constant 0 : index
        %get3A_823 = tpu.vector_load %arg9[%get3A, %get3A_822] {strides = array<i32>} : memref<64x64xi32, #tpu.memory_space<vmem>>, vector<1x16xi32>,
        %get3A_824 = vector.shape_cast %get3A_823 : vector<1x16xi32> to vector<16xi32>
        %shift_left3A = arith.shli %get3A_824, %broadcast_in_dim3A_797 : vector<16xi32>
        %bitcast_convert_type3A = tpu.bitcast %shift_left3A : vector<16xi32> -> vector<16xf32>
        %and3A = arith.andi %get3A_824, %broadcast_in_dim3A_795 : vector<16xi32>
        %bitcast_convert_type3A_825 = tpu.bitcast %and3A : vector<16xi32> -> vector<16xf32>
        %swap3A = arith.index_cast %add3A_821 : i32 to index
        %swap3A_826 = arith.constant 0 : index
        %swap3A_827 = tpu.vector_load %arg11[%swap3A, %swap3A_826] {strides = array<i32>} : memref<64x128xf32, #tpu.memory_space<vmem>>, vector<1x16xf32>,
        %swap3A_828 = vector.shape_cast %swap3A_827 : vector<1x16xf32> to vector<16xf32>
        %swap3A_829 = vector.shape_cast %bitcast_convert_type3A : vector<16xf32> to vector<1x16xf32>
        tpu.vector_store %arg11[%swap3A, %swap3A_826], %swap3A_829 {strides = array<i32>} : memref<64x128xf32, #tpu.memory_space<vmem>>, vector<1x16xf32>,
        %swap3A_830 = arith.index_cast %add3A_821 : i32 to index
        %swap3A_831 = arith.constant 16 : index
        %swap3A_832 = tpu.vector_load %arg11[%swap3A_830, %swap3A_831] {strides = array<i32>} : memref<64x128xf32, #tpu.memory_space<vmem>>, vector<1x16xf32>,
        %swap3A_833 = vector.shape_cast %swap3A_832 : vector<1x16xf32> to vector<16xf32>
        %swap3A_834 = vector.shape_cast %bitcast_convert_type3A_825 : vector<16xf32> to vector<1x16xf32>
        tpu.vector_store %arg11[%swap3A_830, %swap3A_831], %swap3A_834 {strides = array<i32>} : memref<64x128xf32, #tpu.memory_space<vmem>>, vector<1x16xf32>,
        %get3A_835 = arith.index_cast %add3A_821 : i32 to index
        %get3A_836 = arith.constant 16 : index
        %get3A_837 = tpu.vector_load %arg9[%get3A_835, %get3A_836] {strides = array<i32>} : memref<64x64xi32, #tpu.memory_space<vmem>>, vector<1x16xi32>,
        %get3A_838 = vector.shape_cast %get3A_837 : vector<1x16xi32> to vector<16xi32>
        %shift_left3A_839 = arith.shli %get3A_838, %broadcast_in_dim3A_797 : vector<16xi32>
        %bitcast_convert_type3A_840 = tpu.bitcast %shift_left3A_839 : vector<16xi32> -> vector<16xf32>
        %and3A_841 = arith.andi %get3A_838, %broadcast_in_dim3A_795 : vector<16xi32>
        %bitcast_convert_type3A_842 = tpu.bitcast %and3A_841 : vector<16xi32> -> vector<16xf32>
        %swap3A_843 = arith.index_cast %add3A_821 : i32 to index
        %swap3A_844 = arith.constant 32 : index
        %swap3A_845 = tpu.vector_load %arg11[%swap3A_843, %swap3A_844] {strides = array<i32>} : memref<64x128xf32, #tpu.memory_space<vmem>>, vector<1x16xf32>,
        %swap3A_846 = vector.shape_cast %swap3A_845 : vector<1x16xf32> to vector<16xf32>
        %swap3A_847 = vector.shape_cast %bitcast_convert_type3A_840 : vector<16xf32> to vector<1x16xf32>
        tpu.vector_store %arg11[%swap3A_843, %swap3A_844], %swap3A_847 {strides = array<i32>} : memref<64x128xf32, #tpu.memory_space<vmem>>, vector<1x16xf32>,
        %swap3A_848 = arith.index_cast %add3A_821 : i32 to index
        %swap3A_849 = arith.constant 48 : index
        %swap3A_850 = tpu.vector_load %arg11[%swap3A_848, %swap3A_849] {strides = array<i32>} : memref<64x128xf32, #tpu.memory_space<vmem>>, vector<1x16xf32>,
        %swap3A_851 = vector.shape_cast %swap3A_850 : vector<1x16xf32> to vector<16xf32>
        %swap3A_852 = vector.shape_cast %bitcast_convert_type3A_842 : vector<16xf32> to vector<1x16xf32>
        tpu.vector_store %arg11[%swap3A_848, %swap3A_849], %swap3A_852 {strides = array<i32>} : memref<64x128xf32, #tpu.memory_space<vmem>>, vector<1x16xf32>,
        %get3A_853 = arith.index_cast %add3A_821 : i32 to index
        %get3A_854 = arith.constant 32 : index
        %get3A_855 = tpu.vector_load %arg9[%get3A_853, %get3A_854] {strides = array<i32>} : memref<64x64xi32, #tpu.memory_space<vmem>>, vector<1x16xi32>,
        %get3A_856 = vector.shape_cast %get3A_855 : vector<1x16xi32> to vector<16xi32>
        %shift_left3A_857 = arith.shli %get3A_856, %broadcast_in_dim3A_797 : vector<16xi32>
        %bitcast_convert_type3A_858 = tpu.bitcast %shift_left3A_857 : vector<16xi32> -> vector<16xf32>
        %and3A_859 = arith.andi %get3A_856, %broadcast_in_dim3A_795 : vector<16xi32>
        %bitcast_convert_type3A_860 = tpu.bitcast %and3A_859 : vector<16xi32> -> vector<16xf32>
        %swap3A_861 = arith.index_cast %add3A_821 : i32 to index
        %swap3A_862 = arith.constant 64 : index
        %swap3A_863 = tpu.vector_load %arg11[%swap3A_861, %swap3A_862] {strides = array<i32>} : memref<64x128xf32, #tpu.memory_space<vmem>>, vector<1x16xf32>,
        %swap3A_864 = vector.shape_cast %swap3A_863 : vector<1x16xf32> to vector<16xf32>
        %swap3A_865 = vector.shape_cast %bitcast_convert_type3A_858 : vector<16xf32> to vector<1x16xf32>
        tpu.vector_store %arg11[%swap3A_861, %swap3A_862], %swap3A_865 {strides = array<i32>} : memref<64x128xf32, #tpu.memory_space<vmem>>, vector<1x16xf32>,
        %swap3A_866 = arith.index_cast %add3A_821 : i32 to index
        %swap3A_867 = arith.constant 80 : index
        %swap3A_868 = tpu.vector_load %arg11[%swap3A_866, %swap3A_867] {strides = array<i32>} : memref<64x128xf32, #tpu.memory_space<vmem>>, vector<1x16xf32>,
        %swap3A_869 = vector.shape_cast %swap3A_868 : vector<1x16xf32> to vector<16xf32>
        %swap3A_870 = vector.shape_cast %bitcast_convert_type3A_860 : vector<16xf32> to vector<1x16xf32>
        tpu.vector_store %arg11[%swap3A_866, %swap3A_867], %swap3A_870 {strides = array<i32>} : memref<64x128xf32, #tpu.memory_space<vmem>>, vector<1x16xf32>,
        %get3A_871 = arith.index_cast %add3A_821 : i32 to index
        %get3A_872 = arith.constant 48 : index
        %get3A_873 = tpu.vector_load %arg9[%get3A_871, %get3A_872] {strides = array<i32>} : memref<64x64xi32, #tpu.memory_space<vmem>>, vector<1x16xi32>,
        %get3A_874 = vector.shape_cast %get3A_873 : vector<1x16xi32> to vector<16xi32>
        %shift_left3A_875 = arith.shli %get3A_874, %broadcast_in_dim3A_797 : vector<16xi32>
        %bitcast_convert_type3A_876 = tpu.bitcast %shift_left3A_875 : vector<16xi32> -> vector<16xf32>
        %and3A_877 = arith.andi %get3A_874, %broadcast_in_dim3A_795 : vector<16xi32>
        %bitcast_convert_type3A_878 = tpu.bitcast %and3A_877 : vector<16xi32> -> vector<16xf32>
        %swap3A_879 = arith.index_cast %add3A_821 : i32 to index
        %swap3A_880 = arith.constant 96 : index
        %swap3A_881 = tpu.vector_load %arg11[%swap3A_879, %swap3A_880] {strides = array<i32>} : memref<64x128xf32, #tpu.memory_space<vmem>>, vector<1x16xf32>,
        %swap3A_882 = vector.shape_cast %swap3A_881 : vector<1x16xf32> to vector<16xf32>
        %swap3A_883 = vector.shape_cast %bitcast_convert_type3A_876 : vector<16xf32> to vector<1x16xf32>
        tpu.vector_store %arg11[%swap3A_879, %swap3A_880], %swap3A_883 {strides = array<i32>} : memref<64x128xf32, #tpu.memory_space<vmem>>, vector<1x16xf32>,
        %swap3A_884 = arith.index_cast %add3A_821 : i32 to index
        %swap3A_885 = arith.constant 112 : index
        %swap3A_886 = tpu.vector_load %arg11[%swap3A_884, %swap3A_885] {strides = array<i32>} : memref<64x128xf32, #tpu.memory_space<vmem>>, vector<1x16xf32>,
        %swap3A_887 = vector.shape_cast %swap3A_886 : vector<1x16xf32> to vector<16xf32>
        %swap3A_888 = vector.shape_cast %bitcast_convert_type3A_878 : vector<16xf32> to vector<1x16xf32>
        tpu.vector_store %arg11[%swap3A_884, %swap3A_885], %swap3A_888 {strides = array<i32>} : memref<64x128xf32, #tpu.memory_space<vmem>>, vector<1x16xf32>,
      }
      %scan3A_802 = arith.constant 64 : i32
      %dma_start3A_803 = arith.constant 0 : i32
      %dma_start3A_804 = tpu.memref_slice %arg7[%add3A_779, %dma_start3A_803] : memref<40x64xi32, #tpu.memory_space<vmem>> -> memref<1x64xi32, #tpu.memory_space<vmem>>
      %dma_start3A_805 = tpu.memref_squeeze %dma_start3A_804 : memref<1x64xi32, #tpu.memory_space<vmem>> -> memref<64xi32, #tpu.memory_space<vmem>>
      %dma_start3A_806 = arith.constant 0 : i32
      %dma_start3A_807 = arith.constant 0 : i32
      %dma_start3A_808 = tpu.memref_slice %arg12[%dma_start3A_806, %dma_start3A_807] : memref<10112x128xf32, #tpu.memory_space<vmem_shared>> -> memref<10112x128xf32, #tpu.memory_space<vmem_shared>>
      tpu.enqueue_indirect_dma source(%arg11 : memref<64x128xf32, #tpu.memory_space<vmem>>) target(%dma_start3A_808 : memref<10112x128xf32, #tpu.memory_space<vmem_shared>>) offsets(%dma_start3A_805 : memref<64xi32, #tpu.memory_space<vmem>>) semaphore(%arg17 : memref<!tpu.dma_semaphore, #tpu.memory_space<semaphore_mem>>) {add = true}
      %add3A_809 = arith.constant 2 : i32
      %add3A_810 = arith.addi %add3A_779, %add3A_809 : i32
      %dma_start3A_811 = arith.constant 0 : i32
      %dma_start3A_812 = tpu.memref_slice %arg6[%add3A_810, %dma_start3A_811] : memref<40x64xi32, #tpu.memory_space<vmem>> -> memref<1x64xi32, #tpu.memory_space<vmem>>
      %dma_start3A_813 = tpu.memref_squeeze %dma_start3A_812 : memref<1x64xi32, #tpu.memory_space<vmem>> -> memref<64xi32, #tpu.memory_space<vmem>>
      %dma_start3A_814 = arith.constant 0 : i32
      %dma_start3A_815 = arith.constant 0 : i32
      %dma_start3A_816 = tpu.memref_slice %arg2[%dma_start3A_814, %dma_start3A_815] : memref<10000x64xi32, #tpu.memory_space<hbm>> -> memref<10000x64xi32, #tpu.memory_space<hbm>>
      tpu.enqueue_indirect_dma source(%dma_start3A_816 : memref<10000x64xi32, #tpu.memory_space<hbm>>) target(%arg9 : memref<64x64xi32, #tpu.memory_space<vmem>>) offsets(%dma_start3A_813 : memref<64xi32, #tpu.memory_space<vmem>>) semaphore(%arg15 : memref<!tpu.dma_semaphore, #tpu.memory_space<semaphore_mem>>)
    }
    %scan3A_646 = arith.constant 18 : i32
    %dma_wait3A_647 = arith.constant 0 : i32
    %dma_wait3A_648 = arith.constant 0 : i32
    %dma_wait3A_649 = tpu.memref_slice %arg6[%dma_wait3A_647, %dma_wait3A_648] : memref<40x64xi32, #tpu.memory_space<vmem>> -> memref<1x64xi32, #tpu.memory_space<vmem>>
    %dma_wait3A_650 = tpu.memref_squeeze %dma_wait3A_649 : memref<1x64xi32, #tpu.memory_space<vmem>> -> memref<64xi32, #tpu.memory_space<vmem>>
    %dma_wait3A_651 = arith.constant 0 : i32
    %dma_wait3A_652 = arith.constant 0 : i32
    %dma_wait3A_653 = tpu.memref_slice %arg2[%dma_wait3A_651, %dma_wait3A_652] : memref<10000x64xi32, #tpu.memory_space<hbm>> -> memref<10000x64xi32, #tpu.memory_space<hbm>>
    tpu.wait_indirect_dma semaphore(%arg14 : memref<!tpu.dma_semaphore, #tpu.memory_space<semaphore_mem>>) src(%dma_wait3A_653 : memref<10000x64xi32, #tpu.memory_space<hbm>>) dst(%arg8 : memref<64x64xi32, #tpu.memory_space<vmem>>)
    %dma_wait3A_654 = arith.constant 0 : i32
    %dma_wait3A_655 = arith.constant 0 : i32
    %dma_wait3A_656 = tpu.memref_slice %arg7[%dma_wait3A_654, %dma_wait3A_655] : memref<40x64xi32, #tpu.memory_space<vmem>> -> memref<1x64xi32, #tpu.memory_space<vmem>>
    %dma_wait3A_657 = tpu.memref_squeeze %dma_wait3A_656 : memref<1x64xi32, #tpu.memory_space<vmem>> -> memref<64xi32, #tpu.memory_space<vmem>>
    %dma_wait3A_658 = arith.constant 0 : i32
    %dma_wait3A_659 = arith.constant 0 : i32
    %dma_wait3A_660 = tpu.memref_slice %arg12[%dma_wait3A_658, %dma_wait3A_659] : memref<10112x128xf32, #tpu.memory_space<vmem_shared>> -> memref<10112x128xf32, #tpu.memory_space<vmem_shared>>
    tpu.wait_indirect_dma semaphore(%arg16 : memref<!tpu.dma_semaphore, #tpu.memory_space<semaphore_mem>>) src(%arg10 : memref<64x128xf32, #tpu.memory_space<vmem>>) dst(%dma_wait3A_660 : memref<10112x128xf32, #tpu.memory_space<vmem_shared>>)
    %broadcast_in_dim3A_661 = arith.constant -65536 : i32
    %broadcast_in_dim3A_662 = vector.broadcast %broadcast_in_dim3A_661 : i32 to vector<16xi32>
    %broadcast_in_dim3A_663 = arith.constant 16 : i32
    %broadcast_in_dim3A_664 = vector.broadcast %broadcast_in_dim3A_663 : i32 to vector<16xi32>
    %scan3A_665 = arith.constant 0 : i32
    %scan3A_666 = arith.constant 64 : i32
    %scan3A_667 = arith.addi %scan3A_665, %scan3A_666 : i32
    %scan3A_668 = arith.constant 1 : i32
    scf.for %scan3A_726 = %scan3A_665 to %scan3A_667 step %scan3A_668  : i32 {
      %mul3A_727 = arith.constant 1 : i32
      %mul3A_728 = arith.muli %scan3A_726, %mul3A_727 : i32
      %add3A_729 = arith.constant 0 : i32
      %add3A_730 = arith.addi %add3A_729, %mul3A_728 : i32
      %get3A = arith.index_cast %add3A_730 : i32 to index
      %get3A_731 = arith.constant 0 : index
      %get3A_732 = tpu.vector_load %arg8[%get3A, %get3A_731] {strides = array<i32>} : memref<64x64xi32, #tpu.memory_space<vmem>>, vector<1x16xi32>,
      %get3A_733 = vector.shape_cast %get3A_732 : vector<1x16xi32> to vector<16xi32>
      %shift_left3A = arith.shli %get3A_733, %broadcast_in_dim3A_664 : vector<16xi32>
      %bitcast_convert_type3A = tpu.bitcast %shift_left3A : vector<16xi32> -> vector<16xf32>
      %and3A = arith.andi %get3A_733, %broadcast_in_dim3A_662 : vector<16xi32>
      %bitcast_convert_type3A_734 = tpu.bitcast %and3A : vector<16xi32> -> vector<16xf32>
      %swap3A = arith.index_cast %add3A_730 : i32 to index
      %swap3A_735 = arith.constant 0 : index
      %swap3A_736 = tpu.vector_load %arg10[%swap3A, %swap3A_735] {strides = array<i32>} : memref<64x128xf32, #tpu.memory_space<vmem>>, vector<1x16xf32>,
      %swap3A_737 = vector.shape_cast %swap3A_736 : vector<1x16xf32> to vector<16xf32>
      %swap3A_738 = vector.shape_cast %bitcast_convert_type3A : vector<16xf32> to vector<1x16xf32>
      tpu.vector_store %arg10[%swap3A, %swap3A_735], %swap3A_738 {strides = array<i32>} : memref<64x128xf32, #tpu.memory_space<vmem>>, vector<1x16xf32>,
      %swap3A_739 = arith.index_cast %add3A_730 : i32 to index
      %swap3A_740 = arith.constant 16 : index
      %swap3A_741 = tpu.vector_load %arg10[%swap3A_739, %swap3A_740] {strides = array<i32>} : memref<64x128xf32, #tpu.memory_space<vmem>>, vector<1x16xf32>,
      %swap3A_742 = vector.shape_cast %swap3A_741 : vector<1x16xf32> to vector<16xf32>
      %swap3A_743 = vector.shape_cast %bitcast_convert_type3A_734 : vector<16xf32> to vector<1x16xf32>
      tpu.vector_store %arg10[%swap3A_739, %swap3A_740], %swap3A_743 {strides = array<i32>} : memref<64x128xf32, #tpu.memory_space<vmem>>, vector<1x16xf32>,
      %get3A_744 = arith.index_cast %add3A_730 : i32 to index
      %get3A_745 = arith.constant 16 : index
      %get3A_746 = tpu.vector_load %arg8[%get3A_744, %get3A_745] {strides = array<i32>} : memref<64x64xi32, #tpu.memory_space<vmem>>, vector<1x16xi32>,
      %get3A_747 = vector.shape_cast %get3A_746 : vector<1x16xi32> to vector<16xi32>
      %shift_left3A_748 = arith.shli %get3A_747, %broadcast_in_dim3A_664 : vector<16xi32>
      %bitcast_convert_type3A_749 = tpu.bitcast %shift_left3A_748 : vector<16xi32> -> vector<16xf32>
      %and3A_750 = arith.andi %get3A_747, %broadcast_in_dim3A_662 : vector<16xi32>
      %bitcast_convert_type3A_751 = tpu.bitcast %and3A_750 : vector<16xi32> -> vector<16xf32>
      %swap3A_752 = arith.index_cast %add3A_730 : i32 to index
      %swap3A_753 = arith.constant 32 : index
      %swap3A_754 = tpu.vector_load %arg10[%swap3A_752, %swap3A_753] {strides = array<i32>} : memref<64x128xf32, #tpu.memory_space<vmem>>, vector<1x16xf32>,
      %swap3A_755 = vector.shape_cast %swap3A_754 : vector<1x16xf32> to vector<16xf32>
      %swap3A_756 = vector.shape_cast %bitcast_convert_type3A_749 : vector<16xf32> to vector<1x16xf32>
      tpu.vector_store %arg10[%swap3A_752, %swap3A_753], %swap3A_756 {strides = array<i32>} : memref<64x128xf32, #tpu.memory_space<vmem>>, vector<1x16xf32>,
      %swap3A_757 = arith.index_cast %add3A_730 : i32 to index
      %swap3A_758 = arith.constant 48 : index
      %swap3A_759 = tpu.vector_load %arg10[%swap3A_757, %swap3A_758] {strides = array<i32>} : memref<64x128xf32, #tpu.memory_space<vmem>>, vector<1x16xf32>,
      %swap3A_760 = vector.shape_cast %swap3A_759 : vector<1x16xf32> to vector<16xf32>
      %swap3A_761 = vector.shape_cast %bitcast_convert_type3A_751 : vector<16xf32> to vector<1x16xf32>
      tpu.vector_store %arg10[%swap3A_757, %swap3A_758], %swap3A_761 {strides = array<i32>} : memref<64x128xf32, #tpu.memory_space<vmem>>, vector<1x16xf32>,
      %get3A_762 = arith.index_cast %add3A_730 : i32 to index
      %get3A_763 = arith.constant 32 : index
      %get3A_764 = tpu.vector_load %arg8[%get3A_762, %get3A_763] {strides = array<i32>} : memref<64x64xi32, #tpu.memory_space<vmem>>, vector<1x16xi32>,
      %get3A_765 = vector.shape_cast %get3A_764 : vector<1x16xi32> to vector<16xi32>
      %shift_left3A_766 = arith.shli %get3A_765, %broadcast_in_dim3A_664 : vector<16xi32>
      %bitcast_convert_type3A_767 = tpu.bitcast %shift_left3A_766 : vector<16xi32> -> vector<16xf32>
      %and3A_768 = arith.andi %get3A_765, %broadcast_in_dim3A_662 : vector<16xi32>
      %bitcast_convert_type3A_769 = tpu.bitcast %and3A_768 : vector<16xi32> -> vector<16xf32>
      %swap3A_770 = arith.index_cast %add3A_730 : i32 to index
      %swap3A_771 = arith.constant 64 : index
      %swap3A_772 = tpu.vector_load %arg10[%swap3A_770, %swap3A_771] {strides = array<i32>} : memref<64x128xf32, #tpu.memory_space<vmem>>, vector<1x16xf32>,
      %swap3A_773 = vector.shape_cast %swap3A_772 : vector<1x16xf32> to vector<16xf32>
      %swap3A_774 = vector.shape_cast %bitcast_convert_type3A_767 : vector<16xf32> to vector<1x16xf32>
      tpu.vector_store %arg10[%swap3A_770, %swap3A_771], %swap3A_774 {strides = array<i32>} : memref<64x128xf32, #tpu.memory_space<vmem>>, vector<1x16xf32>,
      %swap3A_775 = arith.index_cast %add3A_730 : i32 to index
      %swap3A_776 = arith.constant 80 : index
      %swap3A_777 = tpu.vector_load %arg10[%swap3A_775, %swap3A_776] {strides = array<i32>} : memref<64x128xf32, #tpu.memory_space<vmem>>, vector<1x16xf32>,
      %swap3A_778 = vector.shape_cast %swap3A_777 : vector<1x16xf32> to vector<16xf32>
      %swap3A_779 = vector.shape_cast %bitcast_convert_type3A_769 : vector<16xf32> to vector<1x16xf32>
      tpu.vector_store %arg10[%swap3A_775, %swap3A_776], %swap3A_779 {strides = array<i32>} : memref<64x128xf32, #tpu.memory_space<vmem>>, vector<1x16xf32>,
      %get3A_780 = arith.index_cast %add3A_730 : i32 to index
      %get3A_781 = arith.constant 48 : index
      %get3A_782 = tpu.vector_load %arg8[%get3A_780, %get3A_781] {strides = array<i32>} : memref<64x64xi32, #tpu.memory_space<vmem>>, vector<1x16xi32>,
      %get3A_783 = vector.shape_cast %get3A_782 : vector<1x16xi32> to vector<16xi32>
      %shift_left3A_784 = arith.shli %get3A_783, %broadcast_in_dim3A_664 : vector<16xi32>
      %bitcast_convert_type3A_785 = tpu.bitcast %shift_left3A_784 : vector<16xi32> -> vector<16xf32>
      %and3A_786 = arith.andi %get3A_783, %broadcast_in_dim3A_662 : vector<16xi32>
      %bitcast_convert_type3A_787 = tpu.bitcast %and3A_786 : vector<16xi32> -> vector<16xf32>
      %swap3A_788 = arith.index_cast %add3A_730 : i32 to index
      %swap3A_789 = arith.constant 96 : index
      %swap3A_790 = tpu.vector_load %arg10[%swap3A_788, %swap3A_789] {strides = array<i32>} : memref<64x128xf32, #tpu.memory_space<vmem>>, vector<1x16xf32>,
      %swap3A_791 = vector.shape_cast %swap3A_790 : vector<1x16xf32> to vector<16xf32>
      %swap3A_792 = vector.shape_cast %bitcast_convert_type3A_785 : vector<16xf32> to vector<1x16xf32>
      tpu.vector_store %arg10[%swap3A_788, %swap3A_789], %swap3A_792 {strides = array<i32>} : memref<64x128xf32, #tpu.memory_space<vmem>>, vector<1x16xf32>,
      %swap3A_793 = arith.index_cast %add3A_730 : i32 to index
      %swap3A_794 = arith.constant 112 : index
      %swap3A_795 = tpu.vector_load %arg10[%swap3A_793, %swap3A_794] {strides = array<i32>} : memref<64x128xf32, #tpu.memory_space<vmem>>, vector<1x16xf32>,
      %swap3A_796 = vector.shape_cast %swap3A_795 : vector<1x16xf32> to vector<16xf32>
      %swap3A_797 = vector.shape_cast %bitcast_convert_type3A_787 : vector<16xf32> to vector<1x16xf32>
      tpu.vector_store %arg10[%swap3A_793, %swap3A_794], %swap3A_797 {strides = array<i32>} : memref<64x128xf32, #tpu.memory_space<vmem>>, vector<1x16xf32>,
    }
    %scan3A_669 = arith.constant 64 : i32
    %dma_start3A_670 = arith.constant 38 : i32
    %dma_start3A_671 = arith.constant 0 : i32
    %dma_start3A_672 = tpu.memref_slice %arg7[%dma_start3A_670, %dma_start3A_671] : memref<40x64xi32, #tpu.memory_space<vmem>> -> memref<1x64xi32, #tpu.memory_space<vmem>>
    %dma_start3A_673 = tpu.memref_squeeze %dma_start3A_672 : memref<1x64xi32, #tpu.memory_space<vmem>> -> memref<64xi32, #tpu.memory_space<vmem>>
    %dma_start3A_674 = arith.constant 0 : i32
    %dma_start3A_675 = arith.constant 0 : i32
    %dma_start3A_676 = tpu.memref_slice %arg12[%dma_start3A_674, %dma_start3A_675] : memref<10112x128xf32, #tpu.memory_space<vmem_shared>> -> memref<10112x128xf32, #tpu.memory_space<vmem_shared>>
    tpu.enqueue_indirect_dma source(%arg10 : memref<64x128xf32, #tpu.memory_space<vmem>>) target(%dma_start3A_676 : memref<10112x128xf32, #tpu.memory_space<vmem_shared>>) offsets(%dma_start3A_673 : memref<64xi32, #tpu.memory_space<vmem>>) semaphore(%arg16 : memref<!tpu.dma_semaphore, #tpu.memory_space<semaphore_mem>>) {add = true}
    %dma_wait3A_677 = arith.constant 0 : i32
    %dma_wait3A_678 = arith.constant 0 : i32
    %dma_wait3A_679 = tpu.memref_slice %arg6[%dma_wait3A_677, %dma_wait3A_678] : memref<40x64xi32, #tpu.memory_space<vmem>> -> memref<1x64xi32, #tpu.memory_space<vmem>>
    %dma_wait3A_680 = tpu.memref_squeeze %dma_wait3A_679 : memref<1x64xi32, #tpu.memory_space<vmem>> -> memref<64xi32, #tpu.memory_space<vmem>>
    %dma_wait3A_681 = arith.constant 0 : i32
    %dma_wait3A_682 = arith.constant 0 : i32
    %dma_wait3A_683 = tpu.memref_slice %arg2[%dma_wait3A_681, %dma_wait3A_682] : memref<10000x64xi32, #tpu.memory_space<hbm>> -> memref<10000x64xi32, #tpu.memory_space<hbm>>
    tpu.wait_indirect_dma semaphore(%arg15 : memref<!tpu.dma_semaphore, #tpu.memory_space<semaphore_mem>>) src(%dma_wait3A_683 : memref<10000x64xi32, #tpu.memory_space<hbm>>) dst(%arg9 : memref<64x64xi32, #tpu.memory_space<vmem>>)
    %dma_wait3A_684 = arith.constant 0 : i32
    %dma_wait3A_685 = arith.constant 0 : i32
    %dma_wait3A_686 = tpu.memref_slice %arg7[%dma_wait3A_684, %dma_wait3A_685] : memref<40x64xi32, #tpu.memory_space<vmem>> -> memref<1x64xi32, #tpu.memory_space<vmem>>
    %dma_wait3A_687 = tpu.memref_squeeze %dma_wait3A_686 : memref<1x64xi32, #tpu.memory_space<vmem>> -> memref<64xi32, #tpu.memory_space<vmem>>
    %dma_wait3A_688 = arith.constant 0 : i32
    %dma_wait3A_689 = arith.constant 0 : i32
    %dma_wait3A_690 = tpu.memref_slice %arg12[%dma_wait3A_688, %dma_wait3A_689] : memref<10112x128xf32, #tpu.memory_space<vmem_shared>> -> memref<10112x128xf32, #tpu.memory_space<vmem_shared>>
    tpu.wait_indirect_dma semaphore(%arg17 : memref<!tpu.dma_semaphore, #tpu.memory_space<semaphore_mem>>) src(%arg11 : memref<64x128xf32, #tpu.memory_space<vmem>>) dst(%dma_wait3A_690 : memref<10112x128xf32, #tpu.memory_space<vmem_shared>>)
    %broadcast_in_dim3A_691 = arith.constant -65536 : i32
    %broadcast_in_dim3A_692 = vector.broadcast %broadcast_in_dim3A_691 : i32 to vector<16xi32>
    %broadcast_in_dim3A_693 = arith.constant 16 : i32
    %broadcast_in_dim3A_694 = vector.broadcast %broadcast_in_dim3A_693 : i32 to vector<16xi32>
    %scan3A_695 = arith.constant 0 : i32
    %scan3A_696 = arith.constant 64 : i32
    %scan3A_697 = arith.addi %scan3A_695, %scan3A_696 : i32
    %scan3A_698 = arith.constant 1 : i32
    scf.for %scan3A_726 = %scan3A_695 to %scan3A_697 step %scan3A_698  : i32 {
      %mul3A_727 = arith.constant 1 : i32
      %mul3A_728 = arith.muli %scan3A_726, %mul3A_727 : i32
      %add3A_729 = arith.constant 0 : i32
      %add3A_730 = arith.addi %add3A_729, %mul3A_728 : i32
      %get3A = arith.index_cast %add3A_730 : i32 to index
      %get3A_731 = arith.constant 0 : index
      %get3A_732 = tpu.vector_load %arg9[%get3A, %get3A_731] {strides = array<i32>} : memref<64x64xi32, #tpu.memory_space<vmem>>, vector<1x16xi32>,
      %get3A_733 = vector.shape_cast %get3A_732 : vector<1x16xi32> to vector<16xi32>
      %shift_left3A = arith.shli %get3A_733, %broadcast_in_dim3A_694 : vector<16xi32>
      %bitcast_convert_type3A = tpu.bitcast %shift_left3A : vector<16xi32> -> vector<16xf32>
      %and3A = arith.andi %get3A_733, %broadcast_in_dim3A_692 : vector<16xi32>
      %bitcast_convert_type3A_734 = tpu.bitcast %and3A : vector<16xi32> -> vector<16xf32>
      %swap3A = arith.index_cast %add3A_730 : i32 to index
      %swap3A_735 = arith.constant 0 : index
      %swap3A_736 = tpu.vector_load %arg11[%swap3A, %swap3A_735] {strides = array<i32>} : memref<64x128xf32, #tpu.memory_space<vmem>>, vector<1x16xf32>,
      %swap3A_737 = vector.shape_cast %swap3A_736 : vector<1x16xf32> to vector<16xf32>
      %swap3A_738 = vector.shape_cast %bitcast_convert_type3A : vector<16xf32> to vector<1x16xf32>
      tpu.vector_store %arg11[%swap3A, %swap3A_735], %swap3A_738 {strides = array<i32>} : memref<64x128xf32, #tpu.memory_space<vmem>>, vector<1x16xf32>,
      %swap3A_739 = arith.index_cast %add3A_730 : i32 to index
      %swap3A_740 = arith.constant 16 : index
      %swap3A_741 = tpu.vector_load %arg11[%swap3A_739, %swap3A_740] {strides = array<i32>} : memref<64x128xf32, #tpu.memory_space<vmem>>, vector<1x16xf32>,
      %swap3A_742 = vector.shape_cast %swap3A_741 : vector<1x16xf32> to vector<16xf32>
      %swap3A_743 = vector.shape_cast %bitcast_convert_type3A_734 : vector<16xf32> to vector<1x16xf32>
      tpu.vector_store %arg11[%swap3A_739, %swap3A_740], %swap3A_743 {strides = array<i32>} : memref<64x128xf32, #tpu.memory_space<vmem>>, vector<1x16xf32>,
      %get3A_744 = arith.index_cast %add3A_730 : i32 to index
      %get3A_745 = arith.constant 16 : index
      %get3A_746 = tpu.vector_load %arg9[%get3A_744, %get3A_745] {strides = array<i32>} : memref<64x64xi32, #tpu.memory_space<vmem>>, vector<1x16xi32>,
      %get3A_747 = vector.shape_cast %get3A_746 : vector<1x16xi32> to vector<16xi32>
      %shift_left3A_748 = arith.shli %get3A_747, %broadcast_in_dim3A_694 : vector<16xi32>
      %bitcast_convert_type3A_749 = tpu.bitcast %shift_left3A_748 : vector<16xi32> -> vector<16xf32>
      %and3A_750 = arith.andi %get3A_747, %broadcast_in_dim3A_692 : vector<16xi32>
      %bitcast_convert_type3A_751 = tpu.bitcast %and3A_750 : vector<16xi32> -> vector<16xf32>
      %swap3A_752 = arith.index_cast %add3A_730 : i32 to index
      %swap3A_753 = arith.constant 32 : index
      %swap3A_754 = tpu.vector_load %arg11[%swap3A_752, %swap3A_753] {strides = array<i32>} : memref<64x128xf32, #tpu.memory_space<vmem>>, vector<1x16xf32>,
      %swap3A_755 = vector.shape_cast %swap3A_754 : vector<1x16xf32> to vector<16xf32>
      %swap3A_756 = vector.shape_cast %bitcast_convert_type3A_749 : vector<16xf32> to vector<1x16xf32>
      tpu.vector_store %arg11[%swap3A_752, %swap3A_753], %swap3A_756 {strides = array<i32>} : memref<64x128xf32, #tpu.memory_space<vmem>>, vector<1x16xf32>,
      %swap3A_757 = arith.index_cast %add3A_730 : i32 to index
      %swap3A_758 = arith.constant 48 : index
      %swap3A_759 = tpu.vector_load %arg11[%swap3A_757, %swap3A_758] {strides = array<i32>} : memref<64x128xf32, #tpu.memory_space<vmem>>, vector<1x16xf32>,
      %swap3A_760 = vector.shape_cast %swap3A_759 : vector<1x16xf32> to vector<16xf32>
      %swap3A_761 = vector.shape_cast %bitcast_convert_type3A_751 : vector<16xf32> to vector<1x16xf32>
      tpu.vector_store %arg11[%swap3A_757, %swap3A_758], %swap3A_761 {strides = array<i32>} : memref<64x128xf32, #tpu.memory_space<vmem>>, vector<1x16xf32>,
      %get3A_762 = arith.index_cast %add3A_730 : i32 to index
      %get3A_763 = arith.constant 32 : index
      %get3A_764 = tpu.vector_load %arg9[%get3A_762, %get3A_763] {strides = array<i32>} : memref<64x64xi32, #tpu.memory_space<vmem>>, vector<1x16xi32>,
      %get3A_765 = vector.shape_cast %get3A_764 : vector<1x16xi32> to vector<16xi32>
      %shift_left3A_766 = arith.shli %get3A_765, %broadcast_in_dim3A_694 : vector<16xi32>
      %bitcast_convert_type3A_767 = tpu.bitcast %shift_left3A_766 : vector<16xi32> -> vector<16xf32>
      %and3A_768 = arith.andi %get3A_765, %broadcast_in_dim3A_692 : vector<16xi32>
      %bitcast_convert_type3A_769 = tpu.bitcast %and3A_768 : vector<16xi32> -> vector<16xf32>
      %swap3A_770 = arith.index_cast %add3A_730 : i32 to index
      %swap3A_771 = arith.constant 64 : index
      %swap3A_772 = tpu.vector_load %arg11[%swap3A_770, %swap3A_771] {strides = array<i32>} : memref<64x128xf32, #tpu.memory_space<vmem>>, vector<1x16xf32>,
      %swap3A_773 = vector.shape_cast %swap3A_772 : vector<1x16xf32> to vector<16xf32>
      %swap3A_774 = vector.shape_cast %bitcast_convert_type3A_767 : vector<16xf32> to vector<1x16xf32>
      tpu.vector_store %arg11[%swap3A_770, %swap3A_771], %swap3A_774 {strides = array<i32>} : memref<64x128xf32, #tpu.memory_space<vmem>>, vector<1x16xf32>,
      %swap3A_775 = arith.index_cast %add3A_730 : i32 to index
      %swap3A_776 = arith.constant 80 : index
      %swap3A_777 = tpu.vector_load %arg11[%swap3A_775, %swap3A_776] {strides = array<i32>} : memref<64x128xf32, #tpu.memory_space<vmem>>, vector<1x16xf32>,
      %swap3A_778 = vector.shape_cast %swap3A_777 : vector<1x16xf32> to vector<16xf32>
      %swap3A_779 = vector.shape_cast %bitcast_convert_type3A_769 : vector<16xf32> to vector<1x16xf32>
      tpu.vector_store %arg11[%swap3A_775, %swap3A_776], %swap3A_779 {strides = array<i32>} : memref<64x128xf32, #tpu.memory_space<vmem>>, vector<1x16xf32>,
      %get3A_780 = arith.index_cast %add3A_730 : i32 to index
      %get3A_781 = arith.constant 48 : index
      %get3A_782 = tpu.vector_load %arg9[%get3A_780, %get3A_781] {strides = array<i32>} : memref<64x64xi32, #tpu.memory_space<vmem>>, vector<1x16xi32>,
      %get3A_783 = vector.shape_cast %get3A_782 : vector<1x16xi32> to vector<16xi32>
      %shift_left3A_784 = arith.shli %get3A_783, %broadcast_in_dim3A_694 : vector<16xi32>
      %bitcast_convert_type3A_785 = tpu.bitcast %shift_left3A_784 : vector<16xi32> -> vector<16xf32>
      %and3A_786 = arith.andi %get3A_783, %broadcast_in_dim3A_692 : vector<16xi32>
      %bitcast_convert_type3A_787 = tpu.bitcast %and3A_786 : vector<16xi32> -> vector<16xf32>
      %swap3A_788 = arith.index_cast %add3A_730 : i32 to index
      %swap3A_789 = arith.constant 96 : index
      %swap3A_790 = tpu.vector_load %arg11[%swap3A_788, %swap3A_789] {strides = array<i32>} : memref<64x128xf32, #tpu.memory_space<vmem>>, vector<1x16xf32>,
      %swap3A_791 = vector.shape_cast %swap3A_790 : vector<1x16xf32> to vector<16xf32>
      %swap3A_792 = vector.shape_cast %bitcast_convert_type3A_785 : vector<16xf32> to vector<1x16xf32>
      tpu.vector_store %arg11[%swap3A_788, %swap3A_789], %swap3A_792 {strides = array<i32>} : memref<64x128xf32, #tpu.memory_space<vmem>>, vector<1x16xf32>,
      %swap3A_793 = arith.index_cast %add3A_730 : i32 to index
      %swap3A_794 = arith.constant 112 : index
      %swap3A_795 = tpu.vector_load %arg11[%swap3A_793, %swap3A_794] {strides = array<i32>} : memref<64x128xf32, #tpu.memory_space<vmem>>, vector<1x16xf32>,
      %swap3A_796 = vector.shape_cast %swap3A_795 : vector<1x16xf32> to vector<16xf32>
      %swap3A_797 = vector.shape_cast %bitcast_convert_type3A_787 : vector<16xf32> to vector<1x16xf32>
      tpu.vector_store %arg11[%swap3A_793, %swap3A_794], %swap3A_797 {strides = array<i32>} : memref<64x128xf32, #tpu.memory_space<vmem>>, vector<1x16xf32>,
    }
    %scan3A_699 = arith.constant 64 : i32
    %dma_start3A_700 = arith.constant 39 : i32
    %dma_start3A_701 = arith.constant 0 : i32
    %dma_start3A_702 = tpu.memref_slice %arg7[%dma_start3A_700, %dma_start3A_701] : memref<40x64xi32, #tpu.memory_space<vmem>> -> memref<1x64xi32, #tpu.memory_space<vmem>>
    %dma_start3A_703 = tpu.memref_squeeze %dma_start3A_702 : memref<1x64xi32, #tpu.memory_space<vmem>> -> memref<64xi32, #tpu.memory_space<vmem>>
    %dma_start3A_704 = arith.constant 0 : i32
    %dma_start3A_705 = arith.constant 0 : i32
    %dma_start3A_706 = tpu.memref_slice %arg12[%dma_start3A_704, %dma_start3A_705] : memref<10112x128xf32, #tpu.memory_space<vmem_shared>> -> memref<10112x128xf32, #tpu.memory_space<vmem_shared>>
    tpu.enqueue_indirect_dma source(%arg11 : memref<64x128xf32, #tpu.memory_space<vmem>>) target(%dma_start3A_706 : memref<10112x128xf32, #tpu.memory_space<vmem_shared>>) offsets(%dma_start3A_703 : memref<64xi32, #tpu.memory_space<vmem>>) semaphore(%arg17 : memref<!tpu.dma_semaphore, #tpu.memory_space<semaphore_mem>>) {add = true}
    %dma_wait3A_707 = arith.constant 0 : i32
    %dma_wait3A_708 = arith.constant 0 : i32
    %dma_wait3A_709 = tpu.memref_slice %arg7[%dma_wait3A_707, %dma_wait3A_708] : memref<40x64xi32, #tpu.memory_space<vmem>> -> memref<1x64xi32, #tpu.memory_space<vmem>>
    %dma_wait3A_710 = tpu.memref_squeeze %dma_wait3A_709 : memref<1x64xi32, #tpu.memory_space<vmem>> -> memref<64xi32, #tpu.memory_space<vmem>>
    %dma_wait3A_711 = arith.constant 0 : i32
    %dma_wait3A_712 = arith.constant 0 : i32
    %dma_wait3A_713 = tpu.memref_slice %arg12[%dma_wait3A_711, %dma_wait3A_712] : memref<10112x128xf32, #tpu.memory_space<vmem_shared>> -> memref<10112x128xf32, #tpu.memory_space<vmem_shared>>
    tpu.wait_indirect_dma semaphore(%arg16 : memref<!tpu.dma_semaphore, #tpu.memory_space<semaphore_mem>>) src(%arg10 : memref<64x128xf32, #tpu.memory_space<vmem>>) dst(%dma_wait3A_713 : memref<10112x128xf32, #tpu.memory_space<vmem_shared>>)
    %dma_wait3A_714 = arith.constant 0 : i32
    %dma_wait3A_715 = arith.constant 0 : i32
    %dma_wait3A_716 = tpu.memref_slice %arg7[%dma_wait3A_714, %dma_wait3A_715] : memref<40x64xi32, #tpu.memory_space<vmem>> -> memref<1x64xi32, #tpu.memory_space<vmem>>
    %dma_wait3A_717 = tpu.memref_squeeze %dma_wait3A_716 : memref<1x64xi32, #tpu.memory_space<vmem>> -> memref<64xi32, #tpu.memory_space<vmem>>
    %dma_wait3A_718 = arith.constant 0 : i32
    %dma_wait3A_719 = arith.constant 0 : i32
    %dma_wait3A_720 = tpu.memref_slice %arg12[%dma_wait3A_718, %dma_wait3A_719] : memref<10112x128xf32, #tpu.memory_space<vmem_shared>> -> memref<10112x128xf32, #tpu.memory_space<vmem_shared>>
    tpu.wait_indirect_dma semaphore(%arg17 : memref<!tpu.dma_semaphore, #tpu.memory_space<semaphore_mem>>) src(%arg11 : memref<64x128xf32, #tpu.memory_space<vmem>>) dst(%dma_wait3A_720 : memref<10112x128xf32, #tpu.memory_space<vmem_shared>>)
    %barrier3A_721 = arith.constant 0 : index
    tpu.barrier barrier_id(%barrier3A_721)
    %mul3A_722 = arith.constant 632 : i32
    %mul3A_723 = arith.muli %arg1, %mul3A_722 : i32
    %mul3A_724 = arith.constant 632 : i32
    %mul3A_725 = arith.muli %arg1, %mul3A_724 : i32
    "tpu.region"() ({
      %run_scoped3A = tpu.sem_alloc : memref<!tpu.dma_semaphore, #tpu.memory_space<semaphore_mem>>
      %dma_start3A_726 = arith.constant 0 : i32
      %dma_start3A_727 = tpu.memref_slice %arg5[%arg0, %mul3A_725, %dma_start3A_726] : memref<2x10112x128xf32, #tpu.memory_space<hbm>> -> memref<1x632x128xf32, #tpu.memory_space<hbm>>
      %dma_start3A_728 = tpu.memref_squeeze %dma_start3A_727 : memref<1x632x128xf32, #tpu.memory_space<hbm>> -> memref<632x128xf32, #tpu.memory_space<hbm>>
      %dma_start3A_729 = arith.constant 0 : i32
      %dma_start3A_730 = tpu.memref_slice %arg12[%mul3A_723, %dma_start3A_729] : memref<10112x128xf32, #tpu.memory_space<vmem_shared>> -> memref<632x128xf32, #tpu.memory_space<vmem_shared>>
      tpu.enqueue_dma source(%dma_start3A_730 : memref<632x128xf32, #tpu.memory_space<vmem_shared>>) target(%dma_start3A_728 : memref<632x128xf32, #tpu.memory_space<hbm>>) target_semaphore(%run_scoped3A : memref<!tpu.dma_semaphore, #tpu.memory_space<semaphore_mem>>)
      %dma_wait3A_731 = arith.constant 0 : i32
      %dma_wait3A_732 = tpu.memref_slice %arg5[%arg0, %mul3A_725, %dma_wait3A_731] : memref<2x10112x128xf32, #tpu.memory_space<hbm>> -> memref<1x632x128xf32, #tpu.memory_space<hbm>>
      %dma_wait3A_733 = tpu.memref_squeeze %dma_wait3A_732 : memref<1x632x128xf32, #tpu.memory_space<hbm>> -> memref<632x128xf32, #tpu.memory_space<hbm>>
      %dma_wait3A_734 = arith.constant 0 : i32
      %dma_wait3A_735 = tpu.memref_slice %arg12[%mul3A_723, %dma_wait3A_734] : memref<10112x128xf32, #tpu.memory_space<vmem_shared>> -> memref<632x128xf32, #tpu.memory_space<vmem_shared>>
      tpu.wait_dma2 semaphore(%run_scoped3A : memref<!tpu.dma_semaphore, #tpu.memory_space<semaphore_mem>>) src(%dma_wait3A_735 : memref<632x128xf32, #tpu.memory_space<vmem_shared>>) dst(%dma_wait3A_733 : memref<632x128xf32, #tpu.memory_space<hbm>>)
      tpu.yield
    }) : () -> ()
    return
  }
}

module attributes {stable_mosaic.version = 14 : i64} {
  func.func @body(%arg0: memref<2x10000x128xf32, #tpu.memory_space<vmem>>, %arg1: memref<10000x128xf32, #tpu.memory_space<vmem>>, %arg2: memref<128x128xf32, #tpu.memory_space<vmem>>, %arg3: memref<1x128xf32, #tpu.memory_space<vmem>>, %arg4: memref<1x128xf32, #tpu.memory_space<vmem>>, %arg5: memref<128x20xf32, #tpu.memory_space<vmem>>, %arg6: memref<1x20xf32, #tpu.memory_space<vmem>>, %arg7: memref<128x128xf32, #tpu.memory_space<vmem>>, %arg8: memref<1x128xf32, #tpu.memory_space<vmem>>, %arg9: memref<128x128xf32, #tpu.memory_space<vmem>>, %arg10: memref<1x128xf32, #tpu.memory_space<vmem>>, %arg11: memref<128x128xf32, #tpu.memory_space<vmem>>, %arg12: memref<1x128xf32, #tpu.memory_space<vmem>>, %arg13: memref<128x1xf32, #tpu.memory_space<vmem>>, %arg14: memref<1x1xf32, #tpu.memory_space<vmem>>, %arg15: memref<10000x20xf32, #tpu.memory_space<vmem>>, %arg16: memref<10000x128xf32, #tpu.memory_space<vmem>>, %arg17: memref<10000x1xf32, #tpu.memory_space<vmem>>) attributes {dimension_semantics = [], scalar_prefetch = 0 : i64, scratch_operands = 0 : i64, tpu.core_type = #tpu.core_type<tc>} {
    %get3A = arith.constant 0 : index
    %get3A_0 = arith.constant 0 : index
    %get3A_1 = arith.constant 0 : index
    %get3A_2 = vector.load %arg0[%get3A, %get3A_0, %get3A_1] : memref<2x10000x128xf32, #tpu.memory_space<vmem>>, vector<1x10000x128xf32>
    %get3A_3 = vector.shape_cast %get3A_2 : vector<1x10000x128xf32> to vector<10000x128xf32>
    %get3A_4 = arith.constant 1 : index
    %get3A_5 = arith.constant 0 : index
    %get3A_6 = arith.constant 0 : index
    %get3A_7 = vector.load %arg0[%get3A_4, %get3A_5, %get3A_6] : memref<2x10000x128xf32, #tpu.memory_space<vmem>>, vector<1x10000x128xf32>
    %get3A_8 = vector.shape_cast %get3A_7 : vector<1x10000x128xf32> to vector<10000x128xf32>
    %add3A = arith.addf %get3A_3, %get3A_8 : vector<10000x128xf32>
    %get3A_9 = arith.constant 0 : index
    %get3A_10 = arith.constant 0 : index
    %get3A_11 = vector.load %arg1[%get3A_9, %get3A_10] : memref<10000x128xf32, #tpu.memory_space<vmem>>, vector<10000x128xf32>
    %add3A_12 = arith.addf %add3A, %get3A_11 : vector<10000x128xf32>
    %get3A_13 = arith.constant 0 : index
    %get3A_14 = arith.constant 0 : index
    %get3A_15 = vector.load %arg2[%get3A_13, %get3A_14] : memref<128x128xf32, #tpu.memory_space<vmem>>, vector<128x128xf32>
    %dot_general3A = arith.constant dense<0.000000e+00> : vector<10000x128xf32>
    %dot_general3A_16 = tpu.matmul %add3A_12, %get3A_15, %dot_general3A {dimension_numbers = #tpu.dot_dimension_numbers<[1], [0], [0], [1], [0, 0, 1, 1], [], []>, transpose_lhs_hint = false} : vector<10000x128xf32>, vector<128x128xf32>, vector<10000x128xf32> -> vector<10000x128xf32>
    %reduce_sum3A = arith.constant dense<0.000000e+00> : vector<128xf32>
    %reduce_sum3A_17 = vector.multi_reduction <add>, %dot_general3A_16, %reduce_sum3A [0] : vector<10000x128xf32> to vector<128xf32>
    %broadcast_in_dim3A = vector.shape_cast %reduce_sum3A_17 : vector<128xf32> to vector<1x128xf32>
    %div3A = arith.constant 1.000000e+04 : f32
    %div3A_18 = vector.broadcast %div3A : f32 to vector<1x128xf32>
    %div3A_19 = arith.divf %broadcast_in_dim3A, %div3A_18 : vector<1x128xf32>
    %sub3A = vector.broadcast %div3A_19 : vector<1x128xf32> to vector<10000x128xf32>
    %sub3A_20 = arith.subf %dot_general3A_16, %sub3A : vector<10000x128xf32>
    %mul3A = arith.mulf %sub3A_20, %sub3A_20 : vector<10000x128xf32>
    %reduce_sum3A_21 = arith.constant dense<0.000000e+00> : vector<128xf32>
    %reduce_sum3A_22 = vector.multi_reduction <add>, %mul3A, %reduce_sum3A_21 [0] : vector<10000x128xf32> to vector<128xf32>
    %broadcast_in_dim3A_23 = vector.shape_cast %reduce_sum3A_22 : vector<128xf32> to vector<1x128xf32>
    %div3A_24 = arith.constant 1.000000e+04 : f32
    %div3A_25 = vector.broadcast %div3A_24 : f32 to vector<1x128xf32>
    %div3A_26 = arith.divf %broadcast_in_dim3A_23, %div3A_25 : vector<1x128xf32>
    %add3A_27 = arith.constant 9.99999974E-5 : f32
    %add3A_28 = vector.broadcast %add3A_27 : f32 to vector<1x128xf32>
    %add3A_29 = arith.addf %div3A_26, %add3A_28 : vector<1x128xf32>
    %rsqrt3A = math.rsqrt %add3A_29 : vector<1x128xf32>
    %mul3A_30 = vector.broadcast %rsqrt3A : vector<1x128xf32> to vector<10000x128xf32>
    %mul3A_31 = arith.mulf %sub3A_20, %mul3A_30 : vector<10000x128xf32>
    %get3A_32 = arith.constant 0 : index
    %get3A_33 = arith.constant 0 : index
    %get3A_34 = vector.load %arg3[%get3A_32, %get3A_33] : memref<1x128xf32, #tpu.memory_space<vmem>>, vector<1x128xf32>
    %mul3A_35 = vector.broadcast %get3A_34 : vector<1x128xf32> to vector<10000x128xf32>
    %mul3A_36 = arith.mulf %mul3A_31, %mul3A_35 : vector<10000x128xf32>
    %get3A_37 = arith.constant 0 : index
    %get3A_38 = arith.constant 0 : index
    %get3A_39 = vector.load %arg4[%get3A_37, %get3A_38] : memref<1x128xf32, #tpu.memory_space<vmem>>, vector<1x128xf32>
    %add3A_40 = vector.broadcast %get3A_39 : vector<1x128xf32> to vector<10000x128xf32>
    %add3A_41 = arith.addf %mul3A_36, %add3A_40 : vector<10000x128xf32>
    %max3A = arith.constant 0.000000e+00 : f32
    %max3A_42 = vector.broadcast %max3A : f32 to vector<10000x128xf32>
    %max3A_43 = arith.maximumf %add3A_41, %max3A_42 : vector<10000x128xf32>
    %get3A_44 = arith.constant 0 : index
    %get3A_45 = arith.constant 0 : index
    %get3A_46 = vector.load %arg5[%get3A_44, %get3A_45] : memref<128x20xf32, #tpu.memory_space<vmem>>, vector<128x20xf32>
    %dot_general3A_47 = arith.constant dense<0.000000e+00> : vector<10000x20xf32>
    %dot_general3A_48 = tpu.matmul %max3A_43, %get3A_46, %dot_general3A_47 {dimension_numbers = #tpu.dot_dimension_numbers<[1], [0], [0], [1], [0, 0, 1, 1], [], []>, transpose_lhs_hint = false} : vector<10000x128xf32>, vector<128x20xf32>, vector<10000x20xf32> -> vector<10000x20xf32>
    %get3A_49 = arith.constant 0 : index
    %get3A_50 = arith.constant 0 : index
    %get3A_51 = vector.load %arg6[%get3A_49, %get3A_50] : memref<1x20xf32, #tpu.memory_space<vmem>>, vector<1x20xf32>
    %add3A_52 = vector.broadcast %get3A_51 : vector<1x20xf32> to vector<10000x20xf32>
    %add3A_53 = arith.addf %dot_general3A_48, %add3A_52 : vector<10000x20xf32>
    %swap3A = arith.constant 0 : index
    %swap3A_54 = arith.constant 0 : index
    %swap3A_55 = vector.load %arg15[%swap3A, %swap3A_54] : memref<10000x20xf32, #tpu.memory_space<vmem>>, vector<10000x20xf32>
    tpu.vector_store %arg15[%swap3A, %swap3A_54], %add3A_53 {strides = array<i32>} : memref<10000x20xf32, #tpu.memory_space<vmem>>, vector<10000x20xf32>,
    %get3A_56 = arith.constant 0 : index
    %get3A_57 = arith.constant 0 : index
    %get3A_58 = vector.load %arg7[%get3A_56, %get3A_57] : memref<128x128xf32, #tpu.memory_space<vmem>>, vector<128x128xf32>
    %dot_general3A_59 = arith.constant dense<0.000000e+00> : vector<10000x128xf32>
    %dot_general3A_60 = tpu.matmul %max3A_43, %get3A_58, %dot_general3A_59 {dimension_numbers = #tpu.dot_dimension_numbers<[1], [0], [0], [1], [0, 0, 1, 1], [], []>, transpose_lhs_hint = false} : vector<10000x128xf32>, vector<128x128xf32>, vector<10000x128xf32> -> vector<10000x128xf32>
    %get3A_61 = arith.constant 0 : index
    %get3A_62 = arith.constant 0 : index
    %get3A_63 = vector.load %arg8[%get3A_61, %get3A_62] : memref<1x128xf32, #tpu.memory_space<vmem>>, vector<1x128xf32>
    %add3A_64 = vector.broadcast %get3A_63 : vector<1x128xf32> to vector<10000x128xf32>
    %add3A_65 = arith.addf %dot_general3A_60, %add3A_64 : vector<10000x128xf32>
    %get3A_66 = arith.constant 0 : index
    %get3A_67 = arith.constant 0 : index
    %get3A_68 = vector.load %arg9[%get3A_66, %get3A_67] : memref<128x128xf32, #tpu.memory_space<vmem>>, vector<128x128xf32>
    %dot_general3A_69 = arith.constant dense<0.000000e+00> : vector<10000x128xf32>
    %dot_general3A_70 = tpu.matmul %add3A_65, %get3A_68, %dot_general3A_69 {dimension_numbers = #tpu.dot_dimension_numbers<[1], [0], [0], [1], [0, 0, 1, 1], [], []>, transpose_lhs_hint = false} : vector<10000x128xf32>, vector<128x128xf32>, vector<10000x128xf32> -> vector<10000x128xf32>
    %get3A_71 = arith.constant 0 : index
    %get3A_72 = arith.constant 0 : index
    %get3A_73 = vector.load %arg10[%get3A_71, %get3A_72] : memref<1x128xf32, #tpu.memory_space<vmem>>, vector<1x128xf32>
    %add3A_74 = vector.broadcast %get3A_73 : vector<1x128xf32> to vector<10000x128xf32>
    %add3A_75 = arith.addf %dot_general3A_70, %add3A_74 : vector<10000x128xf32>
    %swap3A_76 = arith.constant 0 : index
    %swap3A_77 = arith.constant 0 : index
    %swap3A_78 = vector.load %arg16[%swap3A_76, %swap3A_77] : memref<10000x128xf32, #tpu.memory_space<vmem>>, vector<10000x128xf32>
    tpu.vector_store %arg16[%swap3A_76, %swap3A_77], %add3A_75 {strides = array<i32>} : memref<10000x128xf32, #tpu.memory_space<vmem>>, vector<10000x128xf32>,
    %get3A_79 = arith.constant 0 : index
    %get3A_80 = arith.constant 0 : index
    %get3A_81 = vector.load %arg11[%get3A_79, %get3A_80] : memref<128x128xf32, #tpu.memory_space<vmem>>, vector<128x128xf32>
    %dot_general3A_82 = arith.constant dense<0.000000e+00> : vector<10000x128xf32>
    %dot_general3A_83 = tpu.matmul %max3A_43, %get3A_81, %dot_general3A_82 {dimension_numbers = #tpu.dot_dimension_numbers<[1], [0], [0], [1], [0, 0, 1, 1], [], []>, transpose_lhs_hint = false} : vector<10000x128xf32>, vector<128x128xf32>, vector<10000x128xf32> -> vector<10000x128xf32>
    %get3A_84 = arith.constant 0 : index
    %get3A_85 = arith.constant 0 : index
    %get3A_86 = vector.load %arg12[%get3A_84, %get3A_85] : memref<1x128xf32, #tpu.memory_space<vmem>>, vector<1x128xf32>
    %add3A_87 = vector.broadcast %get3A_86 : vector<1x128xf32> to vector<10000x128xf32>
    %add3A_88 = arith.addf %dot_general3A_83, %add3A_87 : vector<10000x128xf32>
    %get3A_89 = arith.constant 0 : index
    %get3A_90 = arith.constant 0 : index
    %get3A_91 = vector.load %arg13[%get3A_89, %get3A_90] : memref<128x1xf32, #tpu.memory_space<vmem>>, vector<128x1xf32>
    %dot_general3A_92 = arith.constant dense<0.000000e+00> : vector<10000x1xf32>
    %dot_general3A_93 = tpu.matmul %add3A_88, %get3A_91, %dot_general3A_92 {dimension_numbers = #tpu.dot_dimension_numbers<[1], [0], [0], [1], [0, 0, 1, 1], [], []>, transpose_lhs_hint = false} : vector<10000x128xf32>, vector<128x1xf32>, vector<10000x1xf32> -> vector<10000x1xf32>
    %get3A_94 = arith.constant 0 : index
    %get3A_95 = arith.constant 0 : index
    %get3A_96 = vector.load %arg14[%get3A_94, %get3A_95] : memref<1x1xf32, #tpu.memory_space<vmem>>, vector<1x1xf32>
    %add3A_97 = vector.broadcast %get3A_96 : vector<1x1xf32> to vector<10000x1xf32>
    %add3A_98 = arith.addf %dot_general3A_93, %add3A_97 : vector<10000x1xf32>
    %logistic3A = arith.negf %add3A_98 : vector<10000x1xf32>
    %logistic3A_99 = math.exp %logistic3A : vector<10000x1xf32>
    %logistic3A_100 = arith.constant 1.000000e+00 : f32
    %logistic3A_101 = vector.broadcast %logistic3A_100 : f32 to vector<10000x1xf32>
    %logistic3A_102 = arith.addf %logistic3A_101, %logistic3A_99 : vector<10000x1xf32>
    %logistic3A_103 = arith.divf %logistic3A_101, %logistic3A_102 : vector<10000x1xf32>
    %swap3A_104 = arith.constant 0 : index
    %swap3A_105 = arith.constant 0 : index
    %swap3A_106 = vector.load %arg17[%swap3A_104, %swap3A_105] : memref<10000x1xf32, #tpu.memory_space<vmem>>, vector<10000x1xf32>
    tpu.vector_store %arg17[%swap3A_104, %swap3A_105], %logistic3A_103 {strides = array<i32>} : memref<10000x1xf32, #tpu.memory_space<vmem>>, vector<10000x1xf32>,
    return
  }
}

</mosaic_0001>

<sc_bundles>
// kernel: kernel.4.cloned.1.call-start
scs
__scs_entry_jumppad:
0x0: {  	(pc) =	sbr.rel $0x88, $3  }
0x1: {  	(tag) =	ssettag $0x0;
	lr =	simm.s32 $0x1  }
0x2: {  	[smem:$0x3F92] =	sst lr;
	_ =	strace $0xD0000000  }
0x3: {  	_ = 	snop  }
0x4: {  	_ = 	snop  }
0x5: {  	_ = 	snop  }
0x6: {  	_ = 	snop  }
0x7: {  	_ = 	snop  }
__scs_overlays_trampoline_lowered:
0x8: {  	[smem:$0x3FA1] =	sst s0  }
0x9: {  	[smem:$0x3FA2] =	sst s1  }
0xa: {  	[smem:$0x3FA3] =	sst s2  }
0xb: {  	[smem:$0x3FA4] =	sst s3  }
0xc: {  	[smem:$0x3FA5] =	sst s4  }
0xd: {  	[smem:$0x3FA6] =	sst s5  }
0xe: {  	[smem:$0x3FA7] =	sst s6  }
0xf: {  	[smem:$0x3FA8] =	sst s7  }
0x10: {  	[smem:$0x3FA9] =	sst s8  }
0x11: {  	[smem:$0x3FAA] =	sst s9;
	s0 =	simm.s32 @!p0 $0x0  }
0x12: {  	s1 =	sld [smem:$0x3F90];
	s0 =	simm.s32 @p0 $0x1  }
0x13: {  	[smem:$0x3FAB] =	sst s0;
	s0 =	simm.s32 @!p1 $0x0  }
0x14: {  	s2 =	sld [smem:$0x3F8F];
	s0 =	simm.s32 @p1 $0x1  }
0x15: {  	[smem:$0x3FAC] =	sst s0;
	s0 =	simm.s32 @!p2 $0x0  }
0x16: {  	s3 =	sld [smem:$0x3FDB];
	s0 =	simm.s32 @p2 $0x1  }
0x17: {  	s4 =	simm.s32 $0x1BF5;
	[smem:$0x3FAE] =	sst s0  }
0x18: {  	s0 =	sld [smem:$0x3F91];
	_ =	swait.ge [sflag:s4], $0x0  }
0x19: {  	s7 =	sld [smem:$0x3F92]  }
0x1a: {  	s8 =	sadd.s32 $0xFFFFE003, lr  }
0x1b: {  	s9 =	sadd.s32 $0xFFFFFEF7, lr;
	s5 =	simm.s32 $0xFFFFFFFF;
	p2 =	slt.u32 s8, $0xFFFFF086  }
0x1c: {  	p1 =	slt.u32 s9, $0xF7A;
	s5 =	simm.s32 @!p2 $0x0  }
0x1d: {  	s5 =	simm.s32 @p1 $0x1;
	p0 =	seq.s32 s7, s2  }
0x1e: {  	s7 =	smul.u32 @!p0 $0xF7A, s2;
	p2 =	seq.s32 @!p0 s5, $0x0  }
0x1f: {  	s9 =	smul.u32 $0xF7A, s1;
	s8 =	simm.s32 @!p0 $0x1BF5;
	p2 =	por !p2, p0  }
0x20: {  	[sflag:s8] =	ssyncset.s32 @!p0 $0xFFFFF086;
	s6 =	sadd.s32 @!p0 s3, s7;
	s7 =	simm.s32 @!p0 $0x108  }
0x21: {  	s3 =	sadd.s32 s3, s9;
	s6 =	sadd.s32 @!p0 $0x88, s6;
	s7 =	simm.s32 @p2 $0x1082  }
0x22: {  	[simem:s7], [sflag:s8] =	dma.local @!p0 [hbm:s6], $0xF7A  }
0x23: {  	s9 =	sor.u32 $0xD0000000, s2;
	s6 =	simm.s32 $0x108;
	_ =	swait.ge @!p0 [sflag:s8], $0x0  }
0x24: {  	s3 =	sadd.s32 $0x88, s3;
	s6 =	simm.s32 @!p1 $0x1082;
	[sflag:s4] =	ssyncset.s32 $0xFFFFF086  }
0x25: {  	[simem:s6], [sflag:s4] =	dma.local [hbm:s3], $0xF7A  }
0x26: {  	[smem:$0x3F92] =	sst s1;
	(tag) =	ssettag s2;
	_ =	strace s9  }
0x27: {  	s1 =	sld [smem:$0x3FA2]  }
0x28: {  	s2 =	sld [smem:$0x3FA3]  }
0x29: {  	s4 =	sld [smem:$0x3FA5]  }
0x2a: {  	p0 =	seq.s32 s5, $0x0;
	s5 =	sld [smem:$0x3FA6]  }
0x2b: {  	s6 =	sld [smem:$0x3FA7]  }
0x2c: {  	s7 =	sld [smem:$0x3FA8]  }
0x2d: {  	s3 =	simm.s32 $0x108;
	s8 =	sld [smem:$0x3FA9]  }
0x2e: {  	s3 =	simm.s32 @!p0 $0x1082;
	s9 =	sld [smem:$0x3FAA]  }
0x2f: {  	lr =	sadd.s32 s0, s3;
	s0 =	sld [smem:$0x3FA1]  }
0x30: {  	s3 =	sld [smem:$0x3FA4]  }
0x31: {  	[smem:$0x3FAD] =	sst s10  }
0x32: {  	s10 =	sld [smem:$0x3FAB];
	_ =	sdelay $0x3  }
0x33: {  	p0 =	seq.s32 s10, $0x1;
	s10 =	sld [smem:$0x3FAD];
	_ =	sdelay $0x3  }
0x34: {  	[smem:$0x3FAD] =	sst s10  }
0x35: {  	s10 =	sld [smem:$0x3FAC];
	_ =	sdelay $0x3  }
0x36: {  	p1 =	seq.s32 s10, $0x1;
	s10 =	sld [smem:$0x3FAD];
	_ =	sdelay $0x3  }
0x37: {  	[smem:$0x3FAD] =	sst s10  }
0x38: {  	s10 =	sld [smem:$0x3FAE]  }
0x39: {  	_ = 	snop;
	(pc) =	sbr.ind lr, $3  }
0x3a: {  	_ = 	snop  }
0x3b: {  	_ = 	snop  }
0x3c: {  	p2 =	seq.s32 s10, $0x1;
	s10 =	sld [smem:$0x3FAD]  }
0x3d: {  	_ =	shalt  }
0x3e: {  	_ =	shalt  }
0x3f: {  	_ =	shalt  }
0x40: {  	_ =	shalt  }
0x41: {  	_ =	shalt  }
0x42: {  	_ =	shalt  }
0x43: {  	_ =	shalt  }
0x44: {  	_ =	shalt  }
0x45: {  	_ =	shalt  }
0x46: {  	_ =	shalt  }
0x47: {  	_ =	shalt  }
0x48: {  	_ =	shalt  }
0x49: {  	_ =	shalt  }
0x4a: {  	_ =	shalt  }
0x4b: {  	_ =	shalt  }
0x4c: {  	_ =	shalt  }
0x4d: {  	_ =	shalt  }
0x4e: {  	_ =	shalt  }
0x4f: {  	_ =	shalt  }
0x50: {  	_ =	shalt  }
0x51: {  	_ =	shalt  }
0x52: {  	_ =	shalt  }
0x53: {  	_ =	shalt  }
0x54: {  	_ =	shalt  }
0x55: {  	_ =	shalt  }
0x56: {  	_ =	shalt  }
0x57: {  	_ =	shalt  }
0x58: {  	_ =	shalt  }
0x59: {  	_ =	shalt  }
0x5a: {  	_ =	shalt  }
0x5b: {  	_ =	shalt  }
0x5c: {  	_ =	shalt  }
0x5d: {  	_ =	shalt  }
0x5e: {  	_ =	shalt  }
0x5f: {  	_ =	shalt  }
0x60: {  	_ =	shalt  }
0x61: {  	_ =	shalt  }
0x62: {  	_ =	shalt  }
0x63: {  	_ =	shalt  }
0x64: {  	_ =	shalt  }
0x65: {  	_ =	shalt  }
0x66: {  	_ =	shalt  }
0x67: {  	_ =	shalt  }
0x68: {  	_ =	shalt  }
0x69: {  	_ =	shalt  }
0x6a: {  	_ =	shalt  }
0x6b: {  	_ =	shalt  }
0x6c: {  	_ =	shalt  }
0x6d: {  	_ =	shalt  }
0x6e: {  	_ =	shalt  }
0x6f: {  	_ =	shalt  }
0x70: {  	_ =	shalt  }
0x71: {  	_ =	shalt  }
0x72: {  	_ =	shalt  }
0x73: {  	_ =	shalt  }
0x74: {  	_ =	shalt  }
0x75: {  	_ =	shalt  }
0x76: {  	_ =	shalt  }
0x77: {  	_ =	shalt  }
0x78: {  	_ =	shalt  }
0x79: {  	_ =	shalt  }
0x7a: {  	_ =	shalt  }
0x7b: {  	_ =	shalt  }
0x7c: {  	_ =	shalt  }
0x7d: {  	_ =	shalt  }
0x7e: {  	_ =	shalt  }
0x7f: {  	_ =	shalt  }
0x80: {  	_ =	shalt  }
0x81: {  	_ =	shalt  }
0x82: {  	_ =	shalt  }
0x83: {  	_ =	shalt  }
0x84: {  	_ =	shalt  }
0x85: {  	_ =	shalt  }
0x86: {  	_ =	shalt  }
0x87: {  	_ =	shalt  }
.Lfunc_end0:
.L_simem_size_0:
called_computation_lowered:
.L_overlay_start_0:
0x88: {  	s2 =	sld [smem:$0x3FD9]  }
0x89: {  	s3 =	sld [smem:$0x3FFE];
	_ =	sdelay $0x1  }
0x8a: {  	s1 =	srdreg.scid  }
0x8b: {  	s0 =	sand.u32 $0x1, s1  }
0x8c: {  	s14 =	sshll.u32 s0, $0xA;
	s2 =	sadd.s32 s3, s2  }
0x8d: {  	s2 =	sadd.s32 s2, s14  }
0x8e: {  	[smem:$0x3FB9] =	sst s2  }
0x8f: {  	_ = 	snop  }
0x90: {  	s2 =	sld [smem:$0x3FD0];
	_ =	sdelay $0x2  }
0x91: {  	s15 =	simm.s32 $0xA;
	s4 =	simm.s32 $0x10  }
0x92: {  	[smem:s4], [sflag:s15] =	dma.local [hbm:s2], $0x1  }
0x93: {  	_ =	swait.eq [sflag:s15], $0x1  }
0x94: {  	[sflag:s15] =	ssyncset.done $0x0  }
0x95: {  	[sflag:s15] =	ssyncadd.s32 $0xFFFFFFFF  }
0x96: {  	s16 =	sld [smem:$0x11];
	(tm) =	ssettm $0x1  }
0x97: {  	s17 =	sld [smem:$0x3FFB];
	_ =	sdelay $0x3  }
0x98: {  	_ =	strace s17  }
0x99: {  	s3 =	sld [smem:$0x3FFC];
	_ =	sdelay $0x3  }
0x9a: {  	_ =	strace s3  }
0x9b: {  	s3 =	sld [smem:$0x3FFD];
	_ =	sdelay $0x3  }
0x9c: {  	_ =	strace s3  }
0x9d: {  	_ =	strace $0x8FFFFFFF  }
0x9e: {  	s18 =	sld [smem:$0x3FDB];
	_ =	sdelay $0x1  }
0x9f: {  	s19 =	simm.s32 $_scs_section_size  }
0xa0: {  	s5 =	simm.s32 $_size__tile_overlayer_lowered;
	s6 =	simm.s32 $_tile_overlayer_lowered  }
0xa1: {  	s22 =	simm.s32 $0x1BFF;
	s21 =	sshll.u32 s6, $0x1;
	s3 =	sadd.s32 s19, s18  }
0xa2: {  	s7 =	simm.s32 $0x0;
	s20 =	sshll.u32 s5, $0x1;
	s5 =	sadd.s32 s21, s3  }
0xa3: {  	[timem:s7], [sflag:s22] =	dma.local [hbm:s5], s20  }
0xa4: {  	_ =	swait.ge [sflag:s22], s20  }
0xa5: {  	s4 =	ssub.s32 $0x0, s20;
	[sflag:s22] =	ssyncset.done $0x0  }
0xa6: {  	[sflag:s22] =	ssyncadd.s32 s4;
	_ =	sdelay $0x1  }
0xa7: {  	s23 =	simm.s32 $0x1B8B  }
0xa8: {  	_ =	swait.ge [sflag:s23], $0x1  }
0xa9: {  	[sflag:s23] =	ssyncset.done $0x0  }
0xaa: {  	s25 =	simm.s32 $0x1B8E;
	s24 =	sld [smem:$0x3FFE];
	[sflag:s23] =	ssyncadd.s32 $0xFFFFFFFF  }
0xab: {  	s26 =	simm.s32 $execute0_lowered;
	[smem:$0x3FD2] =	sst s25  }
0xac: {  	s5 =	sshll.u32 s26, $0x1;
	_ =	strace $0x80000046;
	[dreg:$0x1] =	wrdreg $0xFFFFFFFF  }
0xad: {  	s28 =	simm.s32 $_size_execute0_lowered;
	s3 =	sadd.s32 s3, s5;
	[dreg:$0x0] =	wrdreg $0x0  }
0xae: {  	s5 =	sshll.u32 s28, $0x1;
	[dreg:$0x2] =	wrdreg s3  }
0xaf: {  	[dreg:$0x3] =	wrdreg s5  }
0xb0: {  	[dreg:$0x4] =	wrdreg $0xC0  }
0xb1: {  	_ =	task [dreg:s7], $0x5FFFF  }
0xb2: {  	[dreg:$0x1] =	wrdreg $0xFFFFFFFF  }
0xb3: {  	[dreg:$0x0] =	wrdreg $0x60  }
0xb4: {  	[dreg:$0x2] =	wrdreg s16  }
0xb5: {  	[dreg:$0x3] =	wrdreg s24  }
0xb6: {  	[dreg:$0x4] =	wrdreg $0x74000  }
0xb7: {  	[dreg:$0x5] =	wrdreg $0x9  }
0xb8: {  	_ =	task.clear_ibuf [dreg:s7], $0x6FFFF;
	_ =	strace $0x90000046  }
0xb9: {  	s29 =	simm.s32 $0x9;
	_ =	strace $0x80000048  }
0xba: {  	_ =	swait.ge [sflag:s29], $0x1  }
0xbb: {  	[sflag:s29] =	ssyncadd.s32 $0xFFFFFFFF  }
0xbc: {  	_ =	strace $0x90000048  }
0xbd: {  	_ =	sfence  }
0xbe: {  	s30 =	sld [smem:$0x0];
	_ =	sdelay $0x2  }
0xbf: {  	s31 =	sshll.u32 s1, $0xD;
	s1 =	sshrl.u32 s1, $0x2  }
0xc0: {  	s3 =	sand.u32 $0x4000, s31;
	s1 =	sadd.s32 s1, s30  }
0xc1: {  	s0 =	sor.u32 s3, s0;
	s1 =	sshll.u32 s1, $0x11  }
0xc2: {  	s0 =	sor.u32 s1, s0  }
0xc3: {  	s0 =	sadd.s32 $0x8F2B, s0  }
0xc4: {  	[sflag:s0] =	ssyncadd.remote.s32 $0x1  }
0xc5: {  	_ =	sfence.sel $0xFFFF  }
0xc6: {  	[dreg:$0x0] =	wrdreg $0xFFFFFFFF;
	(pc) =	sbr.abs _section_cstart, $3  }
0xc7: {  	[dreg:$0x1] =	wrdreg $0xFFFFFFFF  }
0xc8: {  	_ =	task.clear_ibuf [dreg:s7], $0x2FFFF;
	_ =	strace $0x9FFFFFFF  }
0xc9: {  	(tm) =	ssettm $0x7FFFFFFF  }
tec
execute0_lowered:
.L_overlay_start_1:
0x0: {  	(tag) =	ssettag $0x1  }
0x1: {  	s1 =	rddreg [dreg:$0x0]  }
0x2: {  	s0 =	rddreg [dreg:$0x1]  }
0x3: {  	s2 =	rddreg [dreg:$0x2];
	s4 =	simm.s32 $0x0;
	s3 =	srdreg.scid  }
0x4: {  	s10 =	stileid.u32;
	s28 =	simm.s32 $0x6;
	s29 =	simm.s32 $0xA00  }
0x5: {  	s30 =	simm.s32 $0x1;
	[smem:$0x7FF] =	sst s4;
	s6 =	smul.u32 $0x13C00, s10  }
0x6: {  	s3 =	sand.u32 $0x1, s3;
	s9 =	sshll.u32 s10, $0x1;
	s10 =	smul.u32 $0x4F000, s10  }
0x7: {  	s7 =	sadd.s32 $0xB200, s0;
	s5 =	smul.u32 $0x13C000, s3;
	s9 =	sor.u32 s3, s9  }
0x8: {  	s8 =	sadd.s32 $0x1200, s0;
	s3 =	ssub.s32 $0x2, s3;
	s11 =	smul.u32 $0x2800, s9  }
0x9: {  	_ =	strace $0x80000047;
	s12 =	sshrl.u32 s3, $0x1;
	s9 =	smul.u32 $0x500, s9  }
0xa: {  	s25 =	sshrl.u32 s10, $0x2;
	s5 =	sadd.s32 s6, s5;
	s3 =	ssub.s32 s3, s12  }
0xb: {  	s5 =	sshrl.u32 s5, $0x3;
	s26 =	sshrl.u32 s11, $0x3;
	s14 =	sadd.s32 s7, s9  }
0xc: {  	s9 =	sadd.s32 s8, s9;
	s3 =	smax.u32 s3, $0x1;
	[dreg:$0x5] =	wrdreg s14  }
0xd: {  	s0 =	sadd.s32 s5, s0;
	s5 =	sadd.s32 s25, s2;
	[dreg:$0x6] =	wrdreg s9  }
0xe: {  	s13 =	sadd.s32 $0x140, s26;
	[dreg:$0xe] =	wrdreg s3;
	s12 =	sadd.s32 $0x12000, s5  }
0xf: {  	s31 =	simm.s32 $0x40;
	s15 =	sadd.s32 s7, s13;
	[dreg:$0x4] =	wrdreg s12  }
0x10: {  	s17 =	sadd.s32 $0x280, s26;
	s16 =	sadd.s32 s8, s13;
	[dreg:$0x7] =	wrdreg s15  }
0x11: {  	s20 =	sadd.s32 s6, s2;
	s18 =	sadd.s32 s7, s17;
	[dreg:$0x8] =	wrdreg s16  }
0x12: {  	s10 =	sadd.s32 $0x3C0, s26;
	s9 =	sadd.s32 s8, s17;
	[dreg:$0x9] =	wrdreg s18  }
0x13: {  	s6 =	simm.s32 $0x2;
	s7 =	sadd.s32 s7, s10;
	[dreg:$0xa] =	wrdreg s9  }
0x14: {  	s11 =	simm.s32 $0xC0;
	s19 =	sadd.s32 s8, s10;
	[dreg:$0xb] =	wrdreg s7  }
0x15: {  	s3 =	simm.s32 $0x2400;
	s0 =	sadd.s32 $0x15200, s0;
	[dreg:$0xc] =	wrdreg s19  }
0x16: {  	s14 =	simm.s32 $0x1380;
	s23 =	sadd.s32 $0x2000, s5;
	[dreg:$0xd] =	wrdreg s0  }
0x17: {  	s24 =	sadd.s32 $0x4000, s5;
	s25 =	sadd.s32 $0x6000, s5;
	[dreg:$0xf] =	wrdreg s23  }
0x18: {  	s26 =	sadd.s32 $0x8000, s5;
	s21 =	sadd.s32 $0xA000, s5;
	[dreg:$0x10] =	wrdreg s24  }
0x19: {  	s22 =	sadd.s32 $0xC000, s5;
	s8 =	simm.s32 $0x3;
	[dreg:$0x11] =	wrdreg s25  }
0x1a: {  	s10 =	simm.s32 $0x5400;
	s13 =	simm.s32 $0x5;
	[dreg:$0x12] =	wrdreg s26  }
0x1b: {  	s23 =	sadd.s32 $0xE000, s5;
	s24 =	sadd.s32 $0x10000, s5;
	s25 =	sshrl.u32 s20, $0x3  }
0x1c: {  	s26 =	simm.s32 $0x3400;
	s0 =	simm.s32 $0x1400;
	s7 =	simm.s32 $0x80  }
0x1d: {  	v0 =	vimm.f32 $0.0e+00;
	s9 =	simm.s32 $0xA40;
	s12 =	simm.s32 $0x4;
	s15 =	simm.s32 $0x13C0  }
.LBB2_1:
0x1e: {  	s16 =	simm.s32 $0x0;
	s17 =	simm.s32 $0x200  }
.LBB2_2:
0x1f: {  	p0 =	sne.s32 s17, $0x7E00;
	[tilespmem:s16+$0x3470] =	vst v0  }
0x20: {  	[tilespmem:s16+$0x3400] =	vst v0  }
0x21: {  	[tilespmem:s16+$0x3410] =	vst v0  }
.Ltmp0:
0x22: {  	[tilespmem:s16+$0x3420] =	vst v0;
	(pc) =	sbr.rel @p0 .LBB2_2-.Ltmp0, $4  }
0x23: {  	[tilespmem:s16+$0x3430] =	vst v0  }
0x24: {  	[tilespmem:s16+$0x3440] =	vst v0  }
0x25: {  	[tilespmem:s16+$0x3450] =	vst v0  }
0x26: {  	[tilespmem:s16+$0x3460] =	vst v0;
	s16 =	sshra.s32 s17, $0x2;
	s17 =	sadd.s32 $0x200, s17  }
0x27: {  	[tilespmem:s16+$0x3470] =	vst v0  }
0x28: {  	[tilespmem:s16+$0x3400] =	vst v0  }
0x29: {  	[tilespmem:s16+$0x3410] =	vst v0  }
0x2a: {  	[tilespmem:s16+$0x3420] =	vst v0  }
0x2b: {  	[tilespmem:s16+$0x3430] =	vst v0  }
0x2c: {  	[tilespmem:s16+$0x3440] =	vst v0  }
0x2d: {  	[tilespmem:s16+$0x3450] =	vst v0  }
0x2e: {  	[tilespmem:s16+$0x3460] =	vst v0  }
0x2f: {  	[spmem:s5] =	stream.linear.scatter [tilespmem:s26], [sflag:$0x6], $0x2000, $0x38;
	[tilespmem:$0x1B000] =	vst v63  }
0x30: {  	_ =	swait.ge [sflag:s28], $0x2000  }
0x31: {  	[sflag:s28] =	ssyncset.done $0x0  }
0x32: {  	s17 =	rddreg [dreg:$0xf];
	[sflag:s28] =	ssyncadd.s32 $0xFFFFE000  }
0x33: {  	[spmem:s17] =	stream.linear.scatter [tilespmem:s26], [sflag:$0x6], $0x2000, $0x38;
	[tilespmem:$0x1B000] =	vst v63  }
0x34: {  	_ =	swait.ge [sflag:s28], $0x2000  }
0x35: {  	[sflag:s28] =	ssyncset.done $0x0  }
0x36: {  	s18 =	rddreg [dreg:$0x10];
	[sflag:s28] =	ssyncadd.s32 $0xFFFFE000  }
0x37: {  	[spmem:s18] =	stream.linear.scatter [tilespmem:s26], [sflag:$0x6], $0x2000, $0x38;
	[tilespmem:$0x1B000] =	vst v63  }
0x38: {  	_ =	swait.ge [sflag:s28], $0x2000  }
0x39: {  	[sflag:s28] =	ssyncset.done $0x0  }
0x3a: {  	s19 =	rddreg [dreg:$0x11];
	[sflag:s28] =	ssyncadd.s32 $0xFFFFE000  }
0x3b: {  	[spmem:s19] =	stream.linear.scatter [tilespmem:s26], [sflag:$0x6], $0x2000, $0x38;
	[tilespmem:$0x1B000] =	vst v63  }
0x3c: {  	_ =	swait.ge [sflag:s28], $0x2000  }
0x3d: {  	[sflag:s28] =	ssyncset.done $0x0  }
0x3e: {  	s20 =	rddreg [dreg:$0x12];
	[sflag:s28] =	ssyncadd.s32 $0xFFFFE000  }
0x3f: {  	[spmem:s20] =	stream.linear.scatter [tilespmem:s26], [sflag:$0x6], $0x2000, $0x38;
	[tilespmem:$0x1B000] =	vst v63  }
0x40: {  	_ =	swait.ge [sflag:s28], $0x2000  }
0x41: {  	[sflag:s28] =	ssyncset.done $0x0  }
0x42: {  	[sflag:s28] =	ssyncadd.s32 $0xFFFFE000  }
0x43: {  	[spmem:s21] =	stream.linear.scatter [tilespmem:s26], [sflag:$0x6], $0x2000, $0x38;
	[tilespmem:$0x1B000] =	vst v63  }
0x44: {  	_ =	swait.ge [sflag:s28], $0x2000  }
0x45: {  	[sflag:s28] =	ssyncset.done $0x0  }
0x46: {  	[sflag:s28] =	ssyncadd.s32 $0xFFFFE000  }
0x47: {  	[spmem:s22] =	stream.linear.scatter [tilespmem:s26], [sflag:$0x6], $0x2000, $0x38;
	[tilespmem:$0x1B000] =	vst v63  }
0x48: {  	_ =	swait.ge [sflag:s28], $0x2000  }
0x49: {  	[sflag:s28] =	ssyncset.done $0x0  }
0x4a: {  	[sflag:s28] =	ssyncadd.s32 $0xFFFFE000  }
0x4b: {  	[spmem:s23] =	stream.linear.scatter [tilespmem:s26], [sflag:$0x6], $0x2000, $0x38;
	[tilespmem:$0x1B000] =	vst v63  }
0x4c: {  	_ =	swait.ge [sflag:s28], $0x2000  }
0x4d: {  	[sflag:s28] =	ssyncset.done $0x0  }
0x4e: {  	[sflag:s28] =	ssyncadd.s32 $0xFFFFE000  }
0x4f: {  	[spmem:s24] =	stream.linear.scatter [tilespmem:s26], [sflag:$0x6], $0x2000, $0x38;
	[tilespmem:$0x1B000] =	vst v63  }
0x50: {  	_ =	swait.ge [sflag:s28], $0x2000  }
0x51: {  	[sflag:s28] =	ssyncset.done $0x0  }
0x52: {  	s17 =	rddreg [dreg:$0x4];
	[sflag:s28] =	ssyncadd.s32 $0xFFFFE000  }
0x53: {  	[spmem:s17] =	stream.linear.scatter [tilespmem:s26], [sflag:$0x6], $0x1C00, $0x38;
	[tilespmem:$0x1B000] =	vst v63  }
0x54: {  	_ =	swait.ge [sflag:s28], $0x1C00  }
0x55: {  	[sflag:s28] =	ssyncset.done $0x0  }
0x56: {  	[sflag:s28] =	ssyncadd.s32 $0xFFFFE400  }
0x57: {  	[bflag:$0x0] =	sbarrier.arrive $0xFFFF  }
0x58: {  	s18 =	simm.s32 $0x0;
	s17 =	rddreg [dreg:$0x5]  }
0x59: {  	[tilespmem:s18], [sflag:$0x1] =	stream.linear.gather [hbm4b:s17+s18], $0xA00, $0x38;
	[tilespmem:$0x1B000] =	vst v63  }
0x5a: {  	s19 =	rddreg [dreg:$0x6]  }
0x5b: {  	[tilespmem:s29], [sflag:$0x1] =	stream.linear.gather [hbm4b:s19+s18], $0xA00, $0x38;
	[tilespmem:$0x1B000] =	vst v63  }
0x5c: {  	_ =	swait.ge [sflag:s30], $0xA00  }
0x5d: {  	[sflag:s30] =	ssyncset.done $0x0  }
0x5e: {  	[sflag:s30] =	ssyncadd.s32 $0xFFFFF600  }
0x5f: {  	_ =	swait.ge [sflag:s30], $0xA00  }
0x60: {  	[sflag:s30] =	ssyncset.done $0x0  }
0x61: {  	[sflag:s30] =	ssyncadd.s32 $0xFFFFF600  }
0x62: {  	[tilespmem:s0], [sflag:$0x2] =	stream.indirect.gather [hbm4b:s1+s31], $0x40, s18, s31, $0xb8;
	[tilespmem:$0x1B000] =	vst v63  }
0x63: {  	_ = 	snop  }
0x64: {  	[tilespmem:s3], [sflag:$0x3] =	stream.indirect.gather [hbm4b:s1+s31], $0x40, s31, s31, $0xb8;
	[tilespmem:$0x1B000] =	vst v63  }
0x65: {  	_ =	swait.ge [sflag:s6], $0x1000  }
0x66: {  	[sflag:s6] =	ssyncset.done $0x0  }
0x67: {  	s20 =	simm.s32 $0x0;
	[sflag:s6] =	ssyncadd.s32 $0xFFFFF000  }
0x68: {  	v1 =	vld [tilespmem:s20+$0x1400];
	_ =	sdelay $0x4  }
0x69: {  	s16 =	simm.s32 $0x3440;
	v2 =	vshll.u32 v1, $0x10  }
0x6a: {  	v1 =	vand.u32 $0xFFFF0000, v1;
	[tilespmem:s16+$0xFFFFFFC0] =	vst v2  }
0x6b: {  	[tilespmem:s16+$0xFFFFFFD0] =	vst v1  }
0x6c: {  	v1 =	vld [tilespmem:s20+$0x1410];
	_ =	sdelay $0x4  }
0x6d: {  	v2 =	vshll.u32 v1, $0x10  }
0x6e: {  	v1 =	vand.u32 $0xFFFF0000, v1;
	[tilespmem:s16+$0xFFFFFFE0] =	vst v2  }
0x6f: {  	[tilespmem:s16+$0xFFFFFFF0] =	vst v1  }
0x70: {  	v1 =	vld [tilespmem:s20+$0x1420];
	_ =	sdelay $0x4  }
0x71: {  	v2 =	vand.u32 $0xFFFF0000, v1  }
0x72: {  	v1 =	vshll.u32 v1, $0x10;
	[tilespmem:s16+$0x10] =	vst v2  }
0x73: {  	[tilespmem:s16+$0x0] =	vst v1  }
0x74: {  	v1 =	vld [tilespmem:s20+$0x1430];
	_ =	sdelay $0x4  }
0x75: {  	v2 =	vshll.u32 v1, $0x10  }
0x76: {  	v1 =	vand.u32 $0xFFFF0000, v1;
	[tilespmem:s16+$0x20] =	vst v2  }
0x77: {  	s17 =	simm.s32 $0x40;
	[tilespmem:s16+$0x30] =	vst v1  }
0x78: {  	v1 =	vld [tilespmem:s17+$0x1400]  }
0x79: {  	s18 =	simm.s32 $0x200  }
.LBB2_4:
0x7a: {  	p0 =	sne.s32 s18, $0x3F00;
	_ =	sdelay $0x2  }
0x7b: {  	s16 =	sadd.s32 $0x80, s16;
	v2 =	vshll.u32 v1, $0x10  }
0x7c: {  	v1 =	vand.u32 $0xFFFF0000, v1;
	[tilespmem:s16+$0xFFFFFFC0] =	vst v2  }
0x7d: {  	[tilespmem:s16+$0xFFFFFFD0] =	vst v1  }
0x7e: {  	v1 =	vld [tilespmem:s17+$0x1410];
	_ =	sdelay $0x4  }
0x7f: {  	v2 =	vshll.u32 v1, $0x10  }
0x80: {  	v1 =	vand.u32 $0xFFFF0000, v1;
	[tilespmem:s16+$0xFFFFFFE0] =	vst v2  }
0x81: {  	[tilespmem:s16+$0xFFFFFFF0] =	vst v1  }
0x82: {  	v1 =	vld [tilespmem:s17+$0x1420];
	_ =	sdelay $0x4  }
0x83: {  	v2 =	vshll.u32 v1, $0x10;
	v1 =	vand.u32 $0xFFFF0000, v1  }
0x84: {  	[tilespmem:s16+$0x10] =	vst v1  }
0x85: {  	[tilespmem:s16+$0x0] =	vst v2  }
0x86: {  	v1 =	vld [tilespmem:s17+$0x1430];
	_ =	sdelay $0x4  }
.Ltmp1:
0x87: {  	v2 =	vshll.u32 v1, $0x10;
	v1 =	vand.u32 $0xFFFF0000, v1;
	(pc) =	sbr.rel @p0 .LBB2_4-.Ltmp1, $4  }
0x88: {  	[tilespmem:s16+$0x20] =	vst v2  }
0x89: {  	s17 =	sshra.s32 s18, $0x2;
	[tilespmem:s16+$0x30] =	vst v1  }
0x8a: {  	v1 =	vld [tilespmem:s17+$0x1400]  }
0x8b: {  	s18 =	sadd.s32 $0x100, s18  }
0x8c: {  	_ =	sdelay $0x2  }
0x8d: {  	s16 =	sadd.s32 $0x80, s16;
	v2 =	vshll.u32 v1, $0x10  }
0x8e: {  	v1 =	vand.u32 $0xFFFF0000, v1;
	[tilespmem:s16+$0xFFFFFFC0] =	vst v2  }
0x8f: {  	[tilespmem:s16+$0xFFFFFFD0] =	vst v1  }
0x90: {  	v1 =	vld [tilespmem:s17+$0x1410];
	_ =	sdelay $0x4  }
0x91: {  	v2 =	vshll.u32 v1, $0x10  }
0x92: {  	v1 =	vand.u32 $0xFFFF0000, v1;
	[tilespmem:s16+$0xFFFFFFE0] =	vst v2  }
0x93: {  	[tilespmem:s16+$0xFFFFFFF0] =	vst v1  }
0x94: {  	v1 =	vld [tilespmem:s17+$0x1420];
	_ =	sdelay $0x4  }
0x95: {  	v2 =	vand.u32 $0xFFFF0000, v1  }
0x96: {  	v1 =	vshll.u32 v1, $0x10;
	[tilespmem:s16+$0x10] =	vst v2  }
0x97: {  	[tilespmem:s16+$0x0] =	vst v1  }
0x98: {  	v1 =	vld [tilespmem:s17+$0x1430];
	_ =	sdelay $0x4  }
0x99: {  	v2 =	vshll.u32 v1, $0x10  }
0x9a: {  	v1 =	vand.u32 $0xFFFF0000, v1;
	[tilespmem:s16+$0x20] =	vst v2  }
0x9b: {  	[tilespmem:s16+$0x30] =	vst v1  }
0x9c: {  	[spmem:s2] =	stream.indirect.scatter.add.f32 [tilespmem:s26], [sflag:$0x4], $0x80, s29, s31, $0xb8;
	[tilespmem:$0x1B000] =	vst v63  }
0x9d: {  	_ = 	snop  }
0x9e: {  	[tilespmem:s0], [sflag:$0x2] =	stream.indirect.gather [hbm4b:s1+s31], $0x40, s7, s31, $0xb8;
	[tilespmem:$0x1B000] =	vst v63  }
0x9f: {  	_ =	swait.ge [sflag:s8], $0x1000  }
0xa0: {  	[sflag:s8] =	ssyncset.done $0x0  }
0xa1: {  	s20 =	simm.s32 $0x0;
	[sflag:s8] =	ssyncadd.s32 $0xFFFFF000  }
0xa2: {  	v1 =	vld [tilespmem:s20+$0x2400];
	_ =	sdelay $0x4  }
0xa3: {  	s16 =	simm.s32 $0x5440;
	v2 =	vshll.u32 v1, $0x10  }
0xa4: {  	v1 =	vand.u32 $0xFFFF0000, v1;
	[tilespmem:s16+$0xFFFFFFC0] =	vst v2  }
0xa5: {  	[tilespmem:s16+$0xFFFFFFD0] =	vst v1  }
0xa6: {  	v1 =	vld [tilespmem:s20+$0x2410];
	_ =	sdelay $0x4  }
0xa7: {  	v2 =	vshll.u32 v1, $0x10  }
0xa8: {  	v1 =	vand.u32 $0xFFFF0000, v1;
	[tilespmem:s16+$0xFFFFFFE0] =	vst v2  }
0xa9: {  	[tilespmem:s16+$0xFFFFFFF0] =	vst v1  }
0xaa: {  	v1 =	vld [tilespmem:s20+$0x2420];
	_ =	sdelay $0x4  }
0xab: {  	v2 =	vand.u32 $0xFFFF0000, v1  }
0xac: {  	v1 =	vshll.u32 v1, $0x10;
	[tilespmem:s16+$0x10] =	vst v2  }
0xad: {  	[tilespmem:s16+$0x0] =	vst v1  }
0xae: {  	v1 =	vld [tilespmem:s20+$0x2430];
	_ =	sdelay $0x4  }
0xaf: {  	v2 =	vshll.u32 v1, $0x10  }
0xb0: {  	v1 =	vand.u32 $0xFFFF0000, v1;
	[tilespmem:s16+$0x20] =	vst v2  }
0xb1: {  	s17 =	simm.s32 $0x40;
	[tilespmem:s16+$0x30] =	vst v1  }
0xb2: {  	v1 =	vld [tilespmem:s17+$0x2400]  }
0xb3: {  	s18 =	simm.s32 $0x200  }
.LBB2_6:
0xb4: {  	p0 =	sne.s32 s18, $0x3F00;
	_ =	sdelay $0x2  }
0xb5: {  	s16 =	sadd.s32 $0x80, s16;
	v2 =	vshll.u32 v1, $0x10  }
0xb6: {  	v1 =	vand.u32 $0xFFFF0000, v1;
	[tilespmem:s16+$0xFFFFFFC0] =	vst v2  }
0xb7: {  	[tilespmem:s16+$0xFFFFFFD0] =	vst v1  }
0xb8: {  	v1 =	vld [tilespmem:s17+$0x2410];
	_ =	sdelay $0x4  }
0xb9: {  	v2 =	vshll.u32 v1, $0x10  }
0xba: {  	v1 =	vand.u32 $0xFFFF0000, v1;
	[tilespmem:s16+$0xFFFFFFE0] =	vst v2  }
0xbb: {  	[tilespmem:s16+$0xFFFFFFF0] =	vst v1  }
0xbc: {  	v1 =	vld [tilespmem:s17+$0x2420];
	_ =	sdelay $0x4  }
0xbd: {  	v2 =	vshll.u32 v1, $0x10;
	v1 =	vand.u32 $0xFFFF0000, v1  }
0xbe: {  	[tilespmem:s16+$0x10] =	vst v1  }
0xbf: {  	[tilespmem:s16+$0x0] =	vst v2  }
0xc0: {  	v1 =	vld [tilespmem:s17+$0x2430];
	_ =	sdelay $0x4  }
.Ltmp2:
0xc1: {  	v2 =	vshll.u32 v1, $0x10;
	v1 =	vand.u32 $0xFFFF0000, v1;
	(pc) =	sbr.rel @p0 .LBB2_6-.Ltmp2, $4  }
0xc2: {  	[tilespmem:s16+$0x20] =	vst v2  }
0xc3: {  	s17 =	sshra.s32 s18, $0x2;
	[tilespmem:s16+$0x30] =	vst v1  }
0xc4: {  	v1 =	vld [tilespmem:s17+$0x2400]  }
0xc5: {  	s18 =	sadd.s32 $0x100, s18  }
0xc6: {  	_ =	sdelay $0x2  }
0xc7: {  	s16 =	sadd.s32 $0x80, s16;
	v2 =	vshll.u32 v1, $0x10  }
0xc8: {  	v1 =	vand.u32 $0xFFFF0000, v1;
	[tilespmem:s16+$0xFFFFFFC0] =	vst v2  }
0xc9: {  	[tilespmem:s16+$0xFFFFFFD0] =	vst v1  }
0xca: {  	v1 =	vld [tilespmem:s17+$0x2410];
	_ =	sdelay $0x4  }
0xcb: {  	v2 =	vshll.u32 v1, $0x10  }
0xcc: {  	v1 =	vand.u32 $0xFFFF0000, v1;
	[tilespmem:s16+$0xFFFFFFE0] =	vst v2  }
0xcd: {  	[tilespmem:s16+$0xFFFFFFF0] =	vst v1  }
0xce: {  	v1 =	vld [tilespmem:s17+$0x2420];
	_ =	sdelay $0x4  }
0xcf: {  	v2 =	vand.u32 $0xFFFF0000, v1  }
0xd0: {  	v1 =	vshll.u32 v1, $0x10;
	[tilespmem:s16+$0x10] =	vst v2  }
0xd1: {  	[tilespmem:s16+$0x0] =	vst v1  }
0xd2: {  	v1 =	vld [tilespmem:s17+$0x2430];
	_ =	sdelay $0x4  }
0xd3: {  	v2 =	vshll.u32 v1, $0x10  }
0xd4: {  	v1 =	vand.u32 $0xFFFF0000, v1;
	[tilespmem:s16+$0x20] =	vst v2  }
0xd5: {  	[tilespmem:s16+$0x30] =	vst v1  }
0xd6: {  	[spmem:s2] =	stream.indirect.scatter.add.f32 [tilespmem:s10], [sflag:$0x5], $0x80, s9, s31, $0xb8;
	[tilespmem:$0x1B000] =	vst v63  }
0xd7: {  	s16 =	simm.s32 $0x0  }
0xd8: {  	[tilespmem:s3], [sflag:$0x3] =	stream.indirect.gather [hbm4b:s1+s31], $0x40, s11, s31, $0xb8;
	[tilespmem:$0x1B000] =	vst v63  }
.LBB2_8:
0xd9: {  	_ =	swait.ge [sflag:s6], $0x1000  }
0xda: {  	[sflag:s6] =	ssyncset.done $0x0  }
0xdb: {  	[sflag:s6] =	ssyncadd.s32 $0xFFFFF000  }
0xdc: {  	_ =	swait.ge [sflag:s12], $0x2000  }
0xdd: {  	[sflag:s12] =	ssyncset.done $0x0  }
0xde: {  	s18 =	simm.s32 $0x0;
	[sflag:s12] =	ssyncadd.s32 $0xFFFFE000  }
0xdf: {  	v1 =	vld [tilespmem:s18+$0x1400];
	_ =	sdelay $0x4  }
0xe0: {  	s17 =	simm.s32 $0x3440;
	v2 =	vshll.u32 v1, $0x10  }
0xe1: {  	v1 =	vand.u32 $0xFFFF0000, v1;
	[tilespmem:s17+$0xFFFFFFC0] =	vst v2  }
0xe2: {  	[tilespmem:s17+$0xFFFFFFD0] =	vst v1  }
0xe3: {  	v1 =	vld [tilespmem:s18+$0x1410];
	_ =	sdelay $0x4  }
0xe4: {  	v2 =	vshll.u32 v1, $0x10  }
0xe5: {  	v1 =	vand.u32 $0xFFFF0000, v1;
	[tilespmem:s17+$0xFFFFFFE0] =	vst v2  }
0xe6: {  	[tilespmem:s17+$0xFFFFFFF0] =	vst v1  }
0xe7: {  	v1 =	vld [tilespmem:s18+$0x1420];
	_ =	sdelay $0x4  }
0xe8: {  	v2 =	vand.u32 $0xFFFF0000, v1  }
0xe9: {  	v1 =	vshll.u32 v1, $0x10;
	[tilespmem:s17+$0x10] =	vst v2  }
0xea: {  	[tilespmem:s17+$0x0] =	vst v1  }
0xeb: {  	v1 =	vld [tilespmem:s18+$0x1430];
	_ =	sdelay $0x4  }
0xec: {  	v2 =	vshll.u32 v1, $0x10  }
0xed: {  	v1 =	vand.u32 $0xFFFF0000, v1;
	[tilespmem:s17+$0x20] =	vst v2  }
0xee: {  	s18 =	simm.s32 $0x40;
	[tilespmem:s17+$0x30] =	vst v1  }
0xef: {  	v1 =	vld [tilespmem:s18+$0x1400]  }
0xf0: {  	s19 =	simm.s32 $0x200  }
.LBB2_9:
0xf1: {  	p0 =	sne.s32 s19, $0x3F00;
	_ =	sdelay $0x2  }
0xf2: {  	s17 =	sadd.s32 $0x80, s17;
	v2 =	vshll.u32 v1, $0x10  }
0xf3: {  	v1 =	vand.u32 $0xFFFF0000, v1;
	[tilespmem:s17+$0xFFFFFFC0] =	vst v2  }
0xf4: {  	[tilespmem:s17+$0xFFFFFFD0] =	vst v1  }
0xf5: {  	v1 =	vld [tilespmem:s18+$0x1410];
	_ =	sdelay $0x4  }
0xf6: {  	v2 =	vshll.u32 v1, $0x10  }
0xf7: {  	v1 =	vand.u32 $0xFFFF0000, v1;
	[tilespmem:s17+$0xFFFFFFE0] =	vst v2  }
0xf8: {  	[tilespmem:s17+$0xFFFFFFF0] =	vst v1  }
0xf9: {  	v1 =	vld [tilespmem:s18+$0x1420];
	_ =	sdelay $0x4  }
0xfa: {  	v2 =	vshll.u32 v1, $0x10;
	v1 =	vand.u32 $0xFFFF0000, v1  }
0xfb: {  	[tilespmem:s17+$0x10] =	vst v1  }
0xfc: {  	[tilespmem:s17+$0x0] =	vst v2  }
0xfd: {  	v1 =	vld [tilespmem:s18+$0x1430];
	_ =	sdelay $0x4  }
.Ltmp3:
0xfe: {  	v2 =	vshll.u32 v1, $0x10;
	v1 =	vand.u32 $0xFFFF0000, v1;
	(pc) =	sbr.rel @p0 .LBB2_9-.Ltmp3, $4  }
0xff: {  	[tilespmem:s17+$0x20] =	vst v2  }
0x100: {  	s18 =	sshra.s32 s19, $0x2;
	[tilespmem:s17+$0x30] =	vst v1  }
0x101: {  	v1 =	vld [tilespmem:s18+$0x1400]  }
0x102: {  	s19 =	sadd.s32 $0x100, s19  }
0x103: {  	_ =	sdelay $0x2  }
0x104: {  	s19 =	sadd.s32 $0x80, s17;
	v2 =	vshll.u32 v1, $0x10  }
0x105: {  	v1 =	vand.u32 $0xFFFF0000, v1;
	[tilespmem:s19+$0xFFFFFFC0] =	vst v2  }
0x106: {  	[tilespmem:s19+$0xFFFFFFD0] =	vst v1  }
0x107: {  	v1 =	vld [tilespmem:s18+$0x1410];
	_ =	sdelay $0x4  }
0x108: {  	v2 =	vshll.u32 v1, $0x10  }
0x109: {  	v1 =	vand.u32 $0xFFFF0000, v1;
	[tilespmem:s19+$0xFFFFFFE0] =	vst v2  }
0x10a: {  	[tilespmem:s19+$0xFFFFFFF0] =	vst v1  }
0x10b: {  	v1 =	vld [tilespmem:s18+$0x1420];
	_ =	sdelay $0x4  }
0x10c: {  	v2 =	vand.u32 $0xFFFF0000, v1  }
0x10d: {  	v1 =	vshll.u32 v1, $0x10;
	[tilespmem:s19+$0x10] =	vst v2  }
0x10e: {  	[tilespmem:s19+$0x0] =	vst v1  }
0x10f: {  	v1 =	vld [tilespmem:s18+$0x1430];
	_ =	sdelay $0x3  }
0x110: {  	s16 =	sadd.s32 $0x1, s16  }
0x111: {  	s18 =	sshll.u32 s16, $0x7;
	v2 =	vshll.u32 v1, $0x10  }
0x112: {  	s17 =	sand.u32 $0x3FFFFF80, s18;
	v1 =	vand.u32 $0xFFFF0000, v1;
	[tilespmem:s19+$0x20] =	vst v2  }
0x113: {  	s20 =	sadd.s32 $0xA00, s17;
	[tilespmem:s19+$0x30] =	vst v1  }
0x114: {  	[spmem:s2] =	stream.indirect.scatter.add.f32 [tilespmem:s26], [sflag:$0x4], $0x80, s20, s31, $0xb8;
	[tilespmem:$0x1B000] =	vst v63  }
0x115: {  	s19 =	sadd.s32 $0x80, s17  }
0x116: {  	[tilespmem:s0], [sflag:$0x2] =	stream.indirect.gather [hbm4b:s1+s31], $0x40, s19, s31, $0xb8;
	[tilespmem:$0x1B000] =	vst v63  }
0x117: {  	_ =	swait.ge [sflag:s8], $0x1000  }
0x118: {  	[sflag:s8] =	ssyncset.done $0x0  }
0x119: {  	[sflag:s8] =	ssyncadd.s32 $0xFFFFF000  }
0x11a: {  	_ =	swait.ge [sflag:s13], $0x2000  }
0x11b: {  	[sflag:s13] =	ssyncset.done $0x0  }
0x11c: {  	s20 =	simm.s32 $0x0;
	[sflag:s13] =	ssyncadd.s32 $0xFFFFE000  }
0x11d: {  	v1 =	vld [tilespmem:s20+$0x2400];
	_ =	sdelay $0x4  }
0x11e: {  	s18 =	simm.s32 $0x5440;
	v2 =	vshll.u32 v1, $0x10  }
0x11f: {  	v1 =	vand.u32 $0xFFFF0000, v1;
	[tilespmem:s18+$0xFFFFFFC0] =	vst v2  }
0x120: {  	[tilespmem:s18+$0xFFFFFFD0] =	vst v1  }
0x121: {  	v1 =	vld [tilespmem:s20+$0x2410];
	_ =	sdelay $0x4  }
0x122: {  	v2 =	vshll.u32 v1, $0x10  }
0x123: {  	v1 =	vand.u32 $0xFFFF0000, v1;
	[tilespmem:s18+$0xFFFFFFE0] =	vst v2  }
0x124: {  	[tilespmem:s18+$0xFFFFFFF0] =	vst v1  }
0x125: {  	v1 =	vld [tilespmem:s20+$0x2420];
	_ =	sdelay $0x4  }
0x126: {  	v2 =	vand.u32 $0xFFFF0000, v1  }
0x127: {  	v1 =	vshll.u32 v1, $0x10;
	[tilespmem:s18+$0x10] =	vst v2  }
0x128: {  	[tilespmem:s18+$0x0] =	vst v1  }
0x129: {  	v1 =	vld [tilespmem:s20+$0x2430];
	_ =	sdelay $0x4  }
0x12a: {  	v2 =	vshll.u32 v1, $0x10  }
0x12b: {  	v1 =	vand.u32 $0xFFFF0000, v1;
	[tilespmem:s18+$0x20] =	vst v2  }
0x12c: {  	s19 =	simm.s32 $0x40;
	[tilespmem:s18+$0x30] =	vst v1  }
0x12d: {  	v1 =	vld [tilespmem:s19+$0x2400]  }
0x12e: {  	s20 =	simm.s32 $0x200  }
.LBB2_11:
0x12f: {  	p0 =	sne.s32 s20, $0x3F00;
	_ =	sdelay $0x2  }
0x130: {  	s18 =	sadd.s32 $0x80, s18;
	v2 =	vshll.u32 v1, $0x10  }
0x131: {  	v1 =	vand.u32 $0xFFFF0000, v1;
	[tilespmem:s18+$0xFFFFFFC0] =	vst v2  }
0x132: {  	[tilespmem:s18+$0xFFFFFFD0] =	vst v1  }
0x133: {  	v1 =	vld [tilespmem:s19+$0x2410];
	_ =	sdelay $0x4  }
0x134: {  	v2 =	vshll.u32 v1, $0x10  }
0x135: {  	v1 =	vand.u32 $0xFFFF0000, v1;
	[tilespmem:s18+$0xFFFFFFE0] =	vst v2  }
0x136: {  	[tilespmem:s18+$0xFFFFFFF0] =	vst v1  }
0x137: {  	v1 =	vld [tilespmem:s19+$0x2420];
	_ =	sdelay $0x4  }
0x138: {  	v2 =	vshll.u32 v1, $0x10;
	v1 =	vand.u32 $0xFFFF0000, v1  }
0x139: {  	[tilespmem:s18+$0x10] =	vst v1  }
0x13a: {  	[tilespmem:s18+$0x0] =	vst v2  }
0x13b: {  	v1 =	vld [tilespmem:s19+$0x2430];
	_ =	sdelay $0x4  }
.Ltmp4:
0x13c: {  	v2 =	vshll.u32 v1, $0x10;
	v1 =	vand.u32 $0xFFFF0000, v1;
	(pc) =	sbr.rel @p0 .LBB2_11-.Ltmp4, $4  }
0x13d: {  	[tilespmem:s18+$0x20] =	vst v2  }
0x13e: {  	s19 =	sshra.s32 s20, $0x2;
	[tilespmem:s18+$0x30] =	vst v1  }
0x13f: {  	v1 =	vld [tilespmem:s19+$0x2400]  }
0x140: {  	s20 =	sadd.s32 $0x100, s20  }
0x141: {  	_ =	sdelay $0x2  }
0x142: {  	s18 =	sadd.s32 $0x80, s18;
	v2 =	vshll.u32 v1, $0x10  }
0x143: {  	v1 =	vand.u32 $0xFFFF0000, v1;
	[tilespmem:s18+$0xFFFFFFC0] =	vst v2  }
0x144: {  	[tilespmem:s18+$0xFFFFFFD0] =	vst v1  }
0x145: {  	v1 =	vld [tilespmem:s19+$0x2410];
	_ =	sdelay $0x4  }
0x146: {  	v2 =	vshll.u32 v1, $0x10  }
0x147: {  	v1 =	vand.u32 $0xFFFF0000, v1;
	[tilespmem:s18+$0xFFFFFFE0] =	vst v2  }
0x148: {  	[tilespmem:s18+$0xFFFFFFF0] =	vst v1  }
0x149: {  	v1 =	vld [tilespmem:s19+$0x2420];
	_ =	sdelay $0x4  }
0x14a: {  	v2 =	vand.u32 $0xFFFF0000, v1  }
0x14b: {  	v1 =	vshll.u32 v1, $0x10;
	[tilespmem:s18+$0x10] =	vst v2  }
0x14c: {  	[tilespmem:s18+$0x0] =	vst v1  }
0x14d: {  	v1 =	vld [tilespmem:s19+$0x2430];
	_ =	sdelay $0x4  }
0x14e: {  	p0 =	sne.s32 s16, $0x12;
	v2 =	vshll.u32 v1, $0x10  }
.Ltmp5:
0x14f: {  	v1 =	vand.u32 $0xFFFF0000, v1;
	[tilespmem:s18+$0x20] =	vst v2;
	(pc) =	sbr.rel @p0 .LBB2_8-.Ltmp5, $4  }
0x150: {  	s19 =	sadd.s32 $0xA40, s17;
	[tilespmem:s18+$0x30] =	vst v1  }
0x151: {  	[spmem:s2] =	stream.indirect.scatter.add.f32 [tilespmem:s10], [sflag:$0x5], $0x80, s19, s31, $0xb8;
	[tilespmem:$0x1B000] =	vst v63  }
0x152: {  	s20 =	sadd.s32 $0xC0, s17  }
0x153: {  	[tilespmem:s3], [sflag:$0x3] =	stream.indirect.gather [hbm4b:s1+s31], $0x40, s20, s31, $0xb8;
	[tilespmem:$0x1B000] =	vst v63  }
0x154: {  	_ =	swait.ge [sflag:s6], $0x1000  }
0x155: {  	[sflag:s6] =	ssyncset.done $0x0  }
0x156: {  	[sflag:s6] =	ssyncadd.s32 $0xFFFFF000  }
0x157: {  	_ =	swait.ge [sflag:s12], $0x2000  }
0x158: {  	[sflag:s12] =	ssyncset.done $0x0  }
0x159: {  	s17 =	simm.s32 $0x0;
	[sflag:s12] =	ssyncadd.s32 $0xFFFFE000  }
0x15a: {  	v1 =	vld [tilespmem:s17+$0x1400];
	_ =	sdelay $0x4  }
0x15b: {  	s16 =	simm.s32 $0x3440;
	v2 =	vshll.u32 v1, $0x10  }
0x15c: {  	v1 =	vand.u32 $0xFFFF0000, v1;
	[tilespmem:s16+$0xFFFFFFC0] =	vst v2  }
0x15d: {  	[tilespmem:s16+$0xFFFFFFD0] =	vst v1  }
0x15e: {  	v1 =	vld [tilespmem:s17+$0x1410];
	_ =	sdelay $0x4  }
0x15f: {  	v2 =	vshll.u32 v1, $0x10  }
0x160: {  	v1 =	vand.u32 $0xFFFF0000, v1;
	[tilespmem:s16+$0xFFFFFFE0] =	vst v2  }
0x161: {  	[tilespmem:s16+$0xFFFFFFF0] =	vst v1  }
0x162: {  	v1 =	vld [tilespmem:s17+$0x1420];
	_ =	sdelay $0x4  }
0x163: {  	v2 =	vand.u32 $0xFFFF0000, v1  }
0x164: {  	v1 =	vshll.u32 v1, $0x10;
	[tilespmem:s16+$0x10] =	vst v2  }
0x165: {  	[tilespmem:s16+$0x0] =	vst v1  }
0x166: {  	v1 =	vld [tilespmem:s17+$0x1430];
	_ =	sdelay $0x4  }
0x167: {  	v2 =	vshll.u32 v1, $0x10  }
0x168: {  	v1 =	vand.u32 $0xFFFF0000, v1;
	[tilespmem:s16+$0x20] =	vst v2  }
0x169: {  	s17 =	simm.s32 $0x40;
	[tilespmem:s16+$0x30] =	vst v1  }
0x16a: {  	v1 =	vld [tilespmem:s17+$0x1400]  }
0x16b: {  	s18 =	simm.s32 $0x200  }
.LBB2_14:
0x16c: {  	p0 =	sne.s32 s18, $0x3F00;
	_ =	sdelay $0x2  }
0x16d: {  	s16 =	sadd.s32 $0x80, s16;
	v2 =	vshll.u32 v1, $0x10  }
0x16e: {  	v1 =	vand.u32 $0xFFFF0000, v1;
	[tilespmem:s16+$0xFFFFFFC0] =	vst v2  }
0x16f: {  	[tilespmem:s16+$0xFFFFFFD0] =	vst v1  }
0x170: {  	v1 =	vld [tilespmem:s17+$0x1410];
	_ =	sdelay $0x4  }
0x171: {  	v2 =	vshll.u32 v1, $0x10  }
0x172: {  	v1 =	vand.u32 $0xFFFF0000, v1;
	[tilespmem:s16+$0xFFFFFFE0] =	vst v2  }
0x173: {  	[tilespmem:s16+$0xFFFFFFF0] =	vst v1  }
0x174: {  	v1 =	vld [tilespmem:s17+$0x1420];
	_ =	sdelay $0x4  }
0x175: {  	v2 =	vshll.u32 v1, $0x10;
	v1 =	vand.u32 $0xFFFF0000, v1  }
0x176: {  	[tilespmem:s16+$0x10] =	vst v1  }
0x177: {  	[tilespmem:s16+$0x0] =	vst v2  }
0x178: {  	v1 =	vld [tilespmem:s17+$0x1430];
	_ =	sdelay $0x4  }
.Ltmp6:
0x179: {  	v2 =	vshll.u32 v1, $0x10;
	v1 =	vand.u32 $0xFFFF0000, v1;
	(pc) =	sbr.rel @p0 .LBB2_14-.Ltmp6, $4  }
0x17a: {  	[tilespmem:s16+$0x20] =	vst v2  }
0x17b: {  	s17 =	sshra.s32 s18, $0x2;
	[tilespmem:s16+$0x30] =	vst v1  }
0x17c: {  	v1 =	vld [tilespmem:s17+$0x1400]  }
0x17d: {  	s18 =	sadd.s32 $0x100, s18  }
0x17e: {  	_ =	sdelay $0x2  }
0x17f: {  	s16 =	sadd.s32 $0x80, s16;
	v2 =	vshll.u32 v1, $0x10  }
0x180: {  	v1 =	vand.u32 $0xFFFF0000, v1;
	[tilespmem:s16+$0xFFFFFFC0] =	vst v2  }
0x181: {  	[tilespmem:s16+$0xFFFFFFD0] =	vst v1  }
0x182: {  	v1 =	vld [tilespmem:s17+$0x1410];
	_ =	sdelay $0x4  }
0x183: {  	v2 =	vshll.u32 v1, $0x10  }
0x184: {  	v1 =	vand.u32 $0xFFFF0000, v1;
	[tilespmem:s16+$0xFFFFFFE0] =	vst v2  }
0x185: {  	[tilespmem:s16+$0xFFFFFFF0] =	vst v1  }
0x186: {  	v1 =	vld [tilespmem:s17+$0x1420];
	_ =	sdelay $0x4  }
0x187: {  	v2 =	vand.u32 $0xFFFF0000, v1  }
0x188: {  	v1 =	vshll.u32 v1, $0x10;
	[tilespmem:s16+$0x10] =	vst v2  }
0x189: {  	[tilespmem:s16+$0x0] =	vst v1  }
0x18a: {  	v1 =	vld [tilespmem:s17+$0x1430];
	_ =	sdelay $0x4  }
0x18b: {  	v2 =	vshll.u32 v1, $0x10  }
0x18c: {  	v1 =	vand.u32 $0xFFFF0000, v1;
	[tilespmem:s16+$0x20] =	vst v2  }
0x18d: {  	[tilespmem:s16+$0x30] =	vst v1  }
0x18e: {  	[spmem:s2] =	stream.indirect.scatter.add.f32 [tilespmem:s26], [sflag:$0x4], $0x80, s14, s31, $0xb8;
	[tilespmem:$0x1B000] =	vst v63  }
0x18f: {  	_ =	swait.ge [sflag:s8], $0x1000  }
0x190: {  	[sflag:s8] =	ssyncset.done $0x0  }
0x191: {  	[sflag:s8] =	ssyncadd.s32 $0xFFFFF000  }
0x192: {  	_ =	swait.ge [sflag:s13], $0x2000  }
0x193: {  	[sflag:s13] =	ssyncset.done $0x0  }
0x194: {  	s20 =	simm.s32 $0x0;
	[sflag:s13] =	ssyncadd.s32 $0xFFFFE000  }
0x195: {  	v1 =	vld [tilespmem:s20+$0x2400];
	_ =	sdelay $0x4  }
0x196: {  	s16 =	simm.s32 $0x5440;
	v2 =	vshll.u32 v1, $0x10  }
0x197: {  	v1 =	vand.u32 $0xFFFF0000, v1;
	[tilespmem:s16+$0xFFFFFFC0] =	vst v2  }
0x198: {  	[tilespmem:s16+$0xFFFFFFD0] =	vst v1  }
0x199: {  	v1 =	vld [tilespmem:s20+$0x2410];
	_ =	sdelay $0x4  }
0x19a: {  	v2 =	vshll.u32 v1, $0x10  }
0x19b: {  	v1 =	vand.u32 $0xFFFF0000, v1;
	[tilespmem:s16+$0xFFFFFFE0] =	vst v2  }
0x19c: {  	[tilespmem:s16+$0xFFFFFFF0] =	vst v1  }
0x19d: {  	v1 =	vld [tilespmem:s20+$0x2420];
	_ =	sdelay $0x4  }
0x19e: {  	v2 =	vand.u32 $0xFFFF0000, v1  }
0x19f: {  	v1 =	vshll.u32 v1, $0x10;
	[tilespmem:s16+$0x10] =	vst v2  }
0x1a0: {  	[tilespmem:s16+$0x0] =	vst v1  }
0x1a1: {  	v1 =	vld [tilespmem:s20+$0x2430];
	_ =	sdelay $0x4  }
0x1a2: {  	v2 =	vshll.u32 v1, $0x10  }
0x1a3: {  	v1 =	vand.u32 $0xFFFF0000, v1;
	[tilespmem:s16+$0x20] =	vst v2  }
0x1a4: {  	s17 =	simm.s32 $0x40;
	[tilespmem:s16+$0x30] =	vst v1  }
0x1a5: {  	v1 =	vld [tilespmem:s17+$0x2400]  }
0x1a6: {  	s18 =	simm.s32 $0x200  }
.LBB2_16:
0x1a7: {  	p0 =	sne.s32 s18, $0x3F00;
	_ =	sdelay $0x2  }
0x1a8: {  	s16 =	sadd.s32 $0x80, s16;
	v2 =	vshll.u32 v1, $0x10  }
0x1a9: {  	v1 =	vand.u32 $0xFFFF0000, v1;
	[tilespmem:s16+$0xFFFFFFC0] =	vst v2  }
0x1aa: {  	[tilespmem:s16+$0xFFFFFFD0] =	vst v1  }
0x1ab: {  	v1 =	vld [tilespmem:s17+$0x2410];
	_ =	sdelay $0x4  }
0x1ac: {  	v2 =	vshll.u32 v1, $0x10  }
0x1ad: {  	v1 =	vand.u32 $0xFFFF0000, v1;
	[tilespmem:s16+$0xFFFFFFE0] =	vst v2  }
0x1ae: {  	[tilespmem:s16+$0xFFFFFFF0] =	vst v1  }
0x1af: {  	v1 =	vld [tilespmem:s17+$0x2420];
	_ =	sdelay $0x4  }
0x1b0: {  	v2 =	vshll.u32 v1, $0x10;
	v1 =	vand.u32 $0xFFFF0000, v1  }
0x1b1: {  	[tilespmem:s16+$0x10] =	vst v1  }
0x1b2: {  	[tilespmem:s16+$0x0] =	vst v2  }
0x1b3: {  	v1 =	vld [tilespmem:s17+$0x2430];
	_ =	sdelay $0x4  }
.Ltmp7:
0x1b4: {  	v2 =	vshll.u32 v1, $0x10;
	v1 =	vand.u32 $0xFFFF0000, v1;
	(pc) =	sbr.rel @p0 .LBB2_16-.Ltmp7, $4  }
0x1b5: {  	[tilespmem:s16+$0x20] =	vst v2  }
0x1b6: {  	s17 =	sshra.s32 s18, $0x2;
	[tilespmem:s16+$0x30] =	vst v1  }
0x1b7: {  	v1 =	vld [tilespmem:s17+$0x2400]  }
0x1b8: {  	s18 =	sadd.s32 $0x100, s18  }
0x1b9: {  	_ =	sdelay $0x2  }
0x1ba: {  	s16 =	sadd.s32 $0x80, s16;
	v2 =	vshll.u32 v1, $0x10  }
0x1bb: {  	v1 =	vand.u32 $0xFFFF0000, v1;
	[tilespmem:s16+$0xFFFFFFC0] =	vst v2  }
0x1bc: {  	[tilespmem:s16+$0xFFFFFFD0] =	vst v1  }
0x1bd: {  	v1 =	vld [tilespmem:s17+$0x2410];
	_ =	sdelay $0x4  }
0x1be: {  	v2 =	vshll.u32 v1, $0x10  }
0x1bf: {  	v1 =	vand.u32 $0xFFFF0000, v1;
	[tilespmem:s16+$0xFFFFFFE0] =	vst v2  }
0x1c0: {  	[tilespmem:s16+$0xFFFFFFF0] =	vst v1  }
0x1c1: {  	v1 =	vld [tilespmem:s17+$0x2420];
	_ =	sdelay $0x4  }
0x1c2: {  	v2 =	vand.u32 $0xFFFF0000, v1  }
0x1c3: {  	v1 =	vshll.u32 v1, $0x10;
	[tilespmem:s16+$0x10] =	vst v2  }
0x1c4: {  	[tilespmem:s16+$0x0] =	vst v1  }
0x1c5: {  	v1 =	vld [tilespmem:s17+$0x2430];
	_ =	sdelay $0x4  }
0x1c6: {  	v2 =	vshll.u32 v1, $0x10  }
0x1c7: {  	v1 =	vand.u32 $0xFFFF0000, v1;
	[tilespmem:s16+$0x20] =	vst v2  }
0x1c8: {  	[tilespmem:s16+$0x30] =	vst v1  }
0x1c9: {  	[spmem:s2] =	stream.indirect.scatter.add.f32 [tilespmem:s10], [sflag:$0x5], $0x80, s15, s31, $0xb8;
	[tilespmem:$0x1B000] =	vst v63  }
0x1ca: {  	_ =	swait.ge [sflag:s12], $0x2000  }
0x1cb: {  	[sflag:s12] =	ssyncset.done $0x0  }
0x1cc: {  	[sflag:s12] =	ssyncadd.s32 $0xFFFFE000  }
0x1cd: {  	_ =	swait.ge [sflag:s13], $0x2000  }
0x1ce: {  	[sflag:s13] =	ssyncset.done $0x0  }
0x1cf: {  	s20 =	simm.s32 $0x0;
	s18 =	rddreg [dreg:$0x7];
	[sflag:s13] =	ssyncadd.s32 $0xFFFFE000  }
0x1d0: {  	[tilespmem:s20], [sflag:$0x1] =	stream.linear.gather [hbm4b:s18+s20], $0xA00, $0x38;
	[tilespmem:$0x1B000] =	vst v63  }
0x1d1: {  	s19 =	rddreg [dreg:$0x8]  }
0x1d2: {  	[tilespmem:s29], [sflag:$0x1] =	stream.linear.gather [hbm4b:s19+s20], $0xA00, $0x38;
	[tilespmem:$0x1B000] =	vst v63  }
0x1d3: {  	_ =	swait.ge [sflag:s30], $0xA00  }
0x1d4: {  	[sflag:s30] =	ssyncset.done $0x0  }
0x1d5: {  	[sflag:s30] =	ssyncadd.s32 $0xFFFFF600  }
0x1d6: {  	_ =	swait.ge [sflag:s30], $0xA00  }
0x1d7: {  	[sflag:s30] =	ssyncset.done $0x0  }
0x1d8: {  	[sflag:s30] =	ssyncadd.s32 $0xFFFFF600  }
0x1d9: {  	[tilespmem:s0], [sflag:$0x2] =	stream.indirect.gather [hbm4b:s1+s31], $0x40, s20, s31, $0xb8;
	[tilespmem:$0x1B000] =	vst v63  }
0x1da: {  	_ = 	snop  }
0x1db: {  	[tilespmem:s3], [sflag:$0x3] =	stream.indirect.gather [hbm4b:s1+s31], $0x40, s31, s31, $0xb8;
	[tilespmem:$0x1B000] =	vst v63  }
0x1dc: {  	_ =	swait.ge [sflag:s6], $0x1000  }
0x1dd: {  	[sflag:s6] =	ssyncset.done $0x0  }
0x1de: {  	s20 =	simm.s32 $0x0;
	[sflag:s6] =	ssyncadd.s32 $0xFFFFF000  }
0x1df: {  	v1 =	vld [tilespmem:s20+$0x1400];
	_ =	sdelay $0x4  }
0x1e0: {  	s16 =	simm.s32 $0x3440;
	v2 =	vshll.u32 v1, $0x10  }
0x1e1: {  	v1 =	vand.u32 $0xFFFF0000, v1;
	[tilespmem:s16+$0xFFFFFFC0] =	vst v2  }
0x1e2: {  	[tilespmem:s16+$0xFFFFFFD0] =	vst v1  }
0x1e3: {  	v1 =	vld [tilespmem:s20+$0x1410];
	_ =	sdelay $0x4  }
0x1e4: {  	v2 =	vshll.u32 v1, $0x10  }
0x1e5: {  	v1 =	vand.u32 $0xFFFF0000, v1;
	[tilespmem:s16+$0xFFFFFFE0] =	vst v2  }
0x1e6: {  	[tilespmem:s16+$0xFFFFFFF0] =	vst v1  }
0x1e7: {  	v1 =	vld [tilespmem:s20+$0x1420];
	_ =	sdelay $0x4  }
0x1e8: {  	v2 =	vand.u32 $0xFFFF0000, v1  }
0x1e9: {  	v1 =	vshll.u32 v1, $0x10;
	[tilespmem:s16+$0x10] =	vst v2  }
0x1ea: {  	[tilespmem:s16+$0x0] =	vst v1  }
0x1eb: {  	v1 =	vld [tilespmem:s20+$0x1430];
	_ =	sdelay $0x4  }
0x1ec: {  	v2 =	vshll.u32 v1, $0x10  }
0x1ed: {  	v1 =	vand.u32 $0xFFFF0000, v1;
	[tilespmem:s16+$0x20] =	vst v2  }
0x1ee: {  	s17 =	simm.s32 $0x40;
	[tilespmem:s16+$0x30] =	vst v1  }
0x1ef: {  	v1 =	vld [tilespmem:s17+$0x1400]  }
0x1f0: {  	s18 =	simm.s32 $0x200  }
.LBB2_18:
0x1f1: {  	p0 =	sne.s32 s18, $0x3F00;
	_ =	sdelay $0x2  }
0x1f2: {  	s16 =	sadd.s32 $0x80, s16;
	v2 =	vshll.u32 v1, $0x10  }
0x1f3: {  	v1 =	vand.u32 $0xFFFF0000, v1;
	[tilespmem:s16+$0xFFFFFFC0] =	vst v2  }
0x1f4: {  	[tilespmem:s16+$0xFFFFFFD0] =	vst v1  }
0x1f5: {  	v1 =	vld [tilespmem:s17+$0x1410];
	_ =	sdelay $0x4  }
0x1f6: {  	v2 =	vshll.u32 v1, $0x10  }
0x1f7: {  	v1 =	vand.u32 $0xFFFF0000, v1;
	[tilespmem:s16+$0xFFFFFFE0] =	vst v2  }
0x1f8: {  	[tilespmem:s16+$0xFFFFFFF0] =	vst v1  }
0x1f9: {  	v1 =	vld [tilespmem:s17+$0x1420];
	_ =	sdelay $0x4  }
0x1fa: {  	v2 =	vshll.u32 v1, $0x10;
	v1 =	vand.u32 $0xFFFF0000, v1  }
0x1fb: {  	[tilespmem:s16+$0x10] =	vst v1  }
0x1fc: {  	[tilespmem:s16+$0x0] =	vst v2  }
0x1fd: {  	v1 =	vld [tilespmem:s17+$0x1430];
	_ =	sdelay $0x4  }
.Ltmp8:
0x1fe: {  	v2 =	vshll.u32 v1, $0x10;
	v1 =	vand.u32 $0xFFFF0000, v1;
	(pc) =	sbr.rel @p0 .LBB2_18-.Ltmp8, $4  }
0x1ff: {  	[tilespmem:s16+$0x20] =	vst v2  }
0x200: {  	s17 =	sshra.s32 s18, $0x2;
	[tilespmem:s16+$0x30] =	vst v1  }
0x201: {  	v1 =	vld [tilespmem:s17+$0x1400]  }
0x202: {  	s18 =	sadd.s32 $0x100, s18  }
0x203: {  	_ =	sdelay $0x2  }
0x204: {  	s16 =	sadd.s32 $0x80, s16;
	v2 =	vshll.u32 v1, $0x10  }
0x205: {  	v1 =	vand.u32 $0xFFFF0000, v1;
	[tilespmem:s16+$0xFFFFFFC0] =	vst v2  }
0x206: {  	[tilespmem:s16+$0xFFFFFFD0] =	vst v1  }
0x207: {  	v1 =	vld [tilespmem:s17+$0x1410];
	_ =	sdelay $0x4  }
0x208: {  	v2 =	vshll.u32 v1, $0x10  }
0x209: {  	v1 =	vand.u32 $0xFFFF0000, v1;
	[tilespmem:s16+$0xFFFFFFE0] =	vst v2  }
0x20a: {  	[tilespmem:s16+$0xFFFFFFF0] =	vst v1  }
0x20b: {  	v1 =	vld [tilespmem:s17+$0x1420];
	_ =	sdelay $0x4  }
0x20c: {  	v2 =	vand.u32 $0xFFFF0000, v1  }
0x20d: {  	v1 =	vshll.u32 v1, $0x10;
	[tilespmem:s16+$0x10] =	vst v2  }
0x20e: {  	[tilespmem:s16+$0x0] =	vst v1  }
0x20f: {  	v1 =	vld [tilespmem:s17+$0x1430];
	_ =	sdelay $0x4  }
0x210: {  	v2 =	vshll.u32 v1, $0x10  }
0x211: {  	v1 =	vand.u32 $0xFFFF0000, v1;
	[tilespmem:s16+$0x20] =	vst v2  }
0x212: {  	[tilespmem:s16+$0x30] =	vst v1  }
0x213: {  	[spmem:s2] =	stream.indirect.scatter.add.f32 [tilespmem:s26], [sflag:$0x4], $0x80, s29, s31, $0xb8;
	[tilespmem:$0x1B000] =	vst v63  }
0x214: {  	_ = 	snop  }
0x215: {  	[tilespmem:s0], [sflag:$0x2] =	stream.indirect.gather [hbm4b:s1+s31], $0x40, s7, s31, $0xb8;
	[tilespmem:$0x1B000] =	vst v63  }
0x216: {  	_ =	swait.ge [sflag:s8], $0x1000  }
0x217: {  	[sflag:s8] =	ssyncset.done $0x0  }
0x218: {  	s20 =	simm.s32 $0x0;
	[sflag:s8] =	ssyncadd.s32 $0xFFFFF000  }
0x219: {  	v1 =	vld [tilespmem:s20+$0x2400];
	_ =	sdelay $0x4  }
0x21a: {  	s16 =	simm.s32 $0x5440;
	v2 =	vshll.u32 v1, $0x10  }
0x21b: {  	v1 =	vand.u32 $0xFFFF0000, v1;
	[tilespmem:s16+$0xFFFFFFC0] =	vst v2  }
0x21c: {  	[tilespmem:s16+$0xFFFFFFD0] =	vst v1  }
0x21d: {  	v1 =	vld [tilespmem:s20+$0x2410];
	_ =	sdelay $0x4  }
0x21e: {  	v2 =	vshll.u32 v1, $0x10  }
0x21f: {  	v1 =	vand.u32 $0xFFFF0000, v1;
	[tilespmem:s16+$0xFFFFFFE0] =	vst v2  }
0x220: {  	[tilespmem:s16+$0xFFFFFFF0] =	vst v1  }
0x221: {  	v1 =	vld [tilespmem:s20+$0x2420];
	_ =	sdelay $0x4  }
0x222: {  	v2 =	vand.u32 $0xFFFF0000, v1  }
0x223: {  	v1 =	vshll.u32 v1, $0x10;
	[tilespmem:s16+$0x10] =	vst v2  }
0x224: {  	[tilespmem:s16+$0x0] =	vst v1  }
0x225: {  	v1 =	vld [tilespmem:s20+$0x2430];
	_ =	sdelay $0x4  }
0x226: {  	v2 =	vshll.u32 v1, $0x10  }
0x227: {  	v1 =	vand.u32 $0xFFFF0000, v1;
	[tilespmem:s16+$0x20] =	vst v2  }
0x228: {  	s17 =	simm.s32 $0x40;
	[tilespmem:s16+$0x30] =	vst v1  }
0x229: {  	v1 =	vld [tilespmem:s17+$0x2400]  }
0x22a: {  	s18 =	simm.s32 $0x200  }
.LBB2_20:
0x22b: {  	p0 =	sne.s32 s18, $0x3F00;
	_ =	sdelay $0x2  }
0x22c: {  	s16 =	sadd.s32 $0x80, s16;
	v2 =	vshll.u32 v1, $0x10  }
0x22d: {  	v1 =	vand.u32 $0xFFFF0000, v1;
	[tilespmem:s16+$0xFFFFFFC0] =	vst v2  }
0x22e: {  	[tilespmem:s16+$0xFFFFFFD0] =	vst v1  }
0x22f: {  	v1 =	vld [tilespmem:s17+$0x2410];
	_ =	sdelay $0x4  }
0x230: {  	v2 =	vshll.u32 v1, $0x10  }
0x231: {  	v1 =	vand.u32 $0xFFFF0000, v1;
	[tilespmem:s16+$0xFFFFFFE0] =	vst v2  }
0x232: {  	[tilespmem:s16+$0xFFFFFFF0] =	vst v1  }
0x233: {  	v1 =	vld [tilespmem:s17+$0x2420];
	_ =	sdelay $0x4  }
0x234: {  	v2 =	vshll.u32 v1, $0x10;
	v1 =	vand.u32 $0xFFFF0000, v1  }
0x235: {  	[tilespmem:s16+$0x10] =	vst v1  }
0x236: {  	[tilespmem:s16+$0x0] =	vst v2  }
0x237: {  	v1 =	vld [tilespmem:s17+$0x2430];
	_ =	sdelay $0x4  }
.Ltmp9:
0x238: {  	v2 =	vshll.u32 v1, $0x10;
	v1 =	vand.u32 $0xFFFF0000, v1;
	(pc) =	sbr.rel @p0 .LBB2_20-.Ltmp9, $4  }
0x239: {  	[tilespmem:s16+$0x20] =	vst v2  }
0x23a: {  	s17 =	sshra.s32 s18, $0x2;
	[tilespmem:s16+$0x30] =	vst v1  }
0x23b: {  	v1 =	vld [tilespmem:s17+$0x2400]  }
0x23c: {  	s18 =	sadd.s32 $0x100, s18  }
0x23d: {  	_ =	sdelay $0x2  }
0x23e: {  	s16 =	sadd.s32 $0x80, s16;
	v2 =	vshll.u32 v1, $0x10  }
0x23f: {  	v1 =	vand.u32 $0xFFFF0000, v1;
	[tilespmem:s16+$0xFFFFFFC0] =	vst v2  }
0x240: {  	[tilespmem:s16+$0xFFFFFFD0] =	vst v1  }
0x241: {  	v1 =	vld [tilespmem:s17+$0x2410];
	_ =	sdelay $0x4  }
0x242: {  	v2 =	vshll.u32 v1, $0x10  }
0x243: {  	v1 =	vand.u32 $0xFFFF0000, v1;
	[tilespmem:s16+$0xFFFFFFE0] =	vst v2  }
0x244: {  	[tilespmem:s16+$0xFFFFFFF0] =	vst v1  }
0x245: {  	v1 =	vld [tilespmem:s17+$0x2420];
	_ =	sdelay $0x4  }
0x246: {  	v2 =	vand.u32 $0xFFFF0000, v1  }
0x247: {  	v1 =	vshll.u32 v1, $0x10;
	[tilespmem:s16+$0x10] =	vst v2  }
0x248: {  	[tilespmem:s16+$0x0] =	vst v1  }
0x249: {  	v1 =	vld [tilespmem:s17+$0x2430];
	_ =	sdelay $0x4  }
0x24a: {  	v2 =	vshll.u32 v1, $0x10  }
0x24b: {  	v1 =	vand.u32 $0xFFFF0000, v1;
	[tilespmem:s16+$0x20] =	vst v2  }
0x24c: {  	[tilespmem:s16+$0x30] =	vst v1  }
0x24d: {  	[spmem:s2] =	stream.indirect.scatter.add.f32 [tilespmem:s10], [sflag:$0x5], $0x80, s9, s31, $0xb8;
	[tilespmem:$0x1B000] =	vst v63  }
0x24e: {  	s16 =	simm.s32 $0x0  }
0x24f: {  	[tilespmem:s3], [sflag:$0x3] =	stream.indirect.gather [hbm4b:s1+s31], $0x40, s11, s31, $0xb8;
	[tilespmem:$0x1B000] =	vst v63  }
.LBB2_22:
0x250: {  	_ =	swait.ge [sflag:s6], $0x1000  }
0x251: {  	[sflag:s6] =	ssyncset.done $0x0  }
0x252: {  	[sflag:s6] =	ssyncadd.s32 $0xFFFFF000  }
0x253: {  	_ =	swait.ge [sflag:s12], $0x2000  }
0x254: {  	[sflag:s12] =	ssyncset.done $0x0  }
0x255: {  	s18 =	simm.s32 $0x0;
	[sflag:s12] =	ssyncadd.s32 $0xFFFFE000  }
0x256: {  	v1 =	vld [tilespmem:s18+$0x1400];
	_ =	sdelay $0x4  }
0x257: {  	s17 =	simm.s32 $0x3440;
	v2 =	vshll.u32 v1, $0x10  }
0x258: {  	v1 =	vand.u32 $0xFFFF0000, v1;
	[tilespmem:s17+$0xFFFFFFC0] =	vst v2  }
0x259: {  	[tilespmem:s17+$0xFFFFFFD0] =	vst v1  }
0x25a: {  	v1 =	vld [tilespmem:s18+$0x1410];
	_ =	sdelay $0x4  }
0x25b: {  	v2 =	vshll.u32 v1, $0x10  }
0x25c: {  	v1 =	vand.u32 $0xFFFF0000, v1;
	[tilespmem:s17+$0xFFFFFFE0] =	vst v2  }
0x25d: {  	[tilespmem:s17+$0xFFFFFFF0] =	vst v1  }
0x25e: {  	v1 =	vld [tilespmem:s18+$0x1420];
	_ =	sdelay $0x4  }
0x25f: {  	v2 =	vand.u32 $0xFFFF0000, v1  }
0x260: {  	v1 =	vshll.u32 v1, $0x10;
	[tilespmem:s17+$0x10] =	vst v2  }
0x261: {  	[tilespmem:s17+$0x0] =	vst v1  }
0x262: {  	v1 =	vld [tilespmem:s18+$0x1430];
	_ =	sdelay $0x4  }
0x263: {  	v2 =	vshll.u32 v1, $0x10  }
0x264: {  	v1 =	vand.u32 $0xFFFF0000, v1;
	[tilespmem:s17+$0x20] =	vst v2  }
0x265: {  	s18 =	simm.s32 $0x40;
	[tilespmem:s17+$0x30] =	vst v1  }
0x266: {  	v1 =	vld [tilespmem:s18+$0x1400]  }
0x267: {  	s19 =	simm.s32 $0x200  }
.LBB2_23:
0x268: {  	p0 =	sne.s32 s19, $0x3F00;
	_ =	sdelay $0x2  }
0x269: {  	s17 =	sadd.s32 $0x80, s17;
	v2 =	vshll.u32 v1, $0x10  }
0x26a: {  	v1 =	vand.u32 $0xFFFF0000, v1;
	[tilespmem:s17+$0xFFFFFFC0] =	vst v2  }
0x26b: {  	[tilespmem:s17+$0xFFFFFFD0] =	vst v1  }
0x26c: {  	v1 =	vld [tilespmem:s18+$0x1410];
	_ =	sdelay $0x4  }
0x26d: {  	v2 =	vshll.u32 v1, $0x10  }
0x26e: {  	v1 =	vand.u32 $0xFFFF0000, v1;
	[tilespmem:s17+$0xFFFFFFE0] =	vst v2  }
0x26f: {  	[tilespmem:s17+$0xFFFFFFF0] =	vst v1  }
0x270: {  	v1 =	vld [tilespmem:s18+$0x1420];
	_ =	sdelay $0x4  }
0x271: {  	v2 =	vshll.u32 v1, $0x10;
	v1 =	vand.u32 $0xFFFF0000, v1  }
0x272: {  	[tilespmem:s17+$0x10] =	vst v1  }
0x273: {  	[tilespmem:s17+$0x0] =	vst v2  }
0x274: {  	v1 =	vld [tilespmem:s18+$0x1430];
	_ =	sdelay $0x4  }
.Ltmp10:
0x275: {  	v2 =	vshll.u32 v1, $0x10;
	v1 =	vand.u32 $0xFFFF0000, v1;
	(pc) =	sbr.rel @p0 .LBB2_23-.Ltmp10, $4  }
0x276: {  	[tilespmem:s17+$0x20] =	vst v2  }
0x277: {  	s18 =	sshra.s32 s19, $0x2;
	[tilespmem:s17+$0x30] =	vst v1  }
0x278: {  	v1 =	vld [tilespmem:s18+$0x1400]  }
0x279: {  	s19 =	sadd.s32 $0x100, s19  }
0x27a: {  	_ =	sdelay $0x2  }
0x27b: {  	s19 =	sadd.s32 $0x80, s17;
	v2 =	vshll.u32 v1, $0x10  }
0x27c: {  	v1 =	vand.u32 $0xFFFF0000, v1;
	[tilespmem:s19+$0xFFFFFFC0] =	vst v2  }
0x27d: {  	[tilespmem:s19+$0xFFFFFFD0] =	vst v1  }
0x27e: {  	v1 =	vld [tilespmem:s18+$0x1410];
	_ =	sdelay $0x4  }
0x27f: {  	v2 =	vshll.u32 v1, $0x10  }
0x280: {  	v1 =	vand.u32 $0xFFFF0000, v1;
	[tilespmem:s19+$0xFFFFFFE0] =	vst v2  }
0x281: {  	[tilespmem:s19+$0xFFFFFFF0] =	vst v1  }
0x282: {  	v1 =	vld [tilespmem:s18+$0x1420];
	_ =	sdelay $0x4  }
0x283: {  	v2 =	vand.u32 $0xFFFF0000, v1  }
0x284: {  	v1 =	vshll.u32 v1, $0x10;
	[tilespmem:s19+$0x10] =	vst v2  }
0x285: {  	[tilespmem:s19+$0x0] =	vst v1  }
0x286: {  	v1 =	vld [tilespmem:s18+$0x1430];
	_ =	sdelay $0x3  }
0x287: {  	s16 =	sadd.s32 $0x1, s16  }
0x288: {  	s18 =	sshll.u32 s16, $0x7;
	v2 =	vshll.u32 v1, $0x10  }
0x289: {  	s17 =	sand.u32 $0x3FFFFF80, s18;
	v1 =	vand.u32 $0xFFFF0000, v1;
	[tilespmem:s19+$0x20] =	vst v2  }
0x28a: {  	s20 =	sadd.s32 $0xA00, s17;
	[tilespmem:s19+$0x30] =	vst v1  }
0x28b: {  	[spmem:s2] =	stream.indirect.scatter.add.f32 [tilespmem:s26], [sflag:$0x4], $0x80, s20, s31, $0xb8;
	[tilespmem:$0x1B000] =	vst v63  }
0x28c: {  	s19 =	sadd.s32 $0x80, s17  }
0x28d: {  	[tilespmem:s0], [sflag:$0x2] =	stream.indirect.gather [hbm4b:s1+s31], $0x40, s19, s31, $0xb8;
	[tilespmem:$0x1B000] =	vst v63  }
0x28e: {  	_ =	swait.ge [sflag:s8], $0x1000  }
0x28f: {  	[sflag:s8] =	ssyncset.done $0x0  }
0x290: {  	[sflag:s8] =	ssyncadd.s32 $0xFFFFF000  }
0x291: {  	_ =	swait.ge [sflag:s13], $0x2000  }
0x292: {  	[sflag:s13] =	ssyncset.done $0x0  }
0x293: {  	s20 =	simm.s32 $0x0;
	[sflag:s13] =	ssyncadd.s32 $0xFFFFE000  }
0x294: {  	v1 =	vld [tilespmem:s20+$0x2400];
	_ =	sdelay $0x4  }
0x295: {  	s18 =	simm.s32 $0x5440;
	v2 =	vshll.u32 v1, $0x10  }
0x296: {  	v1 =	vand.u32 $0xFFFF0000, v1;
	[tilespmem:s18+$0xFFFFFFC0] =	vst v2  }
0x297: {  	[tilespmem:s18+$0xFFFFFFD0] =	vst v1  }
0x298: {  	v1 =	vld [tilespmem:s20+$0x2410];
	_ =	sdelay $0x4  }
0x299: {  	v2 =	vshll.u32 v1, $0x10  }
0x29a: {  	v1 =	vand.u32 $0xFFFF0000, v1;
	[tilespmem:s18+$0xFFFFFFE0] =	vst v2  }
0x29b: {  	[tilespmem:s18+$0xFFFFFFF0] =	vst v1  }
0x29c: {  	v1 =	vld [tilespmem:s20+$0x2420];
	_ =	sdelay $0x4  }
0x29d: {  	v2 =	vand.u32 $0xFFFF0000, v1  }
0x29e: {  	v1 =	vshll.u32 v1, $0x10;
	[tilespmem:s18+$0x10] =	vst v2  }
0x29f: {  	[tilespmem:s18+$0x0] =	vst v1  }
0x2a0: {  	v1 =	vld [tilespmem:s20+$0x2430];
	_ =	sdelay $0x4  }
0x2a1: {  	v2 =	vshll.u32 v1, $0x10  }
0x2a2: {  	v1 =	vand.u32 $0xFFFF0000, v1;
	[tilespmem:s18+$0x20] =	vst v2  }
0x2a3: {  	s19 =	simm.s32 $0x40;
	[tilespmem:s18+$0x30] =	vst v1  }
0x2a4: {  	v1 =	vld [tilespmem:s19+$0x2400]  }
0x2a5: {  	s20 =	simm.s32 $0x200  }
.LBB2_25:
0x2a6: {  	p0 =	sne.s32 s20, $0x3F00;
	_ =	sdelay $0x2  }
0x2a7: {  	s18 =	sadd.s32 $0x80, s18;
	v2 =	vshll.u32 v1, $0x10  }
0x2a8: {  	v1 =	vand.u32 $0xFFFF0000, v1;
	[tilespmem:s18+$0xFFFFFFC0] =	vst v2  }
0x2a9: {  	[tilespmem:s18+$0xFFFFFFD0] =	vst v1  }
0x2aa: {  	v1 =	vld [tilespmem:s19+$0x2410];
	_ =	sdelay $0x4  }
0x2ab: {  	v2 =	vshll.u32 v1, $0x10  }
0x2ac: {  	v1 =	vand.u32 $0xFFFF0000, v1;
	[tilespmem:s18+$0xFFFFFFE0] =	vst v2  }
0x2ad: {  	[tilespmem:s18+$0xFFFFFFF0] =	vst v1  }
0x2ae: {  	v1 =	vld [tilespmem:s19+$0x2420];
	_ =	sdelay $0x4  }
0x2af: {  	v2 =	vshll.u32 v1, $0x10;
	v1 =	vand.u32 $0xFFFF0000, v1  }
0x2b0: {  	[tilespmem:s18+$0x10] =	vst v1  }
0x2b1: {  	[tilespmem:s18+$0x0] =	vst v2  }
0x2b2: {  	v1 =	vld [tilespmem:s19+$0x2430];
	_ =	sdelay $0x4  }
.Ltmp11:
0x2b3: {  	v2 =	vshll.u32 v1, $0x10;
	v1 =	vand.u32 $0xFFFF0000, v1;
	(pc) =	sbr.rel @p0 .LBB2_25-.Ltmp11, $4  }
0x2b4: {  	[tilespmem:s18+$0x20] =	vst v2  }
0x2b5: {  	s19 =	sshra.s32 s20, $0x2;
	[tilespmem:s18+$0x30] =	vst v1  }
0x2b6: {  	v1 =	vld [tilespmem:s19+$0x2400]  }
0x2b7: {  	s20 =	sadd.s32 $0x100, s20  }
0x2b8: {  	_ =	sdelay $0x2  }
0x2b9: {  	s18 =	sadd.s32 $0x80, s18;
	v2 =	vshll.u32 v1, $0x10  }
0x2ba: {  	v1 =	vand.u32 $0xFFFF0000, v1;
	[tilespmem:s18+$0xFFFFFFC0] =	vst v2  }
0x2bb: {  	[tilespmem:s18+$0xFFFFFFD0] =	vst v1  }
0x2bc: {  	v1 =	vld [tilespmem:s19+$0x2410];
	_ =	sdelay $0x4  }
0x2bd: {  	v2 =	vshll.u32 v1, $0x10  }
0x2be: {  	v1 =	vand.u32 $0xFFFF0000, v1;
	[tilespmem:s18+$0xFFFFFFE0] =	vst v2  }
0x2bf: {  	[tilespmem:s18+$0xFFFFFFF0] =	vst v1  }
0x2c0: {  	v1 =	vld [tilespmem:s19+$0x2420];
	_ =	sdelay $0x4  }
0x2c1: {  	v2 =	vand.u32 $0xFFFF0000, v1  }
0x2c2: {  	v1 =	vshll.u32 v1, $0x10;
	[tilespmem:s18+$0x10] =	vst v2  }
0x2c3: {  	[tilespmem:s18+$0x0] =	vst v1  }
0x2c4: {  	v1 =	vld [tilespmem:s19+$0x2430];
	_ =	sdelay $0x4  }
0x2c5: {  	p0 =	sne.s32 s16, $0x12;
	v2 =	vshll.u32 v1, $0x10  }
.Ltmp12:
0x2c6: {  	v1 =	vand.u32 $0xFFFF0000, v1;
	[tilespmem:s18+$0x20] =	vst v2;
	(pc) =	sbr.rel @p0 .LBB2_22-.Ltmp12, $4  }
0x2c7: {  	s19 =	sadd.s32 $0xA40, s17;
	[tilespmem:s18+$0x30] =	vst v1  }
0x2c8: {  	[spmem:s2] =	stream.indirect.scatter.add.f32 [tilespmem:s10], [sflag:$0x5], $0x80, s19, s31, $0xb8;
	[tilespmem:$0x1B000] =	vst v63  }
0x2c9: {  	s20 =	sadd.s32 $0xC0, s17  }
0x2ca: {  	[tilespmem:s3], [sflag:$0x3] =	stream.indirect.gather [hbm4b:s1+s31], $0x40, s20, s31, $0xb8;
	[tilespmem:$0x1B000] =	vst v63  }
0x2cb: {  	_ =	swait.ge [sflag:s6], $0x1000  }
0x2cc: {  	[sflag:s6] =	ssyncset.done $0x0  }
0x2cd: {  	[sflag:s6] =	ssyncadd.s32 $0xFFFFF000  }
0x2ce: {  	_ =	swait.ge [sflag:s12], $0x2000  }
0x2cf: {  	[sflag:s12] =	ssyncset.done $0x0  }
0x2d0: {  	s17 =	simm.s32 $0x0;
	[sflag:s12] =	ssyncadd.s32 $0xFFFFE000  }
0x2d1: {  	v1 =	vld [tilespmem:s17+$0x1400];
	_ =	sdelay $0x4  }
0x2d2: {  	s16 =	simm.s32 $0x3440;
	v2 =	vshll.u32 v1, $0x10  }
0x2d3: {  	v1 =	vand.u32 $0xFFFF0000, v1;
	[tilespmem:s16+$0xFFFFFFC0] =	vst v2  }
0x2d4: {  	[tilespmem:s16+$0xFFFFFFD0] =	vst v1  }
0x2d5: {  	v1 =	vld [tilespmem:s17+$0x1410];
	_ =	sdelay $0x4  }
0x2d6: {  	v2 =	vshll.u32 v1, $0x10  }
0x2d7: {  	v1 =	vand.u32 $0xFFFF0000, v1;
	[tilespmem:s16+$0xFFFFFFE0] =	vst v2  }
0x2d8: {  	[tilespmem:s16+$0xFFFFFFF0] =	vst v1  }
0x2d9: {  	v1 =	vld [tilespmem:s17+$0x1420];
	_ =	sdelay $0x4  }
0x2da: {  	v2 =	vand.u32 $0xFFFF0000, v1  }
0x2db: {  	v1 =	vshll.u32 v1, $0x10;
	[tilespmem:s16+$0x10] =	vst v2  }
0x2dc: {  	[tilespmem:s16+$0x0] =	vst v1  }
0x2dd: {  	v1 =	vld [tilespmem:s17+$0x1430];
	_ =	sdelay $0x4  }
0x2de: {  	v2 =	vshll.u32 v1, $0x10  }
0x2df: {  	v1 =	vand.u32 $0xFFFF0000, v1;
	[tilespmem:s16+$0x20] =	vst v2  }
0x2e0: {  	s17 =	simm.s32 $0x40;
	[tilespmem:s16+$0x30] =	vst v1  }
0x2e1: {  	v1 =	vld [tilespmem:s17+$0x1400]  }
0x2e2: {  	s18 =	simm.s32 $0x200  }
.LBB2_28:
0x2e3: {  	p0 =	sne.s32 s18, $0x3F00;
	_ =	sdelay $0x2  }
0x2e4: {  	s16 =	sadd.s32 $0x80, s16;
	v2 =	vshll.u32 v1, $0x10  }
0x2e5: {  	v1 =	vand.u32 $0xFFFF0000, v1;
	[tilespmem:s16+$0xFFFFFFC0] =	vst v2  }
0x2e6: {  	[tilespmem:s16+$0xFFFFFFD0] =	vst v1  }
0x2e7: {  	v1 =	vld [tilespmem:s17+$0x1410];
	_ =	sdelay $0x4  }
0x2e8: {  	v2 =	vshll.u32 v1, $0x10  }
0x2e9: {  	v1 =	vand.u32 $0xFFFF0000, v1;
	[tilespmem:s16+$0xFFFFFFE0] =	vst v2  }
0x2ea: {  	[tilespmem:s16+$0xFFFFFFF0] =	vst v1  }
0x2eb: {  	v1 =	vld [tilespmem:s17+$0x1420];
	_ =	sdelay $0x4  }
0x2ec: {  	v2 =	vshll.u32 v1, $0x10;
	v1 =	vand.u32 $0xFFFF0000, v1  }
0x2ed: {  	[tilespmem:s16+$0x10] =	vst v1  }
0x2ee: {  	[tilespmem:s16+$0x0] =	vst v2  }
0x2ef: {  	v1 =	vld [tilespmem:s17+$0x1430];
	_ =	sdelay $0x4  }
.Ltmp13:
0x2f0: {  	v2 =	vshll.u32 v1, $0x10;
	v1 =	vand.u32 $0xFFFF0000, v1;
	(pc) =	sbr.rel @p0 .LBB2_28-.Ltmp13, $4  }
0x2f1: {  	[tilespmem:s16+$0x20] =	vst v2  }
0x2f2: {  	s17 =	sshra.s32 s18, $0x2;
	[tilespmem:s16+$0x30] =	vst v1  }
0x2f3: {  	v1 =	vld [tilespmem:s17+$0x1400]  }
0x2f4: {  	s18 =	sadd.s32 $0x100, s18  }
0x2f5: {  	_ =	sdelay $0x2  }
0x2f6: {  	s16 =	sadd.s32 $0x80, s16;
	v2 =	vshll.u32 v1, $0x10  }
0x2f7: {  	v1 =	vand.u32 $0xFFFF0000, v1;
	[tilespmem:s16+$0xFFFFFFC0] =	vst v2  }
0x2f8: {  	[tilespmem:s16+$0xFFFFFFD0] =	vst v1  }
0x2f9: {  	v1 =	vld [tilespmem:s17+$0x1410];
	_ =	sdelay $0x4  }
0x2fa: {  	v2 =	vshll.u32 v1, $0x10  }
0x2fb: {  	v1 =	vand.u32 $0xFFFF0000, v1;
	[tilespmem:s16+$0xFFFFFFE0] =	vst v2  }
0x2fc: {  	[tilespmem:s16+$0xFFFFFFF0] =	vst v1  }
0x2fd: {  	v1 =	vld [tilespmem:s17+$0x1420];
	_ =	sdelay $0x4  }
0x2fe: {  	v2 =	vand.u32 $0xFFFF0000, v1  }
0x2ff: {  	v1 =	vshll.u32 v1, $0x10;
	[tilespmem:s16+$0x10] =	vst v2  }
0x300: {  	[tilespmem:s16+$0x0] =	vst v1  }
0x301: {  	v1 =	vld [tilespmem:s17+$0x1430];
	_ =	sdelay $0x4  }
0x302: {  	v2 =	vshll.u32 v1, $0x10  }
0x303: {  	v1 =	vand.u32 $0xFFFF0000, v1;
	[tilespmem:s16+$0x20] =	vst v2  }
0x304: {  	[tilespmem:s16+$0x30] =	vst v1  }
0x305: {  	[spmem:s2] =	stream.indirect.scatter.add.f32 [tilespmem:s26], [sflag:$0x4], $0x80, s14, s31, $0xb8;
	[tilespmem:$0x1B000] =	vst v63  }
0x306: {  	_ =	swait.ge [sflag:s8], $0x1000  }
0x307: {  	[sflag:s8] =	ssyncset.done $0x0  }
0x308: {  	[sflag:s8] =	ssyncadd.s32 $0xFFFFF000  }
0x309: {  	_ =	swait.ge [sflag:s13], $0x2000  }
0x30a: {  	[sflag:s13] =	ssyncset.done $0x0  }
0x30b: {  	s20 =	simm.s32 $0x0;
	[sflag:s13] =	ssyncadd.s32 $0xFFFFE000  }
0x30c: {  	v1 =	vld [tilespmem:s20+$0x2400];
	_ =	sdelay $0x4  }
0x30d: {  	s16 =	simm.s32 $0x5440;
	v2 =	vshll.u32 v1, $0x10  }
0x30e: {  	v1 =	vand.u32 $0xFFFF0000, v1;
	[tilespmem:s16+$0xFFFFFFC0] =	vst v2  }
0x30f: {  	[tilespmem:s16+$0xFFFFFFD0] =	vst v1  }
0x310: {  	v1 =	vld [tilespmem:s20+$0x2410];
	_ =	sdelay $0x4  }
0x311: {  	v2 =	vshll.u32 v1, $0x10  }
0x312: {  	v1 =	vand.u32 $0xFFFF0000, v1;
	[tilespmem:s16+$0xFFFFFFE0] =	vst v2  }
0x313: {  	[tilespmem:s16+$0xFFFFFFF0] =	vst v1  }
0x314: {  	v1 =	vld [tilespmem:s20+$0x2420];
	_ =	sdelay $0x4  }
0x315: {  	v2 =	vand.u32 $0xFFFF0000, v1  }
0x316: {  	v1 =	vshll.u32 v1, $0x10;
	[tilespmem:s16+$0x10] =	vst v2  }
0x317: {  	[tilespmem:s16+$0x0] =	vst v1  }
0x318: {  	v1 =	vld [tilespmem:s20+$0x2430];
	_ =	sdelay $0x4  }
0x319: {  	v2 =	vshll.u32 v1, $0x10  }
0x31a: {  	v1 =	vand.u32 $0xFFFF0000, v1;
	[tilespmem:s16+$0x20] =	vst v2  }
0x31b: {  	s17 =	simm.s32 $0x40;
	[tilespmem:s16+$0x30] =	vst v1  }
0x31c: {  	v1 =	vld [tilespmem:s17+$0x2400]  }
0x31d: {  	s18 =	simm.s32 $0x200  }
.LBB2_30:
0x31e: {  	p0 =	sne.s32 s18, $0x3F00;
	_ =	sdelay $0x2  }
0x31f: {  	s16 =	sadd.s32 $0x80, s16;
	v2 =	vshll.u32 v1, $0x10  }
0x320: {  	v1 =	vand.u32 $0xFFFF0000, v1;
	[tilespmem:s16+$0xFFFFFFC0] =	vst v2  }
0x321: {  	[tilespmem:s16+$0xFFFFFFD0] =	vst v1  }
0x322: {  	v1 =	vld [tilespmem:s17+$0x2410];
	_ =	sdelay $0x4  }
0x323: {  	v2 =	vshll.u32 v1, $0x10  }
0x324: {  	v1 =	vand.u32 $0xFFFF0000, v1;
	[tilespmem:s16+$0xFFFFFFE0] =	vst v2  }
0x325: {  	[tilespmem:s16+$0xFFFFFFF0] =	vst v1  }
0x326: {  	v1 =	vld [tilespmem:s17+$0x2420];
	_ =	sdelay $0x4  }
0x327: {  	v2 =	vshll.u32 v1, $0x10;
	v1 =	vand.u32 $0xFFFF0000, v1  }
0x328: {  	[tilespmem:s16+$0x10] =	vst v1  }
0x329: {  	[tilespmem:s16+$0x0] =	vst v2  }
0x32a: {  	v1 =	vld [tilespmem:s17+$0x2430];
	_ =	sdelay $0x4  }
.Ltmp14:
0x32b: {  	v2 =	vshll.u32 v1, $0x10;
	v1 =	vand.u32 $0xFFFF0000, v1;
	(pc) =	sbr.rel @p0 .LBB2_30-.Ltmp14, $4  }
0x32c: {  	[tilespmem:s16+$0x20] =	vst v2  }
0x32d: {  	s17 =	sshra.s32 s18, $0x2;
	[tilespmem:s16+$0x30] =	vst v1  }
0x32e: {  	v1 =	vld [tilespmem:s17+$0x2400]  }
0x32f: {  	s18 =	sadd.s32 $0x100, s18  }
0x330: {  	_ =	sdelay $0x2  }
0x331: {  	s16 =	sadd.s32 $0x80, s16;
	v2 =	vshll.u32 v1, $0x10  }
0x332: {  	v1 =	vand.u32 $0xFFFF0000, v1;
	[tilespmem:s16+$0xFFFFFFC0] =	vst v2  }
0x333: {  	[tilespmem:s16+$0xFFFFFFD0] =	vst v1  }
0x334: {  	v1 =	vld [tilespmem:s17+$0x2410];
	_ =	sdelay $0x4  }
0x335: {  	v2 =	vshll.u32 v1, $0x10  }
0x336: {  	v1 =	vand.u32 $0xFFFF0000, v1;
	[tilespmem:s16+$0xFFFFFFE0] =	vst v2  }
0x337: {  	[tilespmem:s16+$0xFFFFFFF0] =	vst v1  }
0x338: {  	v1 =	vld [tilespmem:s17+$0x2420];
	_ =	sdelay $0x4  }
0x339: {  	v2 =	vand.u32 $0xFFFF0000, v1  }
0x33a: {  	v1 =	vshll.u32 v1, $0x10;
	[tilespmem:s16+$0x10] =	vst v2  }
0x33b: {  	[tilespmem:s16+$0x0] =	vst v1  }
0x33c: {  	v1 =	vld [tilespmem:s17+$0x2430];
	_ =	sdelay $0x4  }
0x33d: {  	v2 =	vshll.u32 v1, $0x10  }
0x33e: {  	v1 =	vand.u32 $0xFFFF0000, v1;
	[tilespmem:s16+$0x20] =	vst v2  }
0x33f: {  	[tilespmem:s16+$0x30] =	vst v1  }
0x340: {  	[spmem:s2] =	stream.indirect.scatter.add.f32 [tilespmem:s10], [sflag:$0x5], $0x80, s15, s31, $0xb8;
	[tilespmem:$0x1B000] =	vst v63  }
0x341: {  	_ =	swait.ge [sflag:s12], $0x2000  }
0x342: {  	[sflag:s12] =	ssyncset.done $0x0  }
0x343: {  	[sflag:s12] =	ssyncadd.s32 $0xFFFFE000  }
0x344: {  	_ =	swait.ge [sflag:s13], $0x2000  }
0x345: {  	[sflag:s13] =	ssyncset.done $0x0  }
0x346: {  	s20 =	simm.s32 $0x0;
	s18 =	rddreg [dreg:$0x9];
	[sflag:s13] =	ssyncadd.s32 $0xFFFFE000  }
0x347: {  	[tilespmem:s20], [sflag:$0x1] =	stream.linear.gather [hbm4b:s18+s20], $0xA00, $0x38;
	[tilespmem:$0x1B000] =	vst v63  }
0x348: {  	s19 =	rddreg [dreg:$0xa]  }
0x349: {  	[tilespmem:s29], [sflag:$0x1] =	stream.linear.gather [hbm4b:s19+s20], $0xA00, $0x38;
	[tilespmem:$0x1B000] =	vst v63  }
0x34a: {  	_ =	swait.ge [sflag:s30], $0xA00  }
0x34b: {  	[sflag:s30] =	ssyncset.done $0x0  }
0x34c: {  	[sflag:s30] =	ssyncadd.s32 $0xFFFFF600  }
0x34d: {  	_ =	swait.ge [sflag:s30], $0xA00  }
0x34e: {  	[sflag:s30] =	ssyncset.done $0x0  }
0x34f: {  	[sflag:s30] =	ssyncadd.s32 $0xFFFFF600  }
0x350: {  	[tilespmem:s0], [sflag:$0x2] =	stream.indirect.gather [hbm4b:s1+s31], $0x40, s20, s31, $0xb8;
	[tilespmem:$0x1B000] =	vst v63  }
0x351: {  	_ = 	snop  }
0x352: {  	[tilespmem:s3], [sflag:$0x3] =	stream.indirect.gather [hbm4b:s1+s31], $0x40, s31, s31, $0xb8;
	[tilespmem:$0x1B000] =	vst v63  }
0x353: {  	_ =	swait.ge [sflag:s6], $0x1000  }
0x354: {  	[sflag:s6] =	ssyncset.done $0x0  }
0x355: {  	s20 =	simm.s32 $0x0;
	[sflag:s6] =	ssyncadd.s32 $0xFFFFF000  }
0x356: {  	v1 =	vld [tilespmem:s20+$0x1400];
	_ =	sdelay $0x4  }
0x357: {  	s16 =	simm.s32 $0x3440;
	v2 =	vshll.u32 v1, $0x10  }
0x358: {  	v1 =	vand.u32 $0xFFFF0000, v1;
	[tilespmem:s16+$0xFFFFFFC0] =	vst v2  }
0x359: {  	[tilespmem:s16+$0xFFFFFFD0] =	vst v1  }
0x35a: {  	v1 =	vld [tilespmem:s20+$0x1410];
	_ =	sdelay $0x4  }
0x35b: {  	v2 =	vshll.u32 v1, $0x10  }
0x35c: {  	v1 =	vand.u32 $0xFFFF0000, v1;
	[tilespmem:s16+$0xFFFFFFE0] =	vst v2  }
0x35d: {  	[tilespmem:s16+$0xFFFFFFF0] =	vst v1  }
0x35e: {  	v1 =	vld [tilespmem:s20+$0x1420];
	_ =	sdelay $0x4  }
0x35f: {  	v2 =	vand.u32 $0xFFFF0000, v1  }
0x360: {  	v1 =	vshll.u32 v1, $0x10;
	[tilespmem:s16+$0x10] =	vst v2  }
0x361: {  	[tilespmem:s16+$0x0] =	vst v1  }
0x362: {  	v1 =	vld [tilespmem:s20+$0x1430];
	_ =	sdelay $0x4  }
0x363: {  	v2 =	vshll.u32 v1, $0x10  }
0x364: {  	v1 =	vand.u32 $0xFFFF0000, v1;
	[tilespmem:s16+$0x20] =	vst v2  }
0x365: {  	s17 =	simm.s32 $0x40;
	[tilespmem:s16+$0x30] =	vst v1  }
0x366: {  	v1 =	vld [tilespmem:s17+$0x1400]  }
0x367: {  	s18 =	simm.s32 $0x200  }
.LBB2_32:
0x368: {  	p0 =	sne.s32 s18, $0x3F00;
	_ =	sdelay $0x2  }
0x369: {  	s16 =	sadd.s32 $0x80, s16;
	v2 =	vshll.u32 v1, $0x10  }
0x36a: {  	v1 =	vand.u32 $0xFFFF0000, v1;
	[tilespmem:s16+$0xFFFFFFC0] =	vst v2  }
0x36b: {  	[tilespmem:s16+$0xFFFFFFD0] =	vst v1  }
0x36c: {  	v1 =	vld [tilespmem:s17+$0x1410];
	_ =	sdelay $0x4  }
0x36d: {  	v2 =	vshll.u32 v1, $0x10  }
0x36e: {  	v1 =	vand.u32 $0xFFFF0000, v1;
	[tilespmem:s16+$0xFFFFFFE0] =	vst v2  }
0x36f: {  	[tilespmem:s16+$0xFFFFFFF0] =	vst v1  }
0x370: {  	v1 =	vld [tilespmem:s17+$0x1420];
	_ =	sdelay $0x4  }
0x371: {  	v2 =	vshll.u32 v1, $0x10;
	v1 =	vand.u32 $0xFFFF0000, v1  }
0x372: {  	[tilespmem:s16+$0x10] =	vst v1  }
0x373: {  	[tilespmem:s16+$0x0] =	vst v2  }
0x374: {  	v1 =	vld [tilespmem:s17+$0x1430];
	_ =	sdelay $0x4  }
.Ltmp15:
0x375: {  	v2 =	vshll.u32 v1, $0x10;
	v1 =	vand.u32 $0xFFFF0000, v1;
	(pc) =	sbr.rel @p0 .LBB2_32-.Ltmp15, $4  }
0x376: {  	[tilespmem:s16+$0x20] =	vst v2  }
0x377: {  	s17 =	sshra.s32 s18, $0x2;
	[tilespmem:s16+$0x30] =	vst v1  }
0x378: {  	v1 =	vld [tilespmem:s17+$0x1400]  }
0x379: {  	s18 =	sadd.s32 $0x100, s18  }
0x37a: {  	_ =	sdelay $0x2  }
0x37b: {  	s16 =	sadd.s32 $0x80, s16;
	v2 =	vshll.u32 v1, $0x10  }
0x37c: {  	v1 =	vand.u32 $0xFFFF0000, v1;
	[tilespmem:s16+$0xFFFFFFC0] =	vst v2  }
0x37d: {  	[tilespmem:s16+$0xFFFFFFD0] =	vst v1  }
0x37e: {  	v1 =	vld [tilespmem:s17+$0x1410];
	_ =	sdelay $0x4  }
0x37f: {  	v2 =	vshll.u32 v1, $0x10  }
0x380: {  	v1 =	vand.u32 $0xFFFF0000, v1;
	[tilespmem:s16+$0xFFFFFFE0] =	vst v2  }
0x381: {  	[tilespmem:s16+$0xFFFFFFF0] =	vst v1  }
0x382: {  	v1 =	vld [tilespmem:s17+$0x1420];
	_ =	sdelay $0x4  }
0x383: {  	v2 =	vand.u32 $0xFFFF0000, v1  }
0x384: {  	v1 =	vshll.u32 v1, $0x10;
	[tilespmem:s16+$0x10] =	vst v2  }
0x385: {  	[tilespmem:s16+$0x0] =	vst v1  }
0x386: {  	v1 =	vld [tilespmem:s17+$0x1430];
	_ =	sdelay $0x4  }
0x387: {  	v2 =	vshll.u32 v1, $0x10  }
0x388: {  	v1 =	vand.u32 $0xFFFF0000, v1;
	[tilespmem:s16+$0x20] =	vst v2  }
0x389: {  	[tilespmem:s16+$0x30] =	vst v1  }
0x38a: {  	[spmem:s2] =	stream.indirect.scatter.add.f32 [tilespmem:s26], [sflag:$0x4], $0x80, s29, s31, $0xb8;
	[tilespmem:$0x1B000] =	vst v63  }
0x38b: {  	_ = 	snop  }
0x38c: {  	[tilespmem:s0], [sflag:$0x2] =	stream.indirect.gather [hbm4b:s1+s31], $0x40, s7, s31, $0xb8;
	[tilespmem:$0x1B000] =	vst v63  }
0x38d: {  	_ =	swait.ge [sflag:s8], $0x1000  }
0x38e: {  	[sflag:s8] =	ssyncset.done $0x0  }
0x38f: {  	s20 =	simm.s32 $0x0;
	[sflag:s8] =	ssyncadd.s32 $0xFFFFF000  }
0x390: {  	v1 =	vld [tilespmem:s20+$0x2400];
	_ =	sdelay $0x4  }
0x391: {  	s16 =	simm.s32 $0x5440;
	v2 =	vshll.u32 v1, $0x10  }
0x392: {  	v1 =	vand.u32 $0xFFFF0000, v1;
	[tilespmem:s16+$0xFFFFFFC0] =	vst v2  }
0x393: {  	[tilespmem:s16+$0xFFFFFFD0] =	vst v1  }
0x394: {  	v1 =	vld [tilespmem:s20+$0x2410];
	_ =	sdelay $0x4  }
0x395: {  	v2 =	vshll.u32 v1, $0x10  }
0x396: {  	v1 =	vand.u32 $0xFFFF0000, v1;
	[tilespmem:s16+$0xFFFFFFE0] =	vst v2  }
0x397: {  	[tilespmem:s16+$0xFFFFFFF0] =	vst v1  }
0x398: {  	v1 =	vld [tilespmem:s20+$0x2420];
	_ =	sdelay $0x4  }
0x399: {  	v2 =	vand.u32 $0xFFFF0000, v1  }
0x39a: {  	v1 =	vshll.u32 v1, $0x10;
	[tilespmem:s16+$0x10] =	vst v2  }
0x39b: {  	[tilespmem:s16+$0x0] =	vst v1  }
0x39c: {  	v1 =	vld [tilespmem:s20+$0x2430];
	_ =	sdelay $0x4  }
0x39d: {  	v2 =	vshll.u32 v1, $0x10  }
0x39e: {  	v1 =	vand.u32 $0xFFFF0000, v1;
	[tilespmem:s16+$0x20] =	vst v2  }
0x39f: {  	s17 =	simm.s32 $0x40;
	[tilespmem:s16+$0x30] =	vst v1  }
0x3a0: {  	v1 =	vld [tilespmem:s17+$0x2400]  }
0x3a1: {  	s18 =	simm.s32 $0x200  }
.LBB2_34:
0x3a2: {  	p0 =	sne.s32 s18, $0x3F00;
	_ =	sdelay $0x2  }
0x3a3: {  	s16 =	sadd.s32 $0x80, s16;
	v2 =	vshll.u32 v1, $0x10  }
0x3a4: {  	v1 =	vand.u32 $0xFFFF0000, v1;
	[tilespmem:s16+$0xFFFFFFC0] =	vst v2  }
0x3a5: {  	[tilespmem:s16+$0xFFFFFFD0] =	vst v1  }
0x3a6: {  	v1 =	vld [tilespmem:s17+$0x2410];
	_ =	sdelay $0x4  }
0x3a7: {  	v2 =	vshll.u32 v1, $0x10  }
0x3a8: {  	v1 =	vand.u32 $0xFFFF0000, v1;
	[tilespmem:s16+$0xFFFFFFE0] =	vst v2  }
0x3a9: {  	[tilespmem:s16+$0xFFFFFFF0] =	vst v1  }
0x3aa: {  	v1 =	vld [tilespmem:s17+$0x2420];
	_ =	sdelay $0x4  }
0x3ab: {  	v2 =	vshll.u32 v1, $0x10;
	v1 =	vand.u32 $0xFFFF0000, v1  }
0x3ac: {  	[tilespmem:s16+$0x10] =	vst v1  }
0x3ad: {  	[tilespmem:s16+$0x0] =	vst v2  }
0x3ae: {  	v1 =	vld [tilespmem:s17+$0x2430];
	_ =	sdelay $0x4  }
.Ltmp16:
0x3af: {  	v2 =	vshll.u32 v1, $0x10;
	v1 =	vand.u32 $0xFFFF0000, v1;
	(pc) =	sbr.rel @p0 .LBB2_34-.Ltmp16, $4  }
0x3b0: {  	[tilespmem:s16+$0x20] =	vst v2  }
0x3b1: {  	s17 =	sshra.s32 s18, $0x2;
	[tilespmem:s16+$0x30] =	vst v1  }
0x3b2: {  	v1 =	vld [tilespmem:s17+$0x2400]  }
0x3b3: {  	s18 =	sadd.s32 $0x100, s18  }
0x3b4: {  	_ =	sdelay $0x2  }
0x3b5: {  	s16 =	sadd.s32 $0x80, s16;
	v2 =	vshll.u32 v1, $0x10  }
0x3b6: {  	v1 =	vand.u32 $0xFFFF0000, v1;
	[tilespmem:s16+$0xFFFFFFC0] =	vst v2  }
0x3b7: {  	[tilespmem:s16+$0xFFFFFFD0] =	vst v1  }
0x3b8: {  	v1 =	vld [tilespmem:s17+$0x2410];
	_ =	sdelay $0x4  }
0x3b9: {  	v2 =	vshll.u32 v1, $0x10  }
0x3ba: {  	v1 =	vand.u32 $0xFFFF0000, v1;
	[tilespmem:s16+$0xFFFFFFE0] =	vst v2  }
0x3bb: {  	[tilespmem:s16+$0xFFFFFFF0] =	vst v1  }
0x3bc: {  	v1 =	vld [tilespmem:s17+$0x2420];
	_ =	sdelay $0x4  }
0x3bd: {  	v2 =	vand.u32 $0xFFFF0000, v1  }
0x3be: {  	v1 =	vshll.u32 v1, $0x10;
	[tilespmem:s16+$0x10] =	vst v2  }
0x3bf: {  	[tilespmem:s16+$0x0] =	vst v1  }
0x3c0: {  	v1 =	vld [tilespmem:s17+$0x2430];
	_ =	sdelay $0x4  }
0x3c1: {  	v2 =	vshll.u32 v1, $0x10  }
0x3c2: {  	v1 =	vand.u32 $0xFFFF0000, v1;
	[tilespmem:s16+$0x20] =	vst v2  }
0x3c3: {  	[tilespmem:s16+$0x30] =	vst v1  }
0x3c4: {  	[spmem:s2] =	stream.indirect.scatter.add.f32 [tilespmem:s10], [sflag:$0x5], $0x80, s9, s31, $0xb8;
	[tilespmem:$0x1B000] =	vst v63  }
0x3c5: {  	s16 =	simm.s32 $0x0  }
0x3c6: {  	[tilespmem:s3], [sflag:$0x3] =	stream.indirect.gather [hbm4b:s1+s31], $0x40, s11, s31, $0xb8;
	[tilespmem:$0x1B000] =	vst v63  }
.LBB2_36:
0x3c7: {  	_ =	swait.ge [sflag:s6], $0x1000  }
0x3c8: {  	[sflag:s6] =	ssyncset.done $0x0  }
0x3c9: {  	[sflag:s6] =	ssyncadd.s32 $0xFFFFF000  }
0x3ca: {  	_ =	swait.ge [sflag:s12], $0x2000  }
0x3cb: {  	[sflag:s12] =	ssyncset.done $0x0  }
0x3cc: {  	s18 =	simm.s32 $0x0;
	[sflag:s12] =	ssyncadd.s32 $0xFFFFE000  }
0x3cd: {  	v1 =	vld [tilespmem:s18+$0x1400];
	_ =	sdelay $0x4  }
0x3ce: {  	s17 =	simm.s32 $0x3440;
	v2 =	vshll.u32 v1, $0x10  }
0x3cf: {  	v1 =	vand.u32 $0xFFFF0000, v1;
	[tilespmem:s17+$0xFFFFFFC0] =	vst v2  }
0x3d0: {  	[tilespmem:s17+$0xFFFFFFD0] =	vst v1  }
0x3d1: {  	v1 =	vld [tilespmem:s18+$0x1410];
	_ =	sdelay $0x4  }
0x3d2: {  	v2 =	vshll.u32 v1, $0x10  }
0x3d3: {  	v1 =	vand.u32 $0xFFFF0000, v1;
	[tilespmem:s17+$0xFFFFFFE0] =	vst v2  }
0x3d4: {  	[tilespmem:s17+$0xFFFFFFF0] =	vst v1  }
0x3d5: {  	v1 =	vld [tilespmem:s18+$0x1420];
	_ =	sdelay $0x4  }
0x3d6: {  	v2 =	vand.u32 $0xFFFF0000, v1  }
0x3d7: {  	v1 =	vshll.u32 v1, $0x10;
	[tilespmem:s17+$0x10] =	vst v2  }
0x3d8: {  	[tilespmem:s17+$0x0] =	vst v1  }
0x3d9: {  	v1 =	vld [tilespmem:s18+$0x1430];
	_ =	sdelay $0x4  }
0x3da: {  	v2 =	vshll.u32 v1, $0x10  }
0x3db: {  	v1 =	vand.u32 $0xFFFF0000, v1;
	[tilespmem:s17+$0x20] =	vst v2  }
0x3dc: {  	s18 =	simm.s32 $0x40;
	[tilespmem:s17+$0x30] =	vst v1  }
0x3dd: {  	v1 =	vld [tilespmem:s18+$0x1400]  }
0x3de: {  	s19 =	simm.s32 $0x200  }
.LBB2_37:
0x3df: {  	p0 =	sne.s32 s19, $0x3F00;
	_ =	sdelay $0x2  }
0x3e0: {  	s17 =	sadd.s32 $0x80, s17;
	v2 =	vshll.u32 v1, $0x10  }
0x3e1: {  	v1 =	vand.u32 $0xFFFF0000, v1;
	[tilespmem:s17+$0xFFFFFFC0] =	vst v2  }
0x3e2: {  	[tilespmem:s17+$0xFFFFFFD0] =	vst v1  }
0x3e3: {  	v1 =	vld [tilespmem:s18+$0x1410];
	_ =	sdelay $0x4  }
0x3e4: {  	v2 =	vshll.u32 v1, $0x10  }
0x3e5: {  	v1 =	vand.u32 $0xFFFF0000, v1;
	[tilespmem:s17+$0xFFFFFFE0] =	vst v2  }
0x3e6: {  	[tilespmem:s17+$0xFFFFFFF0] =	vst v1  }
0x3e7: {  	v1 =	vld [tilespmem:s18+$0x1420];
	_ =	sdelay $0x4  }
0x3e8: {  	v2 =	vshll.u32 v1, $0x10;
	v1 =	vand.u32 $0xFFFF0000, v1  }
0x3e9: {  	[tilespmem:s17+$0x10] =	vst v1  }
0x3ea: {  	[tilespmem:s17+$0x0] =	vst v2  }
0x3eb: {  	v1 =	vld [tilespmem:s18+$0x1430];
	_ =	sdelay $0x4  }
.Ltmp17:
0x3ec: {  	v2 =	vshll.u32 v1, $0x10;
	v1 =	vand.u32 $0xFFFF0000, v1;
	(pc) =	sbr.rel @p0 .LBB2_37-.Ltmp17, $4  }
0x3ed: {  	[tilespmem:s17+$0x20] =	vst v2  }
0x3ee: {  	s18 =	sshra.s32 s19, $0x2;
	[tilespmem:s17+$0x30] =	vst v1  }
0x3ef: {  	v1 =	vld [tilespmem:s18+$0x1400]  }
0x3f0: {  	s19 =	sadd.s32 $0x100, s19  }
0x3f1: {  	_ =	sdelay $0x2  }
0x3f2: {  	s19 =	sadd.s32 $0x80, s17;
	v2 =	vshll.u32 v1, $0x10  }
0x3f3: {  	v1 =	vand.u32 $0xFFFF0000, v1;
	[tilespmem:s19+$0xFFFFFFC0] =	vst v2  }
0x3f4: {  	[tilespmem:s19+$0xFFFFFFD0] =	vst v1  }
0x3f5: {  	v1 =	vld [tilespmem:s18+$0x1410];
	_ =	sdelay $0x4  }
0x3f6: {  	v2 =	vshll.u32 v1, $0x10  }
0x3f7: {  	v1 =	vand.u32 $0xFFFF0000, v1;
	[tilespmem:s19+$0xFFFFFFE0] =	vst v2  }
0x3f8: {  	[tilespmem:s19+$0xFFFFFFF0] =	vst v1  }
0x3f9: {  	v1 =	vld [tilespmem:s18+$0x1420];
	_ =	sdelay $0x4  }
0x3fa: {  	v2 =	vand.u32 $0xFFFF0000, v1  }
0x3fb: {  	v1 =	vshll.u32 v1, $0x10;
	[tilespmem:s19+$0x10] =	vst v2  }
0x3fc: {  	[tilespmem:s19+$0x0] =	vst v1  }
0x3fd: {  	v1 =	vld [tilespmem:s18+$0x1430];
	_ =	sdelay $0x3  }
0x3fe: {  	s16 =	sadd.s32 $0x1, s16  }
0x3ff: {  	s18 =	sshll.u32 s16, $0x7;
	v2 =	vshll.u32 v1, $0x10  }
0x400: {  	s17 =	sand.u32 $0x3FFFFF80, s18;
	v1 =	vand.u32 $0xFFFF0000, v1;
	[tilespmem:s19+$0x20] =	vst v2  }
0x401: {  	s20 =	sadd.s32 $0xA00, s17;
	[tilespmem:s19+$0x30] =	vst v1  }
0x402: {  	[spmem:s2] =	stream.indirect.scatter.add.f32 [tilespmem:s26], [sflag:$0x4], $0x80, s20, s31, $0xb8;
	[tilespmem:$0x1B000] =	vst v63  }
0x403: {  	s19 =	sadd.s32 $0x80, s17  }
0x404: {  	[tilespmem:s0], [sflag:$0x2] =	stream.indirect.gather [hbm4b:s1+s31], $0x40, s19, s31, $0xb8;
	[tilespmem:$0x1B000] =	vst v63  }
0x405: {  	_ =	swait.ge [sflag:s8], $0x1000  }
0x406: {  	[sflag:s8] =	ssyncset.done $0x0  }
0x407: {  	[sflag:s8] =	ssyncadd.s32 $0xFFFFF000  }
0x408: {  	_ =	swait.ge [sflag:s13], $0x2000  }
0x409: {  	[sflag:s13] =	ssyncset.done $0x0  }
0x40a: {  	s20 =	simm.s32 $0x0;
	[sflag:s13] =	ssyncadd.s32 $0xFFFFE000  }
0x40b: {  	v1 =	vld [tilespmem:s20+$0x2400];
	_ =	sdelay $0x4  }
0x40c: {  	s18 =	simm.s32 $0x5440;
	v2 =	vshll.u32 v1, $0x10  }
0x40d: {  	v1 =	vand.u32 $0xFFFF0000, v1;
	[tilespmem:s18+$0xFFFFFFC0] =	vst v2  }
0x40e: {  	[tilespmem:s18+$0xFFFFFFD0] =	vst v1  }
0x40f: {  	v1 =	vld [tilespmem:s20+$0x2410];
	_ =	sdelay $0x4  }
0x410: {  	v2 =	vshll.u32 v1, $0x10  }
0x411: {  	v1 =	vand.u32 $0xFFFF0000, v1;
	[tilespmem:s18+$0xFFFFFFE0] =	vst v2  }
0x412: {  	[tilespmem:s18+$0xFFFFFFF0] =	vst v1  }
0x413: {  	v1 =	vld [tilespmem:s20+$0x2420];
	_ =	sdelay $0x4  }
0x414: {  	v2 =	vand.u32 $0xFFFF0000, v1  }
0x415: {  	v1 =	vshll.u32 v1, $0x10;
	[tilespmem:s18+$0x10] =	vst v2  }
0x416: {  	[tilespmem:s18+$0x0] =	vst v1  }
0x417: {  	v1 =	vld [tilespmem:s20+$0x2430];
	_ =	sdelay $0x4  }
0x418: {  	v2 =	vshll.u32 v1, $0x10  }
0x419: {  	v1 =	vand.u32 $0xFFFF0000, v1;
	[tilespmem:s18+$0x20] =	vst v2  }
0x41a: {  	s19 =	simm.s32 $0x40;
	[tilespmem:s18+$0x30] =	vst v1  }
0x41b: {  	v1 =	vld [tilespmem:s19+$0x2400]  }
0x41c: {  	s20 =	simm.s32 $0x200  }
.LBB2_39:
0x41d: {  	p0 =	sne.s32 s20, $0x3F00;
	_ =	sdelay $0x2  }
0x41e: {  	s18 =	sadd.s32 $0x80, s18;
	v2 =	vshll.u32 v1, $0x10  }
0x41f: {  	v1 =	vand.u32 $0xFFFF0000, v1;
	[tilespmem:s18+$0xFFFFFFC0] =	vst v2  }
0x420: {  	[tilespmem:s18+$0xFFFFFFD0] =	vst v1  }
0x421: {  	v1 =	vld [tilespmem:s19+$0x2410];
	_ =	sdelay $0x4  }
0x422: {  	v2 =	vshll.u32 v1, $0x10  }
0x423: {  	v1 =	vand.u32 $0xFFFF0000, v1;
	[tilespmem:s18+$0xFFFFFFE0] =	vst v2  }
0x424: {  	[tilespmem:s18+$0xFFFFFFF0] =	vst v1  }
0x425: {  	v1 =	vld [tilespmem:s19+$0x2420];
	_ =	sdelay $0x4  }
0x426: {  	v2 =	vshll.u32 v1, $0x10;
	v1 =	vand.u32 $0xFFFF0000, v1  }
0x427: {  	[tilespmem:s18+$0x10] =	vst v1  }
0x428: {  	[tilespmem:s18+$0x0] =	vst v2  }
0x429: {  	v1 =	vld [tilespmem:s19+$0x2430];
	_ =	sdelay $0x4  }
.Ltmp18:
0x42a: {  	v2 =	vshll.u32 v1, $0x10;
	v1 =	vand.u32 $0xFFFF0000, v1;
	(pc) =	sbr.rel @p0 .LBB2_39-.Ltmp18, $4  }
0x42b: {  	[tilespmem:s18+$0x20] =	vst v2  }
0x42c: {  	s19 =	sshra.s32 s20, $0x2;
	[tilespmem:s18+$0x30] =	vst v1  }
0x42d: {  	v1 =	vld [tilespmem:s19+$0x2400]  }
0x42e: {  	s20 =	sadd.s32 $0x100, s20  }
0x42f: {  	_ =	sdelay $0x2  }
0x430: {  	s18 =	sadd.s32 $0x80, s18;
	v2 =	vshll.u32 v1, $0x10  }
0x431: {  	v1 =	vand.u32 $0xFFFF0000, v1;
	[tilespmem:s18+$0xFFFFFFC0] =	vst v2  }
0x432: {  	[tilespmem:s18+$0xFFFFFFD0] =	vst v1  }
0x433: {  	v1 =	vld [tilespmem:s19+$0x2410];
	_ =	sdelay $0x4  }
0x434: {  	v2 =	vshll.u32 v1, $0x10  }
0x435: {  	v1 =	vand.u32 $0xFFFF0000, v1;
	[tilespmem:s18+$0xFFFFFFE0] =	vst v2  }
0x436: {  	[tilespmem:s18+$0xFFFFFFF0] =	vst v1  }
0x437: {  	v1 =	vld [tilespmem:s19+$0x2420];
	_ =	sdelay $0x4  }
0x438: {  	v2 =	vand.u32 $0xFFFF0000, v1  }
0x439: {  	v1 =	vshll.u32 v1, $0x10;
	[tilespmem:s18+$0x10] =	vst v2  }
0x43a: {  	[tilespmem:s18+$0x0] =	vst v1  }
0x43b: {  	v1 =	vld [tilespmem:s19+$0x2430];
	_ =	sdelay $0x4  }
0x43c: {  	p0 =	sne.s32 s16, $0x12;
	v2 =	vshll.u32 v1, $0x10  }
.Ltmp19:
0x43d: {  	v1 =	vand.u32 $0xFFFF0000, v1;
	[tilespmem:s18+$0x20] =	vst v2;
	(pc) =	sbr.rel @p0 .LBB2_36-.Ltmp19, $4  }
0x43e: {  	s19 =	sadd.s32 $0xA40, s17;
	[tilespmem:s18+$0x30] =	vst v1  }
0x43f: {  	[spmem:s2] =	stream.indirect.scatter.add.f32 [tilespmem:s10], [sflag:$0x5], $0x80, s19, s31, $0xb8;
	[tilespmem:$0x1B000] =	vst v63  }
0x440: {  	s20 =	sadd.s32 $0xC0, s17  }
0x441: {  	[tilespmem:s3], [sflag:$0x3] =	stream.indirect.gather [hbm4b:s1+s31], $0x40, s20, s31, $0xb8;
	[tilespmem:$0x1B000] =	vst v63  }
0x442: {  	_ =	swait.ge [sflag:s6], $0x1000  }
0x443: {  	[sflag:s6] =	ssyncset.done $0x0  }
0x444: {  	[sflag:s6] =	ssyncadd.s32 $0xFFFFF000  }
0x445: {  	_ =	swait.ge [sflag:s12], $0x2000  }
0x446: {  	[sflag:s12] =	ssyncset.done $0x0  }
0x447: {  	s17 =	simm.s32 $0x0;
	[sflag:s12] =	ssyncadd.s32 $0xFFFFE000  }
0x448: {  	v1 =	vld [tilespmem:s17+$0x1400];
	_ =	sdelay $0x4  }
0x449: {  	s16 =	simm.s32 $0x3440;
	v2 =	vshll.u32 v1, $0x10  }
0x44a: {  	v1 =	vand.u32 $0xFFFF0000, v1;
	[tilespmem:s16+$0xFFFFFFC0] =	vst v2  }
0x44b: {  	[tilespmem:s16+$0xFFFFFFD0] =	vst v1  }
0x44c: {  	v1 =	vld [tilespmem:s17+$0x1410];
	_ =	sdelay $0x4  }
0x44d: {  	v2 =	vshll.u32 v1, $0x10  }
0x44e: {  	v1 =	vand.u32 $0xFFFF0000, v1;
	[tilespmem:s16+$0xFFFFFFE0] =	vst v2  }
0x44f: {  	[tilespmem:s16+$0xFFFFFFF0] =	vst v1  }
0x450: {  	v1 =	vld [tilespmem:s17+$0x1420];
	_ =	sdelay $0x4  }
0x451: {  	v2 =	vand.u32 $0xFFFF0000, v1  }
0x452: {  	v1 =	vshll.u32 v1, $0x10;
	[tilespmem:s16+$0x10] =	vst v2  }
0x453: {  	[tilespmem:s16+$0x0] =	vst v1  }
0x454: {  	v1 =	vld [tilespmem:s17+$0x1430];
	_ =	sdelay $0x4  }
0x455: {  	v2 =	vshll.u32 v1, $0x10  }
0x456: {  	v1 =	vand.u32 $0xFFFF0000, v1;
	[tilespmem:s16+$0x20] =	vst v2  }
0x457: {  	s17 =	simm.s32 $0x40;
	[tilespmem:s16+$0x30] =	vst v1  }
0x458: {  	v1 =	vld [tilespmem:s17+$0x1400]  }
0x459: {  	s18 =	simm.s32 $0x200  }
.LBB2_42:
0x45a: {  	p0 =	sne.s32 s18, $0x3F00;
	_ =	sdelay $0x2  }
0x45b: {  	s16 =	sadd.s32 $0x80, s16;
	v2 =	vshll.u32 v1, $0x10  }
0x45c: {  	v1 =	vand.u32 $0xFFFF0000, v1;
	[tilespmem:s16+$0xFFFFFFC0] =	vst v2  }
0x45d: {  	[tilespmem:s16+$0xFFFFFFD0] =	vst v1  }
0x45e: {  	v1 =	vld [tilespmem:s17+$0x1410];
	_ =	sdelay $0x4  }
0x45f: {  	v2 =	vshll.u32 v1, $0x10  }
0x460: {  	v1 =	vand.u32 $0xFFFF0000, v1;
	[tilespmem:s16+$0xFFFFFFE0] =	vst v2  }
0x461: {  	[tilespmem:s16+$0xFFFFFFF0] =	vst v1  }
0x462: {  	v1 =	vld [tilespmem:s17+$0x1420];
	_ =	sdelay $0x4  }
0x463: {  	v2 =	vshll.u32 v1, $0x10;
	v1 =	vand.u32 $0xFFFF0000, v1  }
0x464: {  	[tilespmem:s16+$0x10] =	vst v1  }
0x465: {  	[tilespmem:s16+$0x0] =	vst v2  }
0x466: {  	v1 =	vld [tilespmem:s17+$0x1430];
	_ =	sdelay $0x4  }
.Ltmp20:
0x467: {  	v2 =	vshll.u32 v1, $0x10;
	v1 =	vand.u32 $0xFFFF0000, v1;
	(pc) =	sbr.rel @p0 .LBB2_42-.Ltmp20, $4  }
0x468: {  	[tilespmem:s16+$0x20] =	vst v2  }
0x469: {  	s17 =	sshra.s32 s18, $0x2;
	[tilespmem:s16+$0x30] =	vst v1  }
0x46a: {  	v1 =	vld [tilespmem:s17+$0x1400]  }
0x46b: {  	s18 =	sadd.s32 $0x100, s18  }
0x46c: {  	_ =	sdelay $0x2  }
0x46d: {  	s16 =	sadd.s32 $0x80, s16;
	v2 =	vshll.u32 v1, $0x10  }
0x46e: {  	v1 =	vand.u32 $0xFFFF0000, v1;
	[tilespmem:s16+$0xFFFFFFC0] =	vst v2  }
0x46f: {  	[tilespmem:s16+$0xFFFFFFD0] =	vst v1  }
0x470: {  	v1 =	vld [tilespmem:s17+$0x1410];
	_ =	sdelay $0x4  }
0x471: {  	v2 =	vshll.u32 v1, $0x10  }
0x472: {  	v1 =	vand.u32 $0xFFFF0000, v1;
	[tilespmem:s16+$0xFFFFFFE0] =	vst v2  }
0x473: {  	[tilespmem:s16+$0xFFFFFFF0] =	vst v1  }
0x474: {  	v1 =	vld [tilespmem:s17+$0x1420];
	_ =	sdelay $0x4  }
0x475: {  	v2 =	vand.u32 $0xFFFF0000, v1  }
0x476: {  	v1 =	vshll.u32 v1, $0x10;
	[tilespmem:s16+$0x10] =	vst v2  }
0x477: {  	[tilespmem:s16+$0x0] =	vst v1  }
0x478: {  	v1 =	vld [tilespmem:s17+$0x1430];
	_ =	sdelay $0x4  }
0x479: {  	v2 =	vshll.u32 v1, $0x10  }
0x47a: {  	v1 =	vand.u32 $0xFFFF0000, v1;
	[tilespmem:s16+$0x20] =	vst v2  }
0x47b: {  	[tilespmem:s16+$0x30] =	vst v1  }
0x47c: {  	[spmem:s2] =	stream.indirect.scatter.add.f32 [tilespmem:s26], [sflag:$0x4], $0x80, s14, s31, $0xb8;
	[tilespmem:$0x1B000] =	vst v63  }
0x47d: {  	_ =	swait.ge [sflag:s8], $0x1000  }
0x47e: {  	[sflag:s8] =	ssyncset.done $0x0  }
0x47f: {  	[sflag:s8] =	ssyncadd.s32 $0xFFFFF000  }
0x480: {  	_ =	swait.ge [sflag:s13], $0x2000  }
0x481: {  	[sflag:s13] =	ssyncset.done $0x0  }
0x482: {  	s20 =	simm.s32 $0x0;
	[sflag:s13] =	ssyncadd.s32 $0xFFFFE000  }
0x483: {  	v1 =	vld [tilespmem:s20+$0x2400];
	_ =	sdelay $0x4  }
0x484: {  	s16 =	simm.s32 $0x5440;
	v2 =	vshll.u32 v1, $0x10  }
0x485: {  	v1 =	vand.u32 $0xFFFF0000, v1;
	[tilespmem:s16+$0xFFFFFFC0] =	vst v2  }
0x486: {  	[tilespmem:s16+$0xFFFFFFD0] =	vst v1  }
0x487: {  	v1 =	vld [tilespmem:s20+$0x2410];
	_ =	sdelay $0x4  }
0x488: {  	v2 =	vshll.u32 v1, $0x10  }
0x489: {  	v1 =	vand.u32 $0xFFFF0000, v1;
	[tilespmem:s16+$0xFFFFFFE0] =	vst v2  }
0x48a: {  	[tilespmem:s16+$0xFFFFFFF0] =	vst v1  }
0x48b: {  	v1 =	vld [tilespmem:s20+$0x2420];
	_ =	sdelay $0x4  }
0x48c: {  	v2 =	vand.u32 $0xFFFF0000, v1  }
0x48d: {  	v1 =	vshll.u32 v1, $0x10;
	[tilespmem:s16+$0x10] =	vst v2  }
0x48e: {  	[tilespmem:s16+$0x0] =	vst v1  }
0x48f: {  	v1 =	vld [tilespmem:s20+$0x2430];
	_ =	sdelay $0x4  }
0x490: {  	v2 =	vshll.u32 v1, $0x10  }
0x491: {  	v1 =	vand.u32 $0xFFFF0000, v1;
	[tilespmem:s16+$0x20] =	vst v2  }
0x492: {  	s17 =	simm.s32 $0x40;
	[tilespmem:s16+$0x30] =	vst v1  }
0x493: {  	v1 =	vld [tilespmem:s17+$0x2400]  }
0x494: {  	s18 =	simm.s32 $0x200  }
.LBB2_44:
0x495: {  	p0 =	sne.s32 s18, $0x3F00;
	_ =	sdelay $0x2  }
0x496: {  	s16 =	sadd.s32 $0x80, s16;
	v2 =	vshll.u32 v1, $0x10  }
0x497: {  	v1 =	vand.u32 $0xFFFF0000, v1;
	[tilespmem:s16+$0xFFFFFFC0] =	vst v2  }
0x498: {  	[tilespmem:s16+$0xFFFFFFD0] =	vst v1  }
0x499: {  	v1 =	vld [tilespmem:s17+$0x2410];
	_ =	sdelay $0x4  }
0x49a: {  	v2 =	vshll.u32 v1, $0x10  }
0x49b: {  	v1 =	vand.u32 $0xFFFF0000, v1;
	[tilespmem:s16+$0xFFFFFFE0] =	vst v2  }
0x49c: {  	[tilespmem:s16+$0xFFFFFFF0] =	vst v1  }
0x49d: {  	v1 =	vld [tilespmem:s17+$0x2420];
	_ =	sdelay $0x4  }
0x49e: {  	v2 =	vshll.u32 v1, $0x10;
	v1 =	vand.u32 $0xFFFF0000, v1  }
0x49f: {  	[tilespmem:s16+$0x10] =	vst v1  }
0x4a0: {  	[tilespmem:s16+$0x0] =	vst v2  }
0x4a1: {  	v1 =	vld [tilespmem:s17+$0x2430];
	_ =	sdelay $0x4  }
.Ltmp21:
0x4a2: {  	v2 =	vshll.u32 v1, $0x10;
	v1 =	vand.u32 $0xFFFF0000, v1;
	(pc) =	sbr.rel @p0 .LBB2_44-.Ltmp21, $4  }
0x4a3: {  	[tilespmem:s16+$0x20] =	vst v2  }
0x4a4: {  	s17 =	sshra.s32 s18, $0x2;
	[tilespmem:s16+$0x30] =	vst v1  }
0x4a5: {  	v1 =	vld [tilespmem:s17+$0x2400]  }
0x4a6: {  	s18 =	sadd.s32 $0x100, s18  }
0x4a7: {  	_ =	sdelay $0x2  }
0x4a8: {  	s16 =	sadd.s32 $0x80, s16;
	v2 =	vshll.u32 v1, $0x10  }
0x4a9: {  	v1 =	vand.u32 $0xFFFF0000, v1;
	[tilespmem:s16+$0xFFFFFFC0] =	vst v2  }
0x4aa: {  	[tilespmem:s16+$0xFFFFFFD0] =	vst v1  }
0x4ab: {  	v1 =	vld [tilespmem:s17+$0x2410];
	_ =	sdelay $0x4  }
0x4ac: {  	v2 =	vshll.u32 v1, $0x10  }
0x4ad: {  	v1 =	vand.u32 $0xFFFF0000, v1;
	[tilespmem:s16+$0xFFFFFFE0] =	vst v2  }
0x4ae: {  	[tilespmem:s16+$0xFFFFFFF0] =	vst v1  }
0x4af: {  	v1 =	vld [tilespmem:s17+$0x2420];
	_ =	sdelay $0x4  }
0x4b0: {  	v2 =	vand.u32 $0xFFFF0000, v1  }
0x4b1: {  	v1 =	vshll.u32 v1, $0x10;
	[tilespmem:s16+$0x10] =	vst v2  }
0x4b2: {  	[tilespmem:s16+$0x0] =	vst v1  }
0x4b3: {  	v1 =	vld [tilespmem:s17+$0x2430];
	_ =	sdelay $0x4  }
0x4b4: {  	v2 =	vshll.u32 v1, $0x10  }
0x4b5: {  	v1 =	vand.u32 $0xFFFF0000, v1;
	[tilespmem:s16+$0x20] =	vst v2  }
0x4b6: {  	[tilespmem:s16+$0x30] =	vst v1  }
0x4b7: {  	[spmem:s2] =	stream.indirect.scatter.add.f32 [tilespmem:s10], [sflag:$0x5], $0x80, s15, s31, $0xb8;
	[tilespmem:$0x1B000] =	vst v63  }
0x4b8: {  	_ =	swait.ge [sflag:s12], $0x2000  }
0x4b9: {  	[sflag:s12] =	ssyncset.done $0x0  }
0x4ba: {  	[sflag:s12] =	ssyncadd.s32 $0xFFFFE000  }
0x4bb: {  	_ =	swait.ge [sflag:s13], $0x2000  }
0x4bc: {  	[sflag:s13] =	ssyncset.done $0x0  }
0x4bd: {  	s20 =	simm.s32 $0x0;
	s18 =	rddreg [dreg:$0xb];
	[sflag:s13] =	ssyncadd.s32 $0xFFFFE000  }
0x4be: {  	[tilespmem:s20], [sflag:$0x1] =	stream.linear.gather [hbm4b:s18+s20], $0xA00, $0x38;
	[tilespmem:$0x1B000] =	vst v63  }
0x4bf: {  	s19 =	rddreg [dreg:$0xc]  }
0x4c0: {  	[tilespmem:s29], [sflag:$0x1] =	stream.linear.gather [hbm4b:s19+s20], $0xA00, $0x38;
	[tilespmem:$0x1B000] =	vst v63  }
0x4c1: {  	_ =	swait.ge [sflag:s30], $0xA00  }
0x4c2: {  	[sflag:s30] =	ssyncset.done $0x0  }
0x4c3: {  	[sflag:s30] =	ssyncadd.s32 $0xFFFFF600  }
0x4c4: {  	_ =	swait.ge [sflag:s30], $0xA00  }
0x4c5: {  	[sflag:s30] =	ssyncset.done $0x0  }
0x4c6: {  	[sflag:s30] =	ssyncadd.s32 $0xFFFFF600  }
0x4c7: {  	[tilespmem:s0], [sflag:$0x2] =	stream.indirect.gather [hbm4b:s1+s31], $0x40, s20, s31, $0xb8;
	[tilespmem:$0x1B000] =	vst v63  }
0x4c8: {  	_ = 	snop  }
0x4c9: {  	[tilespmem:s3], [sflag:$0x3] =	stream.indirect.gather [hbm4b:s1+s31], $0x40, s31, s31, $0xb8;
	[tilespmem:$0x1B000] =	vst v63  }
0x4ca: {  	_ =	swait.ge [sflag:s6], $0x1000  }
0x4cb: {  	[sflag:s6] =	ssyncset.done $0x0  }
0x4cc: {  	s20 =	simm.s32 $0x0;
	[sflag:s6] =	ssyncadd.s32 $0xFFFFF000  }
0x4cd: {  	v1 =	vld [tilespmem:s20+$0x1400];
	_ =	sdelay $0x4  }
0x4ce: {  	s16 =	simm.s32 $0x3440;
	v2 =	vshll.u32 v1, $0x10  }
0x4cf: {  	v1 =	vand.u32 $0xFFFF0000, v1;
	[tilespmem:s16+$0xFFFFFFC0] =	vst v2  }
0x4d0: {  	[tilespmem:s16+$0xFFFFFFD0] =	vst v1  }
0x4d1: {  	v1 =	vld [tilespmem:s20+$0x1410];
	_ =	sdelay $0x4  }
0x4d2: {  	v2 =	vshll.u32 v1, $0x10  }
0x4d3: {  	v1 =	vand.u32 $0xFFFF0000, v1;
	[tilespmem:s16+$0xFFFFFFE0] =	vst v2  }
0x4d4: {  	[tilespmem:s16+$0xFFFFFFF0] =	vst v1  }
0x4d5: {  	v1 =	vld [tilespmem:s20+$0x1420];
	_ =	sdelay $0x4  }
0x4d6: {  	v2 =	vand.u32 $0xFFFF0000, v1  }
0x4d7: {  	v1 =	vshll.u32 v1, $0x10;
	[tilespmem:s16+$0x10] =	vst v2  }
0x4d8: {  	[tilespmem:s16+$0x0] =	vst v1  }
0x4d9: {  	v1 =	vld [tilespmem:s20+$0x1430];
	_ =	sdelay $0x4  }
0x4da: {  	v2 =	vshll.u32 v1, $0x10  }
0x4db: {  	v1 =	vand.u32 $0xFFFF0000, v1;
	[tilespmem:s16+$0x20] =	vst v2  }
0x4dc: {  	s17 =	simm.s32 $0x40;
	[tilespmem:s16+$0x30] =	vst v1  }
0x4dd: {  	v1 =	vld [tilespmem:s17+$0x1400]  }
0x4de: {  	s18 =	simm.s32 $0x200  }
.LBB2_46:
0x4df: {  	p0 =	sne.s32 s18, $0x3F00;
	_ =	sdelay $0x2  }
0x4e0: {  	s16 =	sadd.s32 $0x80, s16;
	v2 =	vshll.u32 v1, $0x10  }
0x4e1: {  	v1 =	vand.u32 $0xFFFF0000, v1;
	[tilespmem:s16+$0xFFFFFFC0] =	vst v2  }
0x4e2: {  	[tilespmem:s16+$0xFFFFFFD0] =	vst v1  }
0x4e3: {  	v1 =	vld [tilespmem:s17+$0x1410];
	_ =	sdelay $0x4  }
0x4e4: {  	v2 =	vshll.u32 v1, $0x10  }
0x4e5: {  	v1 =	vand.u32 $0xFFFF0000, v1;
	[tilespmem:s16+$0xFFFFFFE0] =	vst v2  }
0x4e6: {  	[tilespmem:s16+$0xFFFFFFF0] =	vst v1  }
0x4e7: {  	v1 =	vld [tilespmem:s17+$0x1420];
	_ =	sdelay $0x4  }
0x4e8: {  	v2 =	vshll.u32 v1, $0x10;
	v1 =	vand.u32 $0xFFFF0000, v1  }
0x4e9: {  	[tilespmem:s16+$0x10] =	vst v1  }
0x4ea: {  	[tilespmem:s16+$0x0] =	vst v2  }
0x4eb: {  	v1 =	vld [tilespmem:s17+$0x1430];
	_ =	sdelay $0x4  }
.Ltmp22:
0x4ec: {  	v2 =	vshll.u32 v1, $0x10;
	v1 =	vand.u32 $0xFFFF0000, v1;
	(pc) =	sbr.rel @p0 .LBB2_46-.Ltmp22, $4  }
0x4ed: {  	[tilespmem:s16+$0x20] =	vst v2  }
0x4ee: {  	s17 =	sshra.s32 s18, $0x2;
	[tilespmem:s16+$0x30] =	vst v1  }
0x4ef: {  	v1 =	vld [tilespmem:s17+$0x1400]  }
0x4f0: {  	s18 =	sadd.s32 $0x100, s18  }
0x4f1: {  	_ =	sdelay $0x2  }
0x4f2: {  	s16 =	sadd.s32 $0x80, s16;
	v2 =	vshll.u32 v1, $0x10  }
0x4f3: {  	v1 =	vand.u32 $0xFFFF0000, v1;
	[tilespmem:s16+$0xFFFFFFC0] =	vst v2  }
0x4f4: {  	[tilespmem:s16+$0xFFFFFFD0] =	vst v1  }
0x4f5: {  	v1 =	vld [tilespmem:s17+$0x1410];
	_ =	sdelay $0x4  }
0x4f6: {  	v2 =	vshll.u32 v1, $0x10  }
0x4f7: {  	v1 =	vand.u32 $0xFFFF0000, v1;
	[tilespmem:s16+$0xFFFFFFE0] =	vst v2  }
0x4f8: {  	[tilespmem:s16+$0xFFFFFFF0] =	vst v1  }
0x4f9: {  	v1 =	vld [tilespmem:s17+$0x1420];
	_ =	sdelay $0x4  }
0x4fa: {  	v2 =	vand.u32 $0xFFFF0000, v1  }
0x4fb: {  	v1 =	vshll.u32 v1, $0x10;
	[tilespmem:s16+$0x10] =	vst v2  }
0x4fc: {  	[tilespmem:s16+$0x0] =	vst v1  }
0x4fd: {  	v1 =	vld [tilespmem:s17+$0x1430];
	_ =	sdelay $0x4  }
0x4fe: {  	v2 =	vshll.u32 v1, $0x10  }
0x4ff: {  	v1 =	vand.u32 $0xFFFF0000, v1;
	[tilespmem:s16+$0x20] =	vst v2  }
0x500: {  	[tilespmem:s16+$0x30] =	vst v1  }
0x501: {  	[spmem:s2] =	stream.indirect.scatter.add.f32 [tilespmem:s26], [sflag:$0x4], $0x80, s29, s31, $0xb8;
	[tilespmem:$0x1B000] =	vst v63  }
0x502: {  	_ = 	snop  }
0x503: {  	[tilespmem:s0], [sflag:$0x2] =	stream.indirect.gather [hbm4b:s1+s31], $0x40, s7, s31, $0xb8;
	[tilespmem:$0x1B000] =	vst v63  }
0x504: {  	_ =	swait.ge [sflag:s8], $0x1000  }
0x505: {  	[sflag:s8] =	ssyncset.done $0x0  }
0x506: {  	s20 =	simm.s32 $0x0;
	[sflag:s8] =	ssyncadd.s32 $0xFFFFF000  }
0x507: {  	v1 =	vld [tilespmem:s20+$0x2400];
	_ =	sdelay $0x4  }
0x508: {  	s16 =	simm.s32 $0x5440;
	v2 =	vshll.u32 v1, $0x10  }
0x509: {  	v1 =	vand.u32 $0xFFFF0000, v1;
	[tilespmem:s16+$0xFFFFFFC0] =	vst v2  }
0x50a: {  	[tilespmem:s16+$0xFFFFFFD0] =	vst v1  }
0x50b: {  	v1 =	vld [tilespmem:s20+$0x2410];
	_ =	sdelay $0x4  }
0x50c: {  	v2 =	vshll.u32 v1, $0x10  }
0x50d: {  	v1 =	vand.u32 $0xFFFF0000, v1;
	[tilespmem:s16+$0xFFFFFFE0] =	vst v2  }
0x50e: {  	[tilespmem:s16+$0xFFFFFFF0] =	vst v1  }
0x50f: {  	v1 =	vld [tilespmem:s20+$0x2420];
	_ =	sdelay $0x4  }
0x510: {  	v2 =	vand.u32 $0xFFFF0000, v1  }
0x511: {  	v1 =	vshll.u32 v1, $0x10;
	[tilespmem:s16+$0x10] =	vst v2  }
0x512: {  	[tilespmem:s16+$0x0] =	vst v1  }
0x513: {  	v1 =	vld [tilespmem:s20+$0x2430];
	_ =	sdelay $0x4  }
0x514: {  	v2 =	vshll.u32 v1, $0x10  }
0x515: {  	v1 =	vand.u32 $0xFFFF0000, v1;
	[tilespmem:s16+$0x20] =	vst v2  }
0x516: {  	s17 =	simm.s32 $0x40;
	[tilespmem:s16+$0x30] =	vst v1  }
0x517: {  	v1 =	vld [tilespmem:s17+$0x2400]  }
0x518: {  	s18 =	simm.s32 $0x200  }
.LBB2_48:
0x519: {  	p0 =	sne.s32 s18, $0x3F00;
	_ =	sdelay $0x2  }
0x51a: {  	s16 =	sadd.s32 $0x80, s16;
	v2 =	vshll.u32 v1, $0x10  }
0x51b: {  	v1 =	vand.u32 $0xFFFF0000, v1;
	[tilespmem:s16+$0xFFFFFFC0] =	vst v2  }
0x51c: {  	[tilespmem:s16+$0xFFFFFFD0] =	vst v1  }
0x51d: {  	v1 =	vld [tilespmem:s17+$0x2410];
	_ =	sdelay $0x4  }
0x51e: {  	v2 =	vshll.u32 v1, $0x10  }
0x51f: {  	v1 =	vand.u32 $0xFFFF0000, v1;
	[tilespmem:s16+$0xFFFFFFE0] =	vst v2  }
0x520: {  	[tilespmem:s16+$0xFFFFFFF0] =	vst v1  }
0x521: {  	v1 =	vld [tilespmem:s17+$0x2420];
	_ =	sdelay $0x4  }
0x522: {  	v2 =	vshll.u32 v1, $0x10;
	v1 =	vand.u32 $0xFFFF0000, v1  }
0x523: {  	[tilespmem:s16+$0x10] =	vst v1  }
0x524: {  	[tilespmem:s16+$0x0] =	vst v2  }
0x525: {  	v1 =	vld [tilespmem:s17+$0x2430];
	_ =	sdelay $0x4  }
.Ltmp23:
0x526: {  	v2 =	vshll.u32 v1, $0x10;
	v1 =	vand.u32 $0xFFFF0000, v1;
	(pc) =	sbr.rel @p0 .LBB2_48-.Ltmp23, $4  }
0x527: {  	[tilespmem:s16+$0x20] =	vst v2  }
0x528: {  	s17 =	sshra.s32 s18, $0x2;
	[tilespmem:s16+$0x30] =	vst v1  }
0x529: {  	v1 =	vld [tilespmem:s17+$0x2400]  }
0x52a: {  	s18 =	sadd.s32 $0x100, s18  }
0x52b: {  	_ =	sdelay $0x2  }
0x52c: {  	s16 =	sadd.s32 $0x80, s16;
	v2 =	vshll.u32 v1, $0x10  }
0x52d: {  	v1 =	vand.u32 $0xFFFF0000, v1;
	[tilespmem:s16+$0xFFFFFFC0] =	vst v2  }
0x52e: {  	[tilespmem:s16+$0xFFFFFFD0] =	vst v1  }
0x52f: {  	v1 =	vld [tilespmem:s17+$0x2410];
	_ =	sdelay $0x4  }
0x530: {  	v2 =	vshll.u32 v1, $0x10  }
0x531: {  	v1 =	vand.u32 $0xFFFF0000, v1;
	[tilespmem:s16+$0xFFFFFFE0] =	vst v2  }
0x532: {  	[tilespmem:s16+$0xFFFFFFF0] =	vst v1  }
0x533: {  	v1 =	vld [tilespmem:s17+$0x2420];
	_ =	sdelay $0x4  }
0x534: {  	v2 =	vand.u32 $0xFFFF0000, v1  }
0x535: {  	v1 =	vshll.u32 v1, $0x10;
	[tilespmem:s16+$0x10] =	vst v2  }
0x536: {  	[tilespmem:s16+$0x0] =	vst v1  }
0x537: {  	v1 =	vld [tilespmem:s17+$0x2430];
	_ =	sdelay $0x4  }
0x538: {  	v2 =	vshll.u32 v1, $0x10  }
0x539: {  	v1 =	vand.u32 $0xFFFF0000, v1;
	[tilespmem:s16+$0x20] =	vst v2  }
0x53a: {  	[tilespmem:s16+$0x30] =	vst v1  }
0x53b: {  	[spmem:s2] =	stream.indirect.scatter.add.f32 [tilespmem:s10], [sflag:$0x5], $0x80, s9, s31, $0xb8;
	[tilespmem:$0x1B000] =	vst v63  }
0x53c: {  	s16 =	simm.s32 $0x0  }
0x53d: {  	[tilespmem:s3], [sflag:$0x3] =	stream.indirect.gather [hbm4b:s1+s31], $0x40, s11, s31, $0xb8;
	[tilespmem:$0x1B000] =	vst v63  }
.LBB2_50:
0x53e: {  	_ =	swait.ge [sflag:s6], $0x1000  }
0x53f: {  	[sflag:s6] =	ssyncset.done $0x0  }
0x540: {  	[sflag:s6] =	ssyncadd.s32 $0xFFFFF000  }
0x541: {  	_ =	swait.ge [sflag:s12], $0x2000  }
0x542: {  	[sflag:s12] =	ssyncset.done $0x0  }
0x543: {  	s18 =	simm.s32 $0x0;
	[sflag:s12] =	ssyncadd.s32 $0xFFFFE000  }
0x544: {  	v1 =	vld [tilespmem:s18+$0x1400];
	_ =	sdelay $0x4  }
0x545: {  	s17 =	simm.s32 $0x3440;
	v2 =	vshll.u32 v1, $0x10  }
0x546: {  	v1 =	vand.u32 $0xFFFF0000, v1;
	[tilespmem:s17+$0xFFFFFFC0] =	vst v2  }
0x547: {  	[tilespmem:s17+$0xFFFFFFD0] =	vst v1  }
0x548: {  	v1 =	vld [tilespmem:s18+$0x1410];
	_ =	sdelay $0x4  }
0x549: {  	v2 =	vshll.u32 v1, $0x10  }
0x54a: {  	v1 =	vand.u32 $0xFFFF0000, v1;
	[tilespmem:s17+$0xFFFFFFE0] =	vst v2  }
0x54b: {  	[tilespmem:s17+$0xFFFFFFF0] =	vst v1  }
0x54c: {  	v1 =	vld [tilespmem:s18+$0x1420];
	_ =	sdelay $0x4  }
0x54d: {  	v2 =	vand.u32 $0xFFFF0000, v1  }
0x54e: {  	v1 =	vshll.u32 v1, $0x10;
	[tilespmem:s17+$0x10] =	vst v2  }
0x54f: {  	[tilespmem:s17+$0x0] =	vst v1  }
0x550: {  	v1 =	vld [tilespmem:s18+$0x1430];
	_ =	sdelay $0x4  }
0x551: {  	v2 =	vshll.u32 v1, $0x10  }
0x552: {  	v1 =	vand.u32 $0xFFFF0000, v1;
	[tilespmem:s17+$0x20] =	vst v2  }
0x553: {  	s18 =	simm.s32 $0x40;
	[tilespmem:s17+$0x30] =	vst v1  }
0x554: {  	v1 =	vld [tilespmem:s18+$0x1400]  }
0x555: {  	s19 =	simm.s32 $0x200  }
.LBB2_51:
0x556: {  	p0 =	sne.s32 s19, $0x3F00;
	_ =	sdelay $0x2  }
0x557: {  	s17 =	sadd.s32 $0x80, s17;
	v2 =	vshll.u32 v1, $0x10  }
0x558: {  	v1 =	vand.u32 $0xFFFF0000, v1;
	[tilespmem:s17+$0xFFFFFFC0] =	vst v2  }
0x559: {  	[tilespmem:s17+$0xFFFFFFD0] =	vst v1  }
0x55a: {  	v1 =	vld [tilespmem:s18+$0x1410];
	_ =	sdelay $0x4  }
0x55b: {  	v2 =	vshll.u32 v1, $0x10  }
0x55c: {  	v1 =	vand.u32 $0xFFFF0000, v1;
	[tilespmem:s17+$0xFFFFFFE0] =	vst v2  }
0x55d: {  	[tilespmem:s17+$0xFFFFFFF0] =	vst v1  }
0x55e: {  	v1 =	vld [tilespmem:s18+$0x1420];
	_ =	sdelay $0x4  }
0x55f: {  	v2 =	vshll.u32 v1, $0x10;
	v1 =	vand.u32 $0xFFFF0000, v1  }
0x560: {  	[tilespmem:s17+$0x10] =	vst v1  }
0x561: {  	[tilespmem:s17+$0x0] =	vst v2  }
0x562: {  	v1 =	vld [tilespmem:s18+$0x1430];
	_ =	sdelay $0x4  }
.Ltmp24:
0x563: {  	v2 =	vshll.u32 v1, $0x10;
	v1 =	vand.u32 $0xFFFF0000, v1;
	(pc) =	sbr.rel @p0 .LBB2_51-.Ltmp24, $4  }
0x564: {  	[tilespmem:s17+$0x20] =	vst v2  }
0x565: {  	s18 =	sshra.s32 s19, $0x2;
	[tilespmem:s17+$0x30] =	vst v1  }
0x566: {  	v1 =	vld [tilespmem:s18+$0x1400]  }
0x567: {  	s19 =	sadd.s32 $0x100, s19  }
0x568: {  	_ =	sdelay $0x2  }
0x569: {  	s19 =	sadd.s32 $0x80, s17;
	v2 =	vshll.u32 v1, $0x10  }
0x56a: {  	v1 =	vand.u32 $0xFFFF0000, v1;
	[tilespmem:s19+$0xFFFFFFC0] =	vst v2  }
0x56b: {  	[tilespmem:s19+$0xFFFFFFD0] =	vst v1  }
0x56c: {  	v1 =	vld [tilespmem:s18+$0x1410];
	_ =	sdelay $0x4  }
0x56d: {  	v2 =	vshll.u32 v1, $0x10  }
0x56e: {  	v1 =	vand.u32 $0xFFFF0000, v1;
	[tilespmem:s19+$0xFFFFFFE0] =	vst v2  }
0x56f: {  	[tilespmem:s19+$0xFFFFFFF0] =	vst v1  }
0x570: {  	v1 =	vld [tilespmem:s18+$0x1420];
	_ =	sdelay $0x4  }
0x571: {  	v2 =	vand.u32 $0xFFFF0000, v1  }
0x572: {  	v1 =	vshll.u32 v1, $0x10;
	[tilespmem:s19+$0x10] =	vst v2  }
0x573: {  	[tilespmem:s19+$0x0] =	vst v1  }
0x574: {  	v1 =	vld [tilespmem:s18+$0x1430];
	_ =	sdelay $0x3  }
0x575: {  	s16 =	sadd.s32 $0x1, s16  }
0x576: {  	s18 =	sshll.u32 s16, $0x7;
	v2 =	vshll.u32 v1, $0x10  }
0x577: {  	s17 =	sand.u32 $0x3FFFFF80, s18;
	v1 =	vand.u32 $0xFFFF0000, v1;
	[tilespmem:s19+$0x20] =	vst v2  }
0x578: {  	s20 =	sadd.s32 $0xA00, s17;
	[tilespmem:s19+$0x30] =	vst v1  }
0x579: {  	[spmem:s2] =	stream.indirect.scatter.add.f32 [tilespmem:s26], [sflag:$0x4], $0x80, s20, s31, $0xb8;
	[tilespmem:$0x1B000] =	vst v63  }
0x57a: {  	s19 =	sadd.s32 $0x80, s17  }
0x57b: {  	[tilespmem:s0], [sflag:$0x2] =	stream.indirect.gather [hbm4b:s1+s31], $0x40, s19, s31, $0xb8;
	[tilespmem:$0x1B000] =	vst v63  }
0x57c: {  	_ =	swait.ge [sflag:s8], $0x1000  }
0x57d: {  	[sflag:s8] =	ssyncset.done $0x0  }
0x57e: {  	[sflag:s8] =	ssyncadd.s32 $0xFFFFF000  }
0x57f: {  	_ =	swait.ge [sflag:s13], $0x2000  }
0x580: {  	[sflag:s13] =	ssyncset.done $0x0  }
0x581: {  	s20 =	simm.s32 $0x0;
	[sflag:s13] =	ssyncadd.s32 $0xFFFFE000  }
0x582: {  	v1 =	vld [tilespmem:s20+$0x2400];
	_ =	sdelay $0x4  }
0x583: {  	s18 =	simm.s32 $0x5440;
	v2 =	vshll.u32 v1, $0x10  }
0x584: {  	v1 =	vand.u32 $0xFFFF0000, v1;
	[tilespmem:s18+$0xFFFFFFC0] =	vst v2  }
0x585: {  	[tilespmem:s18+$0xFFFFFFD0] =	vst v1  }
0x586: {  	v1 =	vld [tilespmem:s20+$0x2410];
	_ =	sdelay $0x4  }
0x587: {  	v2 =	vshll.u32 v1, $0x10  }
0x588: {  	v1 =	vand.u32 $0xFFFF0000, v1;
	[tilespmem:s18+$0xFFFFFFE0] =	vst v2  }
0x589: {  	[tilespmem:s18+$0xFFFFFFF0] =	vst v1  }
0x58a: {  	v1 =	vld [tilespmem:s20+$0x2420];
	_ =	sdelay $0x4  }
0x58b: {  	v2 =	vand.u32 $0xFFFF0000, v1  }
0x58c: {  	v1 =	vshll.u32 v1, $0x10;
	[tilespmem:s18+$0x10] =	vst v2  }
0x58d: {  	[tilespmem:s18+$0x0] =	vst v1  }
0x58e: {  	v1 =	vld [tilespmem:s20+$0x2430];
	_ =	sdelay $0x4  }
0x58f: {  	v2 =	vshll.u32 v1, $0x10  }
0x590: {  	v1 =	vand.u32 $0xFFFF0000, v1;
	[tilespmem:s18+$0x20] =	vst v2  }
0x591: {  	s19 =	simm.s32 $0x40;
	[tilespmem:s18+$0x30] =	vst v1  }
0x592: {  	v1 =	vld [tilespmem:s19+$0x2400]  }
0x593: {  	s20 =	simm.s32 $0x200  }
.LBB2_53:
0x594: {  	p0 =	sne.s32 s20, $0x3F00;
	_ =	sdelay $0x2  }
0x595: {  	s18 =	sadd.s32 $0x80, s18;
	v2 =	vshll.u32 v1, $0x10  }
0x596: {  	v1 =	vand.u32 $0xFFFF0000, v1;
	[tilespmem:s18+$0xFFFFFFC0] =	vst v2  }
0x597: {  	[tilespmem:s18+$0xFFFFFFD0] =	vst v1  }
0x598: {  	v1 =	vld [tilespmem:s19+$0x2410];
	_ =	sdelay $0x4  }
0x599: {  	v2 =	vshll.u32 v1, $0x10  }
0x59a: {  	v1 =	vand.u32 $0xFFFF0000, v1;
	[tilespmem:s18+$0xFFFFFFE0] =	vst v2  }
0x59b: {  	[tilespmem:s18+$0xFFFFFFF0] =	vst v1  }
0x59c: {  	v1 =	vld [tilespmem:s19+$0x2420];
	_ =	sdelay $0x4  }
0x59d: {  	v2 =	vshll.u32 v1, $0x10;
	v1 =	vand.u32 $0xFFFF0000, v1  }
0x59e: {  	[tilespmem:s18+$0x10] =	vst v1  }
0x59f: {  	[tilespmem:s18+$0x0] =	vst v2  }
0x5a0: {  	v1 =	vld [tilespmem:s19+$0x2430];
	_ =	sdelay $0x4  }
.Ltmp25:
0x5a1: {  	v2 =	vshll.u32 v1, $0x10;
	v1 =	vand.u32 $0xFFFF0000, v1;
	(pc) =	sbr.rel @p0 .LBB2_53-.Ltmp25, $4  }
0x5a2: {  	[tilespmem:s18+$0x20] =	vst v2  }
0x5a3: {  	s19 =	sshra.s32 s20, $0x2;
	[tilespmem:s18+$0x30] =	vst v1  }
0x5a4: {  	v1 =	vld [tilespmem:s19+$0x2400]  }
0x5a5: {  	s20 =	sadd.s32 $0x100, s20  }
0x5a6: {  	_ =	sdelay $0x2  }
0x5a7: {  	s18 =	sadd.s32 $0x80, s18;
	v2 =	vshll.u32 v1, $0x10  }
0x5a8: {  	v1 =	vand.u32 $0xFFFF0000, v1;
	[tilespmem:s18+$0xFFFFFFC0] =	vst v2  }
0x5a9: {  	[tilespmem:s18+$0xFFFFFFD0] =	vst v1  }
0x5aa: {  	v1 =	vld [tilespmem:s19+$0x2410];
	_ =	sdelay $0x4  }
0x5ab: {  	v2 =	vshll.u32 v1, $0x10  }
0x5ac: {  	v1 =	vand.u32 $0xFFFF0000, v1;
	[tilespmem:s18+$0xFFFFFFE0] =	vst v2  }
0x5ad: {  	[tilespmem:s18+$0xFFFFFFF0] =	vst v1  }
0x5ae: {  	v1 =	vld [tilespmem:s19+$0x2420];
	_ =	sdelay $0x4  }
0x5af: {  	v2 =	vand.u32 $0xFFFF0000, v1  }
0x5b0: {  	v1 =	vshll.u32 v1, $0x10;
	[tilespmem:s18+$0x10] =	vst v2  }
0x5b1: {  	[tilespmem:s18+$0x0] =	vst v1  }
0x5b2: {  	v1 =	vld [tilespmem:s19+$0x2430];
	_ =	sdelay $0x4  }
0x5b3: {  	p0 =	sne.s32 s16, $0x12;
	v2 =	vshll.u32 v1, $0x10  }
.Ltmp26:
0x5b4: {  	v1 =	vand.u32 $0xFFFF0000, v1;
	[tilespmem:s18+$0x20] =	vst v2;
	(pc) =	sbr.rel @p0 .LBB2_50-.Ltmp26, $4  }
0x5b5: {  	s19 =	sadd.s32 $0xA40, s17;
	[tilespmem:s18+$0x30] =	vst v1  }
0x5b6: {  	[spmem:s2] =	stream.indirect.scatter.add.f32 [tilespmem:s10], [sflag:$0x5], $0x80, s19, s31, $0xb8;
	[tilespmem:$0x1B000] =	vst v63  }
0x5b7: {  	s20 =	sadd.s32 $0xC0, s17  }
0x5b8: {  	[tilespmem:s3], [sflag:$0x3] =	stream.indirect.gather [hbm4b:s1+s31], $0x40, s20, s31, $0xb8;
	[tilespmem:$0x1B000] =	vst v63  }
0x5b9: {  	_ =	swait.ge [sflag:s6], $0x1000  }
0x5ba: {  	[sflag:s6] =	ssyncset.done $0x0  }
0x5bb: {  	[sflag:s6] =	ssyncadd.s32 $0xFFFFF000  }
0x5bc: {  	_ =	swait.ge [sflag:s12], $0x2000  }
0x5bd: {  	[sflag:s12] =	ssyncset.done $0x0  }
0x5be: {  	s17 =	simm.s32 $0x0;
	[sflag:s12] =	ssyncadd.s32 $0xFFFFE000  }
0x5bf: {  	v1 =	vld [tilespmem:s17+$0x1400];
	_ =	sdelay $0x4  }
0x5c0: {  	s16 =	simm.s32 $0x3440;
	v2 =	vshll.u32 v1, $0x10  }
0x5c1: {  	v1 =	vand.u32 $0xFFFF0000, v1;
	[tilespmem:s16+$0xFFFFFFC0] =	vst v2  }
0x5c2: {  	[tilespmem:s16+$0xFFFFFFD0] =	vst v1  }
0x5c3: {  	v1 =	vld [tilespmem:s17+$0x1410];
	_ =	sdelay $0x4  }
0x5c4: {  	v2 =	vshll.u32 v1, $0x10  }
0x5c5: {  	v1 =	vand.u32 $0xFFFF0000, v1;
	[tilespmem:s16+$0xFFFFFFE0] =	vst v2  }
0x5c6: {  	[tilespmem:s16+$0xFFFFFFF0] =	vst v1  }
0x5c7: {  	v1 =	vld [tilespmem:s17+$0x1420];
	_ =	sdelay $0x4  }
0x5c8: {  	v2 =	vand.u32 $0xFFFF0000, v1  }
0x5c9: {  	v1 =	vshll.u32 v1, $0x10;
	[tilespmem:s16+$0x10] =	vst v2  }
0x5ca: {  	[tilespmem:s16+$0x0] =	vst v1  }
0x5cb: {  	v1 =	vld [tilespmem:s17+$0x1430];
	_ =	sdelay $0x4  }
0x5cc: {  	v2 =	vshll.u32 v1, $0x10  }
0x5cd: {  	v1 =	vand.u32 $0xFFFF0000, v1;
	[tilespmem:s16+$0x20] =	vst v2  }
0x5ce: {  	s17 =	simm.s32 $0x40;
	[tilespmem:s16+$0x30] =	vst v1  }
0x5cf: {  	v1 =	vld [tilespmem:s17+$0x1400]  }
0x5d0: {  	s18 =	simm.s32 $0x200  }
.LBB2_56:
0x5d1: {  	p0 =	sne.s32 s18, $0x3F00;
	_ =	sdelay $0x2  }
0x5d2: {  	s16 =	sadd.s32 $0x80, s16;
	v2 =	vshll.u32 v1, $0x10  }
0x5d3: {  	v1 =	vand.u32 $0xFFFF0000, v1;
	[tilespmem:s16+$0xFFFFFFC0] =	vst v2  }
0x5d4: {  	[tilespmem:s16+$0xFFFFFFD0] =	vst v1  }
0x5d5: {  	v1 =	vld [tilespmem:s17+$0x1410];
	_ =	sdelay $0x4  }
0x5d6: {  	v2 =	vshll.u32 v1, $0x10  }
0x5d7: {  	v1 =	vand.u32 $0xFFFF0000, v1;
	[tilespmem:s16+$0xFFFFFFE0] =	vst v2  }
0x5d8: {  	[tilespmem:s16+$0xFFFFFFF0] =	vst v1  }
0x5d9: {  	v1 =	vld [tilespmem:s17+$0x1420];
	_ =	sdelay $0x4  }
0x5da: {  	v2 =	vshll.u32 v1, $0x10;
	v1 =	vand.u32 $0xFFFF0000, v1  }
0x5db: {  	[tilespmem:s16+$0x10] =	vst v1  }
0x5dc: {  	[tilespmem:s16+$0x0] =	vst v2  }
0x5dd: {  	v1 =	vld [tilespmem:s17+$0x1430];
	_ =	sdelay $0x4  }
.Ltmp27:
0x5de: {  	v2 =	vshll.u32 v1, $0x10;
	v1 =	vand.u32 $0xFFFF0000, v1;
	(pc) =	sbr.rel @p0 .LBB2_56-.Ltmp27, $4  }
0x5df: {  	[tilespmem:s16+$0x20] =	vst v2  }
0x5e0: {  	s17 =	sshra.s32 s18, $0x2;
	[tilespmem:s16+$0x30] =	vst v1  }
0x5e1: {  	v1 =	vld [tilespmem:s17+$0x1400]  }
0x5e2: {  	s18 =	sadd.s32 $0x100, s18  }
0x5e3: {  	_ =	sdelay $0x2  }
0x5e4: {  	s16 =	sadd.s32 $0x80, s16;
	v2 =	vshll.u32 v1, $0x10  }
0x5e5: {  	v1 =	vand.u32 $0xFFFF0000, v1;
	[tilespmem:s16+$0xFFFFFFC0] =	vst v2  }
0x5e6: {  	[tilespmem:s16+$0xFFFFFFD0] =	vst v1  }
0x5e7: {  	v1 =	vld [tilespmem:s17+$0x1410];
	_ =	sdelay $0x4  }
0x5e8: {  	v2 =	vshll.u32 v1, $0x10  }
0x5e9: {  	v1 =	vand.u32 $0xFFFF0000, v1;
	[tilespmem:s16+$0xFFFFFFE0] =	vst v2  }
0x5ea: {  	[tilespmem:s16+$0xFFFFFFF0] =	vst v1  }
0x5eb: {  	v1 =	vld [tilespmem:s17+$0x1420];
	_ =	sdelay $0x4  }
0x5ec: {  	v2 =	vand.u32 $0xFFFF0000, v1  }
0x5ed: {  	v1 =	vshll.u32 v1, $0x10;
	[tilespmem:s16+$0x10] =	vst v2  }
0x5ee: {  	[tilespmem:s16+$0x0] =	vst v1  }
0x5ef: {  	v1 =	vld [tilespmem:s17+$0x1430];
	_ =	sdelay $0x4  }
0x5f0: {  	v2 =	vshll.u32 v1, $0x10  }
0x5f1: {  	v1 =	vand.u32 $0xFFFF0000, v1;
	[tilespmem:s16+$0x20] =	vst v2  }
0x5f2: {  	[tilespmem:s16+$0x30] =	vst v1  }
0x5f3: {  	[spmem:s2] =	stream.indirect.scatter.add.f32 [tilespmem:s26], [sflag:$0x4], $0x80, s14, s31, $0xb8;
	[tilespmem:$0x1B000] =	vst v63  }
0x5f4: {  	_ =	swait.ge [sflag:s8], $0x1000  }
0x5f5: {  	[sflag:s8] =	ssyncset.done $0x0  }
0x5f6: {  	[sflag:s8] =	ssyncadd.s32 $0xFFFFF000  }
0x5f7: {  	_ =	swait.ge [sflag:s13], $0x2000  }
0x5f8: {  	[sflag:s13] =	ssyncset.done $0x0  }
0x5f9: {  	s20 =	simm.s32 $0x0;
	[sflag:s13] =	ssyncadd.s32 $0xFFFFE000  }
0x5fa: {  	v1 =	vld [tilespmem:s20+$0x2400];
	_ =	sdelay $0x4  }
0x5fb: {  	s16 =	simm.s32 $0x5440;
	v2 =	vshll.u32 v1, $0x10  }
0x5fc: {  	v1 =	vand.u32 $0xFFFF0000, v1;
	[tilespmem:s16+$0xFFFFFFC0] =	vst v2  }
0x5fd: {  	[tilespmem:s16+$0xFFFFFFD0] =	vst v1  }
0x5fe: {  	v1 =	vld [tilespmem:s20+$0x2410];
	_ =	sdelay $0x4  }
0x5ff: {  	v2 =	vshll.u32 v1, $0x10  }
0x600: {  	v1 =	vand.u32 $0xFFFF0000, v1;
	[tilespmem:s16+$0xFFFFFFE0] =	vst v2  }
0x601: {  	[tilespmem:s16+$0xFFFFFFF0] =	vst v1  }
0x602: {  	v1 =	vld [tilespmem:s20+$0x2420];
	_ =	sdelay $0x4  }
0x603: {  	v2 =	vand.u32 $0xFFFF0000, v1  }
0x604: {  	v1 =	vshll.u32 v1, $0x10;
	[tilespmem:s16+$0x10] =	vst v2  }
0x605: {  	[tilespmem:s16+$0x0] =	vst v1  }
0x606: {  	v1 =	vld [tilespmem:s20+$0x2430];
	_ =	sdelay $0x4  }
0x607: {  	v2 =	vshll.u32 v1, $0x10  }
0x608: {  	v1 =	vand.u32 $0xFFFF0000, v1;
	[tilespmem:s16+$0x20] =	vst v2  }
0x609: {  	s17 =	simm.s32 $0x40;
	[tilespmem:s16+$0x30] =	vst v1  }
0x60a: {  	v1 =	vld [tilespmem:s17+$0x2400]  }
0x60b: {  	s18 =	simm.s32 $0x200  }
.LBB2_58:
0x60c: {  	p0 =	sne.s32 s18, $0x3F00;
	_ =	sdelay $0x2  }
0x60d: {  	s16 =	sadd.s32 $0x80, s16;
	v2 =	vshll.u32 v1, $0x10  }
0x60e: {  	v1 =	vand.u32 $0xFFFF0000, v1;
	[tilespmem:s16+$0xFFFFFFC0] =	vst v2  }
0x60f: {  	[tilespmem:s16+$0xFFFFFFD0] =	vst v1  }
0x610: {  	v1 =	vld [tilespmem:s17+$0x2410];
	_ =	sdelay $0x4  }
0x611: {  	v2 =	vshll.u32 v1, $0x10  }
0x612: {  	v1 =	vand.u32 $0xFFFF0000, v1;
	[tilespmem:s16+$0xFFFFFFE0] =	vst v2  }
0x613: {  	[tilespmem:s16+$0xFFFFFFF0] =	vst v1  }
0x614: {  	v1 =	vld [tilespmem:s17+$0x2420];
	_ =	sdelay $0x4  }
0x615: {  	v2 =	vshll.u32 v1, $0x10;
	v1 =	vand.u32 $0xFFFF0000, v1  }
0x616: {  	[tilespmem:s16+$0x10] =	vst v1  }
0x617: {  	[tilespmem:s16+$0x0] =	vst v2  }
0x618: {  	v1 =	vld [tilespmem:s17+$0x2430];
	_ =	sdelay $0x4  }
.Ltmp28:
0x619: {  	v2 =	vshll.u32 v1, $0x10;
	v1 =	vand.u32 $0xFFFF0000, v1;
	(pc) =	sbr.rel @p0 .LBB2_58-.Ltmp28, $4  }
0x61a: {  	[tilespmem:s16+$0x20] =	vst v2  }
0x61b: {  	s17 =	sshra.s32 s18, $0x2;
	[tilespmem:s16+$0x30] =	vst v1  }
0x61c: {  	v1 =	vld [tilespmem:s17+$0x2400]  }
0x61d: {  	s18 =	sadd.s32 $0x100, s18  }
0x61e: {  	_ =	sdelay $0x2  }
0x61f: {  	s16 =	sadd.s32 $0x80, s16;
	v2 =	vshll.u32 v1, $0x10  }
0x620: {  	v1 =	vand.u32 $0xFFFF0000, v1;
	[tilespmem:s16+$0xFFFFFFC0] =	vst v2  }
0x621: {  	[tilespmem:s16+$0xFFFFFFD0] =	vst v1  }
0x622: {  	v1 =	vld [tilespmem:s17+$0x2410];
	_ =	sdelay $0x4  }
0x623: {  	v2 =	vshll.u32 v1, $0x10  }
0x624: {  	v1 =	vand.u32 $0xFFFF0000, v1;
	[tilespmem:s16+$0xFFFFFFE0] =	vst v2  }
0x625: {  	[tilespmem:s16+$0xFFFFFFF0] =	vst v1  }
0x626: {  	v1 =	vld [tilespmem:s17+$0x2420];
	_ =	sdelay $0x4  }
0x627: {  	v2 =	vand.u32 $0xFFFF0000, v1  }
0x628: {  	v1 =	vshll.u32 v1, $0x10;
	[tilespmem:s16+$0x10] =	vst v2  }
0x629: {  	[tilespmem:s16+$0x0] =	vst v1  }
0x62a: {  	v1 =	vld [tilespmem:s17+$0x2430];
	_ =	sdelay $0x4  }
0x62b: {  	v2 =	vshll.u32 v1, $0x10  }
0x62c: {  	v1 =	vand.u32 $0xFFFF0000, v1;
	[tilespmem:s16+$0x20] =	vst v2  }
0x62d: {  	[tilespmem:s16+$0x30] =	vst v1  }
0x62e: {  	[spmem:s2] =	stream.indirect.scatter.add.f32 [tilespmem:s10], [sflag:$0x5], $0x80, s15, s31, $0xb8;
	[tilespmem:$0x1B000] =	vst v63  }
0x62f: {  	_ =	swait.ge [sflag:s12], $0x2000  }
0x630: {  	[sflag:s12] =	ssyncset.done $0x0  }
0x631: {  	[sflag:s12] =	ssyncadd.s32 $0xFFFFE000  }
0x632: {  	_ =	swait.ge [sflag:s13], $0x2000  }
0x633: {  	[sflag:s13] =	ssyncset.done $0x0  }
0x634: {  	s18 =	stileid.u32;
	[sflag:s13] =	ssyncadd.s32 $0xFFFFE000  }
0x635: {  	s16 =	sshll.u32 s18, $0x6;
	[bflag:$0x0] =	sbarrier.arrive $0xFFFF  }
0x636: {  	s16 =	sor.u32 $0x1C06, s16;
	s19 =	rddreg [dreg:$0xd]  }
0x637: {  	[hbm:s19], [sflag:s16] =	dma.local [spmem:s25], $0x2780  }
0x638: {  	_ =	swait.ge [sflag:s28], $0x2780  }
0x639: {  	s4 =	sadd.s32 $0x1, s4;
	s20 =	rddreg [dreg:$0xe]  }
0x63a: {  	p0 =	sne.s32 s4, s20  }
.Ltmp29:
0x63b: {  	_ = 	snop;
	(pc) =	sbr.rel @p0 .LBB2_1-.Ltmp29, $3  }
0x63c: {  	_ =	sdelay $0x1  }
0x63d: {  	[sflag:s28] =	ssyncset.done $0x0  }
0x63e: {  	[sflag:s28] =	ssyncadd.s32 $0xFFFFD880  }
0x63f: {  	_ =	sfence.sel $0x180000  }
0x640: {  	[bflag:$0x0] =	sbarrier.arrive $0xFFFF  }
0x641: {  	_ =	strace $0x90000047  }
0x642: {  	s0 =	stileid.u32;
	[bflag:$0x2] =	sbarrier.arrive $0xFFFF  }
0x643: {  	p0 =	sne.s32 s0, $0x0;
	s0 =	rddreg [dreg:$0x3]  }
0x644: {  	s0 =	sadd.s32 @!p0 $0x100000, s0  }
0x645: {  	[sflag:s0] =	ssyncadd.tile.s32 @!p0 $0x1;
	_ =	shalt  }
.Lfunc_end2:
_tile_overlayer_lowered:
.L_overlay_start_2:
0x646: {  	(tag) =	ssettag $0x2  }
0x647: {  	s0 =	rddreg [dreg:$0x0];
	s2 =	stileid.u32  }
0x648: {  	s1 =	rddreg [dreg:$0x1];
	p0 =	sne.s32 s2, $0x0  }
0x649: {  	s3 =	rddreg [dreg:$0x2];
	[bflag:$0x3] =	sbarrier.arrive $0xFFFF;
	s2 =	simm.s32 @!p0 $0x1C06  }
0x64a: {  	[timem:s3], [sflag:s2] =	dma.local @!p0 [hbm:s0], s1  }
0x64b: {  	s0 =	simm.s32 @!p0 $0x6  }
0x64c: {  	_ =	swait.ge @!p0 [sflag:s0], s1  }
0x64d: {  	s1 =	ssub.s32 @!p0 $0x0, s1;
	[sflag:s0] =	ssyncset.done @!p0 $0x0  }
0x64e: {  	[sflag:s0] =	ssyncadd.s32 @!p0 s1  }
0x64f: {  	[bflag:$0x3] =	sbarrier.arrive $0xFFFF  }
0x650: {  	_ =	shalt  }

</sc_bundles>
